<compile_context>
chip_gen: v7x
topology: tpu7x:2x2x1
jax: 0.10.2.dev20260603
libtpu: 0.0.44.dev20260713+nightly
codegen_flags: <defaults>
</compile_context>

<pallas_src>
import functools
import math

import jax
import jax.numpy as jnp
from jax import lax
from jax.experimental import pallas as pl
from jax.experimental.pallas import tpu as pltpu
from jax.experimental.pallas import tpu_sc as plsc

B, L, DM, H, P = 2, 2048, 1024, 16, 4
HD = DM // H
HP = H * P
NBH = B * H
NC, NS, LANES = 2, 16, 16
C = 16
NQ = DM // HD + 2
NKV = 2 * H
RW = 512
HDP = HD + 1
LOOK = 287
PRO = LOOK + 1


def _mm_body(a_ref, b_ref, bias_ref, o_ref):
    o_ref[...] = (
        jnp.dot(a_ref[...], b_ref[...], preferred_element_type=jnp.float32)
        + bias_ref[...]
    )


def _matmul_bias(a, b, bias, bm, bn):
    m, k = a.shape
    n = b.shape[1]
    return pl.pallas_call(
        _mm_body,
        grid=(m // bm, n // bn),
        in_specs=[
            pl.BlockSpec((bm, k), lambda i, j: (i, 0)),
            pl.BlockSpec((k, bn), lambda i, j: (0, j)),
            pl.BlockSpec((1, bn), lambda i, j: (0, j)),
        ],
        out_specs=pl.BlockSpec((bm, bn), lambda i, j: (i, j)),
        out_shape=jax.ShapeDtypeStruct((m, n), jnp.float32),
    )(a, b, bias.reshape(1, n))


def _sc_attend(qoa3, kv3, kvf, off_t, att_t):
    mesh = plsc.VectorSubcoreMesh(
        core_axis_name="c", subcore_axis_name="s",
        num_cores=NC, num_subcores=NS,
    )

    @functools.partial(
        pl.kernel,
        out_type=jax.ShapeDtypeStruct((B * L, H, HD), jnp.float32),
        mesh=mesh,
        compiler_params=pltpu.CompilerParams(
            needs_layout_passes=False, use_tc_tiling_on_sc=False),
        scratch_types=[
            pltpu.VMEM((P, L), jnp.float32),
            pltpu.VMEM((P, L), jnp.float32),
            pltpu.VMEM((RW, HDP), jnp.float32),
            pltpu.VMEM((RW, HDP), jnp.float32),
            pltpu.VMEM((C, HDP), jnp.float32),
            pltpu.VMEM((C, HDP), jnp.float32),
            pltpu.VMEM((C, HDP), jnp.float32),
            pltpu.VMEM((C, HDP), jnp.float32),
            pltpu.VMEM((2 * P * C,), jnp.int32),
            pltpu.VMEM((2 * P * C,), jnp.int32),
            pltpu.VMEM((2 * P * C, HD), jnp.float32),
            pltpu.VMEM((2 * P * C, HD), jnp.float32),
            pltpu.SemaphoreType.DMA,
            pltpu.SemaphoreType.DMA,
            pltpu.SemaphoreType.DMA,
            pltpu.SemaphoreType.DMA,
            pltpu.SemaphoreType.DMA,
            pltpu.SemaphoreType.DMA,
            pltpu.SemaphoreType.DMA,
            pltpu.SemaphoreType.DMA,
        ],
    )
    def attend(q_hbm, kv_hbm, kvf_hbm, off_hbm, att_hbm, o_hbm,
               offs, atts, kring, vring, qv0, qv1, ov0, ov1,
               idxk_b, idxv_b, kbuf, vbuf,
               sq0, sq1, srk, srv, so0, so1, sgk, sgv):
        wid = lax.axis_index("s") * NC + lax.axis_index("c")
        bb = wid // H
        hh = wid % H
        rowb = bb * L
        coff = pltpu.async_copy(off_hbm.at[wid], offs, sgk)
        catt = pltpu.async_copy(att_hbm.at[wid], atts, sgv)
        lane = lax.iota(jnp.int32, 16)
        growz = [p * C + lane for p in range(P)]
        growo = [P * C + p * C + lane for p in range(P)]
        qvs, ovs, sqs, sos = (qv0, qv1), (ov0, ov1), (sq0, sq1), (so0, so1)
        NCH = L // C

        def compute_chunk(l0, qv, ksrc, vsrc, r0, r1, w0v, w1v, ov):
            def dot_step(d, acc):
                col = jnp.zeros((LANES,), jnp.int32) + d
                qT = plsc.load_gather(qv, [lane, col])
                out = []
                for p in range(P):
                    k0T = plsc.load_gather(ksrc, [r0[p], col])
                    k1T = plsc.load_gather(ksrc, [r1[p], col])
                    out.append(acc[2 * p] + qT * k0T)
                    out.append(acc[2 * p + 1] + qT * k1T)
                return tuple(out)

            zeros = jnp.zeros((LANES,), jnp.float32)
            dots = plsc.parallel_loop(
                0, HD, unroll=2, carry=(zeros,) * (2 * P))(dot_step)

            sv = []
            for p in range(P):
                s = (w0v[p] * dots[2 * p] + w1v[p] * dots[2 * p + 1]) * 0.125
                sv.append(s + atts[p, pl.ds(l0, C)])
            m = jnp.maximum(jnp.maximum(sv[0], sv[1]),
                            jnp.maximum(sv[2], sv[3]))
            es = [jnp.exp(s - m) for s in sv]
            inv = 1.0 / (es[0] + es[1] + es[2] + es[3])
            cw0 = [es[p] * inv * w0v[p] for p in range(P)]
            cw1 = [es[p] * inv * w1v[p] for p in range(P)]

            def comb_step(d):
                col = jnp.zeros((LANES,), jnp.int32) + d
                acc = jnp.zeros((LANES,), jnp.float32)
                for p in range(P):
                    v0T = plsc.load_gather(vsrc, [r0[p], col])
                    v1T = plsc.load_gather(vsrc, [r1[p], col])
                    acc = acc + cw0[p] * v0T + cw1[p] * v1T
                plsc.store_scatter(ov, [lane, col], acc)

            plsc.parallel_loop(0, HD, unroll=2)(comb_step)

        def body(ci, pb):
            l0 = ci * C
            qv, ov = qvs[pb], ovs[pb]
            pltpu.make_async_copy(q_hbm.at[pl.ds(rowb + l0, C), hh],
                                  qv.at[pl.ds(0, C), pl.ds(0, HD)],
                                  sqs[pb]).wait()

            @pl.when(ci >= 1)
            def _():
                pltpu.make_async_copy(
                    kv_hbm.at[pl.ds(0, C), hh],
                    kring.at[pl.ds(0, C), pl.ds(0, HD)], srk).wait()
                pltpu.make_async_copy(
                    kv_hbm.at[pl.ds(0, C), hh],
                    vring.at[pl.ds(0, C), pl.ds(0, HD)], srv).wait()

            nstart = jnp.minimum(l0 + LOOK + 1, L - C)

            @pl.when(ci < NCH - 1)
            def _():
                pltpu.async_copy(q_hbm.at[pl.ds(rowb + l0 + C, C), hh],
                                 qvs[1 - pb].at[pl.ds(0, C), pl.ds(0, HD)],
                                 sqs[1 - pb])
                pltpu.async_copy(kv_hbm.at[pl.ds(rowb + nstart, C), hh],
                                 kring.at[pl.ds(nstart & (RW - 1), C),
                                          pl.ds(0, HD)], srk)
                pltpu.async_copy(kv_hbm.at[pl.ds(rowb + nstart, C), H + hh],
                                 vring.at[pl.ds(nstart & (RW - 1), C),
                                          pl.ds(0, HD)], srv)

            @pl.when(ci >= 2)
            def _():
                pltpu.make_async_copy(
                    ov.at[pl.ds(0, C), pl.ds(0, HD)],
                    o_hbm.at[pl.ds(rowb + l0 - 2 * C, C), hh],
                    sos[pb]).wait()

            lmax = jnp.minimum(l0 + LOOK, L - 1)
            posf = (lane + l0).astype(jnp.float32)
            w0v, w1v, s0v, s1v = [], [], [], []
            bad = jnp.zeros((LANES,), jnp.int32)
            for p in range(P):
                off_v = offs[p, pl.ds(l0, C)]
                idxf = jnp.clip(posf + off_v, 0.0, float(L - 1))
                i0 = idxf.astype(jnp.int32)
                i1 = jnp.minimum(i0 + 1, L - 1)
                f1 = idxf - i0.astype(jnp.float32)
                w0v.append(1.0 - f1)
                w1v.append(f1)
                s0v.append(i0 & (RW - 1))
                s1v.append(i1 & (RW - 1))
                kfl0 = (rowb + i0) * NKV + hh
                kfl1 = (rowb + i1) * NKV + hh
                idxk_b[pl.ds(p * C, C)] = kfl0
                idxk_b[pl.ds(P * C + p * C, C)] = kfl1
                idxv_b[pl.ds(p * C, C)] = kfl0 + H
                idxv_b[pl.ds(P * C + p * C, C)] = kfl1 + H
                bad = bad | (i0 < lmax - (RW - 1)).astype(jnp.int32) \
                          | (i1 > lmax).astype(jnp.int32)

            compute_chunk(l0, qv, kring, vring, s0v, s1v, w0v, w1v, ov)

            @pl.when(jnp.any(bad > 0))
            def _():
                gk = pltpu.async_copy(kvf_hbm.at[idxk_b], kbuf, sgk)
                gv = pltpu.async_copy(kvf_hbm.at[idxv_b], vbuf, sgv)
                gk.wait()
                gv.wait()
                compute_chunk(l0, qv, kbuf, vbuf, growz, growo, w0v, w1v, ov)

            pltpu.async_copy(ov.at[pl.ds(0, C), pl.ds(0, HD)],
                             o_hbm.at[pl.ds(rowb + l0, C), hh], sos[pb])

        pltpu.async_copy(q_hbm.at[pl.ds(rowb, C), hh],
                         qv0.at[pl.ds(0, C), pl.ds(0, HD)], sq0)
        crk = pltpu.async_copy(kv_hbm.at[pl.ds(rowb, PRO), hh],
                               kring.at[pl.ds(0, PRO), pl.ds(0, HD)], srk)
        crv = pltpu.async_copy(kv_hbm.at[pl.ds(rowb, PRO), H + hh],
                               vring.at[pl.ds(0, PRO), pl.ds(0, HD)], srv)
        coff.wait()
        catt.wait()
        crk.wait()
        crv.wait()

        def pair(g, carry):
            body(2 * g, 0)
            body(2 * g + 1, 1)
            return carry

        lax.fori_loop(0, NCH // 2, pair, 0)
        pltpu.make_async_copy(ov0.at[pl.ds(0, C), pl.ds(0, HD)],
                              o_hbm.at[pl.ds(rowb + L - 2 * C, C), hh],
                              so0).wait()
        pltpu.make_async_copy(ov1.at[pl.ds(0, C), pl.ds(0, HD)],
                              o_hbm.at[pl.ds(rowb + L - C, C), hh],
                              so1).wait()

    return attend(qoa3, kv3, kvf, off_t, att_t)


def kernel(q_in, kv_in, Wq, bq, Wk, bk, Wv, bv, Woff, boff, Wattn, battn,
           Wout, bout):
    qf = q_in.reshape(B * L, DM)
    kvf_in = kv_in.reshape(B * L, DM)
    Wqoa = jnp.concatenate([Wq, Woff, Wattn], axis=1)
    bqoa = jnp.concatenate([bq, boff, battn])
    qoa = _matmul_bias(qf, Wqoa, bqoa, 512, DM + 2 * HP)
    Wkv = jnp.concatenate([Wk, Wv], axis=1)
    bkv = jnp.concatenate([bk, bv])
    kv = _matmul_bias(kvf_in, Wkv, bkv, 512, 1024)

    off_t = qoa[:, DM:DM + HP].reshape(B, L, H, P).transpose(0, 2, 3, 1)
    off_t = off_t.reshape(NBH, P, L)
    att_t = qoa[:, DM + HP:].reshape(B, L, H, P).transpose(0, 2, 3, 1)
    att_t = att_t.reshape(NBH, P, L)

    o_nat = _sc_attend(
        qoa.reshape(B * L, NQ, HD),
        kv.reshape(B * L, NKV, HD),
        kv.reshape(B * L * NKV, HD),
        off_t, att_t,
    )
    out = _matmul_bias(o_nat.reshape(B * L, DM), Wout, bout, 512, 1024)
    return out.reshape(B, L, DM)

# --- scband reference (transcript-rebuilt; emitter-appended) ---
"""Pipeline reference for scband-model-16673063043377 (READ-ONLY COPY).

The authoritative reference and input builder live on the scoring server;
editing this copy changes nothing except your own understanding.
"""

import math
import jax, jax.numpy as jnp
import numpy as np

B, L, D_MODEL, H, P = 2, 2048, 1024, 16, 4
HD = D_MODEL // H


def setup_inputs(seed: int = 0) -> dict:
    key = jax.random.key(seed)
    ks = jax.random.split(key, 10)
    s = 0.02
    inp = {}
    inp["q_in"] = jax.random.normal(ks[0], (B, L, D_MODEL), jnp.float32)
    inp["kv_in"] = jax.random.normal(ks[1], (B, L, D_MODEL), jnp.float32)
    inp["Wq"] = jax.random.normal(ks[2], (D_MODEL, D_MODEL), jnp.float32) * s
    inp["bq"] = jnp.zeros((D_MODEL,), jnp.float32)
    inp["Wk"] = jax.random.normal(ks[3], (D_MODEL, D_MODEL), jnp.float32) * s
    inp["bk"] = jnp.zeros((D_MODEL,), jnp.float32)
    inp["Wv"] = jax.random.normal(ks[4], (D_MODEL, D_MODEL), jnp.float32) * s
    inp["bv"] = jnp.zeros((D_MODEL,), jnp.float32)
    inp["Woff"] = jax.random.normal(ks[5], (D_MODEL, H * P), jnp.float32) * s
    inp["boff"] = jnp.zeros((H * P,), jnp.float32)
    inp["Wattn"] = jax.random.normal(ks[6], (D_MODEL, H * P), jnp.float32) * s
    inp["battn"] = jnp.zeros((H * P,), jnp.float32)
    inp["Wout"] = jax.random.normal(ks[7], (D_MODEL, D_MODEL), jnp.float32) * s
    inp["bout"] = jnp.zeros((D_MODEL,), jnp.float32)
    return inp


def _linear_interpolate_1d(values, idx_float):
    # values: (B, H, Lk, D); idx_float: (B, H, Lq, P) -> (B, H, Lq, P, D)
    b, h, lk, d = values.shape
    lq = idx_float.shape[2]
    p = idx_float.shape[-1]
    idx0 = jnp.clip(jnp.floor(idx_float), 0, lk - 1).astype(jnp.int32)
    idx1 = jnp.clip(idx0 + 1, 0, lk - 1)
    w1 = (idx_float - idx0.astype(jnp.float32))[..., None]
    w0 = 1.0 - w1
    g0 = jnp.take_along_axis(values, idx0.reshape(b, h, lq * p, 1), axis=2).reshape(b, h, lq, p, d)
    g1 = jnp.take_along_axis(values, idx1.reshape(b, h, lq * p, 1), axis=2).reshape(b, h, lq, p, d)
    return w0 * g0 + w1 * g1


def reference(q_in, kv_in, Wq, bq, Wk, bk, Wv, bv, Woff, boff, Wattn, battn, Wout, bout):
    b, lq, _ = q_in.shape
    lk = kv_in.shape[1]
    q = (q_in @ Wq + bq).reshape(b, lq, H, HD).transpose(0, 2, 1, 3)
    k = (kv_in @ Wk + bk).reshape(b, lk, H, HD).transpose(0, 2, 1, 3)
    v = (kv_in @ Wv + bv).reshape(b, lk, H, HD).transpose(0, 2, 1, 3)
    offsets = (q_in @ Woff + boff).reshape(b, lq, H, P).transpose(0, 2, 1, 3)
    attn_logits = (q_in @ Wattn + battn).reshape(b, lq, H, P).transpose(0, 2, 1, 3)
    base = jnp.arange(lq, dtype=jnp.float32).reshape(1, 1, lq, 1)  # Lq == Lk here
    idx = jnp.clip(base + offsets, 0.0, float(lk - 1))
    k_s = _linear_interpolate_1d(k, idx)
    v_s = _linear_interpolate_1d(v, idx)
    dot = jnp.sum(q[:, :, :, None, :] * k_s, axis=-1) / math.sqrt(HD)
    scores = dot + attn_logits
    weights = jax.nn.softmax(scores, axis=-1)
    out = jnp.sum(weights[..., None] * v_s, axis=3)
    out = out.transpose(0, 2, 1, 3).reshape(b, lq, H * HD)
    out = out @ Wout + bout
    return out

if __name__ == "__main__":
    import jax
    _d = setup_inputs()
    print(jax.jit(kernel)(*tuple(_d.values())))

</pallas_src>

<mosaic_0001>
#map = affine_map<(d0, d1) -> (0, 0, 0)>
#map1 = affine_map<(d0, d1) -> (0, 0)>
module attributes {stable_mosaic.version = 14 : i64} {
  func.func @attend(%arg0: i32, %arg1: i32, %arg2: memref<4096x18x64xf32, #tpu.memory_space<hbm>>, %arg3: memref<4096x32x64xf32, #tpu.memory_space<hbm>>, %arg4: memref<131072x64xf32, #tpu.memory_space<hbm>>, %arg5: memref<32x4x2048xf32, #tpu.memory_space<hbm>>, %arg6: memref<32x4x2048xf32, #tpu.memory_space<hbm>>, %arg7: memref<4096x16x64xf32, #tpu.memory_space<hbm>>, %arg8: memref<4x2048xf32, #tpu.memory_space<vmem>>, %arg9: memref<4x2048xf32, #tpu.memory_space<vmem>>, %arg10: memref<512x65xf32, #tpu.memory_space<vmem>>, %arg11: memref<512x65xf32, #tpu.memory_space<vmem>>, %arg12: memref<16x65xf32, #tpu.memory_space<vmem>>, %arg13: memref<16x65xf32, #tpu.memory_space<vmem>>, %arg14: memref<16x65xf32, #tpu.memory_space<vmem>>, %arg15: memref<16x65xf32, #tpu.memory_space<vmem>>, %arg16: memref<128xi32, #tpu.memory_space<vmem>>, %arg17: memref<128xi32, #tpu.memory_space<vmem>>, %arg18: memref<128x64xf32, #tpu.memory_space<vmem>>, %arg19: memref<128x64xf32, #tpu.memory_space<vmem>>, %arg20: memref<!tpu.dma_semaphore, #tpu.memory_space<semaphore_mem>>, %arg21: memref<!tpu.dma_semaphore, #tpu.memory_space<semaphore_mem>>, %arg22: memref<!tpu.dma_semaphore, #tpu.memory_space<semaphore_mem>>, %arg23: memref<!tpu.dma_semaphore, #tpu.memory_space<semaphore_mem>>, %arg24: memref<!tpu.dma_semaphore, #tpu.memory_space<semaphore_mem>>, %arg25: memref<!tpu.dma_semaphore, #tpu.memory_space<semaphore_mem>>, %arg26: memref<!tpu.dma_semaphore, #tpu.memory_space<semaphore_mem>>, %arg27: memref<!tpu.dma_semaphore, #tpu.memory_space<semaphore_mem>>) attributes {dimension_semantics = [#tpu.dimension_semantics<core_parallel>, #tpu.dimension_semantics<subcore_parallel>], iteration_bounds = array<i64: 2, 16>, scalar_prefetch = 0 : i64, scratch_operands = 20 : i64, tpu.core_type = #tpu.core_type<sc_vector_subcore>, window_params = [{transform_indices = #map}, {transform_indices = #map}, {transform_indices = #map1}, {transform_indices = #map}, {transform_indices = #map}, {transform_indices = #map}]} {
    %mul3A = arith.constant 2 : i32
    %mul3A_0 = arith.muli %arg1, %mul3A : i32
    %add3A = arith.addi %mul3A_0, %arg0 : i32
    %jit3A = arith.constant 16 : i32
    %div3A = arith.divsi %add3A, %jit3A : i32
    %sign3A = arith.constant 0 : i32
    %sign3A_1 = arith.cmpi sgt, %add3A, %sign3A : i32
    %sign3A_2 = arith.extui %sign3A_1 : i1 to i32
    %sign3A_3 = arith.constant 0 : i32
    %sign3A_4 = arith.cmpi slt, %add3A, %sign3A_3 : i32
    %sign3A_5 = arith.extui %sign3A_4 : i1 to i32
    %sign3A_6 = arith.subi %sign3A_2, %sign3A_5 : i32
    %sign3A_7 = arith.constant 0 : i32
    %sign3A_8 = arith.cmpi sgt, %jit3A, %sign3A_7 : i32
    %sign3A_9 = arith.extui %sign3A_8 : i1 to i32
    %sign3A_10 = arith.constant 0 : i32
    %sign3A_11 = arith.cmpi slt, %jit3A, %sign3A_10 : i32
    %sign3A_12 = arith.extui %sign3A_11 : i1 to i32
    %sign3A_13 = arith.subi %sign3A_9, %sign3A_12 : i32
    %ne3A = arith.cmpi ne, %sign3A_6, %sign3A_13 : i32
    %rem3A = arith.remsi %add3A, %jit3A : i32
    %ne3A_14 = arith.constant 0 : i32
    %ne3A_15 = arith.cmpi ne, %rem3A, %ne3A_14 : i32
    %and3A = arith.andi %ne3A, %ne3A_15 : i1
    %sub3A = arith.constant 1 : i32
    %sub3A_16 = arith.subi %div3A, %sub3A : i32
    %select_n3A = arith.select %and3A, %sub3A_16, %div3A : i32
    %jit3A_17 = arith.constant 16 : i32
    %eq3A = arith.constant 0 : i32
    %eq3A_18 = arith.cmpi eq, %jit3A_17, %eq3A : i32
    %jit3A_19 = arith.constant 1 : i32
    %select_n3A_20 = arith.select %eq3A_18, %jit3A_19, %jit3A_17 : i32
    %rem3A_21 = arith.remsi %add3A, %select_n3A_20 : i32
    %ne3A_22 = arith.constant 0 : i32
    %ne3A_23 = arith.cmpi ne, %rem3A_21, %ne3A_22 : i32
    %lt3A = arith.constant 0 : i32
    %lt3A_24 = arith.cmpi slt, %rem3A_21, %lt3A : i32
    %lt3A_25 = arith.constant 0 : i32
    %lt3A_26 = arith.cmpi slt, %select_n3A_20, %lt3A_25 : i32
    %ne3A_27 = arith.xori %lt3A_24, %lt3A_26 : i1
    %and3A_28 = arith.andi %ne3A_27, %ne3A_23 : i1
    %add3A_29 = arith.addi %rem3A_21, %select_n3A_20 : i32
    %select_n3A_30 = arith.select %and3A_28, %add3A_29, %rem3A_21 : i32
    %mul3A_31 = arith.constant 2048 : i32
    %mul3A_32 = arith.muli %select_n3A, %mul3A_31 : i32
    %dma_start3A = arith.constant 0 : i32
    %dma_start3A_33 = arith.constant 0 : i32
    %dma_start3A_34 = tpu.memref_slice %arg5[%add3A, %dma_start3A, %dma_start3A_33] : memref<32x4x2048xf32, #tpu.memory_space<hbm>> -> memref<1x4x2048xf32, #tpu.memory_space<hbm>>
    %dma_start3A_35 = tpu.memref_squeeze %dma_start3A_34 : memref<1x4x2048xf32, #tpu.memory_space<hbm>> -> memref<4x2048xf32, #tpu.memory_space<hbm>>
    %dma_start3A_36 = arith.constant 0 : i32
    %dma_start3A_37 = arith.constant 0 : i32
    %dma_start3A_38 = tpu.memref_slice %arg5[%add3A, %dma_start3A_36, %dma_start3A_37] : memref<32x4x2048xf32, #tpu.memory_space<hbm>> -> memref<1x4x2048xf32, #tpu.memory_space<hbm>>
    %dma_start3A_39 = tpu.memref_squeeze %dma_start3A_38 : memref<1x4x2048xf32, #tpu.memory_space<hbm>> -> memref<4x2048xf32, #tpu.memory_space<hbm>>
    tpu.enqueue_dma source(%dma_start3A_39 : memref<4x2048xf32, #tpu.memory_space<hbm>>) target(%arg8 : memref<4x2048xf32, #tpu.memory_space<vmem>>) target_semaphore(%arg26 : memref<!tpu.dma_semaphore, #tpu.memory_space<semaphore_mem>>)
    %dma_start3A_40 = arith.constant 0 : i32
    %dma_start3A_41 = arith.constant 0 : i32
    %dma_start3A_42 = tpu.memref_slice %arg6[%add3A, %dma_start3A_40, %dma_start3A_41] : memref<32x4x2048xf32, #tpu.memory_space<hbm>> -> memref<1x4x2048xf32, #tpu.memory_space<hbm>>
    %dma_start3A_43 = tpu.memref_squeeze %dma_start3A_42 : memref<1x4x2048xf32, #tpu.memory_space<hbm>> -> memref<4x2048xf32, #tpu.memory_space<hbm>>
    %dma_start3A_44 = arith.constant 0 : i32
    %dma_start3A_45 = arith.constant 0 : i32
    %dma_start3A_46 = tpu.memref_slice %arg6[%add3A, %dma_start3A_44, %dma_start3A_45] : memref<32x4x2048xf32, #tpu.memory_space<hbm>> -> memref<1x4x2048xf32, #tpu.memory_space<hbm>>
    %dma_start3A_47 = tpu.memref_squeeze %dma_start3A_46 : memref<1x4x2048xf32, #tpu.memory_space<hbm>> -> memref<4x2048xf32, #tpu.memory_space<hbm>>
    tpu.enqueue_dma source(%dma_start3A_47 : memref<4x2048xf32, #tpu.memory_space<hbm>>) target(%arg9 : memref<4x2048xf32, #tpu.memory_space<vmem>>) target_semaphore(%arg27 : memref<!tpu.dma_semaphore, #tpu.memory_space<semaphore_mem>>)
    %iota3A = tpu.iota {dimensions = array<i32: 0>} : vector<16xi32>
    %add3A_48 = arith.constant 0 : i32
    %add3A_49 = vector.broadcast %add3A_48 : i32 to vector<16xi32>
    %add3A_50 = arith.addi %add3A_49, %iota3A : vector<16xi32>
    %add3A_51 = arith.constant 16 : i32
    %add3A_52 = vector.broadcast %add3A_51 : i32 to vector<16xi32>
    %add3A_53 = arith.addi %add3A_52, %iota3A : vector<16xi32>
    %add3A_54 = arith.constant 32 : i32
    %add3A_55 = vector.broadcast %add3A_54 : i32 to vector<16xi32>
    %add3A_56 = arith.addi %add3A_55, %iota3A : vector<16xi32>
    %add3A_57 = arith.constant 48 : i32
    %add3A_58 = vector.broadcast %add3A_57 : i32 to vector<16xi32>
    %add3A_59 = arith.addi %add3A_58, %iota3A : vector<16xi32>
    %add3A_60 = arith.constant 64 : i32
    %add3A_61 = vector.broadcast %add3A_60 : i32 to vector<16xi32>
    %add3A_62 = arith.addi %add3A_61, %iota3A : vector<16xi32>
    %add3A_63 = arith.constant 80 : i32
    %add3A_64 = vector.broadcast %add3A_63 : i32 to vector<16xi32>
    %add3A_65 = arith.addi %add3A_64, %iota3A : vector<16xi32>
    %add3A_66 = arith.constant 96 : i32
    %add3A_67 = vector.broadcast %add3A_66 : i32 to vector<16xi32>
    %add3A_68 = arith.addi %add3A_67, %iota3A : vector<16xi32>
    %add3A_69 = arith.constant 112 : i32
    %add3A_70 = vector.broadcast %add3A_69 : i32 to vector<16xi32>
    %add3A_71 = arith.addi %add3A_70, %iota3A : vector<16xi32>
    %dma_start3A_72 = arith.constant 0 : i32
    %dma_start3A_73 = arith.constant 0 : i32
    %dma_start3A_74 = tpu.memref_slice %arg12[%dma_start3A_72, %dma_start3A_73] : memref<16x65xf32, #tpu.memory_space<vmem>> -> memref<16x64xf32, #tpu.memory_space<vmem>>
    %dma_start3A_75 = arith.constant 0 : i32
    %dma_start3A_76 = tpu.memref_slice %arg2[%mul3A_32, %select_n3A_30, %dma_start3A_75] : memref<4096x18x64xf32, #tpu.memory_space<hbm>> -> memref<16x1x64xf32, #tpu.memory_space<hbm>>
    %dma_start3A_77 = tpu.memref_squeeze %dma_start3A_76 : memref<16x1x64xf32, #tpu.memory_space<hbm>> -> memref<16x64xf32, #tpu.memory_space<hbm>>
    %dma_start3A_78 = arith.constant 0 : i32
    %dma_start3A_79 = arith.constant 0 : i32
    %dma_start3A_80 = tpu.memref_slice %arg12[%dma_start3A_78, %dma_start3A_79] : memref<16x65xf32, #tpu.memory_space<vmem>> -> memref<16x64xf32, #tpu.memory_space<vmem>>
    %dma_start3A_81 = arith.constant 0 : i32
    %dma_start3A_82 = tpu.memref_slice %arg2[%mul3A_32, %select_n3A_30, %dma_start3A_81] : memref<4096x18x64xf32, #tpu.memory_space<hbm>> -> memref<16x1x64xf32, #tpu.memory_space<hbm>>
    %dma_start3A_83 = tpu.memref_squeeze %dma_start3A_82 : memref<16x1x64xf32, #tpu.memory_space<hbm>> -> memref<16x64xf32, #tpu.memory_space<hbm>>
    tpu.enqueue_dma source(%dma_start3A_83 : memref<16x64xf32, #tpu.memory_space<hbm>>) target(%dma_start3A_80 : memref<16x64xf32, #tpu.memory_space<vmem>>) target_semaphore(%arg20 : memref<!tpu.dma_semaphore, #tpu.memory_space<semaphore_mem>>)
    %dma_start3A_84 = arith.constant 0 : i32
    %dma_start3A_85 = arith.constant 0 : i32
    %dma_start3A_86 = tpu.memref_slice %arg10[%dma_start3A_84, %dma_start3A_85] : memref<512x65xf32, #tpu.memory_space<vmem>> -> memref<288x64xf32, #tpu.memory_space<vmem>>
    %dma_start3A_87 = arith.constant 0 : i32
    %dma_start3A_88 = tpu.memref_slice %arg3[%mul3A_32, %select_n3A_30, %dma_start3A_87] : memref<4096x32x64xf32, #tpu.memory_space<hbm>> -> memref<288x1x64xf32, #tpu.memory_space<hbm>>
    %dma_start3A_89 = tpu.memref_squeeze %dma_start3A_88 : memref<288x1x64xf32, #tpu.memory_space<hbm>> -> memref<288x64xf32, #tpu.memory_space<hbm>>
    %dma_start3A_90 = arith.constant 0 : i32
    %dma_start3A_91 = arith.constant 0 : i32
    %dma_start3A_92 = tpu.memref_slice %arg10[%dma_start3A_90, %dma_start3A_91] : memref<512x65xf32, #tpu.memory_space<vmem>> -> memref<288x64xf32, #tpu.memory_space<vmem>>
    %dma_start3A_93 = arith.constant 0 : i32
    %dma_start3A_94 = tpu.memref_slice %arg3[%mul3A_32, %select_n3A_30, %dma_start3A_93] : memref<4096x32x64xf32, #tpu.memory_space<hbm>> -> memref<288x1x64xf32, #tpu.memory_space<hbm>>
    %dma_start3A_95 = tpu.memref_squeeze %dma_start3A_94 : memref<288x1x64xf32, #tpu.memory_space<hbm>> -> memref<288x64xf32, #tpu.memory_space<hbm>>
    tpu.enqueue_dma source(%dma_start3A_95 : memref<288x64xf32, #tpu.memory_space<hbm>>) target(%dma_start3A_92 : memref<288x64xf32, #tpu.memory_space<vmem>>) target_semaphore(%arg22 : memref<!tpu.dma_semaphore, #tpu.memory_space<semaphore_mem>>)
    %add3A_96 = arith.constant 16 : i32
    %add3A_97 = arith.addi %add3A_96, %select_n3A_30 : i32
    %dma_start3A_98 = arith.constant 0 : i32
    %dma_start3A_99 = arith.constant 0 : i32
    %dma_start3A_100 = tpu.memref_slice %arg11[%dma_start3A_98, %dma_start3A_99] : memref<512x65xf32, #tpu.memory_space<vmem>> -> memref<288x64xf32, #tpu.memory_space<vmem>>
    %dma_start3A_101 = arith.constant 0 : i32
    %dma_start3A_102 = tpu.memref_slice %arg3[%mul3A_32, %add3A_97, %dma_start3A_101] : memref<4096x32x64xf32, #tpu.memory_space<hbm>> -> memref<288x1x64xf32, #tpu.memory_space<hbm>>
    %dma_start3A_103 = tpu.memref_squeeze %dma_start3A_102 : memref<288x1x64xf32, #tpu.memory_space<hbm>> -> memref<288x64xf32, #tpu.memory_space<hbm>>
    %dma_start3A_104 = arith.constant 0 : i32
    %dma_start3A_105 = arith.constant 0 : i32
    %dma_start3A_106 = tpu.memref_slice %arg11[%dma_start3A_104, %dma_start3A_105] : memref<512x65xf32, #tpu.memory_space<vmem>> -> memref<288x64xf32, #tpu.memory_space<vmem>>
    %dma_start3A_107 = arith.constant 0 : i32
    %dma_start3A_108 = tpu.memref_slice %arg3[%mul3A_32, %add3A_97, %dma_start3A_107] : memref<4096x32x64xf32, #tpu.memory_space<hbm>> -> memref<288x1x64xf32, #tpu.memory_space<hbm>>
    %dma_start3A_109 = tpu.memref_squeeze %dma_start3A_108 : memref<288x1x64xf32, #tpu.memory_space<hbm>> -> memref<288x64xf32, #tpu.memory_space<hbm>>
    tpu.enqueue_dma source(%dma_start3A_109 : memref<288x64xf32, #tpu.memory_space<hbm>>) target(%dma_start3A_106 : memref<288x64xf32, #tpu.memory_space<vmem>>) target_semaphore(%arg23 : memref<!tpu.dma_semaphore, #tpu.memory_space<semaphore_mem>>)
    %dma_wait3A = arith.constant 0 : i32
    %dma_wait3A_110 = arith.constant 0 : i32
    %dma_wait3A_111 = tpu.memref_slice %arg5[%add3A, %dma_wait3A, %dma_wait3A_110] : memref<32x4x2048xf32, #tpu.memory_space<hbm>> -> memref<1x4x2048xf32, #tpu.memory_space<hbm>>
    %dma_wait3A_112 = tpu.memref_squeeze %dma_wait3A_111 : memref<1x4x2048xf32, #tpu.memory_space<hbm>> -> memref<4x2048xf32, #tpu.memory_space<hbm>>
    %dma_wait3A_113 = arith.constant 0 : i32
    %dma_wait3A_114 = arith.constant 0 : i32
    %dma_wait3A_115 = tpu.memref_slice %arg5[%add3A, %dma_wait3A_113, %dma_wait3A_114] : memref<32x4x2048xf32, #tpu.memory_space<hbm>> -> memref<1x4x2048xf32, #tpu.memory_space<hbm>>
    %dma_wait3A_116 = tpu.memref_squeeze %dma_wait3A_115 : memref<1x4x2048xf32, #tpu.memory_space<hbm>> -> memref<4x2048xf32, #tpu.memory_space<hbm>>
    tpu.wait_dma2 semaphore(%arg26 : memref<!tpu.dma_semaphore, #tpu.memory_space<semaphore_mem>>) src(%dma_wait3A_116 : memref<4x2048xf32, #tpu.memory_space<hbm>>) dst(%arg8 : memref<4x2048xf32, #tpu.memory_space<vmem>>)
    %dma_wait3A_117 = arith.constant 0 : i32
    %dma_wait3A_118 = arith.constant 0 : i32
    %dma_wait3A_119 = tpu.memref_slice %arg6[%add3A, %dma_wait3A_117, %dma_wait3A_118] : memref<32x4x2048xf32, #tpu.memory_space<hbm>> -> memref<1x4x2048xf32, #tpu.memory_space<hbm>>
    %dma_wait3A_120 = tpu.memref_squeeze %dma_wait3A_119 : memref<1x4x2048xf32, #tpu.memory_space<hbm>> -> memref<4x2048xf32, #tpu.memory_space<hbm>>
    %dma_wait3A_121 = arith.constant 0 : i32
    %dma_wait3A_122 = arith.constant 0 : i32
    %dma_wait3A_123 = tpu.memref_slice %arg6[%add3A, %dma_wait3A_121, %dma_wait3A_122] : memref<32x4x2048xf32, #tpu.memory_space<hbm>> -> memref<1x4x2048xf32, #tpu.memory_space<hbm>>
    %dma_wait3A_124 = tpu.memref_squeeze %dma_wait3A_123 : memref<1x4x2048xf32, #tpu.memory_space<hbm>> -> memref<4x2048xf32, #tpu.memory_space<hbm>>
    tpu.wait_dma2 semaphore(%arg27 : memref<!tpu.dma_semaphore, #tpu.memory_space<semaphore_mem>>) src(%dma_wait3A_124 : memref<4x2048xf32, #tpu.memory_space<hbm>>) dst(%arg9 : memref<4x2048xf32, #tpu.memory_space<vmem>>)
    %dma_wait3A_125 = arith.constant 0 : i32
    %dma_wait3A_126 = arith.constant 0 : i32
    %dma_wait3A_127 = tpu.memref_slice %arg10[%dma_wait3A_125, %dma_wait3A_126] : memref<512x65xf32, #tpu.memory_space<vmem>> -> memref<288x64xf32, #tpu.memory_space<vmem>>
    %dma_wait3A_128 = arith.constant 0 : i32
    %dma_wait3A_129 = tpu.memref_slice %arg3[%mul3A_32, %select_n3A_30, %dma_wait3A_128] : memref<4096x32x64xf32, #tpu.memory_space<hbm>> -> memref<288x1x64xf32, #tpu.memory_space<hbm>>
    %dma_wait3A_130 = tpu.memref_squeeze %dma_wait3A_129 : memref<288x1x64xf32, #tpu.memory_space<hbm>> -> memref<288x64xf32, #tpu.memory_space<hbm>>
    %dma_wait3A_131 = arith.constant 0 : i32
    %dma_wait3A_132 = arith.constant 0 : i32
    %dma_wait3A_133 = tpu.memref_slice %arg10[%dma_wait3A_131, %dma_wait3A_132] : memref<512x65xf32, #tpu.memory_space<vmem>> -> memref<288x64xf32, #tpu.memory_space<vmem>>
    %dma_wait3A_134 = arith.constant 0 : i32
    %dma_wait3A_135 = tpu.memref_slice %arg3[%mul3A_32, %select_n3A_30, %dma_wait3A_134] : memref<4096x32x64xf32, #tpu.memory_space<hbm>> -> memref<288x1x64xf32, #tpu.memory_space<hbm>>
    %dma_wait3A_136 = tpu.memref_squeeze %dma_wait3A_135 : memref<288x1x64xf32, #tpu.memory_space<hbm>> -> memref<288x64xf32, #tpu.memory_space<hbm>>
    tpu.wait_dma2 semaphore(%arg22 : memref<!tpu.dma_semaphore, #tpu.memory_space<semaphore_mem>>) src(%dma_wait3A_136 : memref<288x64xf32, #tpu.memory_space<hbm>>) dst(%dma_wait3A_133 : memref<288x64xf32, #tpu.memory_space<vmem>>)
    %dma_wait3A_137 = arith.constant 0 : i32
    %dma_wait3A_138 = arith.constant 0 : i32
    %dma_wait3A_139 = tpu.memref_slice %arg11[%dma_wait3A_137, %dma_wait3A_138] : memref<512x65xf32, #tpu.memory_space<vmem>> -> memref<288x64xf32, #tpu.memory_space<vmem>>
    %dma_wait3A_140 = arith.constant 0 : i32
    %dma_wait3A_141 = tpu.memref_slice %arg3[%mul3A_32, %add3A_97, %dma_wait3A_140] : memref<4096x32x64xf32, #tpu.memory_space<hbm>> -> memref<288x1x64xf32, #tpu.memory_space<hbm>>
    %dma_wait3A_142 = tpu.memref_squeeze %dma_wait3A_141 : memref<288x1x64xf32, #tpu.memory_space<hbm>> -> memref<288x64xf32, #tpu.memory_space<hbm>>
    %dma_wait3A_143 = arith.constant 0 : i32
    %dma_wait3A_144 = arith.constant 0 : i32
    %dma_wait3A_145 = tpu.memref_slice %arg11[%dma_wait3A_143, %dma_wait3A_144] : memref<512x65xf32, #tpu.memory_space<vmem>> -> memref<288x64xf32, #tpu.memory_space<vmem>>
    %dma_wait3A_146 = arith.constant 0 : i32
    %dma_wait3A_147 = tpu.memref_slice %arg3[%mul3A_32, %add3A_97, %dma_wait3A_146] : memref<4096x32x64xf32, #tpu.memory_space<hbm>> -> memref<288x1x64xf32, #tpu.memory_space<hbm>>
    %dma_wait3A_148 = tpu.memref_squeeze %dma_wait3A_147 : memref<288x1x64xf32, #tpu.memory_space<hbm>> -> memref<288x64xf32, #tpu.memory_space<hbm>>
    tpu.wait_dma2 semaphore(%arg23 : memref<!tpu.dma_semaphore, #tpu.memory_space<semaphore_mem>>) src(%dma_wait3A_148 : memref<288x64xf32, #tpu.memory_space<hbm>>) dst(%dma_wait3A_145 : memref<288x64xf32, #tpu.memory_space<vmem>>)
    %scan3A = arith.constant 0 : i32
    %scan3A_149 = arith.constant 0 : i32
    %scan3A_150 = arith.constant 64 : i32
    %scan3A_151 = arith.addi %scan3A_149, %scan3A_150 : i32
    %scan3A_152 = arith.constant 1 : i32
    scf.for %scan3A_186 = %scan3A_149 to %scan3A_151 step %scan3A_152  : i32 {
      %mul3A_187 = arith.constant 2 : i32
      %mul3A_188 = arith.muli %mul3A_187, %scan3A_186 : i32
      %mul3A_189 = arith.constant 16 : i32
      %mul3A_190 = arith.muli %mul3A_188, %mul3A_189 : i32
      %add3A_191 = arith.addi %mul3A_32, %mul3A_190 : i32
      %dma_wait3A_192 = arith.constant 0 : i32
      %dma_wait3A_193 = arith.constant 0 : i32
      %dma_wait3A_194 = tpu.memref_slice %arg12[%dma_wait3A_192, %dma_wait3A_193] : memref<16x65xf32, #tpu.memory_space<vmem>> -> memref<16x64xf32, #tpu.memory_space<vmem>>
      %dma_wait3A_195 = arith.constant 0 : i32
      %dma_wait3A_196 = tpu.memref_slice %arg2[%add3A_191, %select_n3A_30, %dma_wait3A_195] : memref<4096x18x64xf32, #tpu.memory_space<hbm>> -> memref<16x1x64xf32, #tpu.memory_space<hbm>>
      %dma_wait3A_197 = tpu.memref_squeeze %dma_wait3A_196 : memref<16x1x64xf32, #tpu.memory_space<hbm>> -> memref<16x64xf32, #tpu.memory_space<hbm>>
      %dma_wait3A_198 = arith.constant 0 : i32
      %dma_wait3A_199 = arith.constant 0 : i32
      %dma_wait3A_200 = tpu.memref_slice %arg12[%dma_wait3A_198, %dma_wait3A_199] : memref<16x65xf32, #tpu.memory_space<vmem>> -> memref<16x64xf32, #tpu.memory_space<vmem>>
      %dma_wait3A_201 = arith.constant 0 : i32
      %dma_wait3A_202 = tpu.memref_slice %arg2[%add3A_191, %select_n3A_30, %dma_wait3A_201] : memref<4096x18x64xf32, #tpu.memory_space<hbm>> -> memref<16x1x64xf32, #tpu.memory_space<hbm>>
      %dma_wait3A_203 = tpu.memref_squeeze %dma_wait3A_202 : memref<16x1x64xf32, #tpu.memory_space<hbm>> -> memref<16x64xf32, #tpu.memory_space<hbm>>
      tpu.wait_dma2 semaphore(%arg20 : memref<!tpu.dma_semaphore, #tpu.memory_space<semaphore_mem>>) src(%dma_wait3A_203 : memref<16x64xf32, #tpu.memory_space<hbm>>) dst(%dma_wait3A_200 : memref<16x64xf32, #tpu.memory_space<vmem>>)
      %ge3A = arith.constant 1 : i32
      %ge3A_204 = arith.cmpi sge, %mul3A_188, %ge3A : i32
      %convert_element_type3A = arith.extui %ge3A_204 : i1 to i32
      %cond3A = arith.constant 0 : i32
      %cond3A_205 = arith.cmpi ne, %convert_element_type3A, %cond3A : i32
      scf.if %cond3A_205 {
        %dma_wait3A_1038 = arith.constant 0 : i32
        %dma_wait3A_1039 = arith.constant 0 : i32
        %dma_wait3A_1040 = tpu.memref_slice %arg10[%dma_wait3A_1038, %dma_wait3A_1039] : memref<512x65xf32, #tpu.memory_space<vmem>> -> memref<16x64xf32, #tpu.memory_space<vmem>>
        %dma_wait3A_1041 = arith.constant 0 : i32
        %dma_wait3A_1042 = arith.constant 0 : i32
        %dma_wait3A_1043 = tpu.memref_slice %arg3[%dma_wait3A_1041, %select_n3A_30, %dma_wait3A_1042] : memref<4096x32x64xf32, #tpu.memory_space<hbm>> -> memref<16x1x64xf32, #tpu.memory_space<hbm>>
        %dma_wait3A_1044 = tpu.memref_squeeze %dma_wait3A_1043 : memref<16x1x64xf32, #tpu.memory_space<hbm>> -> memref<16x64xf32, #tpu.memory_space<hbm>>
        %dma_wait3A_1045 = arith.constant 0 : i32
        %dma_wait3A_1046 = arith.constant 0 : i32
        %dma_wait3A_1047 = tpu.memref_slice %arg10[%dma_wait3A_1045, %dma_wait3A_1046] : memref<512x65xf32, #tpu.memory_space<vmem>> -> memref<16x64xf32, #tpu.memory_space<vmem>>
        %dma_wait3A_1048 = arith.constant 0 : i32
        %dma_wait3A_1049 = arith.constant 0 : i32
        %dma_wait3A_1050 = tpu.memref_slice %arg3[%dma_wait3A_1048, %select_n3A_30, %dma_wait3A_1049] : memref<4096x32x64xf32, #tpu.memory_space<hbm>> -> memref<16x1x64xf32, #tpu.memory_space<hbm>>
        %dma_wait3A_1051 = tpu.memref_squeeze %dma_wait3A_1050 : memref<16x1x64xf32, #tpu.memory_space<hbm>> -> memref<16x64xf32, #tpu.memory_space<hbm>>
        tpu.wait_dma2 semaphore(%arg22 : memref<!tpu.dma_semaphore, #tpu.memory_space<semaphore_mem>>) src(%dma_wait3A_1051 : memref<16x64xf32, #tpu.memory_space<hbm>>) dst(%dma_wait3A_1047 : memref<16x64xf32, #tpu.memory_space<vmem>>)
        %dma_wait3A_1052 = arith.constant 0 : i32
        %dma_wait3A_1053 = arith.constant 0 : i32
        %dma_wait3A_1054 = tpu.memref_slice %arg11[%dma_wait3A_1052, %dma_wait3A_1053] : memref<512x65xf32, #tpu.memory_space<vmem>> -> memref<16x64xf32, #tpu.memory_space<vmem>>
        %dma_wait3A_1055 = arith.constant 0 : i32
        %dma_wait3A_1056 = arith.constant 0 : i32
        %dma_wait3A_1057 = tpu.memref_slice %arg3[%dma_wait3A_1055, %select_n3A_30, %dma_wait3A_1056] : memref<4096x32x64xf32, #tpu.memory_space<hbm>> -> memref<16x1x64xf32, #tpu.memory_space<hbm>>
        %dma_wait3A_1058 = tpu.memref_squeeze %dma_wait3A_1057 : memref<16x1x64xf32, #tpu.memory_space<hbm>> -> memref<16x64xf32, #tpu.memory_space<hbm>>
        %dma_wait3A_1059 = arith.constant 0 : i32
        %dma_wait3A_1060 = arith.constant 0 : i32
        %dma_wait3A_1061 = tpu.memref_slice %arg11[%dma_wait3A_1059, %dma_wait3A_1060] : memref<512x65xf32, #tpu.memory_space<vmem>> -> memref<16x64xf32, #tpu.memory_space<vmem>>
        %dma_wait3A_1062 = arith.constant 0 : i32
        %dma_wait3A_1063 = arith.constant 0 : i32
        %dma_wait3A_1064 = tpu.memref_slice %arg3[%dma_wait3A_1062, %select_n3A_30, %dma_wait3A_1063] : memref<4096x32x64xf32, #tpu.memory_space<hbm>> -> memref<16x1x64xf32, #tpu.memory_space<hbm>>
        %dma_wait3A_1065 = tpu.memref_squeeze %dma_wait3A_1064 : memref<16x1x64xf32, #tpu.memory_space<hbm>> -> memref<16x64xf32, #tpu.memory_space<hbm>>
        tpu.wait_dma2 semaphore(%arg23 : memref<!tpu.dma_semaphore, #tpu.memory_space<semaphore_mem>>) src(%dma_wait3A_1065 : memref<16x64xf32, #tpu.memory_space<hbm>>) dst(%dma_wait3A_1061 : memref<16x64xf32, #tpu.memory_space<vmem>>)
      } else {
      }
      %add3A_206 = arith.constant 287 : i32
      %add3A_207 = arith.addi %mul3A_190, %add3A_206 : i32
      %add3A_208 = arith.constant 1 : i32
      %add3A_209 = arith.addi %add3A_207, %add3A_208 : i32
      %min3A = arith.constant 2032 : i32
      %min3A_210 = arith.minsi %add3A_209, %min3A : i32
      %lt3A_211 = arith.constant 127 : i32
      %lt3A_212 = arith.cmpi slt, %mul3A_188, %lt3A_211 : i32
      %convert_element_type3A_213 = arith.extui %lt3A_212 : i1 to i32
      %cond3A_214 = arith.constant 0 : i32
      %cond3A_215 = arith.cmpi ne, %convert_element_type3A_213, %cond3A_214 : i32
      scf.if %cond3A_215 {
        %add3A_1038 = arith.addi %mul3A_32, %mul3A_190 : i32
        %add3A_1039 = arith.constant 16 : i32
        %add3A_1040 = arith.addi %add3A_1038, %add3A_1039 : i32
        %dma_start3A_1041 = arith.constant 0 : i32
        %dma_start3A_1042 = arith.constant 0 : i32
        %dma_start3A_1043 = tpu.memref_slice %arg13[%dma_start3A_1041, %dma_start3A_1042] : memref<16x65xf32, #tpu.memory_space<vmem>> -> memref<16x64xf32, #tpu.memory_space<vmem>>
        %dma_start3A_1044 = arith.constant 0 : i32
        %dma_start3A_1045 = tpu.memref_slice %arg2[%add3A_1040, %select_n3A_30, %dma_start3A_1044] : memref<4096x18x64xf32, #tpu.memory_space<hbm>> -> memref<16x1x64xf32, #tpu.memory_space<hbm>>
        %dma_start3A_1046 = tpu.memref_squeeze %dma_start3A_1045 : memref<16x1x64xf32, #tpu.memory_space<hbm>> -> memref<16x64xf32, #tpu.memory_space<hbm>>
        %dma_start3A_1047 = arith.constant 0 : i32
        %dma_start3A_1048 = arith.constant 0 : i32
        %dma_start3A_1049 = tpu.memref_slice %arg13[%dma_start3A_1047, %dma_start3A_1048] : memref<16x65xf32, #tpu.memory_space<vmem>> -> memref<16x64xf32, #tpu.memory_space<vmem>>
        %dma_start3A_1050 = arith.constant 0 : i32
        %dma_start3A_1051 = tpu.memref_slice %arg2[%add3A_1040, %select_n3A_30, %dma_start3A_1050] : memref<4096x18x64xf32, #tpu.memory_space<hbm>> -> memref<16x1x64xf32, #tpu.memory_space<hbm>>
        %dma_start3A_1052 = tpu.memref_squeeze %dma_start3A_1051 : memref<16x1x64xf32, #tpu.memory_space<hbm>> -> memref<16x64xf32, #tpu.memory_space<hbm>>
        tpu.enqueue_dma source(%dma_start3A_1052 : memref<16x64xf32, #tpu.memory_space<hbm>>) target(%dma_start3A_1049 : memref<16x64xf32, #tpu.memory_space<vmem>>) target_semaphore(%arg21 : memref<!tpu.dma_semaphore, #tpu.memory_space<semaphore_mem>>)
        %add3A_1053 = arith.addi %mul3A_32, %min3A_210 : i32
        %and3A_1054 = arith.constant 511 : i32
        %and3A_1055 = arith.andi %min3A_210, %and3A_1054 : i32
        %dma_start3A_1056 = arith.constant 0 : i32
        %dma_start3A_1057 = tpu.memref_slice %arg10[%and3A_1055, %dma_start3A_1056] : memref<512x65xf32, #tpu.memory_space<vmem>> -> memref<16x64xf32, #tpu.memory_space<vmem>>
        %dma_start3A_1058 = arith.constant 0 : i32
        %dma_start3A_1059 = tpu.memref_slice %arg3[%add3A_1053, %select_n3A_30, %dma_start3A_1058] : memref<4096x32x64xf32, #tpu.memory_space<hbm>> -> memref<16x1x64xf32, #tpu.memory_space<hbm>>
        %dma_start3A_1060 = tpu.memref_squeeze %dma_start3A_1059 : memref<16x1x64xf32, #tpu.memory_space<hbm>> -> memref<16x64xf32, #tpu.memory_space<hbm>>
        %dma_start3A_1061 = arith.constant 0 : i32
        %dma_start3A_1062 = tpu.memref_slice %arg10[%and3A_1055, %dma_start3A_1061] : memref<512x65xf32, #tpu.memory_space<vmem>> -> memref<16x64xf32, #tpu.memory_space<vmem>>
        %dma_start3A_1063 = arith.constant 0 : i32
        %dma_start3A_1064 = tpu.memref_slice %arg3[%add3A_1053, %select_n3A_30, %dma_start3A_1063] : memref<4096x32x64xf32, #tpu.memory_space<hbm>> -> memref<16x1x64xf32, #tpu.memory_space<hbm>>
        %dma_start3A_1065 = tpu.memref_squeeze %dma_start3A_1064 : memref<16x1x64xf32, #tpu.memory_space<hbm>> -> memref<16x64xf32, #tpu.memory_space<hbm>>
        tpu.enqueue_dma source(%dma_start3A_1065 : memref<16x64xf32, #tpu.memory_space<hbm>>) target(%dma_start3A_1062 : memref<16x64xf32, #tpu.memory_space<vmem>>) target_semaphore(%arg22 : memref<!tpu.dma_semaphore, #tpu.memory_space<semaphore_mem>>)
        %add3A_1066 = arith.addi %mul3A_32, %min3A_210 : i32
        %add3A_1067 = arith.constant 16 : i32
        %add3A_1068 = arith.addi %add3A_1067, %select_n3A_30 : i32
        %and3A_1069 = arith.constant 511 : i32
        %and3A_1070 = arith.andi %min3A_210, %and3A_1069 : i32
        %dma_start3A_1071 = arith.constant 0 : i32
        %dma_start3A_1072 = tpu.memref_slice %arg11[%and3A_1070, %dma_start3A_1071] : memref<512x65xf32, #tpu.memory_space<vmem>> -> memref<16x64xf32, #tpu.memory_space<vmem>>
        %dma_start3A_1073 = arith.constant 0 : i32
        %dma_start3A_1074 = tpu.memref_slice %arg3[%add3A_1066, %add3A_1068, %dma_start3A_1073] : memref<4096x32x64xf32, #tpu.memory_space<hbm>> -> memref<16x1x64xf32, #tpu.memory_space<hbm>>
        %dma_start3A_1075 = tpu.memref_squeeze %dma_start3A_1074 : memref<16x1x64xf32, #tpu.memory_space<hbm>> -> memref<16x64xf32, #tpu.memory_space<hbm>>
        %dma_start3A_1076 = arith.constant 0 : i32
        %dma_start3A_1077 = tpu.memref_slice %arg11[%and3A_1070, %dma_start3A_1076] : memref<512x65xf32, #tpu.memory_space<vmem>> -> memref<16x64xf32, #tpu.memory_space<vmem>>
        %dma_start3A_1078 = arith.constant 0 : i32
        %dma_start3A_1079 = tpu.memref_slice %arg3[%add3A_1066, %add3A_1068, %dma_start3A_1078] : memref<4096x32x64xf32, #tpu.memory_space<hbm>> -> memref<16x1x64xf32, #tpu.memory_space<hbm>>
        %dma_start3A_1080 = tpu.memref_squeeze %dma_start3A_1079 : memref<16x1x64xf32, #tpu.memory_space<hbm>> -> memref<16x64xf32, #tpu.memory_space<hbm>>
        tpu.enqueue_dma source(%dma_start3A_1080 : memref<16x64xf32, #tpu.memory_space<hbm>>) target(%dma_start3A_1077 : memref<16x64xf32, #tpu.memory_space<vmem>>) target_semaphore(%arg23 : memref<!tpu.dma_semaphore, #tpu.memory_space<semaphore_mem>>)
      } else {
      }
      %ge3A_216 = arith.constant 2 : i32
      %ge3A_217 = arith.cmpi sge, %mul3A_188, %ge3A_216 : i32
      %convert_element_type3A_218 = arith.extui %ge3A_217 : i1 to i32
      %cond3A_219 = arith.constant 0 : i32
      %cond3A_220 = arith.cmpi ne, %convert_element_type3A_218, %cond3A_219 : i32
      scf.if %cond3A_220 {
        %add3A_1038 = arith.addi %mul3A_32, %mul3A_190 : i32
        %sub3A_1039 = arith.constant 32 : i32
        %sub3A_1040 = arith.subi %add3A_1038, %sub3A_1039 : i32
        %dma_wait3A_1041 = arith.constant 0 : i32
        %dma_wait3A_1042 = arith.constant 0 : i32
        %dma_wait3A_1043 = tpu.memref_slice %arg14[%dma_wait3A_1041, %dma_wait3A_1042] : memref<16x65xf32, #tpu.memory_space<vmem>> -> memref<16x64xf32, #tpu.memory_space<vmem>>
        %dma_wait3A_1044 = arith.constant 0 : i32
        %dma_wait3A_1045 = tpu.memref_slice %arg7[%sub3A_1040, %select_n3A_30, %dma_wait3A_1044] : memref<4096x16x64xf32, #tpu.memory_space<hbm>> -> memref<16x1x64xf32, #tpu.memory_space<hbm>>
        %dma_wait3A_1046 = tpu.memref_squeeze %dma_wait3A_1045 : memref<16x1x64xf32, #tpu.memory_space<hbm>> -> memref<16x64xf32, #tpu.memory_space<hbm>>
        %dma_wait3A_1047 = arith.constant 0 : i32
        %dma_wait3A_1048 = tpu.memref_slice %arg7[%sub3A_1040, %select_n3A_30, %dma_wait3A_1047] : memref<4096x16x64xf32, #tpu.memory_space<hbm>> -> memref<16x1x64xf32, #tpu.memory_space<hbm>>
        %dma_wait3A_1049 = tpu.memref_squeeze %dma_wait3A_1048 : memref<16x1x64xf32, #tpu.memory_space<hbm>> -> memref<16x64xf32, #tpu.memory_space<hbm>>
        %dma_wait3A_1050 = arith.constant 0 : i32
        %dma_wait3A_1051 = arith.constant 0 : i32
        %dma_wait3A_1052 = tpu.memref_slice %arg14[%dma_wait3A_1050, %dma_wait3A_1051] : memref<16x65xf32, #tpu.memory_space<vmem>> -> memref<16x64xf32, #tpu.memory_space<vmem>>
        tpu.wait_dma2 semaphore(%arg24 : memref<!tpu.dma_semaphore, #tpu.memory_space<semaphore_mem>>) src(%dma_wait3A_1052 : memref<16x64xf32, #tpu.memory_space<vmem>>) dst(%dma_wait3A_1049 : memref<16x64xf32, #tpu.memory_space<hbm>>)
      } else {
      }
      %add3A_221 = arith.constant 287 : i32
      %add3A_222 = arith.addi %mul3A_190, %add3A_221 : i32
      %min3A_223 = arith.constant 2047 : i32
      %min3A_224 = arith.minsi %add3A_222, %min3A_223 : i32
      %add3A_225 = vector.broadcast %mul3A_190 : i32 to vector<16xi32>
      %add3A_226 = arith.addi %iota3A, %add3A_225 : vector<16xi32>
      %convert_element_type3A_227 = arith.sitofp %add3A_226 : vector<16xi32> to vector<16xf32>
      %broadcast_in_dim3A = arith.constant 0 : i32
      %broadcast_in_dim3A_228 = vector.broadcast %broadcast_in_dim3A : i32 to vector<16xi32>
      %get3A = arith.constant 0 : i32
      %get3A_229 = arith.index_cast %get3A : i32 to index
      %get3A_230 = arith.index_cast %mul3A_190 : i32 to index
      %get3A_231 = tpu.vector_load %arg8[%get3A_229, %get3A_230] {strides = array<i32>} : memref<4x2048xf32, #tpu.memory_space<vmem>>, vector<16xf32>,
      %add3A_232 = arith.addf %convert_element_type3A_227, %get3A_231 : vector<16xf32>
      %jit3A_233 = arith.constant 0.000000e+00 : f32
      %jit3A_234 = arith.constant 2.047000e+03 : f32
      %max3A = vector.broadcast %jit3A_233 : f32 to vector<16xf32>
      %max3A_235 = arith.maximumf %max3A, %add3A_232 : vector<16xf32>
      %min3A_236 = vector.broadcast %jit3A_234 : f32 to vector<16xf32>
      %min3A_237 = arith.minimumf %min3A_236, %max3A_235 : vector<16xf32>
      %convert_element_type3A_238 = arith.fptosi %min3A_237 : vector<16xf32> to vector<16xi32>
      %add3A_239 = arith.constant 1 : i32
      %add3A_240 = vector.broadcast %add3A_239 : i32 to vector<16xi32>
      %add3A_241 = arith.addi %convert_element_type3A_238, %add3A_240 : vector<16xi32>
      %min3A_242 = arith.constant 2047 : i32
      %min3A_243 = vector.broadcast %min3A_242 : i32 to vector<16xi32>
      %min3A_244 = arith.minsi %add3A_241, %min3A_243 : vector<16xi32>
      %convert_element_type3A_245 = arith.sitofp %convert_element_type3A_238 : vector<16xi32> to vector<16xf32>
      %sub3A_246 = arith.subf %min3A_237, %convert_element_type3A_245 : vector<16xf32>
      %sub3A_247 = arith.constant 1.000000e+00 : f32
      %sub3A_248 = vector.broadcast %sub3A_247 : f32 to vector<16xf32>
      %sub3A_249 = arith.subf %sub3A_248, %sub3A_246 : vector<16xf32>
      %and3A_250 = arith.constant 511 : i32
      %and3A_251 = vector.broadcast %and3A_250 : i32 to vector<16xi32>
      %and3A_252 = arith.andi %convert_element_type3A_238, %and3A_251 : vector<16xi32>
      %and3A_253 = arith.constant 511 : i32
      %and3A_254 = vector.broadcast %and3A_253 : i32 to vector<16xi32>
      %and3A_255 = arith.andi %min3A_244, %and3A_254 : vector<16xi32>
      %add3A_256 = vector.broadcast %mul3A_32 : i32 to vector<16xi32>
      %add3A_257 = arith.addi %add3A_256, %convert_element_type3A_238 : vector<16xi32>
      %mul3A_258 = arith.constant 32 : i32
      %mul3A_259 = vector.broadcast %mul3A_258 : i32 to vector<16xi32>
      %mul3A_260 = arith.muli %add3A_257, %mul3A_259 : vector<16xi32>
      %add3A_261 = vector.broadcast %select_n3A_30 : i32 to vector<16xi32>
      %add3A_262 = arith.addi %mul3A_260, %add3A_261 : vector<16xi32>
      %add3A_263 = vector.broadcast %mul3A_32 : i32 to vector<16xi32>
      %add3A_264 = arith.addi %add3A_263, %min3A_244 : vector<16xi32>
      %mul3A_265 = arith.constant 32 : i32
      %mul3A_266 = vector.broadcast %mul3A_265 : i32 to vector<16xi32>
      %mul3A_267 = arith.muli %add3A_264, %mul3A_266 : vector<16xi32>
      %add3A_268 = vector.broadcast %select_n3A_30 : i32 to vector<16xi32>
      %add3A_269 = arith.addi %mul3A_267, %add3A_268 : vector<16xi32>
      %swap3A = arith.constant 0 : index
      %swap3A_270 = tpu.vector_load %arg16[%swap3A] {strides = array<i32>} : memref<128xi32, #tpu.memory_space<vmem>>, vector<16xi32>,
      tpu.vector_store %arg16[%swap3A], %add3A_262 {strides = array<i32>} : memref<128xi32, #tpu.memory_space<vmem>>, vector<16xi32>,
      %swap3A_271 = arith.constant 64 : index
      %swap3A_272 = tpu.vector_load %arg16[%swap3A_271] {strides = array<i32>} : memref<128xi32, #tpu.memory_space<vmem>>, vector<16xi32>,
      tpu.vector_store %arg16[%swap3A_271], %add3A_269 {strides = array<i32>} : memref<128xi32, #tpu.memory_space<vmem>>, vector<16xi32>,
      %add3A_273 = arith.constant 16 : i32
      %add3A_274 = vector.broadcast %add3A_273 : i32 to vector<16xi32>
      %add3A_275 = arith.addi %add3A_262, %add3A_274 : vector<16xi32>
      %swap3A_276 = arith.constant 0 : index
      %swap3A_277 = tpu.vector_load %arg17[%swap3A_276] {strides = array<i32>} : memref<128xi32, #tpu.memory_space<vmem>>, vector<16xi32>,
      tpu.vector_store %arg17[%swap3A_276], %add3A_275 {strides = array<i32>} : memref<128xi32, #tpu.memory_space<vmem>>, vector<16xi32>,
      %add3A_278 = arith.constant 16 : i32
      %add3A_279 = vector.broadcast %add3A_278 : i32 to vector<16xi32>
      %add3A_280 = arith.addi %add3A_269, %add3A_279 : vector<16xi32>
      %swap3A_281 = arith.constant 64 : index
      %swap3A_282 = tpu.vector_load %arg17[%swap3A_281] {strides = array<i32>} : memref<128xi32, #tpu.memory_space<vmem>>, vector<16xi32>,
      tpu.vector_store %arg17[%swap3A_281], %add3A_280 {strides = array<i32>} : memref<128xi32, #tpu.memory_space<vmem>>, vector<16xi32>,
      %sub3A_283 = arith.constant 511 : i32
      %sub3A_284 = arith.subi %min3A_224, %sub3A_283 : i32
      %lt3A_285 = vector.broadcast %sub3A_284 : i32 to vector<16xi32>
      %lt3A_286 = arith.cmpi slt, %convert_element_type3A_238, %lt3A_285 : vector<16xi32>
      %convert_element_type3A_287 = arith.extui %lt3A_286 : vector<16xi1> to vector<16xi32>
      %or3A = arith.ori %broadcast_in_dim3A_228, %convert_element_type3A_287 : vector<16xi32>
      %gt3A = vector.broadcast %min3A_224 : i32 to vector<16xi32>
      %gt3A_288 = arith.cmpi sgt, %min3A_244, %gt3A : vector<16xi32>
      %convert_element_type3A_289 = arith.extui %gt3A_288 : vector<16xi1> to vector<16xi32>
      %or3A_290 = arith.ori %or3A, %convert_element_type3A_289 : vector<16xi32>
      %get3A_291 = arith.constant 1 : i32
      %get3A_292 = arith.index_cast %get3A_291 : i32 to index
      %get3A_293 = arith.index_cast %mul3A_190 : i32 to index
      %get3A_294 = tpu.vector_load %arg8[%get3A_292, %get3A_293] {strides = array<i32>} : memref<4x2048xf32, #tpu.memory_space<vmem>>, vector<16xf32>,
      %add3A_295 = arith.addf %convert_element_type3A_227, %get3A_294 : vector<16xf32>
      %jit3A_296 = arith.constant 0.000000e+00 : f32
      %jit3A_297 = arith.constant 2.047000e+03 : f32
      %max3A_298 = vector.broadcast %jit3A_296 : f32 to vector<16xf32>
      %max3A_299 = arith.maximumf %max3A_298, %add3A_295 : vector<16xf32>
      %min3A_300 = vector.broadcast %jit3A_297 : f32 to vector<16xf32>
      %min3A_301 = arith.minimumf %min3A_300, %max3A_299 : vector<16xf32>
      %convert_element_type3A_302 = arith.fptosi %min3A_301 : vector<16xf32> to vector<16xi32>
      %add3A_303 = arith.constant 1 : i32
      %add3A_304 = vector.broadcast %add3A_303 : i32 to vector<16xi32>
      %add3A_305 = arith.addi %convert_element_type3A_302, %add3A_304 : vector<16xi32>
      %min3A_306 = arith.constant 2047 : i32
      %min3A_307 = vector.broadcast %min3A_306 : i32 to vector<16xi32>
      %min3A_308 = arith.minsi %add3A_305, %min3A_307 : vector<16xi32>
      %convert_element_type3A_309 = arith.sitofp %convert_element_type3A_302 : vector<16xi32> to vector<16xf32>
      %sub3A_310 = arith.subf %min3A_301, %convert_element_type3A_309 : vector<16xf32>
      %sub3A_311 = arith.constant 1.000000e+00 : f32
      %sub3A_312 = vector.broadcast %sub3A_311 : f32 to vector<16xf32>
      %sub3A_313 = arith.subf %sub3A_312, %sub3A_310 : vector<16xf32>
      %and3A_314 = arith.constant 511 : i32
      %and3A_315 = vector.broadcast %and3A_314 : i32 to vector<16xi32>
      %and3A_316 = arith.andi %convert_element_type3A_302, %and3A_315 : vector<16xi32>
      %and3A_317 = arith.constant 511 : i32
      %and3A_318 = vector.broadcast %and3A_317 : i32 to vector<16xi32>
      %and3A_319 = arith.andi %min3A_308, %and3A_318 : vector<16xi32>
      %add3A_320 = vector.broadcast %mul3A_32 : i32 to vector<16xi32>
      %add3A_321 = arith.addi %add3A_320, %convert_element_type3A_302 : vector<16xi32>
      %mul3A_322 = arith.constant 32 : i32
      %mul3A_323 = vector.broadcast %mul3A_322 : i32 to vector<16xi32>
      %mul3A_324 = arith.muli %add3A_321, %mul3A_323 : vector<16xi32>
      %add3A_325 = vector.broadcast %select_n3A_30 : i32 to vector<16xi32>
      %add3A_326 = arith.addi %mul3A_324, %add3A_325 : vector<16xi32>
      %add3A_327 = vector.broadcast %mul3A_32 : i32 to vector<16xi32>
      %add3A_328 = arith.addi %add3A_327, %min3A_308 : vector<16xi32>
      %mul3A_329 = arith.constant 32 : i32
      %mul3A_330 = vector.broadcast %mul3A_329 : i32 to vector<16xi32>
      %mul3A_331 = arith.muli %add3A_328, %mul3A_330 : vector<16xi32>
      %add3A_332 = vector.broadcast %select_n3A_30 : i32 to vector<16xi32>
      %add3A_333 = arith.addi %mul3A_331, %add3A_332 : vector<16xi32>
      %swap3A_334 = arith.constant 16 : index
      %swap3A_335 = tpu.vector_load %arg16[%swap3A_334] {strides = array<i32>} : memref<128xi32, #tpu.memory_space<vmem>>, vector<16xi32>,
      tpu.vector_store %arg16[%swap3A_334], %add3A_326 {strides = array<i32>} : memref<128xi32, #tpu.memory_space<vmem>>, vector<16xi32>,
      %swap3A_336 = arith.constant 80 : index
      %swap3A_337 = tpu.vector_load %arg16[%swap3A_336] {strides = array<i32>} : memref<128xi32, #tpu.memory_space<vmem>>, vector<16xi32>,
      tpu.vector_store %arg16[%swap3A_336], %add3A_333 {strides = array<i32>} : memref<128xi32, #tpu.memory_space<vmem>>, vector<16xi32>,
      %add3A_338 = arith.constant 16 : i32
      %add3A_339 = vector.broadcast %add3A_338 : i32 to vector<16xi32>
      %add3A_340 = arith.addi %add3A_326, %add3A_339 : vector<16xi32>
      %swap3A_341 = arith.constant 16 : index
      %swap3A_342 = tpu.vector_load %arg17[%swap3A_341] {strides = array<i32>} : memref<128xi32, #tpu.memory_space<vmem>>, vector<16xi32>,
      tpu.vector_store %arg17[%swap3A_341], %add3A_340 {strides = array<i32>} : memref<128xi32, #tpu.memory_space<vmem>>, vector<16xi32>,
      %add3A_343 = arith.constant 16 : i32
      %add3A_344 = vector.broadcast %add3A_343 : i32 to vector<16xi32>
      %add3A_345 = arith.addi %add3A_333, %add3A_344 : vector<16xi32>
      %swap3A_346 = arith.constant 80 : index
      %swap3A_347 = tpu.vector_load %arg17[%swap3A_346] {strides = array<i32>} : memref<128xi32, #tpu.memory_space<vmem>>, vector<16xi32>,
      tpu.vector_store %arg17[%swap3A_346], %add3A_345 {strides = array<i32>} : memref<128xi32, #tpu.memory_space<vmem>>, vector<16xi32>,
      %sub3A_348 = arith.constant 511 : i32
      %sub3A_349 = arith.subi %min3A_224, %sub3A_348 : i32
      %lt3A_350 = vector.broadcast %sub3A_349 : i32 to vector<16xi32>
      %lt3A_351 = arith.cmpi slt, %convert_element_type3A_302, %lt3A_350 : vector<16xi32>
      %convert_element_type3A_352 = arith.extui %lt3A_351 : vector<16xi1> to vector<16xi32>
      %or3A_353 = arith.ori %or3A_290, %convert_element_type3A_352 : vector<16xi32>
      %gt3A_354 = vector.broadcast %min3A_224 : i32 to vector<16xi32>
      %gt3A_355 = arith.cmpi sgt, %min3A_308, %gt3A_354 : vector<16xi32>
      %convert_element_type3A_356 = arith.extui %gt3A_355 : vector<16xi1> to vector<16xi32>
      %or3A_357 = arith.ori %or3A_353, %convert_element_type3A_356 : vector<16xi32>
      %get3A_358 = arith.constant 2 : i32
      %get3A_359 = arith.index_cast %get3A_358 : i32 to index
      %get3A_360 = arith.index_cast %mul3A_190 : i32 to index
      %get3A_361 = tpu.vector_load %arg8[%get3A_359, %get3A_360] {strides = array<i32>} : memref<4x2048xf32, #tpu.memory_space<vmem>>, vector<16xf32>,
      %add3A_362 = arith.addf %convert_element_type3A_227, %get3A_361 : vector<16xf32>
      %jit3A_363 = arith.constant 0.000000e+00 : f32
      %jit3A_364 = arith.constant 2.047000e+03 : f32
      %max3A_365 = vector.broadcast %jit3A_363 : f32 to vector<16xf32>
      %max3A_366 = arith.maximumf %max3A_365, %add3A_362 : vector<16xf32>
      %min3A_367 = vector.broadcast %jit3A_364 : f32 to vector<16xf32>
      %min3A_368 = arith.minimumf %min3A_367, %max3A_366 : vector<16xf32>
      %convert_element_type3A_369 = arith.fptosi %min3A_368 : vector<16xf32> to vector<16xi32>
      %add3A_370 = arith.constant 1 : i32
      %add3A_371 = vector.broadcast %add3A_370 : i32 to vector<16xi32>
      %add3A_372 = arith.addi %convert_element_type3A_369, %add3A_371 : vector<16xi32>
      %min3A_373 = arith.constant 2047 : i32
      %min3A_374 = vector.broadcast %min3A_373 : i32 to vector<16xi32>
      %min3A_375 = arith.minsi %add3A_372, %min3A_374 : vector<16xi32>
      %convert_element_type3A_376 = arith.sitofp %convert_element_type3A_369 : vector<16xi32> to vector<16xf32>
      %sub3A_377 = arith.subf %min3A_368, %convert_element_type3A_376 : vector<16xf32>
      %sub3A_378 = arith.constant 1.000000e+00 : f32
      %sub3A_379 = vector.broadcast %sub3A_378 : f32 to vector<16xf32>
      %sub3A_380 = arith.subf %sub3A_379, %sub3A_377 : vector<16xf32>
      %and3A_381 = arith.constant 511 : i32
      %and3A_382 = vector.broadcast %and3A_381 : i32 to vector<16xi32>
      %and3A_383 = arith.andi %convert_element_type3A_369, %and3A_382 : vector<16xi32>
      %and3A_384 = arith.constant 511 : i32
      %and3A_385 = vector.broadcast %and3A_384 : i32 to vector<16xi32>
      %and3A_386 = arith.andi %min3A_375, %and3A_385 : vector<16xi32>
      %add3A_387 = vector.broadcast %mul3A_32 : i32 to vector<16xi32>
      %add3A_388 = arith.addi %add3A_387, %convert_element_type3A_369 : vector<16xi32>
      %mul3A_389 = arith.constant 32 : i32
      %mul3A_390 = vector.broadcast %mul3A_389 : i32 to vector<16xi32>
      %mul3A_391 = arith.muli %add3A_388, %mul3A_390 : vector<16xi32>
      %add3A_392 = vector.broadcast %select_n3A_30 : i32 to vector<16xi32>
      %add3A_393 = arith.addi %mul3A_391, %add3A_392 : vector<16xi32>
      %add3A_394 = vector.broadcast %mul3A_32 : i32 to vector<16xi32>
      %add3A_395 = arith.addi %add3A_394, %min3A_375 : vector<16xi32>
      %mul3A_396 = arith.constant 32 : i32
      %mul3A_397 = vector.broadcast %mul3A_396 : i32 to vector<16xi32>
      %mul3A_398 = arith.muli %add3A_395, %mul3A_397 : vector<16xi32>
      %add3A_399 = vector.broadcast %select_n3A_30 : i32 to vector<16xi32>
      %add3A_400 = arith.addi %mul3A_398, %add3A_399 : vector<16xi32>
      %swap3A_401 = arith.constant 32 : index
      %swap3A_402 = tpu.vector_load %arg16[%swap3A_401] {strides = array<i32>} : memref<128xi32, #tpu.memory_space<vmem>>, vector<16xi32>,
      tpu.vector_store %arg16[%swap3A_401], %add3A_393 {strides = array<i32>} : memref<128xi32, #tpu.memory_space<vmem>>, vector<16xi32>,
      %swap3A_403 = arith.constant 96 : index
      %swap3A_404 = tpu.vector_load %arg16[%swap3A_403] {strides = array<i32>} : memref<128xi32, #tpu.memory_space<vmem>>, vector<16xi32>,
      tpu.vector_store %arg16[%swap3A_403], %add3A_400 {strides = array<i32>} : memref<128xi32, #tpu.memory_space<vmem>>, vector<16xi32>,
      %add3A_405 = arith.constant 16 : i32
      %add3A_406 = vector.broadcast %add3A_405 : i32 to vector<16xi32>
      %add3A_407 = arith.addi %add3A_393, %add3A_406 : vector<16xi32>
      %swap3A_408 = arith.constant 32 : index
      %swap3A_409 = tpu.vector_load %arg17[%swap3A_408] {strides = array<i32>} : memref<128xi32, #tpu.memory_space<vmem>>, vector<16xi32>,
      tpu.vector_store %arg17[%swap3A_408], %add3A_407 {strides = array<i32>} : memref<128xi32, #tpu.memory_space<vmem>>, vector<16xi32>,
      %add3A_410 = arith.constant 16 : i32
      %add3A_411 = vector.broadcast %add3A_410 : i32 to vector<16xi32>
      %add3A_412 = arith.addi %add3A_400, %add3A_411 : vector<16xi32>
      %swap3A_413 = arith.constant 96 : index
      %swap3A_414 = tpu.vector_load %arg17[%swap3A_413] {strides = array<i32>} : memref<128xi32, #tpu.memory_space<vmem>>, vector<16xi32>,
      tpu.vector_store %arg17[%swap3A_413], %add3A_412 {strides = array<i32>} : memref<128xi32, #tpu.memory_space<vmem>>, vector<16xi32>,
      %sub3A_415 = arith.constant 511 : i32
      %sub3A_416 = arith.subi %min3A_224, %sub3A_415 : i32
      %lt3A_417 = vector.broadcast %sub3A_416 : i32 to vector<16xi32>
      %lt3A_418 = arith.cmpi slt, %convert_element_type3A_369, %lt3A_417 : vector<16xi32>
      %convert_element_type3A_419 = arith.extui %lt3A_418 : vector<16xi1> to vector<16xi32>
      %or3A_420 = arith.ori %or3A_357, %convert_element_type3A_419 : vector<16xi32>
      %gt3A_421 = vector.broadcast %min3A_224 : i32 to vector<16xi32>
      %gt3A_422 = arith.cmpi sgt, %min3A_375, %gt3A_421 : vector<16xi32>
      %convert_element_type3A_423 = arith.extui %gt3A_422 : vector<16xi1> to vector<16xi32>
      %or3A_424 = arith.ori %or3A_420, %convert_element_type3A_423 : vector<16xi32>
      %get3A_425 = arith.constant 3 : i32
      %get3A_426 = arith.index_cast %get3A_425 : i32 to index
      %get3A_427 = arith.index_cast %mul3A_190 : i32 to index
      %get3A_428 = tpu.vector_load %arg8[%get3A_426, %get3A_427] {strides = array<i32>} : memref<4x2048xf32, #tpu.memory_space<vmem>>, vector<16xf32>,
      %add3A_429 = arith.addf %convert_element_type3A_227, %get3A_428 : vector<16xf32>
      %jit3A_430 = arith.constant 0.000000e+00 : f32
      %jit3A_431 = arith.constant 2.047000e+03 : f32
      %max3A_432 = vector.broadcast %jit3A_430 : f32 to vector<16xf32>
      %max3A_433 = arith.maximumf %max3A_432, %add3A_429 : vector<16xf32>
      %min3A_434 = vector.broadcast %jit3A_431 : f32 to vector<16xf32>
      %min3A_435 = arith.minimumf %min3A_434, %max3A_433 : vector<16xf32>
      %convert_element_type3A_436 = arith.fptosi %min3A_435 : vector<16xf32> to vector<16xi32>
      %add3A_437 = arith.constant 1 : i32
      %add3A_438 = vector.broadcast %add3A_437 : i32 to vector<16xi32>
      %add3A_439 = arith.addi %convert_element_type3A_436, %add3A_438 : vector<16xi32>
      %min3A_440 = arith.constant 2047 : i32
      %min3A_441 = vector.broadcast %min3A_440 : i32 to vector<16xi32>
      %min3A_442 = arith.minsi %add3A_439, %min3A_441 : vector<16xi32>
      %convert_element_type3A_443 = arith.sitofp %convert_element_type3A_436 : vector<16xi32> to vector<16xf32>
      %sub3A_444 = arith.subf %min3A_435, %convert_element_type3A_443 : vector<16xf32>
      %sub3A_445 = arith.constant 1.000000e+00 : f32
      %sub3A_446 = vector.broadcast %sub3A_445 : f32 to vector<16xf32>
      %sub3A_447 = arith.subf %sub3A_446, %sub3A_444 : vector<16xf32>
      %and3A_448 = arith.constant 511 : i32
      %and3A_449 = vector.broadcast %and3A_448 : i32 to vector<16xi32>
      %and3A_450 = arith.andi %convert_element_type3A_436, %and3A_449 : vector<16xi32>
      %and3A_451 = arith.constant 511 : i32
      %and3A_452 = vector.broadcast %and3A_451 : i32 to vector<16xi32>
      %and3A_453 = arith.andi %min3A_442, %and3A_452 : vector<16xi32>
      %add3A_454 = vector.broadcast %mul3A_32 : i32 to vector<16xi32>
      %add3A_455 = arith.addi %add3A_454, %convert_element_type3A_436 : vector<16xi32>
      %mul3A_456 = arith.constant 32 : i32
      %mul3A_457 = vector.broadcast %mul3A_456 : i32 to vector<16xi32>
      %mul3A_458 = arith.muli %add3A_455, %mul3A_457 : vector<16xi32>
      %add3A_459 = vector.broadcast %select_n3A_30 : i32 to vector<16xi32>
      %add3A_460 = arith.addi %mul3A_458, %add3A_459 : vector<16xi32>
      %add3A_461 = vector.broadcast %mul3A_32 : i32 to vector<16xi32>
      %add3A_462 = arith.addi %add3A_461, %min3A_442 : vector<16xi32>
      %mul3A_463 = arith.constant 32 : i32
      %mul3A_464 = vector.broadcast %mul3A_463 : i32 to vector<16xi32>
      %mul3A_465 = arith.muli %add3A_462, %mul3A_464 : vector<16xi32>
      %add3A_466 = vector.broadcast %select_n3A_30 : i32 to vector<16xi32>
      %add3A_467 = arith.addi %mul3A_465, %add3A_466 : vector<16xi32>
      %swap3A_468 = arith.constant 48 : index
      %swap3A_469 = tpu.vector_load %arg16[%swap3A_468] {strides = array<i32>} : memref<128xi32, #tpu.memory_space<vmem>>, vector<16xi32>,
      tpu.vector_store %arg16[%swap3A_468], %add3A_460 {strides = array<i32>} : memref<128xi32, #tpu.memory_space<vmem>>, vector<16xi32>,
      %swap3A_470 = arith.constant 112 : index
      %swap3A_471 = tpu.vector_load %arg16[%swap3A_470] {strides = array<i32>} : memref<128xi32, #tpu.memory_space<vmem>>, vector<16xi32>,
      tpu.vector_store %arg16[%swap3A_470], %add3A_467 {strides = array<i32>} : memref<128xi32, #tpu.memory_space<vmem>>, vector<16xi32>,
      %add3A_472 = arith.constant 16 : i32
      %add3A_473 = vector.broadcast %add3A_472 : i32 to vector<16xi32>
      %add3A_474 = arith.addi %add3A_460, %add3A_473 : vector<16xi32>
      %swap3A_475 = arith.constant 48 : index
      %swap3A_476 = tpu.vector_load %arg17[%swap3A_475] {strides = array<i32>} : memref<128xi32, #tpu.memory_space<vmem>>, vector<16xi32>,
      tpu.vector_store %arg17[%swap3A_475], %add3A_474 {strides = array<i32>} : memref<128xi32, #tpu.memory_space<vmem>>, vector<16xi32>,
      %add3A_477 = arith.constant 16 : i32
      %add3A_478 = vector.broadcast %add3A_477 : i32 to vector<16xi32>
      %add3A_479 = arith.addi %add3A_467, %add3A_478 : vector<16xi32>
      %swap3A_480 = arith.constant 112 : index
      %swap3A_481 = tpu.vector_load %arg17[%swap3A_480] {strides = array<i32>} : memref<128xi32, #tpu.memory_space<vmem>>, vector<16xi32>,
      tpu.vector_store %arg17[%swap3A_480], %add3A_479 {strides = array<i32>} : memref<128xi32, #tpu.memory_space<vmem>>, vector<16xi32>,
      %sub3A_482 = arith.constant 511 : i32
      %sub3A_483 = arith.subi %min3A_224, %sub3A_482 : i32
      %lt3A_484 = vector.broadcast %sub3A_483 : i32 to vector<16xi32>
      %lt3A_485 = arith.cmpi slt, %convert_element_type3A_436, %lt3A_484 : vector<16xi32>
      %convert_element_type3A_486 = arith.extui %lt3A_485 : vector<16xi1> to vector<16xi32>
      %or3A_487 = arith.ori %or3A_424, %convert_element_type3A_486 : vector<16xi32>
      %gt3A_488 = vector.broadcast %min3A_224 : i32 to vector<16xi32>
      %gt3A_489 = arith.cmpi sgt, %min3A_442, %gt3A_488 : vector<16xi32>
      %convert_element_type3A_490 = arith.extui %gt3A_489 : vector<16xi1> to vector<16xi32>
      %or3A_491 = arith.ori %or3A_487, %convert_element_type3A_490 : vector<16xi32>
      %broadcast_in_dim3A_492 = arith.constant 0.000000e+00 : f32
      %broadcast_in_dim3A_493 = vector.broadcast %broadcast_in_dim3A_492 : f32 to vector<16xf32>
      %parallel_loop3A = arith.constant 0 : i32
      %parallel_loop3A_494 = arith.constant 64 : i32
      %parallel_loop3A_495 = arith.constant 1 : i32
      %parallel_loop3A_496:8 = scf.for %parallel_loop3A_1038 = %parallel_loop3A to %parallel_loop3A_494 step %parallel_loop3A_495 iter_args(%parallel_loop3A_1039 = %broadcast_in_dim3A_493, %parallel_loop3A_1040 = %broadcast_in_dim3A_493, %parallel_loop3A_1041 = %broadcast_in_dim3A_493, %parallel_loop3A_1042 = %broadcast_in_dim3A_493, %parallel_loop3A_1043 = %broadcast_in_dim3A_493, %parallel_loop3A_1044 = %broadcast_in_dim3A_493, %parallel_loop3A_1045 = %broadcast_in_dim3A_493, %parallel_loop3A_1046 = %broadcast_in_dim3A_493) -> (vector<16xf32>, vector<16xf32>, vector<16xf32>, vector<16xf32>, vector<16xf32>, vector<16xf32>, vector<16xf32>, vector<16xf32>)  : i32 {
        %parallel_loop3A_1047 = arith.constant 0 : i32
        %parallel_loop3A_1048 = vector.broadcast %parallel_loop3A_1047 : i32 to vector<16xi32>
        %parallel_loop3A_1049 = vector.broadcast %parallel_loop3A_1038 : i32 to vector<16xi32>
        %parallel_loop3A_1050 = arith.addi %parallel_loop3A_1048, %parallel_loop3A_1049 : vector<16xi32>
        %parallel_loop3A_1051 = tpu.vector_load_idx %arg12[%iota3A, %parallel_loop3A_1050] : memref<16x65xf32, #tpu.memory_space<vmem>>[vector<16xi32>, vector<16xi32>], vector<16xf32>,
        %parallel_loop3A_1052 = tpu.vector_load_idx %arg10[%and3A_252, %parallel_loop3A_1050] : memref<512x65xf32, #tpu.memory_space<vmem>>[vector<16xi32>, vector<16xi32>], vector<16xf32>,
        %parallel_loop3A_1053 = tpu.vector_load_idx %arg10[%and3A_255, %parallel_loop3A_1050] : memref<512x65xf32, #tpu.memory_space<vmem>>[vector<16xi32>, vector<16xi32>], vector<16xf32>,
        %parallel_loop3A_1054 = arith.mulf %parallel_loop3A_1051, %parallel_loop3A_1052 : vector<16xf32>
        %parallel_loop3A_1055 = arith.addf %parallel_loop3A_1039, %parallel_loop3A_1054 : vector<16xf32>
        %parallel_loop3A_1056 = arith.mulf %parallel_loop3A_1051, %parallel_loop3A_1053 : vector<16xf32>
        %parallel_loop3A_1057 = arith.addf %parallel_loop3A_1040, %parallel_loop3A_1056 : vector<16xf32>
        %parallel_loop3A_1058 = tpu.vector_load_idx %arg10[%and3A_316, %parallel_loop3A_1050] : memref<512x65xf32, #tpu.memory_space<vmem>>[vector<16xi32>, vector<16xi32>], vector<16xf32>,
        %parallel_loop3A_1059 = tpu.vector_load_idx %arg10[%and3A_319, %parallel_loop3A_1050] : memref<512x65xf32, #tpu.memory_space<vmem>>[vector<16xi32>, vector<16xi32>], vector<16xf32>,
        %parallel_loop3A_1060 = arith.mulf %parallel_loop3A_1051, %parallel_loop3A_1058 : vector<16xf32>
        %parallel_loop3A_1061 = arith.addf %parallel_loop3A_1041, %parallel_loop3A_1060 : vector<16xf32>
        %parallel_loop3A_1062 = arith.mulf %parallel_loop3A_1051, %parallel_loop3A_1059 : vector<16xf32>
        %parallel_loop3A_1063 = arith.addf %parallel_loop3A_1042, %parallel_loop3A_1062 : vector<16xf32>
        %parallel_loop3A_1064 = tpu.vector_load_idx %arg10[%and3A_383, %parallel_loop3A_1050] : memref<512x65xf32, #tpu.memory_space<vmem>>[vector<16xi32>, vector<16xi32>], vector<16xf32>,
        %parallel_loop3A_1065 = tpu.vector_load_idx %arg10[%and3A_386, %parallel_loop3A_1050] : memref<512x65xf32, #tpu.memory_space<vmem>>[vector<16xi32>, vector<16xi32>], vector<16xf32>,
        %parallel_loop3A_1066 = arith.mulf %parallel_loop3A_1051, %parallel_loop3A_1064 : vector<16xf32>
        %parallel_loop3A_1067 = arith.addf %parallel_loop3A_1043, %parallel_loop3A_1066 : vector<16xf32>
        %parallel_loop3A_1068 = arith.mulf %parallel_loop3A_1051, %parallel_loop3A_1065 : vector<16xf32>
        %parallel_loop3A_1069 = arith.addf %parallel_loop3A_1044, %parallel_loop3A_1068 : vector<16xf32>
        %parallel_loop3A_1070 = tpu.vector_load_idx %arg10[%and3A_450, %parallel_loop3A_1050] : memref<512x65xf32, #tpu.memory_space<vmem>>[vector<16xi32>, vector<16xi32>], vector<16xf32>,
        %parallel_loop3A_1071 = tpu.vector_load_idx %arg10[%and3A_453, %parallel_loop3A_1050] : memref<512x65xf32, #tpu.memory_space<vmem>>[vector<16xi32>, vector<16xi32>], vector<16xf32>,
        %parallel_loop3A_1072 = arith.mulf %parallel_loop3A_1051, %parallel_loop3A_1070 : vector<16xf32>
        %parallel_loop3A_1073 = arith.addf %parallel_loop3A_1045, %parallel_loop3A_1072 : vector<16xf32>
        %parallel_loop3A_1074 = arith.mulf %parallel_loop3A_1051, %parallel_loop3A_1071 : vector<16xf32>
        %parallel_loop3A_1075 = arith.addf %parallel_loop3A_1046, %parallel_loop3A_1074 : vector<16xf32>
        scf.yield %parallel_loop3A_1055, %parallel_loop3A_1057, %parallel_loop3A_1061, %parallel_loop3A_1063, %parallel_loop3A_1067, %parallel_loop3A_1069, %parallel_loop3A_1073, %parallel_loop3A_1075 : vector<16xf32>, vector<16xf32>, vector<16xf32>, vector<16xf32>, vector<16xf32>, vector<16xf32>, vector<16xf32>, vector<16xf32>
      } {sc.loop_unroll_factor = 2 : i64, sc.parallel_access}
      %mul3A_497 = arith.mulf %sub3A_249, %parallel_loop3A_496#0 : vector<16xf32>
      %mul3A_498 = arith.mulf %sub3A_246, %parallel_loop3A_496#1 : vector<16xf32>
      %add3A_499 = arith.addf %mul3A_497, %mul3A_498 : vector<16xf32>
      %mul3A_500 = arith.constant 1.250000e-01 : f32
      %mul3A_501 = vector.broadcast %mul3A_500 : f32 to vector<16xf32>
      %mul3A_502 = arith.mulf %add3A_499, %mul3A_501 : vector<16xf32>
      %get3A_503 = arith.constant 0 : i32
      %get3A_504 = arith.index_cast %get3A_503 : i32 to index
      %get3A_505 = arith.index_cast %mul3A_190 : i32 to index
      %get3A_506 = tpu.vector_load %arg9[%get3A_504, %get3A_505] {strides = array<i32>} : memref<4x2048xf32, #tpu.memory_space<vmem>>, vector<16xf32>,
      %add3A_507 = arith.addf %mul3A_502, %get3A_506 : vector<16xf32>
      %mul3A_508 = arith.mulf %sub3A_313, %parallel_loop3A_496#2 : vector<16xf32>
      %mul3A_509 = arith.mulf %sub3A_310, %parallel_loop3A_496#3 : vector<16xf32>
      %add3A_510 = arith.addf %mul3A_508, %mul3A_509 : vector<16xf32>
      %mul3A_511 = arith.constant 1.250000e-01 : f32
      %mul3A_512 = vector.broadcast %mul3A_511 : f32 to vector<16xf32>
      %mul3A_513 = arith.mulf %add3A_510, %mul3A_512 : vector<16xf32>
      %get3A_514 = arith.constant 1 : i32
      %get3A_515 = arith.index_cast %get3A_514 : i32 to index
      %get3A_516 = arith.index_cast %mul3A_190 : i32 to index
      %get3A_517 = tpu.vector_load %arg9[%get3A_515, %get3A_516] {strides = array<i32>} : memref<4x2048xf32, #tpu.memory_space<vmem>>, vector<16xf32>,
      %add3A_518 = arith.addf %mul3A_513, %get3A_517 : vector<16xf32>
      %mul3A_519 = arith.mulf %sub3A_380, %parallel_loop3A_496#4 : vector<16xf32>
      %mul3A_520 = arith.mulf %sub3A_377, %parallel_loop3A_496#5 : vector<16xf32>
      %add3A_521 = arith.addf %mul3A_519, %mul3A_520 : vector<16xf32>
      %mul3A_522 = arith.constant 1.250000e-01 : f32
      %mul3A_523 = vector.broadcast %mul3A_522 : f32 to vector<16xf32>
      %mul3A_524 = arith.mulf %add3A_521, %mul3A_523 : vector<16xf32>
      %get3A_525 = arith.constant 2 : i32
      %get3A_526 = arith.index_cast %get3A_525 : i32 to index
      %get3A_527 = arith.index_cast %mul3A_190 : i32 to index
      %get3A_528 = tpu.vector_load %arg9[%get3A_526, %get3A_527] {strides = array<i32>} : memref<4x2048xf32, #tpu.memory_space<vmem>>, vector<16xf32>,
      %add3A_529 = arith.addf %mul3A_524, %get3A_528 : vector<16xf32>
      %mul3A_530 = arith.mulf %sub3A_447, %parallel_loop3A_496#6 : vector<16xf32>
      %mul3A_531 = arith.mulf %sub3A_444, %parallel_loop3A_496#7 : vector<16xf32>
      %add3A_532 = arith.addf %mul3A_530, %mul3A_531 : vector<16xf32>
      %mul3A_533 = arith.constant 1.250000e-01 : f32
      %mul3A_534 = vector.broadcast %mul3A_533 : f32 to vector<16xf32>
      %mul3A_535 = arith.mulf %add3A_532, %mul3A_534 : vector<16xf32>
      %get3A_536 = arith.constant 3 : i32
      %get3A_537 = arith.index_cast %get3A_536 : i32 to index
      %get3A_538 = arith.index_cast %mul3A_190 : i32 to index
      %get3A_539 = tpu.vector_load %arg9[%get3A_537, %get3A_538] {strides = array<i32>} : memref<4x2048xf32, #tpu.memory_space<vmem>>, vector<16xf32>,
      %add3A_540 = arith.addf %mul3A_535, %get3A_539 : vector<16xf32>
      %max3A_541 = arith.maximumf %add3A_507, %add3A_518 : vector<16xf32>
      %max3A_542 = arith.maximumf %add3A_529, %add3A_540 : vector<16xf32>
      %max3A_543 = arith.maximumf %max3A_541, %max3A_542 : vector<16xf32>
      %sub3A_544 = arith.subf %add3A_507, %max3A_543 : vector<16xf32>
      %exp3A = math.exp %sub3A_544 : vector<16xf32>
      %sub3A_545 = arith.subf %add3A_518, %max3A_543 : vector<16xf32>
      %exp3A_546 = math.exp %sub3A_545 : vector<16xf32>
      %sub3A_547 = arith.subf %add3A_529, %max3A_543 : vector<16xf32>
      %exp3A_548 = math.exp %sub3A_547 : vector<16xf32>
      %sub3A_549 = arith.subf %add3A_540, %max3A_543 : vector<16xf32>
      %exp3A_550 = math.exp %sub3A_549 : vector<16xf32>
      %add3A_551 = arith.addf %exp3A, %exp3A_546 : vector<16xf32>
      %add3A_552 = arith.addf %add3A_551, %exp3A_548 : vector<16xf32>
      %add3A_553 = arith.addf %add3A_552, %exp3A_550 : vector<16xf32>
      %div3A_554 = arith.constant 1.000000e+00 : f32
      %div3A_555 = vector.broadcast %div3A_554 : f32 to vector<16xf32>
      %div3A_556 = arith.divf %div3A_555, %add3A_553 : vector<16xf32>
      %mul3A_557 = arith.mulf %exp3A, %div3A_556 : vector<16xf32>
      %mul3A_558 = arith.mulf %mul3A_557, %sub3A_249 : vector<16xf32>
      %mul3A_559 = arith.mulf %exp3A_546, %div3A_556 : vector<16xf32>
      %mul3A_560 = arith.mulf %mul3A_559, %sub3A_313 : vector<16xf32>
      %mul3A_561 = arith.mulf %exp3A_548, %div3A_556 : vector<16xf32>
      %mul3A_562 = arith.mulf %mul3A_561, %sub3A_380 : vector<16xf32>
      %mul3A_563 = arith.mulf %exp3A_550, %div3A_556 : vector<16xf32>
      %mul3A_564 = arith.mulf %mul3A_563, %sub3A_447 : vector<16xf32>
      %mul3A_565 = arith.mulf %exp3A, %div3A_556 : vector<16xf32>
      %mul3A_566 = arith.mulf %mul3A_565, %sub3A_246 : vector<16xf32>
      %mul3A_567 = arith.mulf %exp3A_546, %div3A_556 : vector<16xf32>
      %mul3A_568 = arith.mulf %mul3A_567, %sub3A_310 : vector<16xf32>
      %mul3A_569 = arith.mulf %exp3A_548, %div3A_556 : vector<16xf32>
      %mul3A_570 = arith.mulf %mul3A_569, %sub3A_377 : vector<16xf32>
      %mul3A_571 = arith.mulf %exp3A_550, %div3A_556 : vector<16xf32>
      %mul3A_572 = arith.mulf %mul3A_571, %sub3A_444 : vector<16xf32>
      %parallel_loop3A_573 = arith.constant 0 : i32
      %parallel_loop3A_574 = arith.constant 64 : i32
      %parallel_loop3A_575 = arith.constant 1 : i32
      scf.for %parallel_loop3A_1038 = %parallel_loop3A_573 to %parallel_loop3A_574 step %parallel_loop3A_575  : i32 {
        %parallel_loop3A_1039 = arith.constant 0 : i32
        %parallel_loop3A_1040 = vector.broadcast %parallel_loop3A_1039 : i32 to vector<16xi32>
        %parallel_loop3A_1041 = vector.broadcast %parallel_loop3A_1038 : i32 to vector<16xi32>
        %parallel_loop3A_1042 = arith.addi %parallel_loop3A_1040, %parallel_loop3A_1041 : vector<16xi32>
        %parallel_loop3A_1043 = arith.constant 0.000000e+00 : f32
        %parallel_loop3A_1044 = vector.broadcast %parallel_loop3A_1043 : f32 to vector<16xf32>
        %parallel_loop3A_1045 = tpu.vector_load_idx %arg11[%and3A_252, %parallel_loop3A_1042] : memref<512x65xf32, #tpu.memory_space<vmem>>[vector<16xi32>, vector<16xi32>], vector<16xf32>,
        %parallel_loop3A_1046 = tpu.vector_load_idx %arg11[%and3A_255, %parallel_loop3A_1042] : memref<512x65xf32, #tpu.memory_space<vmem>>[vector<16xi32>, vector<16xi32>], vector<16xf32>,
        %parallel_loop3A_1047 = arith.mulf %mul3A_558, %parallel_loop3A_1045 : vector<16xf32>
        %parallel_loop3A_1048 = arith.addf %parallel_loop3A_1044, %parallel_loop3A_1047 : vector<16xf32>
        %parallel_loop3A_1049 = arith.mulf %mul3A_566, %parallel_loop3A_1046 : vector<16xf32>
        %parallel_loop3A_1050 = arith.addf %parallel_loop3A_1048, %parallel_loop3A_1049 : vector<16xf32>
        %parallel_loop3A_1051 = tpu.vector_load_idx %arg11[%and3A_316, %parallel_loop3A_1042] : memref<512x65xf32, #tpu.memory_space<vmem>>[vector<16xi32>, vector<16xi32>], vector<16xf32>,
        %parallel_loop3A_1052 = tpu.vector_load_idx %arg11[%and3A_319, %parallel_loop3A_1042] : memref<512x65xf32, #tpu.memory_space<vmem>>[vector<16xi32>, vector<16xi32>], vector<16xf32>,
        %parallel_loop3A_1053 = arith.mulf %mul3A_560, %parallel_loop3A_1051 : vector<16xf32>
        %parallel_loop3A_1054 = arith.addf %parallel_loop3A_1050, %parallel_loop3A_1053 : vector<16xf32>
        %parallel_loop3A_1055 = arith.mulf %mul3A_568, %parallel_loop3A_1052 : vector<16xf32>
        %parallel_loop3A_1056 = arith.addf %parallel_loop3A_1054, %parallel_loop3A_1055 : vector<16xf32>
        %parallel_loop3A_1057 = tpu.vector_load_idx %arg11[%and3A_383, %parallel_loop3A_1042] : memref<512x65xf32, #tpu.memory_space<vmem>>[vector<16xi32>, vector<16xi32>], vector<16xf32>,
        %parallel_loop3A_1058 = tpu.vector_load_idx %arg11[%and3A_386, %parallel_loop3A_1042] : memref<512x65xf32, #tpu.memory_space<vmem>>[vector<16xi32>, vector<16xi32>], vector<16xf32>,
        %parallel_loop3A_1059 = arith.mulf %mul3A_562, %parallel_loop3A_1057 : vector<16xf32>
        %parallel_loop3A_1060 = arith.addf %parallel_loop3A_1056, %parallel_loop3A_1059 : vector<16xf32>
        %parallel_loop3A_1061 = arith.mulf %mul3A_570, %parallel_loop3A_1058 : vector<16xf32>
        %parallel_loop3A_1062 = arith.addf %parallel_loop3A_1060, %parallel_loop3A_1061 : vector<16xf32>
        %parallel_loop3A_1063 = tpu.vector_load_idx %arg11[%and3A_450, %parallel_loop3A_1042] : memref<512x65xf32, #tpu.memory_space<vmem>>[vector<16xi32>, vector<16xi32>], vector<16xf32>,
        %parallel_loop3A_1064 = tpu.vector_load_idx %arg11[%and3A_453, %parallel_loop3A_1042] : memref<512x65xf32, #tpu.memory_space<vmem>>[vector<16xi32>, vector<16xi32>], vector<16xf32>,
        %parallel_loop3A_1065 = arith.mulf %mul3A_564, %parallel_loop3A_1063 : vector<16xf32>
        %parallel_loop3A_1066 = arith.addf %parallel_loop3A_1062, %parallel_loop3A_1065 : vector<16xf32>
        %parallel_loop3A_1067 = arith.mulf %mul3A_572, %parallel_loop3A_1064 : vector<16xf32>
        %parallel_loop3A_1068 = arith.addf %parallel_loop3A_1066, %parallel_loop3A_1067 : vector<16xf32>
        tpu.vector_store_idx %arg14[%iota3A, %parallel_loop3A_1042], %parallel_loop3A_1068 : memref<16x65xf32, #tpu.memory_space<vmem>>[vector<16xi32>, vector<16xi32>], vector<16xf32>,
      } {sc.loop_unroll_factor = 2 : i64, sc.parallel_access}
      %gt3A_576 = arith.constant 0 : i32
      %gt3A_577 = vector.broadcast %gt3A_576 : i32 to vector<16xi32>
      %gt3A_578 = arith.cmpi sgt, %or3A_491, %gt3A_577 : vector<16xi32>
      %reduce_or3A = arith.constant 1.000000e+00 : f32
      %reduce_or3A_579 = arith.constant 0.000000e+00 : f32
      %reduce_or3A_580 = vector.broadcast %reduce_or3A : f32 to vector<16xf32>
      %reduce_or3A_581 = vector.broadcast %reduce_or3A_579 : f32 to vector<16xf32>
      %reduce_or3A_582 = arith.select %gt3A_578, %reduce_or3A_580, %reduce_or3A_581 : vector<16xi1>, vector<16xf32>
      %reduce_or3A_583 = arith.constant true
      %reduce_or3A_584 = vector.broadcast %reduce_or3A_583 : i1 to vector<16xi1>
      %reduce_or3A_585 = tpu.scan <max>, %reduce_or3A_582 masked %reduce_or3A_584 : vector<16xf32>, vector<16xi1> -> vector<16xf32>
      %reduce_or3A_586 = vector.extract %reduce_or3A_585[15] : f32 from vector<16xf32>
      %reduce_or3A_587 = arith.constant 0.000000e+00 : f32
      %reduce_or3A_588 = arith.cmpf ogt, %reduce_or3A_586, %reduce_or3A_587 : f32
      %convert_element_type3A_589 = arith.extui %reduce_or3A_588 : i1 to i32
      %cond3A_590 = arith.constant 0 : i32
      %cond3A_591 = arith.cmpi ne, %convert_element_type3A_589, %cond3A_590 : i32
      scf.if %cond3A_591 {
        %dma_start3A_1038 = arith.constant 0 : i32
        %dma_start3A_1039 = arith.constant 0 : i32
        %dma_start3A_1040 = tpu.memref_slice %arg4[%dma_start3A_1038, %dma_start3A_1039] : memref<131072x64xf32, #tpu.memory_space<hbm>> -> memref<131072x64xf32, #tpu.memory_space<hbm>>
        tpu.enqueue_indirect_dma source(%dma_start3A_1040 : memref<131072x64xf32, #tpu.memory_space<hbm>>) target(%arg18 : memref<128x64xf32, #tpu.memory_space<vmem>>) offsets(%arg16 : memref<128xi32, #tpu.memory_space<vmem>>) semaphore(%arg26 : memref<!tpu.dma_semaphore, #tpu.memory_space<semaphore_mem>>)
        %dma_start3A_1041 = arith.constant 0 : i32
        %dma_start3A_1042 = arith.constant 0 : i32
        %dma_start3A_1043 = tpu.memref_slice %arg4[%dma_start3A_1041, %dma_start3A_1042] : memref<131072x64xf32, #tpu.memory_space<hbm>> -> memref<131072x64xf32, #tpu.memory_space<hbm>>
        tpu.enqueue_indirect_dma source(%dma_start3A_1043 : memref<131072x64xf32, #tpu.memory_space<hbm>>) target(%arg19 : memref<128x64xf32, #tpu.memory_space<vmem>>) offsets(%arg17 : memref<128xi32, #tpu.memory_space<vmem>>) semaphore(%arg27 : memref<!tpu.dma_semaphore, #tpu.memory_space<semaphore_mem>>)
        %dma_wait3A_1044 = arith.constant 0 : i32
        %dma_wait3A_1045 = arith.constant 0 : i32
        %dma_wait3A_1046 = tpu.memref_slice %arg4[%dma_wait3A_1044, %dma_wait3A_1045] : memref<131072x64xf32, #tpu.memory_space<hbm>> -> memref<131072x64xf32, #tpu.memory_space<hbm>>
        tpu.wait_indirect_dma semaphore(%arg26 : memref<!tpu.dma_semaphore, #tpu.memory_space<semaphore_mem>>) src(%dma_wait3A_1046 : memref<131072x64xf32, #tpu.memory_space<hbm>>) dst(%arg18 : memref<128x64xf32, #tpu.memory_space<vmem>>)
        %dma_wait3A_1047 = arith.constant 0 : i32
        %dma_wait3A_1048 = arith.constant 0 : i32
        %dma_wait3A_1049 = tpu.memref_slice %arg4[%dma_wait3A_1047, %dma_wait3A_1048] : memref<131072x64xf32, #tpu.memory_space<hbm>> -> memref<131072x64xf32, #tpu.memory_space<hbm>>
        tpu.wait_indirect_dma semaphore(%arg27 : memref<!tpu.dma_semaphore, #tpu.memory_space<semaphore_mem>>) src(%dma_wait3A_1049 : memref<131072x64xf32, #tpu.memory_space<hbm>>) dst(%arg19 : memref<128x64xf32, #tpu.memory_space<vmem>>)
        %broadcast_in_dim3A_1050 = arith.constant 0.000000e+00 : f32
        %broadcast_in_dim3A_1051 = vector.broadcast %broadcast_in_dim3A_1050 : f32 to vector<16xf32>
        %parallel_loop3A_1052 = arith.constant 0 : i32
        %parallel_loop3A_1053 = arith.constant 64 : i32
        %parallel_loop3A_1054 = arith.constant 1 : i32
        %parallel_loop3A_1055:8 = scf.for %parallel_loop3A_1136 = %parallel_loop3A_1052 to %parallel_loop3A_1053 step %parallel_loop3A_1054 iter_args(%parallel_loop3A_1137 = %broadcast_in_dim3A_1051, %parallel_loop3A_1138 = %broadcast_in_dim3A_1051, %parallel_loop3A_1139 = %broadcast_in_dim3A_1051, %parallel_loop3A_1140 = %broadcast_in_dim3A_1051, %parallel_loop3A_1141 = %broadcast_in_dim3A_1051, %parallel_loop3A_1142 = %broadcast_in_dim3A_1051, %parallel_loop3A_1143 = %broadcast_in_dim3A_1051, %parallel_loop3A_1144 = %broadcast_in_dim3A_1051) -> (vector<16xf32>, vector<16xf32>, vector<16xf32>, vector<16xf32>, vector<16xf32>, vector<16xf32>, vector<16xf32>, vector<16xf32>)  : i32 {
          %parallel_loop3A_1145 = arith.constant 0 : i32
          %parallel_loop3A_1146 = vector.broadcast %parallel_loop3A_1145 : i32 to vector<16xi32>
          %parallel_loop3A_1147 = vector.broadcast %parallel_loop3A_1136 : i32 to vector<16xi32>
          %parallel_loop3A_1148 = arith.addi %parallel_loop3A_1146, %parallel_loop3A_1147 : vector<16xi32>
          %parallel_loop3A_1149 = tpu.vector_load_idx %arg12[%iota3A, %parallel_loop3A_1148] : memref<16x65xf32, #tpu.memory_space<vmem>>[vector<16xi32>, vector<16xi32>], vector<16xf32>,
          %parallel_loop3A_1150 = tpu.vector_load_idx %arg18[%add3A_50, %parallel_loop3A_1148] : memref<128x64xf32, #tpu.memory_space<vmem>>[vector<16xi32>, vector<16xi32>], vector<16xf32>,
          %parallel_loop3A_1151 = tpu.vector_load_idx %arg18[%add3A_62, %parallel_loop3A_1148] : memref<128x64xf32, #tpu.memory_space<vmem>>[vector<16xi32>, vector<16xi32>], vector<16xf32>,
          %parallel_loop3A_1152 = arith.mulf %parallel_loop3A_1149, %parallel_loop3A_1150 : vector<16xf32>
          %parallel_loop3A_1153 = arith.addf %parallel_loop3A_1137, %parallel_loop3A_1152 : vector<16xf32>
          %parallel_loop3A_1154 = arith.mulf %parallel_loop3A_1149, %parallel_loop3A_1151 : vector<16xf32>
          %parallel_loop3A_1155 = arith.addf %parallel_loop3A_1138, %parallel_loop3A_1154 : vector<16xf32>
          %parallel_loop3A_1156 = tpu.vector_load_idx %arg18[%add3A_53, %parallel_loop3A_1148] : memref<128x64xf32, #tpu.memory_space<vmem>>[vector<16xi32>, vector<16xi32>], vector<16xf32>,
          %parallel_loop3A_1157 = tpu.vector_load_idx %arg18[%add3A_65, %parallel_loop3A_1148] : memref<128x64xf32, #tpu.memory_space<vmem>>[vector<16xi32>, vector<16xi32>], vector<16xf32>,
          %parallel_loop3A_1158 = arith.mulf %parallel_loop3A_1149, %parallel_loop3A_1156 : vector<16xf32>
          %parallel_loop3A_1159 = arith.addf %parallel_loop3A_1139, %parallel_loop3A_1158 : vector<16xf32>
          %parallel_loop3A_1160 = arith.mulf %parallel_loop3A_1149, %parallel_loop3A_1157 : vector<16xf32>
          %parallel_loop3A_1161 = arith.addf %parallel_loop3A_1140, %parallel_loop3A_1160 : vector<16xf32>
          %parallel_loop3A_1162 = tpu.vector_load_idx %arg18[%add3A_56, %parallel_loop3A_1148] : memref<128x64xf32, #tpu.memory_space<vmem>>[vector<16xi32>, vector<16xi32>], vector<16xf32>,
          %parallel_loop3A_1163 = tpu.vector_load_idx %arg18[%add3A_68, %parallel_loop3A_1148] : memref<128x64xf32, #tpu.memory_space<vmem>>[vector<16xi32>, vector<16xi32>], vector<16xf32>,
          %parallel_loop3A_1164 = arith.mulf %parallel_loop3A_1149, %parallel_loop3A_1162 : vector<16xf32>
          %parallel_loop3A_1165 = arith.addf %parallel_loop3A_1141, %parallel_loop3A_1164 : vector<16xf32>
          %parallel_loop3A_1166 = arith.mulf %parallel_loop3A_1149, %parallel_loop3A_1163 : vector<16xf32>
          %parallel_loop3A_1167 = arith.addf %parallel_loop3A_1142, %parallel_loop3A_1166 : vector<16xf32>
          %parallel_loop3A_1168 = tpu.vector_load_idx %arg18[%add3A_59, %parallel_loop3A_1148] : memref<128x64xf32, #tpu.memory_space<vmem>>[vector<16xi32>, vector<16xi32>], vector<16xf32>,
          %parallel_loop3A_1169 = tpu.vector_load_idx %arg18[%add3A_71, %parallel_loop3A_1148] : memref<128x64xf32, #tpu.memory_space<vmem>>[vector<16xi32>, vector<16xi32>], vector<16xf32>,
          %parallel_loop3A_1170 = arith.mulf %parallel_loop3A_1149, %parallel_loop3A_1168 : vector<16xf32>
          %parallel_loop3A_1171 = arith.addf %parallel_loop3A_1143, %parallel_loop3A_1170 : vector<16xf32>
          %parallel_loop3A_1172 = arith.mulf %parallel_loop3A_1149, %parallel_loop3A_1169 : vector<16xf32>
          %parallel_loop3A_1173 = arith.addf %parallel_loop3A_1144, %parallel_loop3A_1172 : vector<16xf32>
          scf.yield %parallel_loop3A_1153, %parallel_loop3A_1155, %parallel_loop3A_1159, %parallel_loop3A_1161, %parallel_loop3A_1165, %parallel_loop3A_1167, %parallel_loop3A_1171, %parallel_loop3A_1173 : vector<16xf32>, vector<16xf32>, vector<16xf32>, vector<16xf32>, vector<16xf32>, vector<16xf32>, vector<16xf32>, vector<16xf32>
        } {sc.loop_unroll_factor = 2 : i64, sc.parallel_access}
        %mul3A_1056 = arith.mulf %sub3A_249, %parallel_loop3A_1055#0 : vector<16xf32>
        %mul3A_1057 = arith.mulf %sub3A_246, %parallel_loop3A_1055#1 : vector<16xf32>
        %add3A_1058 = arith.addf %mul3A_1056, %mul3A_1057 : vector<16xf32>
        %mul3A_1059 = arith.constant 1.250000e-01 : f32
        %mul3A_1060 = vector.broadcast %mul3A_1059 : f32 to vector<16xf32>
        %mul3A_1061 = arith.mulf %add3A_1058, %mul3A_1060 : vector<16xf32>
        %get3A_1062 = arith.constant 0 : i32
        %get3A_1063 = arith.index_cast %get3A_1062 : i32 to index
        %get3A_1064 = arith.index_cast %mul3A_190 : i32 to index
        %get3A_1065 = tpu.vector_load %arg9[%get3A_1063, %get3A_1064] {strides = array<i32>} : memref<4x2048xf32, #tpu.memory_space<vmem>>, vector<16xf32>,
        %add3A_1066 = arith.addf %mul3A_1061, %get3A_1065 : vector<16xf32>
        %mul3A_1067 = arith.mulf %sub3A_313, %parallel_loop3A_1055#2 : vector<16xf32>
        %mul3A_1068 = arith.mulf %sub3A_310, %parallel_loop3A_1055#3 : vector<16xf32>
        %add3A_1069 = arith.addf %mul3A_1067, %mul3A_1068 : vector<16xf32>
        %mul3A_1070 = arith.constant 1.250000e-01 : f32
        %mul3A_1071 = vector.broadcast %mul3A_1070 : f32 to vector<16xf32>
        %mul3A_1072 = arith.mulf %add3A_1069, %mul3A_1071 : vector<16xf32>
        %get3A_1073 = arith.constant 1 : i32
        %get3A_1074 = arith.index_cast %get3A_1073 : i32 to index
        %get3A_1075 = arith.index_cast %mul3A_190 : i32 to index
        %get3A_1076 = tpu.vector_load %arg9[%get3A_1074, %get3A_1075] {strides = array<i32>} : memref<4x2048xf32, #tpu.memory_space<vmem>>, vector<16xf32>,
        %add3A_1077 = arith.addf %mul3A_1072, %get3A_1076 : vector<16xf32>
        %mul3A_1078 = arith.mulf %sub3A_380, %parallel_loop3A_1055#4 : vector<16xf32>
        %mul3A_1079 = arith.mulf %sub3A_377, %parallel_loop3A_1055#5 : vector<16xf32>
        %add3A_1080 = arith.addf %mul3A_1078, %mul3A_1079 : vector<16xf32>
        %mul3A_1081 = arith.constant 1.250000e-01 : f32
        %mul3A_1082 = vector.broadcast %mul3A_1081 : f32 to vector<16xf32>
        %mul3A_1083 = arith.mulf %add3A_1080, %mul3A_1082 : vector<16xf32>
        %get3A_1084 = arith.constant 2 : i32
        %get3A_1085 = arith.index_cast %get3A_1084 : i32 to index
        %get3A_1086 = arith.index_cast %mul3A_190 : i32 to index
        %get3A_1087 = tpu.vector_load %arg9[%get3A_1085, %get3A_1086] {strides = array<i32>} : memref<4x2048xf32, #tpu.memory_space<vmem>>, vector<16xf32>,
        %add3A_1088 = arith.addf %mul3A_1083, %get3A_1087 : vector<16xf32>
        %mul3A_1089 = arith.mulf %sub3A_447, %parallel_loop3A_1055#6 : vector<16xf32>
        %mul3A_1090 = arith.mulf %sub3A_444, %parallel_loop3A_1055#7 : vector<16xf32>
        %add3A_1091 = arith.addf %mul3A_1089, %mul3A_1090 : vector<16xf32>
        %mul3A_1092 = arith.constant 1.250000e-01 : f32
        %mul3A_1093 = vector.broadcast %mul3A_1092 : f32 to vector<16xf32>
        %mul3A_1094 = arith.mulf %add3A_1091, %mul3A_1093 : vector<16xf32>
        %get3A_1095 = arith.constant 3 : i32
        %get3A_1096 = arith.index_cast %get3A_1095 : i32 to index
        %get3A_1097 = arith.index_cast %mul3A_190 : i32 to index
        %get3A_1098 = tpu.vector_load %arg9[%get3A_1096, %get3A_1097] {strides = array<i32>} : memref<4x2048xf32, #tpu.memory_space<vmem>>, vector<16xf32>,
        %add3A_1099 = arith.addf %mul3A_1094, %get3A_1098 : vector<16xf32>
        %max3A_1100 = arith.maximumf %add3A_1066, %add3A_1077 : vector<16xf32>
        %max3A_1101 = arith.maximumf %add3A_1088, %add3A_1099 : vector<16xf32>
        %max3A_1102 = arith.maximumf %max3A_1100, %max3A_1101 : vector<16xf32>
        %sub3A_1103 = arith.subf %add3A_1066, %max3A_1102 : vector<16xf32>
        %exp3A_1104 = math.exp %sub3A_1103 : vector<16xf32>
        %sub3A_1105 = arith.subf %add3A_1077, %max3A_1102 : vector<16xf32>
        %exp3A_1106 = math.exp %sub3A_1105 : vector<16xf32>
        %sub3A_1107 = arith.subf %add3A_1088, %max3A_1102 : vector<16xf32>
        %exp3A_1108 = math.exp %sub3A_1107 : vector<16xf32>
        %sub3A_1109 = arith.subf %add3A_1099, %max3A_1102 : vector<16xf32>
        %exp3A_1110 = math.exp %sub3A_1109 : vector<16xf32>
        %add3A_1111 = arith.addf %exp3A_1104, %exp3A_1106 : vector<16xf32>
        %add3A_1112 = arith.addf %add3A_1111, %exp3A_1108 : vector<16xf32>
        %add3A_1113 = arith.addf %add3A_1112, %exp3A_1110 : vector<16xf32>
        %div3A_1114 = arith.constant 1.000000e+00 : f32
        %div3A_1115 = vector.broadcast %div3A_1114 : f32 to vector<16xf32>
        %div3A_1116 = arith.divf %div3A_1115, %add3A_1113 : vector<16xf32>
        %mul3A_1117 = arith.mulf %exp3A_1104, %div3A_1116 : vector<16xf32>
        %mul3A_1118 = arith.mulf %mul3A_1117, %sub3A_249 : vector<16xf32>
        %mul3A_1119 = arith.mulf %exp3A_1106, %div3A_1116 : vector<16xf32>
        %mul3A_1120 = arith.mulf %mul3A_1119, %sub3A_313 : vector<16xf32>
        %mul3A_1121 = arith.mulf %exp3A_1108, %div3A_1116 : vector<16xf32>
        %mul3A_1122 = arith.mulf %mul3A_1121, %sub3A_380 : vector<16xf32>
        %mul3A_1123 = arith.mulf %exp3A_1110, %div3A_1116 : vector<16xf32>
        %mul3A_1124 = arith.mulf %mul3A_1123, %sub3A_447 : vector<16xf32>
        %mul3A_1125 = arith.mulf %exp3A_1104, %div3A_1116 : vector<16xf32>
        %mul3A_1126 = arith.mulf %mul3A_1125, %sub3A_246 : vector<16xf32>
        %mul3A_1127 = arith.mulf %exp3A_1106, %div3A_1116 : vector<16xf32>
        %mul3A_1128 = arith.mulf %mul3A_1127, %sub3A_310 : vector<16xf32>
        %mul3A_1129 = arith.mulf %exp3A_1108, %div3A_1116 : vector<16xf32>
        %mul3A_1130 = arith.mulf %mul3A_1129, %sub3A_377 : vector<16xf32>
        %mul3A_1131 = arith.mulf %exp3A_1110, %div3A_1116 : vector<16xf32>
        %mul3A_1132 = arith.mulf %mul3A_1131, %sub3A_444 : vector<16xf32>
        %parallel_loop3A_1133 = arith.constant 0 : i32
        %parallel_loop3A_1134 = arith.constant 64 : i32
        %parallel_loop3A_1135 = arith.constant 1 : i32
        scf.for %parallel_loop3A_1136 = %parallel_loop3A_1133 to %parallel_loop3A_1134 step %parallel_loop3A_1135  : i32 {
          %parallel_loop3A_1137 = arith.constant 0 : i32
          %parallel_loop3A_1138 = vector.broadcast %parallel_loop3A_1137 : i32 to vector<16xi32>
          %parallel_loop3A_1139 = vector.broadcast %parallel_loop3A_1136 : i32 to vector<16xi32>
          %parallel_loop3A_1140 = arith.addi %parallel_loop3A_1138, %parallel_loop3A_1139 : vector<16xi32>
          %parallel_loop3A_1141 = arith.constant 0.000000e+00 : f32
          %parallel_loop3A_1142 = vector.broadcast %parallel_loop3A_1141 : f32 to vector<16xf32>
          %parallel_loop3A_1143 = tpu.vector_load_idx %arg19[%add3A_50, %parallel_loop3A_1140] : memref<128x64xf32, #tpu.memory_space<vmem>>[vector<16xi32>, vector<16xi32>], vector<16xf32>,
          %parallel_loop3A_1144 = tpu.vector_load_idx %arg19[%add3A_62, %parallel_loop3A_1140] : memref<128x64xf32, #tpu.memory_space<vmem>>[vector<16xi32>, vector<16xi32>], vector<16xf32>,
          %parallel_loop3A_1145 = arith.mulf %mul3A_1118, %parallel_loop3A_1143 : vector<16xf32>
          %parallel_loop3A_1146 = arith.addf %parallel_loop3A_1142, %parallel_loop3A_1145 : vector<16xf32>
          %parallel_loop3A_1147 = arith.mulf %mul3A_1126, %parallel_loop3A_1144 : vector<16xf32>
          %parallel_loop3A_1148 = arith.addf %parallel_loop3A_1146, %parallel_loop3A_1147 : vector<16xf32>
          %parallel_loop3A_1149 = tpu.vector_load_idx %arg19[%add3A_53, %parallel_loop3A_1140] : memref<128x64xf32, #tpu.memory_space<vmem>>[vector<16xi32>, vector<16xi32>], vector<16xf32>,
          %parallel_loop3A_1150 = tpu.vector_load_idx %arg19[%add3A_65, %parallel_loop3A_1140] : memref<128x64xf32, #tpu.memory_space<vmem>>[vector<16xi32>, vector<16xi32>], vector<16xf32>,
          %parallel_loop3A_1151 = arith.mulf %mul3A_1120, %parallel_loop3A_1149 : vector<16xf32>
          %parallel_loop3A_1152 = arith.addf %parallel_loop3A_1148, %parallel_loop3A_1151 : vector<16xf32>
          %parallel_loop3A_1153 = arith.mulf %mul3A_1128, %parallel_loop3A_1150 : vector<16xf32>
          %parallel_loop3A_1154 = arith.addf %parallel_loop3A_1152, %parallel_loop3A_1153 : vector<16xf32>
          %parallel_loop3A_1155 = tpu.vector_load_idx %arg19[%add3A_56, %parallel_loop3A_1140] : memref<128x64xf32, #tpu.memory_space<vmem>>[vector<16xi32>, vector<16xi32>], vector<16xf32>,
          %parallel_loop3A_1156 = tpu.vector_load_idx %arg19[%add3A_68, %parallel_loop3A_1140] : memref<128x64xf32, #tpu.memory_space<vmem>>[vector<16xi32>, vector<16xi32>], vector<16xf32>,
          %parallel_loop3A_1157 = arith.mulf %mul3A_1122, %parallel_loop3A_1155 : vector<16xf32>
          %parallel_loop3A_1158 = arith.addf %parallel_loop3A_1154, %parallel_loop3A_1157 : vector<16xf32>
          %parallel_loop3A_1159 = arith.mulf %mul3A_1130, %parallel_loop3A_1156 : vector<16xf32>
          %parallel_loop3A_1160 = arith.addf %parallel_loop3A_1158, %parallel_loop3A_1159 : vector<16xf32>
          %parallel_loop3A_1161 = tpu.vector_load_idx %arg19[%add3A_59, %parallel_loop3A_1140] : memref<128x64xf32, #tpu.memory_space<vmem>>[vector<16xi32>, vector<16xi32>], vector<16xf32>,
          %parallel_loop3A_1162 = tpu.vector_load_idx %arg19[%add3A_71, %parallel_loop3A_1140] : memref<128x64xf32, #tpu.memory_space<vmem>>[vector<16xi32>, vector<16xi32>], vector<16xf32>,
          %parallel_loop3A_1163 = arith.mulf %mul3A_1124, %parallel_loop3A_1161 : vector<16xf32>
          %parallel_loop3A_1164 = arith.addf %parallel_loop3A_1160, %parallel_loop3A_1163 : vector<16xf32>
          %parallel_loop3A_1165 = arith.mulf %mul3A_1132, %parallel_loop3A_1162 : vector<16xf32>
          %parallel_loop3A_1166 = arith.addf %parallel_loop3A_1164, %parallel_loop3A_1165 : vector<16xf32>
          tpu.vector_store_idx %arg14[%iota3A, %parallel_loop3A_1140], %parallel_loop3A_1166 : memref<16x65xf32, #tpu.memory_space<vmem>>[vector<16xi32>, vector<16xi32>], vector<16xf32>,
        } {sc.loop_unroll_factor = 2 : i64, sc.parallel_access}
      } else {
      }
      %add3A_592 = arith.addi %mul3A_32, %mul3A_190 : i32
      %dma_start3A_593 = arith.constant 0 : i32
      %dma_start3A_594 = arith.constant 0 : i32
      %dma_start3A_595 = tpu.memref_slice %arg14[%dma_start3A_593, %dma_start3A_594] : memref<16x65xf32, #tpu.memory_space<vmem>> -> memref<16x64xf32, #tpu.memory_space<vmem>>
      %dma_start3A_596 = arith.constant 0 : i32
      %dma_start3A_597 = tpu.memref_slice %arg7[%add3A_592, %select_n3A_30, %dma_start3A_596] : memref<4096x16x64xf32, #tpu.memory_space<hbm>> -> memref<16x1x64xf32, #tpu.memory_space<hbm>>
      %dma_start3A_598 = tpu.memref_squeeze %dma_start3A_597 : memref<16x1x64xf32, #tpu.memory_space<hbm>> -> memref<16x64xf32, #tpu.memory_space<hbm>>
      %dma_start3A_599 = arith.constant 0 : i32
      %dma_start3A_600 = tpu.memref_slice %arg7[%add3A_592, %select_n3A_30, %dma_start3A_599] : memref<4096x16x64xf32, #tpu.memory_space<hbm>> -> memref<16x1x64xf32, #tpu.memory_space<hbm>>
      %dma_start3A_601 = tpu.memref_squeeze %dma_start3A_600 : memref<16x1x64xf32, #tpu.memory_space<hbm>> -> memref<16x64xf32, #tpu.memory_space<hbm>>
      %dma_start3A_602 = arith.constant 0 : i32
      %dma_start3A_603 = arith.constant 0 : i32
      %dma_start3A_604 = tpu.memref_slice %arg14[%dma_start3A_602, %dma_start3A_603] : memref<16x65xf32, #tpu.memory_space<vmem>> -> memref<16x64xf32, #tpu.memory_space<vmem>>
      tpu.enqueue_dma source(%dma_start3A_604 : memref<16x64xf32, #tpu.memory_space<vmem>>) target(%dma_start3A_601 : memref<16x64xf32, #tpu.memory_space<hbm>>) target_semaphore(%arg24 : memref<!tpu.dma_semaphore, #tpu.memory_space<semaphore_mem>>)
      %mul3A_605 = arith.constant 2 : i32
      %mul3A_606 = arith.muli %mul3A_605, %scan3A_186 : i32
      %add3A_607 = arith.constant 1 : i32
      %add3A_608 = arith.addi %mul3A_606, %add3A_607 : i32
      %mul3A_609 = arith.constant 16 : i32
      %mul3A_610 = arith.muli %add3A_608, %mul3A_609 : i32
      %add3A_611 = arith.addi %mul3A_32, %mul3A_610 : i32
      %dma_wait3A_612 = arith.constant 0 : i32
      %dma_wait3A_613 = arith.constant 0 : i32
      %dma_wait3A_614 = tpu.memref_slice %arg13[%dma_wait3A_612, %dma_wait3A_613] : memref<16x65xf32, #tpu.memory_space<vmem>> -> memref<16x64xf32, #tpu.memory_space<vmem>>
      %dma_wait3A_615 = arith.constant 0 : i32
      %dma_wait3A_616 = tpu.memref_slice %arg2[%add3A_611, %select_n3A_30, %dma_wait3A_615] : memref<4096x18x64xf32, #tpu.memory_space<hbm>> -> memref<16x1x64xf32, #tpu.memory_space<hbm>>
      %dma_wait3A_617 = tpu.memref_squeeze %dma_wait3A_616 : memref<16x1x64xf32, #tpu.memory_space<hbm>> -> memref<16x64xf32, #tpu.memory_space<hbm>>
      %dma_wait3A_618 = arith.constant 0 : i32
      %dma_wait3A_619 = arith.constant 0 : i32
      %dma_wait3A_620 = tpu.memref_slice %arg13[%dma_wait3A_618, %dma_wait3A_619] : memref<16x65xf32, #tpu.memory_space<vmem>> -> memref<16x64xf32, #tpu.memory_space<vmem>>
      %dma_wait3A_621 = arith.constant 0 : i32
      %dma_wait3A_622 = tpu.memref_slice %arg2[%add3A_611, %select_n3A_30, %dma_wait3A_621] : memref<4096x18x64xf32, #tpu.memory_space<hbm>> -> memref<16x1x64xf32, #tpu.memory_space<hbm>>
      %dma_wait3A_623 = tpu.memref_squeeze %dma_wait3A_622 : memref<16x1x64xf32, #tpu.memory_space<hbm>> -> memref<16x64xf32, #tpu.memory_space<hbm>>
      tpu.wait_dma2 semaphore(%arg21 : memref<!tpu.dma_semaphore, #tpu.memory_space<semaphore_mem>>) src(%dma_wait3A_623 : memref<16x64xf32, #tpu.memory_space<hbm>>) dst(%dma_wait3A_620 : memref<16x64xf32, #tpu.memory_space<vmem>>)
      %ge3A_624 = arith.constant 1 : i32
      %ge3A_625 = arith.cmpi sge, %add3A_608, %ge3A_624 : i32
      %convert_element_type3A_626 = arith.extui %ge3A_625 : i1 to i32
      %cond3A_627 = arith.constant 0 : i32
      %cond3A_628 = arith.cmpi ne, %convert_element_type3A_626, %cond3A_627 : i32
      scf.if %cond3A_628 {
        %dma_wait3A_1038 = arith.constant 0 : i32
        %dma_wait3A_1039 = arith.constant 0 : i32
        %dma_wait3A_1040 = tpu.memref_slice %arg10[%dma_wait3A_1038, %dma_wait3A_1039] : memref<512x65xf32, #tpu.memory_space<vmem>> -> memref<16x64xf32, #tpu.memory_space<vmem>>
        %dma_wait3A_1041 = arith.constant 0 : i32
        %dma_wait3A_1042 = arith.constant 0 : i32
        %dma_wait3A_1043 = tpu.memref_slice %arg3[%dma_wait3A_1041, %select_n3A_30, %dma_wait3A_1042] : memref<4096x32x64xf32, #tpu.memory_space<hbm>> -> memref<16x1x64xf32, #tpu.memory_space<hbm>>
        %dma_wait3A_1044 = tpu.memref_squeeze %dma_wait3A_1043 : memref<16x1x64xf32, #tpu.memory_space<hbm>> -> memref<16x64xf32, #tpu.memory_space<hbm>>
        %dma_wait3A_1045 = arith.constant 0 : i32
        %dma_wait3A_1046 = arith.constant 0 : i32
        %dma_wait3A_1047 = tpu.memref_slice %arg10[%dma_wait3A_1045, %dma_wait3A_1046] : memref<512x65xf32, #tpu.memory_space<vmem>> -> memref<16x64xf32, #tpu.memory_space<vmem>>
        %dma_wait3A_1048 = arith.constant 0 : i32
        %dma_wait3A_1049 = arith.constant 0 : i32
        %dma_wait3A_1050 = tpu.memref_slice %arg3[%dma_wait3A_1048, %select_n3A_30, %dma_wait3A_1049] : memref<4096x32x64xf32, #tpu.memory_space<hbm>> -> memref<16x1x64xf32, #tpu.memory_space<hbm>>
        %dma_wait3A_1051 = tpu.memref_squeeze %dma_wait3A_1050 : memref<16x1x64xf32, #tpu.memory_space<hbm>> -> memref<16x64xf32, #tpu.memory_space<hbm>>
        tpu.wait_dma2 semaphore(%arg22 : memref<!tpu.dma_semaphore, #tpu.memory_space<semaphore_mem>>) src(%dma_wait3A_1051 : memref<16x64xf32, #tpu.memory_space<hbm>>) dst(%dma_wait3A_1047 : memref<16x64xf32, #tpu.memory_space<vmem>>)
        %dma_wait3A_1052 = arith.constant 0 : i32
        %dma_wait3A_1053 = arith.constant 0 : i32
        %dma_wait3A_1054 = tpu.memref_slice %arg11[%dma_wait3A_1052, %dma_wait3A_1053] : memref<512x65xf32, #tpu.memory_space<vmem>> -> memref<16x64xf32, #tpu.memory_space<vmem>>
        %dma_wait3A_1055 = arith.constant 0 : i32
        %dma_wait3A_1056 = arith.constant 0 : i32
        %dma_wait3A_1057 = tpu.memref_slice %arg3[%dma_wait3A_1055, %select_n3A_30, %dma_wait3A_1056] : memref<4096x32x64xf32, #tpu.memory_space<hbm>> -> memref<16x1x64xf32, #tpu.memory_space<hbm>>
        %dma_wait3A_1058 = tpu.memref_squeeze %dma_wait3A_1057 : memref<16x1x64xf32, #tpu.memory_space<hbm>> -> memref<16x64xf32, #tpu.memory_space<hbm>>
        %dma_wait3A_1059 = arith.constant 0 : i32
        %dma_wait3A_1060 = arith.constant 0 : i32
        %dma_wait3A_1061 = tpu.memref_slice %arg11[%dma_wait3A_1059, %dma_wait3A_1060] : memref<512x65xf32, #tpu.memory_space<vmem>> -> memref<16x64xf32, #tpu.memory_space<vmem>>
        %dma_wait3A_1062 = arith.constant 0 : i32
        %dma_wait3A_1063 = arith.constant 0 : i32
        %dma_wait3A_1064 = tpu.memref_slice %arg3[%dma_wait3A_1062, %select_n3A_30, %dma_wait3A_1063] : memref<4096x32x64xf32, #tpu.memory_space<hbm>> -> memref<16x1x64xf32, #tpu.memory_space<hbm>>
        %dma_wait3A_1065 = tpu.memref_squeeze %dma_wait3A_1064 : memref<16x1x64xf32, #tpu.memory_space<hbm>> -> memref<16x64xf32, #tpu.memory_space<hbm>>
        tpu.wait_dma2 semaphore(%arg23 : memref<!tpu.dma_semaphore, #tpu.memory_space<semaphore_mem>>) src(%dma_wait3A_1065 : memref<16x64xf32, #tpu.memory_space<hbm>>) dst(%dma_wait3A_1061 : memref<16x64xf32, #tpu.memory_space<vmem>>)
      } else {
      }
      %add3A_629 = arith.constant 287 : i32
      %add3A_630 = arith.addi %mul3A_610, %add3A_629 : i32
      %add3A_631 = arith.constant 1 : i32
      %add3A_632 = arith.addi %add3A_630, %add3A_631 : i32
      %min3A_633 = arith.constant 2032 : i32
      %min3A_634 = arith.minsi %add3A_632, %min3A_633 : i32
      %lt3A_635 = arith.constant 127 : i32
      %lt3A_636 = arith.cmpi slt, %add3A_608, %lt3A_635 : i32
      %convert_element_type3A_637 = arith.extui %lt3A_636 : i1 to i32
      %cond3A_638 = arith.constant 0 : i32
      %cond3A_639 = arith.cmpi ne, %convert_element_type3A_637, %cond3A_638 : i32
      scf.if %cond3A_639 {
        %add3A_1038 = arith.addi %mul3A_32, %mul3A_610 : i32
        %add3A_1039 = arith.constant 16 : i32
        %add3A_1040 = arith.addi %add3A_1038, %add3A_1039 : i32
        %dma_start3A_1041 = arith.constant 0 : i32
        %dma_start3A_1042 = arith.constant 0 : i32
        %dma_start3A_1043 = tpu.memref_slice %arg12[%dma_start3A_1041, %dma_start3A_1042] : memref<16x65xf32, #tpu.memory_space<vmem>> -> memref<16x64xf32, #tpu.memory_space<vmem>>
        %dma_start3A_1044 = arith.constant 0 : i32
        %dma_start3A_1045 = tpu.memref_slice %arg2[%add3A_1040, %select_n3A_30, %dma_start3A_1044] : memref<4096x18x64xf32, #tpu.memory_space<hbm>> -> memref<16x1x64xf32, #tpu.memory_space<hbm>>
        %dma_start3A_1046 = tpu.memref_squeeze %dma_start3A_1045 : memref<16x1x64xf32, #tpu.memory_space<hbm>> -> memref<16x64xf32, #tpu.memory_space<hbm>>
        %dma_start3A_1047 = arith.constant 0 : i32
        %dma_start3A_1048 = arith.constant 0 : i32
        %dma_start3A_1049 = tpu.memref_slice %arg12[%dma_start3A_1047, %dma_start3A_1048] : memref<16x65xf32, #tpu.memory_space<vmem>> -> memref<16x64xf32, #tpu.memory_space<vmem>>
        %dma_start3A_1050 = arith.constant 0 : i32
        %dma_start3A_1051 = tpu.memref_slice %arg2[%add3A_1040, %select_n3A_30, %dma_start3A_1050] : memref<4096x18x64xf32, #tpu.memory_space<hbm>> -> memref<16x1x64xf32, #tpu.memory_space<hbm>>
        %dma_start3A_1052 = tpu.memref_squeeze %dma_start3A_1051 : memref<16x1x64xf32, #tpu.memory_space<hbm>> -> memref<16x64xf32, #tpu.memory_space<hbm>>
        tpu.enqueue_dma source(%dma_start3A_1052 : memref<16x64xf32, #tpu.memory_space<hbm>>) target(%dma_start3A_1049 : memref<16x64xf32, #tpu.memory_space<vmem>>) target_semaphore(%arg20 : memref<!tpu.dma_semaphore, #tpu.memory_space<semaphore_mem>>)
        %add3A_1053 = arith.addi %mul3A_32, %min3A_634 : i32
        %and3A_1054 = arith.constant 511 : i32
        %and3A_1055 = arith.andi %min3A_634, %and3A_1054 : i32
        %dma_start3A_1056 = arith.constant 0 : i32
        %dma_start3A_1057 = tpu.memref_slice %arg10[%and3A_1055, %dma_start3A_1056] : memref<512x65xf32, #tpu.memory_space<vmem>> -> memref<16x64xf32, #tpu.memory_space<vmem>>
        %dma_start3A_1058 = arith.constant 0 : i32
        %dma_start3A_1059 = tpu.memref_slice %arg3[%add3A_1053, %select_n3A_30, %dma_start3A_1058] : memref<4096x32x64xf32, #tpu.memory_space<hbm>> -> memref<16x1x64xf32, #tpu.memory_space<hbm>>
        %dma_start3A_1060 = tpu.memref_squeeze %dma_start3A_1059 : memref<16x1x64xf32, #tpu.memory_space<hbm>> -> memref<16x64xf32, #tpu.memory_space<hbm>>
        %dma_start3A_1061 = arith.constant 0 : i32
        %dma_start3A_1062 = tpu.memref_slice %arg10[%and3A_1055, %dma_start3A_1061] : memref<512x65xf32, #tpu.memory_space<vmem>> -> memref<16x64xf32, #tpu.memory_space<vmem>>
        %dma_start3A_1063 = arith.constant 0 : i32
        %dma_start3A_1064 = tpu.memref_slice %arg3[%add3A_1053, %select_n3A_30, %dma_start3A_1063] : memref<4096x32x64xf32, #tpu.memory_space<hbm>> -> memref<16x1x64xf32, #tpu.memory_space<hbm>>
        %dma_start3A_1065 = tpu.memref_squeeze %dma_start3A_1064 : memref<16x1x64xf32, #tpu.memory_space<hbm>> -> memref<16x64xf32, #tpu.memory_space<hbm>>
        tpu.enqueue_dma source(%dma_start3A_1065 : memref<16x64xf32, #tpu.memory_space<hbm>>) target(%dma_start3A_1062 : memref<16x64xf32, #tpu.memory_space<vmem>>) target_semaphore(%arg22 : memref<!tpu.dma_semaphore, #tpu.memory_space<semaphore_mem>>)
        %add3A_1066 = arith.addi %mul3A_32, %min3A_634 : i32
        %add3A_1067 = arith.constant 16 : i32
        %add3A_1068 = arith.addi %add3A_1067, %select_n3A_30 : i32
        %and3A_1069 = arith.constant 511 : i32
        %and3A_1070 = arith.andi %min3A_634, %and3A_1069 : i32
        %dma_start3A_1071 = arith.constant 0 : i32
        %dma_start3A_1072 = tpu.memref_slice %arg11[%and3A_1070, %dma_start3A_1071] : memref<512x65xf32, #tpu.memory_space<vmem>> -> memref<16x64xf32, #tpu.memory_space<vmem>>
        %dma_start3A_1073 = arith.constant 0 : i32
        %dma_start3A_1074 = tpu.memref_slice %arg3[%add3A_1066, %add3A_1068, %dma_start3A_1073] : memref<4096x32x64xf32, #tpu.memory_space<hbm>> -> memref<16x1x64xf32, #tpu.memory_space<hbm>>
        %dma_start3A_1075 = tpu.memref_squeeze %dma_start3A_1074 : memref<16x1x64xf32, #tpu.memory_space<hbm>> -> memref<16x64xf32, #tpu.memory_space<hbm>>
        %dma_start3A_1076 = arith.constant 0 : i32
        %dma_start3A_1077 = tpu.memref_slice %arg11[%and3A_1070, %dma_start3A_1076] : memref<512x65xf32, #tpu.memory_space<vmem>> -> memref<16x64xf32, #tpu.memory_space<vmem>>
        %dma_start3A_1078 = arith.constant 0 : i32
        %dma_start3A_1079 = tpu.memref_slice %arg3[%add3A_1066, %add3A_1068, %dma_start3A_1078] : memref<4096x32x64xf32, #tpu.memory_space<hbm>> -> memref<16x1x64xf32, #tpu.memory_space<hbm>>
        %dma_start3A_1080 = tpu.memref_squeeze %dma_start3A_1079 : memref<16x1x64xf32, #tpu.memory_space<hbm>> -> memref<16x64xf32, #tpu.memory_space<hbm>>
        tpu.enqueue_dma source(%dma_start3A_1080 : memref<16x64xf32, #tpu.memory_space<hbm>>) target(%dma_start3A_1077 : memref<16x64xf32, #tpu.memory_space<vmem>>) target_semaphore(%arg23 : memref<!tpu.dma_semaphore, #tpu.memory_space<semaphore_mem>>)
      } else {
      }
      %ge3A_640 = arith.constant 2 : i32
      %ge3A_641 = arith.cmpi sge, %add3A_608, %ge3A_640 : i32
      %convert_element_type3A_642 = arith.extui %ge3A_641 : i1 to i32
      %cond3A_643 = arith.constant 0 : i32
      %cond3A_644 = arith.cmpi ne, %convert_element_type3A_642, %cond3A_643 : i32
      scf.if %cond3A_644 {
        %add3A_1038 = arith.addi %mul3A_32, %mul3A_610 : i32
        %sub3A_1039 = arith.constant 32 : i32
        %sub3A_1040 = arith.subi %add3A_1038, %sub3A_1039 : i32
        %dma_wait3A_1041 = arith.constant 0 : i32
        %dma_wait3A_1042 = arith.constant 0 : i32
        %dma_wait3A_1043 = tpu.memref_slice %arg15[%dma_wait3A_1041, %dma_wait3A_1042] : memref<16x65xf32, #tpu.memory_space<vmem>> -> memref<16x64xf32, #tpu.memory_space<vmem>>
        %dma_wait3A_1044 = arith.constant 0 : i32
        %dma_wait3A_1045 = tpu.memref_slice %arg7[%sub3A_1040, %select_n3A_30, %dma_wait3A_1044] : memref<4096x16x64xf32, #tpu.memory_space<hbm>> -> memref<16x1x64xf32, #tpu.memory_space<hbm>>
        %dma_wait3A_1046 = tpu.memref_squeeze %dma_wait3A_1045 : memref<16x1x64xf32, #tpu.memory_space<hbm>> -> memref<16x64xf32, #tpu.memory_space<hbm>>
        %dma_wait3A_1047 = arith.constant 0 : i32
        %dma_wait3A_1048 = tpu.memref_slice %arg7[%sub3A_1040, %select_n3A_30, %dma_wait3A_1047] : memref<4096x16x64xf32, #tpu.memory_space<hbm>> -> memref<16x1x64xf32, #tpu.memory_space<hbm>>
        %dma_wait3A_1049 = tpu.memref_squeeze %dma_wait3A_1048 : memref<16x1x64xf32, #tpu.memory_space<hbm>> -> memref<16x64xf32, #tpu.memory_space<hbm>>
        %dma_wait3A_1050 = arith.constant 0 : i32
        %dma_wait3A_1051 = arith.constant 0 : i32
        %dma_wait3A_1052 = tpu.memref_slice %arg15[%dma_wait3A_1050, %dma_wait3A_1051] : memref<16x65xf32, #tpu.memory_space<vmem>> -> memref<16x64xf32, #tpu.memory_space<vmem>>
        tpu.wait_dma2 semaphore(%arg25 : memref<!tpu.dma_semaphore, #tpu.memory_space<semaphore_mem>>) src(%dma_wait3A_1052 : memref<16x64xf32, #tpu.memory_space<vmem>>) dst(%dma_wait3A_1049 : memref<16x64xf32, #tpu.memory_space<hbm>>)
      } else {
      }
      %add3A_645 = arith.constant 287 : i32
      %add3A_646 = arith.addi %mul3A_610, %add3A_645 : i32
      %min3A_647 = arith.constant 2047 : i32
      %min3A_648 = arith.minsi %add3A_646, %min3A_647 : i32
      %add3A_649 = vector.broadcast %mul3A_610 : i32 to vector<16xi32>
      %add3A_650 = arith.addi %iota3A, %add3A_649 : vector<16xi32>
      %convert_element_type3A_651 = arith.sitofp %add3A_650 : vector<16xi32> to vector<16xf32>
      %broadcast_in_dim3A_652 = arith.constant 0 : i32
      %broadcast_in_dim3A_653 = vector.broadcast %broadcast_in_dim3A_652 : i32 to vector<16xi32>
      %get3A_654 = arith.constant 0 : i32
      %get3A_655 = arith.index_cast %get3A_654 : i32 to index
      %get3A_656 = arith.index_cast %mul3A_610 : i32 to index
      %get3A_657 = tpu.vector_load %arg8[%get3A_655, %get3A_656] {strides = array<i32>} : memref<4x2048xf32, #tpu.memory_space<vmem>>, vector<16xf32>,
      %add3A_658 = arith.addf %convert_element_type3A_651, %get3A_657 : vector<16xf32>
      %jit3A_659 = arith.constant 0.000000e+00 : f32
      %jit3A_660 = arith.constant 2.047000e+03 : f32
      %max3A_661 = vector.broadcast %jit3A_659 : f32 to vector<16xf32>
      %max3A_662 = arith.maximumf %max3A_661, %add3A_658 : vector<16xf32>
      %min3A_663 = vector.broadcast %jit3A_660 : f32 to vector<16xf32>
      %min3A_664 = arith.minimumf %min3A_663, %max3A_662 : vector<16xf32>
      %convert_element_type3A_665 = arith.fptosi %min3A_664 : vector<16xf32> to vector<16xi32>
      %add3A_666 = arith.constant 1 : i32
      %add3A_667 = vector.broadcast %add3A_666 : i32 to vector<16xi32>
      %add3A_668 = arith.addi %convert_element_type3A_665, %add3A_667 : vector<16xi32>
      %min3A_669 = arith.constant 2047 : i32
      %min3A_670 = vector.broadcast %min3A_669 : i32 to vector<16xi32>
      %min3A_671 = arith.minsi %add3A_668, %min3A_670 : vector<16xi32>
      %convert_element_type3A_672 = arith.sitofp %convert_element_type3A_665 : vector<16xi32> to vector<16xf32>
      %sub3A_673 = arith.subf %min3A_664, %convert_element_type3A_672 : vector<16xf32>
      %sub3A_674 = arith.constant 1.000000e+00 : f32
      %sub3A_675 = vector.broadcast %sub3A_674 : f32 to vector<16xf32>
      %sub3A_676 = arith.subf %sub3A_675, %sub3A_673 : vector<16xf32>
      %and3A_677 = arith.constant 511 : i32
      %and3A_678 = vector.broadcast %and3A_677 : i32 to vector<16xi32>
      %and3A_679 = arith.andi %convert_element_type3A_665, %and3A_678 : vector<16xi32>
      %and3A_680 = arith.constant 511 : i32
      %and3A_681 = vector.broadcast %and3A_680 : i32 to vector<16xi32>
      %and3A_682 = arith.andi %min3A_671, %and3A_681 : vector<16xi32>
      %add3A_683 = vector.broadcast %mul3A_32 : i32 to vector<16xi32>
      %add3A_684 = arith.addi %add3A_683, %convert_element_type3A_665 : vector<16xi32>
      %mul3A_685 = arith.constant 32 : i32
      %mul3A_686 = vector.broadcast %mul3A_685 : i32 to vector<16xi32>
      %mul3A_687 = arith.muli %add3A_684, %mul3A_686 : vector<16xi32>
      %add3A_688 = vector.broadcast %select_n3A_30 : i32 to vector<16xi32>
      %add3A_689 = arith.addi %mul3A_687, %add3A_688 : vector<16xi32>
      %add3A_690 = vector.broadcast %mul3A_32 : i32 to vector<16xi32>
      %add3A_691 = arith.addi %add3A_690, %min3A_671 : vector<16xi32>
      %mul3A_692 = arith.constant 32 : i32
      %mul3A_693 = vector.broadcast %mul3A_692 : i32 to vector<16xi32>
      %mul3A_694 = arith.muli %add3A_691, %mul3A_693 : vector<16xi32>
      %add3A_695 = vector.broadcast %select_n3A_30 : i32 to vector<16xi32>
      %add3A_696 = arith.addi %mul3A_694, %add3A_695 : vector<16xi32>
      %swap3A_697 = arith.constant 0 : index
      %swap3A_698 = tpu.vector_load %arg16[%swap3A_697] {strides = array<i32>} : memref<128xi32, #tpu.memory_space<vmem>>, vector<16xi32>,
      tpu.vector_store %arg16[%swap3A_697], %add3A_689 {strides = array<i32>} : memref<128xi32, #tpu.memory_space<vmem>>, vector<16xi32>,
      %swap3A_699 = arith.constant 64 : index
      %swap3A_700 = tpu.vector_load %arg16[%swap3A_699] {strides = array<i32>} : memref<128xi32, #tpu.memory_space<vmem>>, vector<16xi32>,
      tpu.vector_store %arg16[%swap3A_699], %add3A_696 {strides = array<i32>} : memref<128xi32, #tpu.memory_space<vmem>>, vector<16xi32>,
      %add3A_701 = arith.constant 16 : i32
      %add3A_702 = vector.broadcast %add3A_701 : i32 to vector<16xi32>
      %add3A_703 = arith.addi %add3A_689, %add3A_702 : vector<16xi32>
      %swap3A_704 = arith.constant 0 : index
      %swap3A_705 = tpu.vector_load %arg17[%swap3A_704] {strides = array<i32>} : memref<128xi32, #tpu.memory_space<vmem>>, vector<16xi32>,
      tpu.vector_store %arg17[%swap3A_704], %add3A_703 {strides = array<i32>} : memref<128xi32, #tpu.memory_space<vmem>>, vector<16xi32>,
      %add3A_706 = arith.constant 16 : i32
      %add3A_707 = vector.broadcast %add3A_706 : i32 to vector<16xi32>
      %add3A_708 = arith.addi %add3A_696, %add3A_707 : vector<16xi32>
      %swap3A_709 = arith.constant 64 : index
      %swap3A_710 = tpu.vector_load %arg17[%swap3A_709] {strides = array<i32>} : memref<128xi32, #tpu.memory_space<vmem>>, vector<16xi32>,
      tpu.vector_store %arg17[%swap3A_709], %add3A_708 {strides = array<i32>} : memref<128xi32, #tpu.memory_space<vmem>>, vector<16xi32>,
      %sub3A_711 = arith.constant 511 : i32
      %sub3A_712 = arith.subi %min3A_648, %sub3A_711 : i32
      %lt3A_713 = vector.broadcast %sub3A_712 : i32 to vector<16xi32>
      %lt3A_714 = arith.cmpi slt, %convert_element_type3A_665, %lt3A_713 : vector<16xi32>
      %convert_element_type3A_715 = arith.extui %lt3A_714 : vector<16xi1> to vector<16xi32>
      %or3A_716 = arith.ori %broadcast_in_dim3A_653, %convert_element_type3A_715 : vector<16xi32>
      %gt3A_717 = vector.broadcast %min3A_648 : i32 to vector<16xi32>
      %gt3A_718 = arith.cmpi sgt, %min3A_671, %gt3A_717 : vector<16xi32>
      %convert_element_type3A_719 = arith.extui %gt3A_718 : vector<16xi1> to vector<16xi32>
      %or3A_720 = arith.ori %or3A_716, %convert_element_type3A_719 : vector<16xi32>
      %get3A_721 = arith.constant 1 : i32
      %get3A_722 = arith.index_cast %get3A_721 : i32 to index
      %get3A_723 = arith.index_cast %mul3A_610 : i32 to index
      %get3A_724 = tpu.vector_load %arg8[%get3A_722, %get3A_723] {strides = array<i32>} : memref<4x2048xf32, #tpu.memory_space<vmem>>, vector<16xf32>,
      %add3A_725 = arith.addf %convert_element_type3A_651, %get3A_724 : vector<16xf32>
      %jit3A_726 = arith.constant 0.000000e+00 : f32
      %jit3A_727 = arith.constant 2.047000e+03 : f32
      %max3A_728 = vector.broadcast %jit3A_726 : f32 to vector<16xf32>
      %max3A_729 = arith.maximumf %max3A_728, %add3A_725 : vector<16xf32>
      %min3A_730 = vector.broadcast %jit3A_727 : f32 to vector<16xf32>
      %min3A_731 = arith.minimumf %min3A_730, %max3A_729 : vector<16xf32>
      %convert_element_type3A_732 = arith.fptosi %min3A_731 : vector<16xf32> to vector<16xi32>
      %add3A_733 = arith.constant 1 : i32
      %add3A_734 = vector.broadcast %add3A_733 : i32 to vector<16xi32>
      %add3A_735 = arith.addi %convert_element_type3A_732, %add3A_734 : vector<16xi32>
      %min3A_736 = arith.constant 2047 : i32
      %min3A_737 = vector.broadcast %min3A_736 : i32 to vector<16xi32>
      %min3A_738 = arith.minsi %add3A_735, %min3A_737 : vector<16xi32>
      %convert_element_type3A_739 = arith.sitofp %convert_element_type3A_732 : vector<16xi32> to vector<16xf32>
      %sub3A_740 = arith.subf %min3A_731, %convert_element_type3A_739 : vector<16xf32>
      %sub3A_741 = arith.constant 1.000000e+00 : f32
      %sub3A_742 = vector.broadcast %sub3A_741 : f32 to vector<16xf32>
      %sub3A_743 = arith.subf %sub3A_742, %sub3A_740 : vector<16xf32>
      %and3A_744 = arith.constant 511 : i32
      %and3A_745 = vector.broadcast %and3A_744 : i32 to vector<16xi32>
      %and3A_746 = arith.andi %convert_element_type3A_732, %and3A_745 : vector<16xi32>
      %and3A_747 = arith.constant 511 : i32
      %and3A_748 = vector.broadcast %and3A_747 : i32 to vector<16xi32>
      %and3A_749 = arith.andi %min3A_738, %and3A_748 : vector<16xi32>
      %add3A_750 = vector.broadcast %mul3A_32 : i32 to vector<16xi32>
      %add3A_751 = arith.addi %add3A_750, %convert_element_type3A_732 : vector<16xi32>
      %mul3A_752 = arith.constant 32 : i32
      %mul3A_753 = vector.broadcast %mul3A_752 : i32 to vector<16xi32>
      %mul3A_754 = arith.muli %add3A_751, %mul3A_753 : vector<16xi32>
      %add3A_755 = vector.broadcast %select_n3A_30 : i32 to vector<16xi32>
      %add3A_756 = arith.addi %mul3A_754, %add3A_755 : vector<16xi32>
      %add3A_757 = vector.broadcast %mul3A_32 : i32 to vector<16xi32>
      %add3A_758 = arith.addi %add3A_757, %min3A_738 : vector<16xi32>
      %mul3A_759 = arith.constant 32 : i32
      %mul3A_760 = vector.broadcast %mul3A_759 : i32 to vector<16xi32>
      %mul3A_761 = arith.muli %add3A_758, %mul3A_760 : vector<16xi32>
      %add3A_762 = vector.broadcast %select_n3A_30 : i32 to vector<16xi32>
      %add3A_763 = arith.addi %mul3A_761, %add3A_762 : vector<16xi32>
      %swap3A_764 = arith.constant 16 : index
      %swap3A_765 = tpu.vector_load %arg16[%swap3A_764] {strides = array<i32>} : memref<128xi32, #tpu.memory_space<vmem>>, vector<16xi32>,
      tpu.vector_store %arg16[%swap3A_764], %add3A_756 {strides = array<i32>} : memref<128xi32, #tpu.memory_space<vmem>>, vector<16xi32>,
      %swap3A_766 = arith.constant 80 : index
      %swap3A_767 = tpu.vector_load %arg16[%swap3A_766] {strides = array<i32>} : memref<128xi32, #tpu.memory_space<vmem>>, vector<16xi32>,
      tpu.vector_store %arg16[%swap3A_766], %add3A_763 {strides = array<i32>} : memref<128xi32, #tpu.memory_space<vmem>>, vector<16xi32>,
      %add3A_768 = arith.constant 16 : i32
      %add3A_769 = vector.broadcast %add3A_768 : i32 to vector<16xi32>
      %add3A_770 = arith.addi %add3A_756, %add3A_769 : vector<16xi32>
      %swap3A_771 = arith.constant 16 : index
      %swap3A_772 = tpu.vector_load %arg17[%swap3A_771] {strides = array<i32>} : memref<128xi32, #tpu.memory_space<vmem>>, vector<16xi32>,
      tpu.vector_store %arg17[%swap3A_771], %add3A_770 {strides = array<i32>} : memref<128xi32, #tpu.memory_space<vmem>>, vector<16xi32>,
      %add3A_773 = arith.constant 16 : i32
      %add3A_774 = vector.broadcast %add3A_773 : i32 to vector<16xi32>
      %add3A_775 = arith.addi %add3A_763, %add3A_774 : vector<16xi32>
      %swap3A_776 = arith.constant 80 : index
      %swap3A_777 = tpu.vector_load %arg17[%swap3A_776] {strides = array<i32>} : memref<128xi32, #tpu.memory_space<vmem>>, vector<16xi32>,
      tpu.vector_store %arg17[%swap3A_776], %add3A_775 {strides = array<i32>} : memref<128xi32, #tpu.memory_space<vmem>>, vector<16xi32>,
      %sub3A_778 = arith.constant 511 : i32
      %sub3A_779 = arith.subi %min3A_648, %sub3A_778 : i32
      %lt3A_780 = vector.broadcast %sub3A_779 : i32 to vector<16xi32>
      %lt3A_781 = arith.cmpi slt, %convert_element_type3A_732, %lt3A_780 : vector<16xi32>
      %convert_element_type3A_782 = arith.extui %lt3A_781 : vector<16xi1> to vector<16xi32>
      %or3A_783 = arith.ori %or3A_720, %convert_element_type3A_782 : vector<16xi32>
      %gt3A_784 = vector.broadcast %min3A_648 : i32 to vector<16xi32>
      %gt3A_785 = arith.cmpi sgt, %min3A_738, %gt3A_784 : vector<16xi32>
      %convert_element_type3A_786 = arith.extui %gt3A_785 : vector<16xi1> to vector<16xi32>
      %or3A_787 = arith.ori %or3A_783, %convert_element_type3A_786 : vector<16xi32>
      %get3A_788 = arith.constant 2 : i32
      %get3A_789 = arith.index_cast %get3A_788 : i32 to index
      %get3A_790 = arith.index_cast %mul3A_610 : i32 to index
      %get3A_791 = tpu.vector_load %arg8[%get3A_789, %get3A_790] {strides = array<i32>} : memref<4x2048xf32, #tpu.memory_space<vmem>>, vector<16xf32>,
      %add3A_792 = arith.addf %convert_element_type3A_651, %get3A_791 : vector<16xf32>
      %jit3A_793 = arith.constant 0.000000e+00 : f32
      %jit3A_794 = arith.constant 2.047000e+03 : f32
      %max3A_795 = vector.broadcast %jit3A_793 : f32 to vector<16xf32>
      %max3A_796 = arith.maximumf %max3A_795, %add3A_792 : vector<16xf32>
      %min3A_797 = vector.broadcast %jit3A_794 : f32 to vector<16xf32>
      %min3A_798 = arith.minimumf %min3A_797, %max3A_796 : vector<16xf32>
      %convert_element_type3A_799 = arith.fptosi %min3A_798 : vector<16xf32> to vector<16xi32>
      %add3A_800 = arith.constant 1 : i32
      %add3A_801 = vector.broadcast %add3A_800 : i32 to vector<16xi32>
      %add3A_802 = arith.addi %convert_element_type3A_799, %add3A_801 : vector<16xi32>
      %min3A_803 = arith.constant 2047 : i32
      %min3A_804 = vector.broadcast %min3A_803 : i32 to vector<16xi32>
      %min3A_805 = arith.minsi %add3A_802, %min3A_804 : vector<16xi32>
      %convert_element_type3A_806 = arith.sitofp %convert_element_type3A_799 : vector<16xi32> to vector<16xf32>
      %sub3A_807 = arith.subf %min3A_798, %convert_element_type3A_806 : vector<16xf32>
      %sub3A_808 = arith.constant 1.000000e+00 : f32
      %sub3A_809 = vector.broadcast %sub3A_808 : f32 to vector<16xf32>
      %sub3A_810 = arith.subf %sub3A_809, %sub3A_807 : vector<16xf32>
      %and3A_811 = arith.constant 511 : i32
      %and3A_812 = vector.broadcast %and3A_811 : i32 to vector<16xi32>
      %and3A_813 = arith.andi %convert_element_type3A_799, %and3A_812 : vector<16xi32>
      %and3A_814 = arith.constant 511 : i32
      %and3A_815 = vector.broadcast %and3A_814 : i32 to vector<16xi32>
      %and3A_816 = arith.andi %min3A_805, %and3A_815 : vector<16xi32>
      %add3A_817 = vector.broadcast %mul3A_32 : i32 to vector<16xi32>
      %add3A_818 = arith.addi %add3A_817, %convert_element_type3A_799 : vector<16xi32>
      %mul3A_819 = arith.constant 32 : i32
      %mul3A_820 = vector.broadcast %mul3A_819 : i32 to vector<16xi32>
      %mul3A_821 = arith.muli %add3A_818, %mul3A_820 : vector<16xi32>
      %add3A_822 = vector.broadcast %select_n3A_30 : i32 to vector<16xi32>
      %add3A_823 = arith.addi %mul3A_821, %add3A_822 : vector<16xi32>
      %add3A_824 = vector.broadcast %mul3A_32 : i32 to vector<16xi32>
      %add3A_825 = arith.addi %add3A_824, %min3A_805 : vector<16xi32>
      %mul3A_826 = arith.constant 32 : i32
      %mul3A_827 = vector.broadcast %mul3A_826 : i32 to vector<16xi32>
      %mul3A_828 = arith.muli %add3A_825, %mul3A_827 : vector<16xi32>
      %add3A_829 = vector.broadcast %select_n3A_30 : i32 to vector<16xi32>
      %add3A_830 = arith.addi %mul3A_828, %add3A_829 : vector<16xi32>
      %swap3A_831 = arith.constant 32 : index
      %swap3A_832 = tpu.vector_load %arg16[%swap3A_831] {strides = array<i32>} : memref<128xi32, #tpu.memory_space<vmem>>, vector<16xi32>,
      tpu.vector_store %arg16[%swap3A_831], %add3A_823 {strides = array<i32>} : memref<128xi32, #tpu.memory_space<vmem>>, vector<16xi32>,
      %swap3A_833 = arith.constant 96 : index
      %swap3A_834 = tpu.vector_load %arg16[%swap3A_833] {strides = array<i32>} : memref<128xi32, #tpu.memory_space<vmem>>, vector<16xi32>,
      tpu.vector_store %arg16[%swap3A_833], %add3A_830 {strides = array<i32>} : memref<128xi32, #tpu.memory_space<vmem>>, vector<16xi32>,
      %add3A_835 = arith.constant 16 : i32
      %add3A_836 = vector.broadcast %add3A_835 : i32 to vector<16xi32>
      %add3A_837 = arith.addi %add3A_823, %add3A_836 : vector<16xi32>
      %swap3A_838 = arith.constant 32 : index
      %swap3A_839 = tpu.vector_load %arg17[%swap3A_838] {strides = array<i32>} : memref<128xi32, #tpu.memory_space<vmem>>, vector<16xi32>,
      tpu.vector_store %arg17[%swap3A_838], %add3A_837 {strides = array<i32>} : memref<128xi32, #tpu.memory_space<vmem>>, vector<16xi32>,
      %add3A_840 = arith.constant 16 : i32
      %add3A_841 = vector.broadcast %add3A_840 : i32 to vector<16xi32>
      %add3A_842 = arith.addi %add3A_830, %add3A_841 : vector<16xi32>
      %swap3A_843 = arith.constant 96 : index
      %swap3A_844 = tpu.vector_load %arg17[%swap3A_843] {strides = array<i32>} : memref<128xi32, #tpu.memory_space<vmem>>, vector<16xi32>,
      tpu.vector_store %arg17[%swap3A_843], %add3A_842 {strides = array<i32>} : memref<128xi32, #tpu.memory_space<vmem>>, vector<16xi32>,
      %sub3A_845 = arith.constant 511 : i32
      %sub3A_846 = arith.subi %min3A_648, %sub3A_845 : i32
      %lt3A_847 = vector.broadcast %sub3A_846 : i32 to vector<16xi32>
      %lt3A_848 = arith.cmpi slt, %convert_element_type3A_799, %lt3A_847 : vector<16xi32>
      %convert_element_type3A_849 = arith.extui %lt3A_848 : vector<16xi1> to vector<16xi32>
      %or3A_850 = arith.ori %or3A_787, %convert_element_type3A_849 : vector<16xi32>
      %gt3A_851 = vector.broadcast %min3A_648 : i32 to vector<16xi32>
      %gt3A_852 = arith.cmpi sgt, %min3A_805, %gt3A_851 : vector<16xi32>
      %convert_element_type3A_853 = arith.extui %gt3A_852 : vector<16xi1> to vector<16xi32>
      %or3A_854 = arith.ori %or3A_850, %convert_element_type3A_853 : vector<16xi32>
      %get3A_855 = arith.constant 3 : i32
      %get3A_856 = arith.index_cast %get3A_855 : i32 to index
      %get3A_857 = arith.index_cast %mul3A_610 : i32 to index
      %get3A_858 = tpu.vector_load %arg8[%get3A_856, %get3A_857] {strides = array<i32>} : memref<4x2048xf32, #tpu.memory_space<vmem>>, vector<16xf32>,
      %add3A_859 = arith.addf %convert_element_type3A_651, %get3A_858 : vector<16xf32>
      %jit3A_860 = arith.constant 0.000000e+00 : f32
      %jit3A_861 = arith.constant 2.047000e+03 : f32
      %max3A_862 = vector.broadcast %jit3A_860 : f32 to vector<16xf32>
      %max3A_863 = arith.maximumf %max3A_862, %add3A_859 : vector<16xf32>
      %min3A_864 = vector.broadcast %jit3A_861 : f32 to vector<16xf32>
      %min3A_865 = arith.minimumf %min3A_864, %max3A_863 : vector<16xf32>
      %convert_element_type3A_866 = arith.fptosi %min3A_865 : vector<16xf32> to vector<16xi32>
      %add3A_867 = arith.constant 1 : i32
      %add3A_868 = vector.broadcast %add3A_867 : i32 to vector<16xi32>
      %add3A_869 = arith.addi %convert_element_type3A_866, %add3A_868 : vector<16xi32>
      %min3A_870 = arith.constant 2047 : i32
      %min3A_871 = vector.broadcast %min3A_870 : i32 to vector<16xi32>
      %min3A_872 = arith.minsi %add3A_869, %min3A_871 : vector<16xi32>
      %convert_element_type3A_873 = arith.sitofp %convert_element_type3A_866 : vector<16xi32> to vector<16xf32>
      %sub3A_874 = arith.subf %min3A_865, %convert_element_type3A_873 : vector<16xf32>
      %sub3A_875 = arith.constant 1.000000e+00 : f32
      %sub3A_876 = vector.broadcast %sub3A_875 : f32 to vector<16xf32>
      %sub3A_877 = arith.subf %sub3A_876, %sub3A_874 : vector<16xf32>
      %and3A_878 = arith.constant 511 : i32
      %and3A_879 = vector.broadcast %and3A_878 : i32 to vector<16xi32>
      %and3A_880 = arith.andi %convert_element_type3A_866, %and3A_879 : vector<16xi32>
      %and3A_881 = arith.constant 511 : i32
      %and3A_882 = vector.broadcast %and3A_881 : i32 to vector<16xi32>
      %and3A_883 = arith.andi %min3A_872, %and3A_882 : vector<16xi32>
      %add3A_884 = vector.broadcast %mul3A_32 : i32 to vector<16xi32>
      %add3A_885 = arith.addi %add3A_884, %convert_element_type3A_866 : vector<16xi32>
      %mul3A_886 = arith.constant 32 : i32
      %mul3A_887 = vector.broadcast %mul3A_886 : i32 to vector<16xi32>
      %mul3A_888 = arith.muli %add3A_885, %mul3A_887 : vector<16xi32>
      %add3A_889 = vector.broadcast %select_n3A_30 : i32 to vector<16xi32>
      %add3A_890 = arith.addi %mul3A_888, %add3A_889 : vector<16xi32>
      %add3A_891 = vector.broadcast %mul3A_32 : i32 to vector<16xi32>
      %add3A_892 = arith.addi %add3A_891, %min3A_872 : vector<16xi32>
      %mul3A_893 = arith.constant 32 : i32
      %mul3A_894 = vector.broadcast %mul3A_893 : i32 to vector<16xi32>
      %mul3A_895 = arith.muli %add3A_892, %mul3A_894 : vector<16xi32>
      %add3A_896 = vector.broadcast %select_n3A_30 : i32 to vector<16xi32>
      %add3A_897 = arith.addi %mul3A_895, %add3A_896 : vector<16xi32>
      %swap3A_898 = arith.constant 48 : index
      %swap3A_899 = tpu.vector_load %arg16[%swap3A_898] {strides = array<i32>} : memref<128xi32, #tpu.memory_space<vmem>>, vector<16xi32>,
      tpu.vector_store %arg16[%swap3A_898], %add3A_890 {strides = array<i32>} : memref<128xi32, #tpu.memory_space<vmem>>, vector<16xi32>,
      %swap3A_900 = arith.constant 112 : index
      %swap3A_901 = tpu.vector_load %arg16[%swap3A_900] {strides = array<i32>} : memref<128xi32, #tpu.memory_space<vmem>>, vector<16xi32>,
      tpu.vector_store %arg16[%swap3A_900], %add3A_897 {strides = array<i32>} : memref<128xi32, #tpu.memory_space<vmem>>, vector<16xi32>,
      %add3A_902 = arith.constant 16 : i32
      %add3A_903 = vector.broadcast %add3A_902 : i32 to vector<16xi32>
      %add3A_904 = arith.addi %add3A_890, %add3A_903 : vector<16xi32>
      %swap3A_905 = arith.constant 48 : index
      %swap3A_906 = tpu.vector_load %arg17[%swap3A_905] {strides = array<i32>} : memref<128xi32, #tpu.memory_space<vmem>>, vector<16xi32>,
      tpu.vector_store %arg17[%swap3A_905], %add3A_904 {strides = array<i32>} : memref<128xi32, #tpu.memory_space<vmem>>, vector<16xi32>,
      %add3A_907 = arith.constant 16 : i32
      %add3A_908 = vector.broadcast %add3A_907 : i32 to vector<16xi32>
      %add3A_909 = arith.addi %add3A_897, %add3A_908 : vector<16xi32>
      %swap3A_910 = arith.constant 112 : index
      %swap3A_911 = tpu.vector_load %arg17[%swap3A_910] {strides = array<i32>} : memref<128xi32, #tpu.memory_space<vmem>>, vector<16xi32>,
      tpu.vector_store %arg17[%swap3A_910], %add3A_909 {strides = array<i32>} : memref<128xi32, #tpu.memory_space<vmem>>, vector<16xi32>,
      %sub3A_912 = arith.constant 511 : i32
      %sub3A_913 = arith.subi %min3A_648, %sub3A_912 : i32
      %lt3A_914 = vector.broadcast %sub3A_913 : i32 to vector<16xi32>
      %lt3A_915 = arith.cmpi slt, %convert_element_type3A_866, %lt3A_914 : vector<16xi32>
      %convert_element_type3A_916 = arith.extui %lt3A_915 : vector<16xi1> to vector<16xi32>
      %or3A_917 = arith.ori %or3A_854, %convert_element_type3A_916 : vector<16xi32>
      %gt3A_918 = vector.broadcast %min3A_648 : i32 to vector<16xi32>
      %gt3A_919 = arith.cmpi sgt, %min3A_872, %gt3A_918 : vector<16xi32>
      %convert_element_type3A_920 = arith.extui %gt3A_919 : vector<16xi1> to vector<16xi32>
      %or3A_921 = arith.ori %or3A_917, %convert_element_type3A_920 : vector<16xi32>
      %broadcast_in_dim3A_922 = arith.constant 0.000000e+00 : f32
      %broadcast_in_dim3A_923 = vector.broadcast %broadcast_in_dim3A_922 : f32 to vector<16xf32>
      %parallel_loop3A_924 = arith.constant 0 : i32
      %parallel_loop3A_925 = arith.constant 64 : i32
      %parallel_loop3A_926 = arith.constant 1 : i32
      %parallel_loop3A_927:8 = scf.for %parallel_loop3A_1038 = %parallel_loop3A_924 to %parallel_loop3A_925 step %parallel_loop3A_926 iter_args(%parallel_loop3A_1039 = %broadcast_in_dim3A_923, %parallel_loop3A_1040 = %broadcast_in_dim3A_923, %parallel_loop3A_1041 = %broadcast_in_dim3A_923, %parallel_loop3A_1042 = %broadcast_in_dim3A_923, %parallel_loop3A_1043 = %broadcast_in_dim3A_923, %parallel_loop3A_1044 = %broadcast_in_dim3A_923, %parallel_loop3A_1045 = %broadcast_in_dim3A_923, %parallel_loop3A_1046 = %broadcast_in_dim3A_923) -> (vector<16xf32>, vector<16xf32>, vector<16xf32>, vector<16xf32>, vector<16xf32>, vector<16xf32>, vector<16xf32>, vector<16xf32>)  : i32 {
        %parallel_loop3A_1047 = arith.constant 0 : i32
        %parallel_loop3A_1048 = vector.broadcast %parallel_loop3A_1047 : i32 to vector<16xi32>
        %parallel_loop3A_1049 = vector.broadcast %parallel_loop3A_1038 : i32 to vector<16xi32>
        %parallel_loop3A_1050 = arith.addi %parallel_loop3A_1048, %parallel_loop3A_1049 : vector<16xi32>
        %parallel_loop3A_1051 = tpu.vector_load_idx %arg13[%iota3A, %parallel_loop3A_1050] : memref<16x65xf32, #tpu.memory_space<vmem>>[vector<16xi32>, vector<16xi32>], vector<16xf32>,
        %parallel_loop3A_1052 = tpu.vector_load_idx %arg10[%and3A_679, %parallel_loop3A_1050] : memref<512x65xf32, #tpu.memory_space<vmem>>[vector<16xi32>, vector<16xi32>], vector<16xf32>,
        %parallel_loop3A_1053 = tpu.vector_load_idx %arg10[%and3A_682, %parallel_loop3A_1050] : memref<512x65xf32, #tpu.memory_space<vmem>>[vector<16xi32>, vector<16xi32>], vector<16xf32>,
        %parallel_loop3A_1054 = arith.mulf %parallel_loop3A_1051, %parallel_loop3A_1052 : vector<16xf32>
        %parallel_loop3A_1055 = arith.addf %parallel_loop3A_1039, %parallel_loop3A_1054 : vector<16xf32>
        %parallel_loop3A_1056 = arith.mulf %parallel_loop3A_1051, %parallel_loop3A_1053 : vector<16xf32>
        %parallel_loop3A_1057 = arith.addf %parallel_loop3A_1040, %parallel_loop3A_1056 : vector<16xf32>
        %parallel_loop3A_1058 = tpu.vector_load_idx %arg10[%and3A_746, %parallel_loop3A_1050] : memref<512x65xf32, #tpu.memory_space<vmem>>[vector<16xi32>, vector<16xi32>], vector<16xf32>,
        %parallel_loop3A_1059 = tpu.vector_load_idx %arg10[%and3A_749, %parallel_loop3A_1050] : memref<512x65xf32, #tpu.memory_space<vmem>>[vector<16xi32>, vector<16xi32>], vector<16xf32>,
        %parallel_loop3A_1060 = arith.mulf %parallel_loop3A_1051, %parallel_loop3A_1058 : vector<16xf32>
        %parallel_loop3A_1061 = arith.addf %parallel_loop3A_1041, %parallel_loop3A_1060 : vector<16xf32>
        %parallel_loop3A_1062 = arith.mulf %parallel_loop3A_1051, %parallel_loop3A_1059 : vector<16xf32>
        %parallel_loop3A_1063 = arith.addf %parallel_loop3A_1042, %parallel_loop3A_1062 : vector<16xf32>
        %parallel_loop3A_1064 = tpu.vector_load_idx %arg10[%and3A_813, %parallel_loop3A_1050] : memref<512x65xf32, #tpu.memory_space<vmem>>[vector<16xi32>, vector<16xi32>], vector<16xf32>,
        %parallel_loop3A_1065 = tpu.vector_load_idx %arg10[%and3A_816, %parallel_loop3A_1050] : memref<512x65xf32, #tpu.memory_space<vmem>>[vector<16xi32>, vector<16xi32>], vector<16xf32>,
        %parallel_loop3A_1066 = arith.mulf %parallel_loop3A_1051, %parallel_loop3A_1064 : vector<16xf32>
        %parallel_loop3A_1067 = arith.addf %parallel_loop3A_1043, %parallel_loop3A_1066 : vector<16xf32>
        %parallel_loop3A_1068 = arith.mulf %parallel_loop3A_1051, %parallel_loop3A_1065 : vector<16xf32>
        %parallel_loop3A_1069 = arith.addf %parallel_loop3A_1044, %parallel_loop3A_1068 : vector<16xf32>
        %parallel_loop3A_1070 = tpu.vector_load_idx %arg10[%and3A_880, %parallel_loop3A_1050] : memref<512x65xf32, #tpu.memory_space<vmem>>[vector<16xi32>, vector<16xi32>], vector<16xf32>,
        %parallel_loop3A_1071 = tpu.vector_load_idx %arg10[%and3A_883, %parallel_loop3A_1050] : memref<512x65xf32, #tpu.memory_space<vmem>>[vector<16xi32>, vector<16xi32>], vector<16xf32>,
        %parallel_loop3A_1072 = arith.mulf %parallel_loop3A_1051, %parallel_loop3A_1070 : vector<16xf32>
        %parallel_loop3A_1073 = arith.addf %parallel_loop3A_1045, %parallel_loop3A_1072 : vector<16xf32>
        %parallel_loop3A_1074 = arith.mulf %parallel_loop3A_1051, %parallel_loop3A_1071 : vector<16xf32>
        %parallel_loop3A_1075 = arith.addf %parallel_loop3A_1046, %parallel_loop3A_1074 : vector<16xf32>
        scf.yield %parallel_loop3A_1055, %parallel_loop3A_1057, %parallel_loop3A_1061, %parallel_loop3A_1063, %parallel_loop3A_1067, %parallel_loop3A_1069, %parallel_loop3A_1073, %parallel_loop3A_1075 : vector<16xf32>, vector<16xf32>, vector<16xf32>, vector<16xf32>, vector<16xf32>, vector<16xf32>, vector<16xf32>, vector<16xf32>
      } {sc.loop_unroll_factor = 2 : i64, sc.parallel_access}
      %mul3A_928 = arith.mulf %sub3A_676, %parallel_loop3A_927#0 : vector<16xf32>
      %mul3A_929 = arith.mulf %sub3A_673, %parallel_loop3A_927#1 : vector<16xf32>
      %add3A_930 = arith.addf %mul3A_928, %mul3A_929 : vector<16xf32>
      %mul3A_931 = arith.constant 1.250000e-01 : f32
      %mul3A_932 = vector.broadcast %mul3A_931 : f32 to vector<16xf32>
      %mul3A_933 = arith.mulf %add3A_930, %mul3A_932 : vector<16xf32>
      %get3A_934 = arith.constant 0 : i32
      %get3A_935 = arith.index_cast %get3A_934 : i32 to index
      %get3A_936 = arith.index_cast %mul3A_610 : i32 to index
      %get3A_937 = tpu.vector_load %arg9[%get3A_935, %get3A_936] {strides = array<i32>} : memref<4x2048xf32, #tpu.memory_space<vmem>>, vector<16xf32>,
      %add3A_938 = arith.addf %mul3A_933, %get3A_937 : vector<16xf32>
      %mul3A_939 = arith.mulf %sub3A_743, %parallel_loop3A_927#2 : vector<16xf32>
      %mul3A_940 = arith.mulf %sub3A_740, %parallel_loop3A_927#3 : vector<16xf32>
      %add3A_941 = arith.addf %mul3A_939, %mul3A_940 : vector<16xf32>
      %mul3A_942 = arith.constant 1.250000e-01 : f32
      %mul3A_943 = vector.broadcast %mul3A_942 : f32 to vector<16xf32>
      %mul3A_944 = arith.mulf %add3A_941, %mul3A_943 : vector<16xf32>
      %get3A_945 = arith.constant 1 : i32
      %get3A_946 = arith.index_cast %get3A_945 : i32 to index
      %get3A_947 = arith.index_cast %mul3A_610 : i32 to index
      %get3A_948 = tpu.vector_load %arg9[%get3A_946, %get3A_947] {strides = array<i32>} : memref<4x2048xf32, #tpu.memory_space<vmem>>, vector<16xf32>,
      %add3A_949 = arith.addf %mul3A_944, %get3A_948 : vector<16xf32>
      %mul3A_950 = arith.mulf %sub3A_810, %parallel_loop3A_927#4 : vector<16xf32>
      %mul3A_951 = arith.mulf %sub3A_807, %parallel_loop3A_927#5 : vector<16xf32>
      %add3A_952 = arith.addf %mul3A_950, %mul3A_951 : vector<16xf32>
      %mul3A_953 = arith.constant 1.250000e-01 : f32
      %mul3A_954 = vector.broadcast %mul3A_953 : f32 to vector<16xf32>
      %mul3A_955 = arith.mulf %add3A_952, %mul3A_954 : vector<16xf32>
      %get3A_956 = arith.constant 2 : i32
      %get3A_957 = arith.index_cast %get3A_956 : i32 to index
      %get3A_958 = arith.index_cast %mul3A_610 : i32 to index
      %get3A_959 = tpu.vector_load %arg9[%get3A_957, %get3A_958] {strides = array<i32>} : memref<4x2048xf32, #tpu.memory_space<vmem>>, vector<16xf32>,
      %add3A_960 = arith.addf %mul3A_955, %get3A_959 : vector<16xf32>
      %mul3A_961 = arith.mulf %sub3A_877, %parallel_loop3A_927#6 : vector<16xf32>
      %mul3A_962 = arith.mulf %sub3A_874, %parallel_loop3A_927#7 : vector<16xf32>
      %add3A_963 = arith.addf %mul3A_961, %mul3A_962 : vector<16xf32>
      %mul3A_964 = arith.constant 1.250000e-01 : f32
      %mul3A_965 = vector.broadcast %mul3A_964 : f32 to vector<16xf32>
      %mul3A_966 = arith.mulf %add3A_963, %mul3A_965 : vector<16xf32>
      %get3A_967 = arith.constant 3 : i32
      %get3A_968 = arith.index_cast %get3A_967 : i32 to index
      %get3A_969 = arith.index_cast %mul3A_610 : i32 to index
      %get3A_970 = tpu.vector_load %arg9[%get3A_968, %get3A_969] {strides = array<i32>} : memref<4x2048xf32, #tpu.memory_space<vmem>>, vector<16xf32>,
      %add3A_971 = arith.addf %mul3A_966, %get3A_970 : vector<16xf32>
      %max3A_972 = arith.maximumf %add3A_938, %add3A_949 : vector<16xf32>
      %max3A_973 = arith.maximumf %add3A_960, %add3A_971 : vector<16xf32>
      %max3A_974 = arith.maximumf %max3A_972, %max3A_973 : vector<16xf32>
      %sub3A_975 = arith.subf %add3A_938, %max3A_974 : vector<16xf32>
      %exp3A_976 = math.exp %sub3A_975 : vector<16xf32>
      %sub3A_977 = arith.subf %add3A_949, %max3A_974 : vector<16xf32>
      %exp3A_978 = math.exp %sub3A_977 : vector<16xf32>
      %sub3A_979 = arith.subf %add3A_960, %max3A_974 : vector<16xf32>
      %exp3A_980 = math.exp %sub3A_979 : vector<16xf32>
      %sub3A_981 = arith.subf %add3A_971, %max3A_974 : vector<16xf32>
      %exp3A_982 = math.exp %sub3A_981 : vector<16xf32>
      %add3A_983 = arith.addf %exp3A_976, %exp3A_978 : vector<16xf32>
      %add3A_984 = arith.addf %add3A_983, %exp3A_980 : vector<16xf32>
      %add3A_985 = arith.addf %add3A_984, %exp3A_982 : vector<16xf32>
      %div3A_986 = arith.constant 1.000000e+00 : f32
      %div3A_987 = vector.broadcast %div3A_986 : f32 to vector<16xf32>
      %div3A_988 = arith.divf %div3A_987, %add3A_985 : vector<16xf32>
      %mul3A_989 = arith.mulf %exp3A_976, %div3A_988 : vector<16xf32>
      %mul3A_990 = arith.mulf %mul3A_989, %sub3A_676 : vector<16xf32>
      %mul3A_991 = arith.mulf %exp3A_978, %div3A_988 : vector<16xf32>
      %mul3A_992 = arith.mulf %mul3A_991, %sub3A_743 : vector<16xf32>
      %mul3A_993 = arith.mulf %exp3A_980, %div3A_988 : vector<16xf32>
      %mul3A_994 = arith.mulf %mul3A_993, %sub3A_810 : vector<16xf32>
      %mul3A_995 = arith.mulf %exp3A_982, %div3A_988 : vector<16xf32>
      %mul3A_996 = arith.mulf %mul3A_995, %sub3A_877 : vector<16xf32>
      %mul3A_997 = arith.mulf %exp3A_976, %div3A_988 : vector<16xf32>
      %mul3A_998 = arith.mulf %mul3A_997, %sub3A_673 : vector<16xf32>
      %mul3A_999 = arith.mulf %exp3A_978, %div3A_988 : vector<16xf32>
      %mul3A_1000 = arith.mulf %mul3A_999, %sub3A_740 : vector<16xf32>
      %mul3A_1001 = arith.mulf %exp3A_980, %div3A_988 : vector<16xf32>
      %mul3A_1002 = arith.mulf %mul3A_1001, %sub3A_807 : vector<16xf32>
      %mul3A_1003 = arith.mulf %exp3A_982, %div3A_988 : vector<16xf32>
      %mul3A_1004 = arith.mulf %mul3A_1003, %sub3A_874 : vector<16xf32>
      %parallel_loop3A_1005 = arith.constant 0 : i32
      %parallel_loop3A_1006 = arith.constant 64 : i32
      %parallel_loop3A_1007 = arith.constant 1 : i32
      scf.for %parallel_loop3A_1038 = %parallel_loop3A_1005 to %parallel_loop3A_1006 step %parallel_loop3A_1007  : i32 {
        %parallel_loop3A_1039 = arith.constant 0 : i32
        %parallel_loop3A_1040 = vector.broadcast %parallel_loop3A_1039 : i32 to vector<16xi32>
        %parallel_loop3A_1041 = vector.broadcast %parallel_loop3A_1038 : i32 to vector<16xi32>
        %parallel_loop3A_1042 = arith.addi %parallel_loop3A_1040, %parallel_loop3A_1041 : vector<16xi32>
        %parallel_loop3A_1043 = arith.constant 0.000000e+00 : f32
        %parallel_loop3A_1044 = vector.broadcast %parallel_loop3A_1043 : f32 to vector<16xf32>
        %parallel_loop3A_1045 = tpu.vector_load_idx %arg11[%and3A_679, %parallel_loop3A_1042] : memref<512x65xf32, #tpu.memory_space<vmem>>[vector<16xi32>, vector<16xi32>], vector<16xf32>,
        %parallel_loop3A_1046 = tpu.vector_load_idx %arg11[%and3A_682, %parallel_loop3A_1042] : memref<512x65xf32, #tpu.memory_space<vmem>>[vector<16xi32>, vector<16xi32>], vector<16xf32>,
        %parallel_loop3A_1047 = arith.mulf %mul3A_990, %parallel_loop3A_1045 : vector<16xf32>
        %parallel_loop3A_1048 = arith.addf %parallel_loop3A_1044, %parallel_loop3A_1047 : vector<16xf32>
        %parallel_loop3A_1049 = arith.mulf %mul3A_998, %parallel_loop3A_1046 : vector<16xf32>
        %parallel_loop3A_1050 = arith.addf %parallel_loop3A_1048, %parallel_loop3A_1049 : vector<16xf32>
        %parallel_loop3A_1051 = tpu.vector_load_idx %arg11[%and3A_746, %parallel_loop3A_1042] : memref<512x65xf32, #tpu.memory_space<vmem>>[vector<16xi32>, vector<16xi32>], vector<16xf32>,
        %parallel_loop3A_1052 = tpu.vector_load_idx %arg11[%and3A_749, %parallel_loop3A_1042] : memref<512x65xf32, #tpu.memory_space<vmem>>[vector<16xi32>, vector<16xi32>], vector<16xf32>,
        %parallel_loop3A_1053 = arith.mulf %mul3A_992, %parallel_loop3A_1051 : vector<16xf32>
        %parallel_loop3A_1054 = arith.addf %parallel_loop3A_1050, %parallel_loop3A_1053 : vector<16xf32>
        %parallel_loop3A_1055 = arith.mulf %mul3A_1000, %parallel_loop3A_1052 : vector<16xf32>
        %parallel_loop3A_1056 = arith.addf %parallel_loop3A_1054, %parallel_loop3A_1055 : vector<16xf32>
        %parallel_loop3A_1057 = tpu.vector_load_idx %arg11[%and3A_813, %parallel_loop3A_1042] : memref<512x65xf32, #tpu.memory_space<vmem>>[vector<16xi32>, vector<16xi32>], vector<16xf32>,
        %parallel_loop3A_1058 = tpu.vector_load_idx %arg11[%and3A_816, %parallel_loop3A_1042] : memref<512x65xf32, #tpu.memory_space<vmem>>[vector<16xi32>, vector<16xi32>], vector<16xf32>,
        %parallel_loop3A_1059 = arith.mulf %mul3A_994, %parallel_loop3A_1057 : vector<16xf32>
        %parallel_loop3A_1060 = arith.addf %parallel_loop3A_1056, %parallel_loop3A_1059 : vector<16xf32>
        %parallel_loop3A_1061 = arith.mulf %mul3A_1002, %parallel_loop3A_1058 : vector<16xf32>
        %parallel_loop3A_1062 = arith.addf %parallel_loop3A_1060, %parallel_loop3A_1061 : vector<16xf32>
        %parallel_loop3A_1063 = tpu.vector_load_idx %arg11[%and3A_880, %parallel_loop3A_1042] : memref<512x65xf32, #tpu.memory_space<vmem>>[vector<16xi32>, vector<16xi32>], vector<16xf32>,
        %parallel_loop3A_1064 = tpu.vector_load_idx %arg11[%and3A_883, %parallel_loop3A_1042] : memref<512x65xf32, #tpu.memory_space<vmem>>[vector<16xi32>, vector<16xi32>], vector<16xf32>,
        %parallel_loop3A_1065 = arith.mulf %mul3A_996, %parallel_loop3A_1063 : vector<16xf32>
        %parallel_loop3A_1066 = arith.addf %parallel_loop3A_1062, %parallel_loop3A_1065 : vector<16xf32>
        %parallel_loop3A_1067 = arith.mulf %mul3A_1004, %parallel_loop3A_1064 : vector<16xf32>
        %parallel_loop3A_1068 = arith.addf %parallel_loop3A_1066, %parallel_loop3A_1067 : vector<16xf32>
        tpu.vector_store_idx %arg15[%iota3A, %parallel_loop3A_1042], %parallel_loop3A_1068 : memref<16x65xf32, #tpu.memory_space<vmem>>[vector<16xi32>, vector<16xi32>], vector<16xf32>,
      } {sc.loop_unroll_factor = 2 : i64, sc.parallel_access}
      %gt3A_1008 = arith.constant 0 : i32
      %gt3A_1009 = vector.broadcast %gt3A_1008 : i32 to vector<16xi32>
      %gt3A_1010 = arith.cmpi sgt, %or3A_921, %gt3A_1009 : vector<16xi32>
      %reduce_or3A_1011 = arith.constant 1.000000e+00 : f32
      %reduce_or3A_1012 = arith.constant 0.000000e+00 : f32
      %reduce_or3A_1013 = vector.broadcast %reduce_or3A_1011 : f32 to vector<16xf32>
      %reduce_or3A_1014 = vector.broadcast %reduce_or3A_1012 : f32 to vector<16xf32>
      %reduce_or3A_1015 = arith.select %gt3A_1010, %reduce_or3A_1013, %reduce_or3A_1014 : vector<16xi1>, vector<16xf32>
      %reduce_or3A_1016 = arith.constant true
      %reduce_or3A_1017 = vector.broadcast %reduce_or3A_1016 : i1 to vector<16xi1>
      %reduce_or3A_1018 = tpu.scan <max>, %reduce_or3A_1015 masked %reduce_or3A_1017 : vector<16xf32>, vector<16xi1> -> vector<16xf32>
      %reduce_or3A_1019 = vector.extract %reduce_or3A_1018[15] : f32 from vector<16xf32>
      %reduce_or3A_1020 = arith.constant 0.000000e+00 : f32
      %reduce_or3A_1021 = arith.cmpf ogt, %reduce_or3A_1019, %reduce_or3A_1020 : f32
      %convert_element_type3A_1022 = arith.extui %reduce_or3A_1021 : i1 to i32
      %cond3A_1023 = arith.constant 0 : i32
      %cond3A_1024 = arith.cmpi ne, %convert_element_type3A_1022, %cond3A_1023 : i32
      scf.if %cond3A_1024 {
        %dma_start3A_1038 = arith.constant 0 : i32
        %dma_start3A_1039 = arith.constant 0 : i32
        %dma_start3A_1040 = tpu.memref_slice %arg4[%dma_start3A_1038, %dma_start3A_1039] : memref<131072x64xf32, #tpu.memory_space<hbm>> -> memref<131072x64xf32, #tpu.memory_space<hbm>>
        tpu.enqueue_indirect_dma source(%dma_start3A_1040 : memref<131072x64xf32, #tpu.memory_space<hbm>>) target(%arg18 : memref<128x64xf32, #tpu.memory_space<vmem>>) offsets(%arg16 : memref<128xi32, #tpu.memory_space<vmem>>) semaphore(%arg26 : memref<!tpu.dma_semaphore, #tpu.memory_space<semaphore_mem>>)
        %dma_start3A_1041 = arith.constant 0 : i32
        %dma_start3A_1042 = arith.constant 0 : i32
        %dma_start3A_1043 = tpu.memref_slice %arg4[%dma_start3A_1041, %dma_start3A_1042] : memref<131072x64xf32, #tpu.memory_space<hbm>> -> memref<131072x64xf32, #tpu.memory_space<hbm>>
        tpu.enqueue_indirect_dma source(%dma_start3A_1043 : memref<131072x64xf32, #tpu.memory_space<hbm>>) target(%arg19 : memref<128x64xf32, #tpu.memory_space<vmem>>) offsets(%arg17 : memref<128xi32, #tpu.memory_space<vmem>>) semaphore(%arg27 : memref<!tpu.dma_semaphore, #tpu.memory_space<semaphore_mem>>)
        %dma_wait3A_1044 = arith.constant 0 : i32
        %dma_wait3A_1045 = arith.constant 0 : i32
        %dma_wait3A_1046 = tpu.memref_slice %arg4[%dma_wait3A_1044, %dma_wait3A_1045] : memref<131072x64xf32, #tpu.memory_space<hbm>> -> memref<131072x64xf32, #tpu.memory_space<hbm>>
        tpu.wait_indirect_dma semaphore(%arg26 : memref<!tpu.dma_semaphore, #tpu.memory_space<semaphore_mem>>) src(%dma_wait3A_1046 : memref<131072x64xf32, #tpu.memory_space<hbm>>) dst(%arg18 : memref<128x64xf32, #tpu.memory_space<vmem>>)
        %dma_wait3A_1047 = arith.constant 0 : i32
        %dma_wait3A_1048 = arith.constant 0 : i32
        %dma_wait3A_1049 = tpu.memref_slice %arg4[%dma_wait3A_1047, %dma_wait3A_1048] : memref<131072x64xf32, #tpu.memory_space<hbm>> -> memref<131072x64xf32, #tpu.memory_space<hbm>>
        tpu.wait_indirect_dma semaphore(%arg27 : memref<!tpu.dma_semaphore, #tpu.memory_space<semaphore_mem>>) src(%dma_wait3A_1049 : memref<131072x64xf32, #tpu.memory_space<hbm>>) dst(%arg19 : memref<128x64xf32, #tpu.memory_space<vmem>>)
        %broadcast_in_dim3A_1050 = arith.constant 0.000000e+00 : f32
        %broadcast_in_dim3A_1051 = vector.broadcast %broadcast_in_dim3A_1050 : f32 to vector<16xf32>
        %parallel_loop3A_1052 = arith.constant 0 : i32
        %parallel_loop3A_1053 = arith.constant 64 : i32
        %parallel_loop3A_1054 = arith.constant 1 : i32
        %parallel_loop3A_1055:8 = scf.for %parallel_loop3A_1136 = %parallel_loop3A_1052 to %parallel_loop3A_1053 step %parallel_loop3A_1054 iter_args(%parallel_loop3A_1137 = %broadcast_in_dim3A_1051, %parallel_loop3A_1138 = %broadcast_in_dim3A_1051, %parallel_loop3A_1139 = %broadcast_in_dim3A_1051, %parallel_loop3A_1140 = %broadcast_in_dim3A_1051, %parallel_loop3A_1141 = %broadcast_in_dim3A_1051, %parallel_loop3A_1142 = %broadcast_in_dim3A_1051, %parallel_loop3A_1143 = %broadcast_in_dim3A_1051, %parallel_loop3A_1144 = %broadcast_in_dim3A_1051) -> (vector<16xf32>, vector<16xf32>, vector<16xf32>, vector<16xf32>, vector<16xf32>, vector<16xf32>, vector<16xf32>, vector<16xf32>)  : i32 {
          %parallel_loop3A_1145 = arith.constant 0 : i32
          %parallel_loop3A_1146 = vector.broadcast %parallel_loop3A_1145 : i32 to vector<16xi32>
          %parallel_loop3A_1147 = vector.broadcast %parallel_loop3A_1136 : i32 to vector<16xi32>
          %parallel_loop3A_1148 = arith.addi %parallel_loop3A_1146, %parallel_loop3A_1147 : vector<16xi32>
          %parallel_loop3A_1149 = tpu.vector_load_idx %arg13[%iota3A, %parallel_loop3A_1148] : memref<16x65xf32, #tpu.memory_space<vmem>>[vector<16xi32>, vector<16xi32>], vector<16xf32>,
          %parallel_loop3A_1150 = tpu.vector_load_idx %arg18[%add3A_50, %parallel_loop3A_1148] : memref<128x64xf32, #tpu.memory_space<vmem>>[vector<16xi32>, vector<16xi32>], vector<16xf32>,
          %parallel_loop3A_1151 = tpu.vector_load_idx %arg18[%add3A_62, %parallel_loop3A_1148] : memref<128x64xf32, #tpu.memory_space<vmem>>[vector<16xi32>, vector<16xi32>], vector<16xf32>,
          %parallel_loop3A_1152 = arith.mulf %parallel_loop3A_1149, %parallel_loop3A_1150 : vector<16xf32>
          %parallel_loop3A_1153 = arith.addf %parallel_loop3A_1137, %parallel_loop3A_1152 : vector<16xf32>
          %parallel_loop3A_1154 = arith.mulf %parallel_loop3A_1149, %parallel_loop3A_1151 : vector<16xf32>
          %parallel_loop3A_1155 = arith.addf %parallel_loop3A_1138, %parallel_loop3A_1154 : vector<16xf32>
          %parallel_loop3A_1156 = tpu.vector_load_idx %arg18[%add3A_53, %parallel_loop3A_1148] : memref<128x64xf32, #tpu.memory_space<vmem>>[vector<16xi32>, vector<16xi32>], vector<16xf32>,
          %parallel_loop3A_1157 = tpu.vector_load_idx %arg18[%add3A_65, %parallel_loop3A_1148] : memref<128x64xf32, #tpu.memory_space<vmem>>[vector<16xi32>, vector<16xi32>], vector<16xf32>,
          %parallel_loop3A_1158 = arith.mulf %parallel_loop3A_1149, %parallel_loop3A_1156 : vector<16xf32>
          %parallel_loop3A_1159 = arith.addf %parallel_loop3A_1139, %parallel_loop3A_1158 : vector<16xf32>
          %parallel_loop3A_1160 = arith.mulf %parallel_loop3A_1149, %parallel_loop3A_1157 : vector<16xf32>
          %parallel_loop3A_1161 = arith.addf %parallel_loop3A_1140, %parallel_loop3A_1160 : vector<16xf32>
          %parallel_loop3A_1162 = tpu.vector_load_idx %arg18[%add3A_56, %parallel_loop3A_1148] : memref<128x64xf32, #tpu.memory_space<vmem>>[vector<16xi32>, vector<16xi32>], vector<16xf32>,
          %parallel_loop3A_1163 = tpu.vector_load_idx %arg18[%add3A_68, %parallel_loop3A_1148] : memref<128x64xf32, #tpu.memory_space<vmem>>[vector<16xi32>, vector<16xi32>], vector<16xf32>,
          %parallel_loop3A_1164 = arith.mulf %parallel_loop3A_1149, %parallel_loop3A_1162 : vector<16xf32>
          %parallel_loop3A_1165 = arith.addf %parallel_loop3A_1141, %parallel_loop3A_1164 : vector<16xf32>
          %parallel_loop3A_1166 = arith.mulf %parallel_loop3A_1149, %parallel_loop3A_1163 : vector<16xf32>
          %parallel_loop3A_1167 = arith.addf %parallel_loop3A_1142, %parallel_loop3A_1166 : vector<16xf32>
          %parallel_loop3A_1168 = tpu.vector_load_idx %arg18[%add3A_59, %parallel_loop3A_1148] : memref<128x64xf32, #tpu.memory_space<vmem>>[vector<16xi32>, vector<16xi32>], vector<16xf32>,
          %parallel_loop3A_1169 = tpu.vector_load_idx %arg18[%add3A_71, %parallel_loop3A_1148] : memref<128x64xf32, #tpu.memory_space<vmem>>[vector<16xi32>, vector<16xi32>], vector<16xf32>,
          %parallel_loop3A_1170 = arith.mulf %parallel_loop3A_1149, %parallel_loop3A_1168 : vector<16xf32>
          %parallel_loop3A_1171 = arith.addf %parallel_loop3A_1143, %parallel_loop3A_1170 : vector<16xf32>
          %parallel_loop3A_1172 = arith.mulf %parallel_loop3A_1149, %parallel_loop3A_1169 : vector<16xf32>
          %parallel_loop3A_1173 = arith.addf %parallel_loop3A_1144, %parallel_loop3A_1172 : vector<16xf32>
          scf.yield %parallel_loop3A_1153, %parallel_loop3A_1155, %parallel_loop3A_1159, %parallel_loop3A_1161, %parallel_loop3A_1165, %parallel_loop3A_1167, %parallel_loop3A_1171, %parallel_loop3A_1173 : vector<16xf32>, vector<16xf32>, vector<16xf32>, vector<16xf32>, vector<16xf32>, vector<16xf32>, vector<16xf32>, vector<16xf32>
        } {sc.loop_unroll_factor = 2 : i64, sc.parallel_access}
        %mul3A_1056 = arith.mulf %sub3A_676, %parallel_loop3A_1055#0 : vector<16xf32>
        %mul3A_1057 = arith.mulf %sub3A_673, %parallel_loop3A_1055#1 : vector<16xf32>
        %add3A_1058 = arith.addf %mul3A_1056, %mul3A_1057 : vector<16xf32>
        %mul3A_1059 = arith.constant 1.250000e-01 : f32
        %mul3A_1060 = vector.broadcast %mul3A_1059 : f32 to vector<16xf32>
        %mul3A_1061 = arith.mulf %add3A_1058, %mul3A_1060 : vector<16xf32>
        %get3A_1062 = arith.constant 0 : i32
        %get3A_1063 = arith.index_cast %get3A_1062 : i32 to index
        %get3A_1064 = arith.index_cast %mul3A_610 : i32 to index
        %get3A_1065 = tpu.vector_load %arg9[%get3A_1063, %get3A_1064] {strides = array<i32>} : memref<4x2048xf32, #tpu.memory_space<vmem>>, vector<16xf32>,
        %add3A_1066 = arith.addf %mul3A_1061, %get3A_1065 : vector<16xf32>
        %mul3A_1067 = arith.mulf %sub3A_743, %parallel_loop3A_1055#2 : vector<16xf32>
        %mul3A_1068 = arith.mulf %sub3A_740, %parallel_loop3A_1055#3 : vector<16xf32>
        %add3A_1069 = arith.addf %mul3A_1067, %mul3A_1068 : vector<16xf32>
        %mul3A_1070 = arith.constant 1.250000e-01 : f32
        %mul3A_1071 = vector.broadcast %mul3A_1070 : f32 to vector<16xf32>
        %mul3A_1072 = arith.mulf %add3A_1069, %mul3A_1071 : vector<16xf32>
        %get3A_1073 = arith.constant 1 : i32
        %get3A_1074 = arith.index_cast %get3A_1073 : i32 to index
        %get3A_1075 = arith.index_cast %mul3A_610 : i32 to index
        %get3A_1076 = tpu.vector_load %arg9[%get3A_1074, %get3A_1075] {strides = array<i32>} : memref<4x2048xf32, #tpu.memory_space<vmem>>, vector<16xf32>,
        %add3A_1077 = arith.addf %mul3A_1072, %get3A_1076 : vector<16xf32>
        %mul3A_1078 = arith.mulf %sub3A_810, %parallel_loop3A_1055#4 : vector<16xf32>
        %mul3A_1079 = arith.mulf %sub3A_807, %parallel_loop3A_1055#5 : vector<16xf32>
        %add3A_1080 = arith.addf %mul3A_1078, %mul3A_1079 : vector<16xf32>
        %mul3A_1081 = arith.constant 1.250000e-01 : f32
        %mul3A_1082 = vector.broadcast %mul3A_1081 : f32 to vector<16xf32>
        %mul3A_1083 = arith.mulf %add3A_1080, %mul3A_1082 : vector<16xf32>
        %get3A_1084 = arith.constant 2 : i32
        %get3A_1085 = arith.index_cast %get3A_1084 : i32 to index
        %get3A_1086 = arith.index_cast %mul3A_610 : i32 to index
        %get3A_1087 = tpu.vector_load %arg9[%get3A_1085, %get3A_1086] {strides = array<i32>} : memref<4x2048xf32, #tpu.memory_space<vmem>>, vector<16xf32>,
        %add3A_1088 = arith.addf %mul3A_1083, %get3A_1087 : vector<16xf32>
        %mul3A_1089 = arith.mulf %sub3A_877, %parallel_loop3A_1055#6 : vector<16xf32>
        %mul3A_1090 = arith.mulf %sub3A_874, %parallel_loop3A_1055#7 : vector<16xf32>
        %add3A_1091 = arith.addf %mul3A_1089, %mul3A_1090 : vector<16xf32>
        %mul3A_1092 = arith.constant 1.250000e-01 : f32
        %mul3A_1093 = vector.broadcast %mul3A_1092 : f32 to vector<16xf32>
        %mul3A_1094 = arith.mulf %add3A_1091, %mul3A_1093 : vector<16xf32>
        %get3A_1095 = arith.constant 3 : i32
        %get3A_1096 = arith.index_cast %get3A_1095 : i32 to index
        %get3A_1097 = arith.index_cast %mul3A_610 : i32 to index
        %get3A_1098 = tpu.vector_load %arg9[%get3A_1096, %get3A_1097] {strides = array<i32>} : memref<4x2048xf32, #tpu.memory_space<vmem>>, vector<16xf32>,
        %add3A_1099 = arith.addf %mul3A_1094, %get3A_1098 : vector<16xf32>
        %max3A_1100 = arith.maximumf %add3A_1066, %add3A_1077 : vector<16xf32>
        %max3A_1101 = arith.maximumf %add3A_1088, %add3A_1099 : vector<16xf32>
        %max3A_1102 = arith.maximumf %max3A_1100, %max3A_1101 : vector<16xf32>
        %sub3A_1103 = arith.subf %add3A_1066, %max3A_1102 : vector<16xf32>
        %exp3A_1104 = math.exp %sub3A_1103 : vector<16xf32>
        %sub3A_1105 = arith.subf %add3A_1077, %max3A_1102 : vector<16xf32>
        %exp3A_1106 = math.exp %sub3A_1105 : vector<16xf32>
        %sub3A_1107 = arith.subf %add3A_1088, %max3A_1102 : vector<16xf32>
        %exp3A_1108 = math.exp %sub3A_1107 : vector<16xf32>
        %sub3A_1109 = arith.subf %add3A_1099, %max3A_1102 : vector<16xf32>
        %exp3A_1110 = math.exp %sub3A_1109 : vector<16xf32>
        %add3A_1111 = arith.addf %exp3A_1104, %exp3A_1106 : vector<16xf32>
        %add3A_1112 = arith.addf %add3A_1111, %exp3A_1108 : vector<16xf32>
        %add3A_1113 = arith.addf %add3A_1112, %exp3A_1110 : vector<16xf32>
        %div3A_1114 = arith.constant 1.000000e+00 : f32
        %div3A_1115 = vector.broadcast %div3A_1114 : f32 to vector<16xf32>
        %div3A_1116 = arith.divf %div3A_1115, %add3A_1113 : vector<16xf32>
        %mul3A_1117 = arith.mulf %exp3A_1104, %div3A_1116 : vector<16xf32>
        %mul3A_1118 = arith.mulf %mul3A_1117, %sub3A_676 : vector<16xf32>
        %mul3A_1119 = arith.mulf %exp3A_1106, %div3A_1116 : vector<16xf32>
        %mul3A_1120 = arith.mulf %mul3A_1119, %sub3A_743 : vector<16xf32>
        %mul3A_1121 = arith.mulf %exp3A_1108, %div3A_1116 : vector<16xf32>
        %mul3A_1122 = arith.mulf %mul3A_1121, %sub3A_810 : vector<16xf32>
        %mul3A_1123 = arith.mulf %exp3A_1110, %div3A_1116 : vector<16xf32>
        %mul3A_1124 = arith.mulf %mul3A_1123, %sub3A_877 : vector<16xf32>
        %mul3A_1125 = arith.mulf %exp3A_1104, %div3A_1116 : vector<16xf32>
        %mul3A_1126 = arith.mulf %mul3A_1125, %sub3A_673 : vector<16xf32>
        %mul3A_1127 = arith.mulf %exp3A_1106, %div3A_1116 : vector<16xf32>
        %mul3A_1128 = arith.mulf %mul3A_1127, %sub3A_740 : vector<16xf32>
        %mul3A_1129 = arith.mulf %exp3A_1108, %div3A_1116 : vector<16xf32>
        %mul3A_1130 = arith.mulf %mul3A_1129, %sub3A_807 : vector<16xf32>
        %mul3A_1131 = arith.mulf %exp3A_1110, %div3A_1116 : vector<16xf32>
        %mul3A_1132 = arith.mulf %mul3A_1131, %sub3A_874 : vector<16xf32>
        %parallel_loop3A_1133 = arith.constant 0 : i32
        %parallel_loop3A_1134 = arith.constant 64 : i32
        %parallel_loop3A_1135 = arith.constant 1 : i32
        scf.for %parallel_loop3A_1136 = %parallel_loop3A_1133 to %parallel_loop3A_1134 step %parallel_loop3A_1135  : i32 {
          %parallel_loop3A_1137 = arith.constant 0 : i32
          %parallel_loop3A_1138 = vector.broadcast %parallel_loop3A_1137 : i32 to vector<16xi32>
          %parallel_loop3A_1139 = vector.broadcast %parallel_loop3A_1136 : i32 to vector<16xi32>
          %parallel_loop3A_1140 = arith.addi %parallel_loop3A_1138, %parallel_loop3A_1139 : vector<16xi32>
          %parallel_loop3A_1141 = arith.constant 0.000000e+00 : f32
          %parallel_loop3A_1142 = vector.broadcast %parallel_loop3A_1141 : f32 to vector<16xf32>
          %parallel_loop3A_1143 = tpu.vector_load_idx %arg19[%add3A_50, %parallel_loop3A_1140] : memref<128x64xf32, #tpu.memory_space<vmem>>[vector<16xi32>, vector<16xi32>], vector<16xf32>,
          %parallel_loop3A_1144 = tpu.vector_load_idx %arg19[%add3A_62, %parallel_loop3A_1140] : memref<128x64xf32, #tpu.memory_space<vmem>>[vector<16xi32>, vector<16xi32>], vector<16xf32>,
          %parallel_loop3A_1145 = arith.mulf %mul3A_1118, %parallel_loop3A_1143 : vector<16xf32>
          %parallel_loop3A_1146 = arith.addf %parallel_loop3A_1142, %parallel_loop3A_1145 : vector<16xf32>
          %parallel_loop3A_1147 = arith.mulf %mul3A_1126, %parallel_loop3A_1144 : vector<16xf32>
          %parallel_loop3A_1148 = arith.addf %parallel_loop3A_1146, %parallel_loop3A_1147 : vector<16xf32>
          %parallel_loop3A_1149 = tpu.vector_load_idx %arg19[%add3A_53, %parallel_loop3A_1140] : memref<128x64xf32, #tpu.memory_space<vmem>>[vector<16xi32>, vector<16xi32>], vector<16xf32>,
          %parallel_loop3A_1150 = tpu.vector_load_idx %arg19[%add3A_65, %parallel_loop3A_1140] : memref<128x64xf32, #tpu.memory_space<vmem>>[vector<16xi32>, vector<16xi32>], vector<16xf32>,
          %parallel_loop3A_1151 = arith.mulf %mul3A_1120, %parallel_loop3A_1149 : vector<16xf32>
          %parallel_loop3A_1152 = arith.addf %parallel_loop3A_1148, %parallel_loop3A_1151 : vector<16xf32>
          %parallel_loop3A_1153 = arith.mulf %mul3A_1128, %parallel_loop3A_1150 : vector<16xf32>
          %parallel_loop3A_1154 = arith.addf %parallel_loop3A_1152, %parallel_loop3A_1153 : vector<16xf32>
          %parallel_loop3A_1155 = tpu.vector_load_idx %arg19[%add3A_56, %parallel_loop3A_1140] : memref<128x64xf32, #tpu.memory_space<vmem>>[vector<16xi32>, vector<16xi32>], vector<16xf32>,
          %parallel_loop3A_1156 = tpu.vector_load_idx %arg19[%add3A_68, %parallel_loop3A_1140] : memref<128x64xf32, #tpu.memory_space<vmem>>[vector<16xi32>, vector<16xi32>], vector<16xf32>,
          %parallel_loop3A_1157 = arith.mulf %mul3A_1122, %parallel_loop3A_1155 : vector<16xf32>
          %parallel_loop3A_1158 = arith.addf %parallel_loop3A_1154, %parallel_loop3A_1157 : vector<16xf32>
          %parallel_loop3A_1159 = arith.mulf %mul3A_1130, %parallel_loop3A_1156 : vector<16xf32>
          %parallel_loop3A_1160 = arith.addf %parallel_loop3A_1158, %parallel_loop3A_1159 : vector<16xf32>
          %parallel_loop3A_1161 = tpu.vector_load_idx %arg19[%add3A_59, %parallel_loop3A_1140] : memref<128x64xf32, #tpu.memory_space<vmem>>[vector<16xi32>, vector<16xi32>], vector<16xf32>,
          %parallel_loop3A_1162 = tpu.vector_load_idx %arg19[%add3A_71, %parallel_loop3A_1140] : memref<128x64xf32, #tpu.memory_space<vmem>>[vector<16xi32>, vector<16xi32>], vector<16xf32>,
          %parallel_loop3A_1163 = arith.mulf %mul3A_1124, %parallel_loop3A_1161 : vector<16xf32>
          %parallel_loop3A_1164 = arith.addf %parallel_loop3A_1160, %parallel_loop3A_1163 : vector<16xf32>
          %parallel_loop3A_1165 = arith.mulf %mul3A_1132, %parallel_loop3A_1162 : vector<16xf32>
          %parallel_loop3A_1166 = arith.addf %parallel_loop3A_1164, %parallel_loop3A_1165 : vector<16xf32>
          tpu.vector_store_idx %arg15[%iota3A, %parallel_loop3A_1140], %parallel_loop3A_1166 : memref<16x65xf32, #tpu.memory_space<vmem>>[vector<16xi32>, vector<16xi32>], vector<16xf32>,
        } {sc.loop_unroll_factor = 2 : i64, sc.parallel_access}
      } else {
      }
      %add3A_1025 = arith.addi %mul3A_32, %mul3A_610 : i32
      %dma_start3A_1026 = arith.constant 0 : i32
      %dma_start3A_1027 = arith.constant 0 : i32
      %dma_start3A_1028 = tpu.memref_slice %arg15[%dma_start3A_1026, %dma_start3A_1027] : memref<16x65xf32, #tpu.memory_space<vmem>> -> memref<16x64xf32, #tpu.memory_space<vmem>>
      %dma_start3A_1029 = arith.constant 0 : i32
      %dma_start3A_1030 = tpu.memref_slice %arg7[%add3A_1025, %select_n3A_30, %dma_start3A_1029] : memref<4096x16x64xf32, #tpu.memory_space<hbm>> -> memref<16x1x64xf32, #tpu.memory_space<hbm>>
      %dma_start3A_1031 = tpu.memref_squeeze %dma_start3A_1030 : memref<16x1x64xf32, #tpu.memory_space<hbm>> -> memref<16x64xf32, #tpu.memory_space<hbm>>
      %dma_start3A_1032 = arith.constant 0 : i32
      %dma_start3A_1033 = tpu.memref_slice %arg7[%add3A_1025, %select_n3A_30, %dma_start3A_1032] : memref<4096x16x64xf32, #tpu.memory_space<hbm>> -> memref<16x1x64xf32, #tpu.memory_space<hbm>>
      %dma_start3A_1034 = tpu.memref_squeeze %dma_start3A_1033 : memref<16x1x64xf32, #tpu.memory_space<hbm>> -> memref<16x64xf32, #tpu.memory_space<hbm>>
      %dma_start3A_1035 = arith.constant 0 : i32
      %dma_start3A_1036 = arith.constant 0 : i32
      %dma_start3A_1037 = tpu.memref_slice %arg15[%dma_start3A_1035, %dma_start3A_1036] : memref<16x65xf32, #tpu.memory_space<vmem>> -> memref<16x64xf32, #tpu.memory_space<vmem>>
      tpu.enqueue_dma source(%dma_start3A_1037 : memref<16x64xf32, #tpu.memory_space<vmem>>) target(%dma_start3A_1034 : memref<16x64xf32, #tpu.memory_space<hbm>>) target_semaphore(%arg25 : memref<!tpu.dma_semaphore, #tpu.memory_space<semaphore_mem>>)
    }
    %scan3A_153 = arith.constant 64 : i32
    %add3A_154 = arith.constant 2048 : i32
    %add3A_155 = arith.addi %mul3A_32, %add3A_154 : i32
    %sub3A_156 = arith.constant 32 : i32
    %sub3A_157 = arith.subi %add3A_155, %sub3A_156 : i32
    %dma_wait3A_158 = arith.constant 0 : i32
    %dma_wait3A_159 = arith.constant 0 : i32
    %dma_wait3A_160 = tpu.memref_slice %arg14[%dma_wait3A_158, %dma_wait3A_159] : memref<16x65xf32, #tpu.memory_space<vmem>> -> memref<16x64xf32, #tpu.memory_space<vmem>>
    %dma_wait3A_161 = arith.constant 0 : i32
    %dma_wait3A_162 = tpu.memref_slice %arg7[%sub3A_157, %select_n3A_30, %dma_wait3A_161] : memref<4096x16x64xf32, #tpu.memory_space<hbm>> -> memref<16x1x64xf32, #tpu.memory_space<hbm>>
    %dma_wait3A_163 = tpu.memref_squeeze %dma_wait3A_162 : memref<16x1x64xf32, #tpu.memory_space<hbm>> -> memref<16x64xf32, #tpu.memory_space<hbm>>
    %dma_wait3A_164 = arith.constant 0 : i32
    %dma_wait3A_165 = tpu.memref_slice %arg7[%sub3A_157, %select_n3A_30, %dma_wait3A_164] : memref<4096x16x64xf32, #tpu.memory_space<hbm>> -> memref<16x1x64xf32, #tpu.memory_space<hbm>>
    %dma_wait3A_166 = tpu.memref_squeeze %dma_wait3A_165 : memref<16x1x64xf32, #tpu.memory_space<hbm>> -> memref<16x64xf32, #tpu.memory_space<hbm>>
    %dma_wait3A_167 = arith.constant 0 : i32
    %dma_wait3A_168 = arith.constant 0 : i32
    %dma_wait3A_169 = tpu.memref_slice %arg14[%dma_wait3A_167, %dma_wait3A_168] : memref<16x65xf32, #tpu.memory_space<vmem>> -> memref<16x64xf32, #tpu.memory_space<vmem>>
    tpu.wait_dma2 semaphore(%arg24 : memref<!tpu.dma_semaphore, #tpu.memory_space<semaphore_mem>>) src(%dma_wait3A_169 : memref<16x64xf32, #tpu.memory_space<vmem>>) dst(%dma_wait3A_166 : memref<16x64xf32, #tpu.memory_space<hbm>>)
    %add3A_170 = arith.constant 2048 : i32
    %add3A_171 = arith.addi %mul3A_32, %add3A_170 : i32
    %sub3A_172 = arith.constant 16 : i32
    %sub3A_173 = arith.subi %add3A_171, %sub3A_172 : i32
    %dma_wait3A_174 = arith.constant 0 : i32
    %dma_wait3A_175 = arith.constant 0 : i32
    %dma_wait3A_176 = tpu.memref_slice %arg15[%dma_wait3A_174, %dma_wait3A_175] : memref<16x65xf32, #tpu.memory_space<vmem>> -> memref<16x64xf32, #tpu.memory_space<vmem>>
    %dma_wait3A_177 = arith.constant 0 : i32
    %dma_wait3A_178 = tpu.memref_slice %arg7[%sub3A_173, %select_n3A_30, %dma_wait3A_177] : memref<4096x16x64xf32, #tpu.memory_space<hbm>> -> memref<16x1x64xf32, #tpu.memory_space<hbm>>
    %dma_wait3A_179 = tpu.memref_squeeze %dma_wait3A_178 : memref<16x1x64xf32, #tpu.memory_space<hbm>> -> memref<16x64xf32, #tpu.memory_space<hbm>>
    %dma_wait3A_180 = arith.constant 0 : i32
    %dma_wait3A_181 = tpu.memref_slice %arg7[%sub3A_173, %select_n3A_30, %dma_wait3A_180] : memref<4096x16x64xf32, #tpu.memory_space<hbm>> -> memref<16x1x64xf32, #tpu.memory_space<hbm>>
    %dma_wait3A_182 = tpu.memref_squeeze %dma_wait3A_181 : memref<16x1x64xf32, #tpu.memory_space<hbm>> -> memref<16x64xf32, #tpu.memory_space<hbm>>
    %dma_wait3A_183 = arith.constant 0 : i32
    %dma_wait3A_184 = arith.constant 0 : i32
    %dma_wait3A_185 = tpu.memref_slice %arg15[%dma_wait3A_183, %dma_wait3A_184] : memref<16x65xf32, #tpu.memory_space<vmem>> -> memref<16x64xf32, #tpu.memory_space<vmem>>
    tpu.wait_dma2 semaphore(%arg25 : memref<!tpu.dma_semaphore, #tpu.memory_space<semaphore_mem>>) src(%dma_wait3A_185 : memref<16x64xf32, #tpu.memory_space<vmem>>) dst(%dma_wait3A_182 : memref<16x64xf32, #tpu.memory_space<hbm>>)
    return
  }
}

module attributes {stable_mosaic.version = 14 : i64} {
  func.func @_mm_body(%arg0: i32, %arg1: i32, %arg2: memref<512x1024xf32, #tpu.memory_space<vmem>>, %arg3: memref<1024x1024xf32, #tpu.memory_space<vmem>>, %arg4: memref<1x1024xf32, #tpu.memory_space<vmem>>, %arg5: memref<512x1024xf32, #tpu.memory_space<vmem>>) attributes {dimension_semantics = [#tpu.dimension_semantics<arbitrary>, #tpu.dimension_semantics<arbitrary>], iteration_bounds = array<i64: 8, 2>, scalar_prefetch = 0 : i64, scratch_operands = 0 : i64, tpu.core_type = #tpu.core_type<tc>, window_params = [{transform_indices = @transform_0, window_bounds = array<i64: 512, 1024>}, {transform_indices = @transform_1, window_bounds = array<i64: 1024, 1024>}, {transform_indices = @transform_2, window_bounds = array<i64: 1, 1024>}, {transform_indices = @transform_3, window_bounds = array<i64: 512, 1024>}]} {
    %get3A = arith.constant 0 : index
    %get3A_0 = arith.constant 0 : index
    %get3A_1 = vector.load %arg2[%get3A, %get3A_0] : memref<512x1024xf32, #tpu.memory_space<vmem>>, vector<512x1024xf32>
    %get3A_2 = arith.constant 0 : index
    %get3A_3 = arith.constant 0 : index
    %get3A_4 = vector.load %arg3[%get3A_2, %get3A_3] : memref<1024x1024xf32, #tpu.memory_space<vmem>>, vector<1024x1024xf32>
    %dot_general3A = arith.constant dense<0.000000e+00> : vector<512x1024xf32>
    %dot_general3A_5 = tpu.matmul %get3A_1, %get3A_4, %dot_general3A {dimension_numbers = #tpu.dot_dimension_numbers<[1], [0], [0], [1], [0, 0, 1, 1], [], []>, transpose_lhs_hint = false} : vector<512x1024xf32>, vector<1024x1024xf32>, vector<512x1024xf32> -> vector<512x1024xf32>
    %get3A_6 = arith.constant 0 : index
    %get3A_7 = arith.constant 0 : index
    %get3A_8 = vector.load %arg4[%get3A_6, %get3A_7] : memref<1x1024xf32, #tpu.memory_space<vmem>>, vector<1x1024xf32>
    %add3A = vector.broadcast %get3A_8 : vector<1x1024xf32> to vector<512x1024xf32>
    %add3A_9 = arith.addf %dot_general3A_5, %add3A : vector<512x1024xf32>
    %swap3A = arith.constant 0 : index
    %swap3A_10 = arith.constant 0 : index
    %swap3A_11 = vector.load %arg5[%swap3A, %swap3A_10] : memref<512x1024xf32, #tpu.memory_space<vmem>>, vector<512x1024xf32>
    tpu.vector_store %arg5[%swap3A, %swap3A_10], %add3A_9 {strides = array<i32>} : memref<512x1024xf32, #tpu.memory_space<vmem>>, vector<512x1024xf32>,
    return
  }
  func.func @transform_0(%arg0: i32, %arg1: i32) -> (i32, i32) {
    %c0_i32 = arith.constant 0 : i32
    %c0_i32_0 = arith.constant 0 : i32
    return %arg0, %c0_i32 : i32, i32
  }
  func.func @transform_1(%arg0: i32, %arg1: i32) -> (i32, i32) {
    %c0_i32 = arith.constant 0 : i32
    %c0_i32_0 = arith.constant 0 : i32
    return %c0_i32, %arg1 : i32, i32
  }
  func.func @transform_2(%arg0: i32, %arg1: i32) -> (i32, i32) {
    %c0_i32 = arith.constant 0 : i32
    %c0_i32_0 = arith.constant 0 : i32
    return %c0_i32, %arg1 : i32, i32
  }
  func.func @transform_3(%arg0: i32, %arg1: i32) -> (i32, i32) {
    %c0_i32 = arith.constant 0 : i32
    return %arg0, %arg1 : i32, i32
  }
}

module attributes {stable_mosaic.version = 14 : i64} {
  func.func @_mm_body(%arg0: i32, %arg1: i32, %arg2: memref<512x1024xf32, #tpu.memory_space<vmem>>, %arg3: memref<1024x1152xf32, #tpu.memory_space<vmem>>, %arg4: memref<1x1152xf32, #tpu.memory_space<vmem>>, %arg5: memref<512x1152xf32, #tpu.memory_space<vmem>>) attributes {dimension_semantics = [#tpu.dimension_semantics<arbitrary>, #tpu.dimension_semantics<arbitrary>], iteration_bounds = array<i64: 8, 1>, scalar_prefetch = 0 : i64, scratch_operands = 0 : i64, tpu.core_type = #tpu.core_type<tc>, window_params = [{transform_indices = @transform_0, window_bounds = array<i64: 512, 1024>}, {transform_indices = @transform_1, window_bounds = array<i64: 1024, 1152>}, {transform_indices = @transform_2, window_bounds = array<i64: 1, 1152>}, {transform_indices = @transform_3, window_bounds = array<i64: 512, 1152>}]} {
    %get3A = arith.constant 0 : index
    %get3A_0 = arith.constant 0 : index
    %get3A_1 = vector.load %arg2[%get3A, %get3A_0] : memref<512x1024xf32, #tpu.memory_space<vmem>>, vector<512x1024xf32>
    %get3A_2 = arith.constant 0 : index
    %get3A_3 = arith.constant 0 : index
    %get3A_4 = vector.load %arg3[%get3A_2, %get3A_3] : memref<1024x1152xf32, #tpu.memory_space<vmem>>, vector<1024x1152xf32>
    %dot_general3A = arith.constant dense<0.000000e+00> : vector<512x1152xf32>
    %dot_general3A_5 = tpu.matmul %get3A_1, %get3A_4, %dot_general3A {dimension_numbers = #tpu.dot_dimension_numbers<[1], [0], [0], [1], [0, 0, 1, 1], [], []>, transpose_lhs_hint = false} : vector<512x1024xf32>, vector<1024x1152xf32>, vector<512x1152xf32> -> vector<512x1152xf32>
    %get3A_6 = arith.constant 0 : index
    %get3A_7 = arith.constant 0 : index
    %get3A_8 = vector.load %arg4[%get3A_6, %get3A_7] : memref<1x1152xf32, #tpu.memory_space<vmem>>, vector<1x1152xf32>
    %add3A = vector.broadcast %get3A_8 : vector<1x1152xf32> to vector<512x1152xf32>
    %add3A_9 = arith.addf %dot_general3A_5, %add3A : vector<512x1152xf32>
    %swap3A = arith.constant 0 : index
    %swap3A_10 = arith.constant 0 : index
    %swap3A_11 = vector.load %arg5[%swap3A, %swap3A_10] : memref<512x1152xf32, #tpu.memory_space<vmem>>, vector<512x1152xf32>
    tpu.vector_store %arg5[%swap3A, %swap3A_10], %add3A_9 {strides = array<i32>} : memref<512x1152xf32, #tpu.memory_space<vmem>>, vector<512x1152xf32>,
    return
  }
  func.func @transform_0(%arg0: i32, %arg1: i32) -> (i32, i32) {
    %c0_i32 = arith.constant 0 : i32
    %c0_i32_0 = arith.constant 0 : i32
    return %arg0, %c0_i32 : i32, i32
  }
  func.func @transform_1(%arg0: i32, %arg1: i32) -> (i32, i32) {
    %c0_i32 = arith.constant 0 : i32
    %c0_i32_0 = arith.constant 0 : i32
    return %c0_i32, %arg1 : i32, i32
  }
  func.func @transform_2(%arg0: i32, %arg1: i32) -> (i32, i32) {
    %c0_i32 = arith.constant 0 : i32
    %c0_i32_0 = arith.constant 0 : i32
    return %c0_i32, %arg1 : i32, i32
  }
  func.func @transform_3(%arg0: i32, %arg1: i32) -> (i32, i32) {
    %c0_i32 = arith.constant 0 : i32
    return %arg0, %arg1 : i32, i32
  }
}

module attributes {stable_mosaic.version = 14 : i64} {
  func.func @_mm_body(%arg0: i32, %arg1: i32, %arg2: memref<512x1024xf32, #tpu.memory_space<vmem>>, %arg3: memref<1024x1024xf32, #tpu.memory_space<vmem>>, %arg4: memref<1x1024xf32, #tpu.memory_space<vmem>>, %arg5: memref<512x1024xf32, #tpu.memory_space<vmem>>) attributes {dimension_semantics = [#tpu.dimension_semantics<arbitrary>, #tpu.dimension_semantics<arbitrary>], iteration_bounds = array<i64: 8, 1>, scalar_prefetch = 0 : i64, scratch_operands = 0 : i64, tpu.core_type = #tpu.core_type<tc>, window_params = [{transform_indices = @transform_0, window_bounds = array<i64: 512, 1024>}, {transform_indices = @transform_1, window_bounds = array<i64: 1024, 1024>}, {transform_indices = @transform_2, window_bounds = array<i64: 1, 1024>}, {transform_indices = @transform_3, window_bounds = array<i64: 512, 1024>}]} {
    %get3A = arith.constant 0 : index
    %get3A_0 = arith.constant 0 : index
    %get3A_1 = vector.load %arg2[%get3A, %get3A_0] : memref<512x1024xf32, #tpu.memory_space<vmem>>, vector<512x1024xf32>
    %get3A_2 = arith.constant 0 : index
    %get3A_3 = arith.constant 0 : index
    %get3A_4 = vector.load %arg3[%get3A_2, %get3A_3] : memref<1024x1024xf32, #tpu.memory_space<vmem>>, vector<1024x1024xf32>
    %dot_general3A = arith.constant dense<0.000000e+00> : vector<512x1024xf32>
    %dot_general3A_5 = tpu.matmul %get3A_1, %get3A_4, %dot_general3A {dimension_numbers = #tpu.dot_dimension_numbers<[1], [0], [0], [1], [0, 0, 1, 1], [], []>, transpose_lhs_hint = false} : vector<512x1024xf32>, vector<1024x1024xf32>, vector<512x1024xf32> -> vector<512x1024xf32>
    %get3A_6 = arith.constant 0 : index
    %get3A_7 = arith.constant 0 : index
    %get3A_8 = vector.load %arg4[%get3A_6, %get3A_7] : memref<1x1024xf32, #tpu.memory_space<vmem>>, vector<1x1024xf32>
    %add3A = vector.broadcast %get3A_8 : vector<1x1024xf32> to vector<512x1024xf32>
    %add3A_9 = arith.addf %dot_general3A_5, %add3A : vector<512x1024xf32>
    %swap3A = arith.constant 0 : index
    %swap3A_10 = arith.constant 0 : index
    %swap3A_11 = vector.load %arg5[%swap3A, %swap3A_10] : memref<512x1024xf32, #tpu.memory_space<vmem>>, vector<512x1024xf32>
    tpu.vector_store %arg5[%swap3A, %swap3A_10], %add3A_9 {strides = array<i32>} : memref<512x1024xf32, #tpu.memory_space<vmem>>, vector<512x1024xf32>,
    return
  }
  func.func @transform_0(%arg0: i32, %arg1: i32) -> (i32, i32) {
    %c0_i32 = arith.constant 0 : i32
    %c0_i32_0 = arith.constant 0 : i32
    return %arg0, %c0_i32 : i32, i32
  }
  func.func @transform_1(%arg0: i32, %arg1: i32) -> (i32, i32) {
    %c0_i32 = arith.constant 0 : i32
    %c0_i32_0 = arith.constant 0 : i32
    return %c0_i32, %arg1 : i32, i32
  }
  func.func @transform_2(%arg0: i32, %arg1: i32) -> (i32, i32) {
    %c0_i32 = arith.constant 0 : i32
    %c0_i32_0 = arith.constant 0 : i32
    return %c0_i32, %arg1 : i32, i32
  }
  func.func @transform_3(%arg0: i32, %arg1: i32) -> (i32, i32) {
    %c0_i32 = arith.constant 0 : i32
    return %arg0, %arg1 : i32, i32
  }
}

</mosaic_0001>

<sc_bundles>
// kernel: kernel.6.cloned.1.call-start
scs
__scs_entry_jumppad:
0x0: {  	(pc) =	sbr.rel $0x88, $3  }
0x1: {  	(tag) =	ssettag $0x0;
	lr =	simm.s32 $0x1  }
0x2: {  	[smem:$0x3F93] =	sst lr;
	_ =	strace $0xD0000000  }
0x3: {  	_ = 	snop  }
0x4: {  	_ = 	snop  }
0x5: {  	_ = 	snop  }
0x6: {  	_ = 	snop  }
0x7: {  	_ = 	snop  }
__scs_overlays_trampoline_lowered:
0x8: {  	[smem:$0x3FA2] =	sst s0  }
0x9: {  	[smem:$0x3FA3] =	sst s1  }
0xa: {  	[smem:$0x3FA4] =	sst s2  }
0xb: {  	[smem:$0x3FA5] =	sst s3  }
0xc: {  	[smem:$0x3FA6] =	sst s4  }
0xd: {  	[smem:$0x3FA7] =	sst s5  }
0xe: {  	[smem:$0x3FA8] =	sst s6  }
0xf: {  	[smem:$0x3FA9] =	sst s7  }
0x10: {  	[smem:$0x3FAA] =	sst s8  }
0x11: {  	[smem:$0x3FAB] =	sst s9;
	s0 =	simm.s32 @!p0 $0x0  }
0x12: {  	s1 =	sld [smem:$0x3F91];
	s0 =	simm.s32 @p0 $0x1  }
0x13: {  	[smem:$0x3FAC] =	sst s0;
	s0 =	simm.s32 @!p1 $0x0  }
0x14: {  	s2 =	sld [smem:$0x3F90];
	s0 =	simm.s32 @p1 $0x1  }
0x15: {  	[smem:$0x3FAD] =	sst s0;
	s0 =	simm.s32 @!p2 $0x0  }
0x16: {  	s3 =	sld [smem:$0x3FDB];
	s0 =	simm.s32 @p2 $0x1  }
0x17: {  	s4 =	simm.s32 $0x1BF5;
	[smem:$0x3FAF] =	sst s0  }
0x18: {  	s0 =	sld [smem:$0x3F92];
	_ =	swait.ge [sflag:s4], $0x0  }
0x19: {  	s7 =	sld [smem:$0x3F93]  }
0x1a: {  	s8 =	sadd.s32 $0xFFFFE003, lr  }
0x1b: {  	s9 =	sadd.s32 $0xFFFFFEF7, lr;
	s5 =	simm.s32 $0xFFFFFFFF;
	p2 =	slt.u32 s8, $0xFFFFF086  }
0x1c: {  	p1 =	slt.u32 s9, $0xF7A;
	s5 =	simm.s32 @!p2 $0x0  }
0x1d: {  	s5 =	simm.s32 @p1 $0x1;
	p0 =	seq.s32 s7, s2  }
0x1e: {  	s7 =	smul.u32 @!p0 $0xF7A, s2;
	p2 =	seq.s32 @!p0 s5, $0x0  }
0x1f: {  	s9 =	smul.u32 $0xF7A, s1;
	s8 =	simm.s32 @!p0 $0x1BF5;
	p2 =	por !p2, p0  }
0x20: {  	[sflag:s8] =	ssyncset.s32 @!p0 $0xFFFFF086;
	s6 =	sadd.s32 @!p0 s3, s7;
	s7 =	simm.s32 @!p0 $0x108  }
0x21: {  	s3 =	sadd.s32 s3, s9;
	s6 =	sadd.s32 @!p0 $0x88, s6;
	s7 =	simm.s32 @p2 $0x1082  }
0x22: {  	[simem:s7], [sflag:s8] =	dma.local @!p0 [hbm:s6], $0xF7A  }
0x23: {  	s9 =	sor.u32 $0xD0000000, s2;
	s6 =	simm.s32 $0x108;
	_ =	swait.ge @!p0 [sflag:s8], $0x0  }
0x24: {  	s3 =	sadd.s32 $0x88, s3;
	s6 =	simm.s32 @!p1 $0x1082;
	[sflag:s4] =	ssyncset.s32 $0xFFFFF086  }
0x25: {  	[simem:s6], [sflag:s4] =	dma.local [hbm:s3], $0xF7A  }
0x26: {  	[smem:$0x3F93] =	sst s1;
	(tag) =	ssettag s2;
	_ =	strace s9  }
0x27: {  	s1 =	sld [smem:$0x3FA3]  }
0x28: {  	s2 =	sld [smem:$0x3FA4]  }
0x29: {  	s4 =	sld [smem:$0x3FA6]  }
0x2a: {  	p0 =	seq.s32 s5, $0x0;
	s5 =	sld [smem:$0x3FA7]  }
0x2b: {  	s6 =	sld [smem:$0x3FA8]  }
0x2c: {  	s7 =	sld [smem:$0x3FA9]  }
0x2d: {  	s3 =	simm.s32 $0x108;
	s8 =	sld [smem:$0x3FAA]  }
0x2e: {  	s3 =	simm.s32 @!p0 $0x1082;
	s9 =	sld [smem:$0x3FAB]  }
0x2f: {  	lr =	sadd.s32 s0, s3;
	s0 =	sld [smem:$0x3FA2]  }
0x30: {  	s3 =	sld [smem:$0x3FA5]  }
0x31: {  	[smem:$0x3FAE] =	sst s10  }
0x32: {  	s10 =	sld [smem:$0x3FAC];
	_ =	sdelay $0x3  }
0x33: {  	p0 =	seq.s32 s10, $0x1;
	s10 =	sld [smem:$0x3FAE];
	_ =	sdelay $0x3  }
0x34: {  	[smem:$0x3FAE] =	sst s10  }
0x35: {  	s10 =	sld [smem:$0x3FAD];
	_ =	sdelay $0x3  }
0x36: {  	p1 =	seq.s32 s10, $0x1;
	s10 =	sld [smem:$0x3FAE];
	_ =	sdelay $0x3  }
0x37: {  	[smem:$0x3FAE] =	sst s10  }
0x38: {  	s10 =	sld [smem:$0x3FAF]  }
0x39: {  	_ = 	snop;
	(pc) =	sbr.ind lr, $3  }
0x3a: {  	_ = 	snop  }
0x3b: {  	_ = 	snop  }
0x3c: {  	p2 =	seq.s32 s10, $0x1;
	s10 =	sld [smem:$0x3FAE]  }
0x3d: {  	_ =	shalt  }
0x3e: {  	_ =	shalt  }
0x3f: {  	_ =	shalt  }
0x40: {  	_ =	shalt  }
0x41: {  	_ =	shalt  }
0x42: {  	_ =	shalt  }
0x43: {  	_ =	shalt  }
0x44: {  	_ =	shalt  }
0x45: {  	_ =	shalt  }
0x46: {  	_ =	shalt  }
0x47: {  	_ =	shalt  }
0x48: {  	_ =	shalt  }
0x49: {  	_ =	shalt  }
0x4a: {  	_ =	shalt  }
0x4b: {  	_ =	shalt  }
0x4c: {  	_ =	shalt  }
0x4d: {  	_ =	shalt  }
0x4e: {  	_ =	shalt  }
0x4f: {  	_ =	shalt  }
0x50: {  	_ =	shalt  }
0x51: {  	_ =	shalt  }
0x52: {  	_ =	shalt  }
0x53: {  	_ =	shalt  }
0x54: {  	_ =	shalt  }
0x55: {  	_ =	shalt  }
0x56: {  	_ =	shalt  }
0x57: {  	_ =	shalt  }
0x58: {  	_ =	shalt  }
0x59: {  	_ =	shalt  }
0x5a: {  	_ =	shalt  }
0x5b: {  	_ =	shalt  }
0x5c: {  	_ =	shalt  }
0x5d: {  	_ =	shalt  }
0x5e: {  	_ =	shalt  }
0x5f: {  	_ =	shalt  }
0x60: {  	_ =	shalt  }
0x61: {  	_ =	shalt  }
0x62: {  	_ =	shalt  }
0x63: {  	_ =	shalt  }
0x64: {  	_ =	shalt  }
0x65: {  	_ =	shalt  }
0x66: {  	_ =	shalt  }
0x67: {  	_ =	shalt  }
0x68: {  	_ =	shalt  }
0x69: {  	_ =	shalt  }
0x6a: {  	_ =	shalt  }
0x6b: {  	_ =	shalt  }
0x6c: {  	_ =	shalt  }
0x6d: {  	_ =	shalt  }
0x6e: {  	_ =	shalt  }
0x6f: {  	_ =	shalt  }
0x70: {  	_ =	shalt  }
0x71: {  	_ =	shalt  }
0x72: {  	_ =	shalt  }
0x73: {  	_ =	shalt  }
0x74: {  	_ =	shalt  }
0x75: {  	_ =	shalt  }
0x76: {  	_ =	shalt  }
0x77: {  	_ =	shalt  }
0x78: {  	_ =	shalt  }
0x79: {  	_ =	shalt  }
0x7a: {  	_ =	shalt  }
0x7b: {  	_ =	shalt  }
0x7c: {  	_ =	shalt  }
0x7d: {  	_ =	shalt  }
0x7e: {  	_ =	shalt  }
0x7f: {  	_ =	shalt  }
0x80: {  	_ =	shalt  }
0x81: {  	_ =	shalt  }
0x82: {  	_ =	shalt  }
0x83: {  	_ =	shalt  }
0x84: {  	_ =	shalt  }
0x85: {  	_ =	shalt  }
0x86: {  	_ =	shalt  }
0x87: {  	_ =	shalt  }
.Lfunc_end0:
.L_simem_size_0:
called_computation.2_lowered:
.L_overlay_start_0:
0x88: {  	s2 =	sld [smem:$0x3FD9]  }
0x89: {  	s3 =	sld [smem:$0x3FFE];
	_ =	sdelay $0x1  }
0x8a: {  	s1 =	srdreg.scid  }
0x8b: {  	s0 =	sand.u32 $0x1, s1  }
0x8c: {  	s17 =	sshll.u32 s0, $0xA;
	s2 =	sadd.s32 s3, s2  }
0x8d: {  	s2 =	sadd.s32 s2, s17  }
0x8e: {  	[smem:$0x3FBA] =	sst s2  }
0x8f: {  	_ = 	snop  }
0x90: {  	s2 =	sld [smem:$0x3FD0];
	(tm) =	ssettm $0x1  }
0x91: {  	s18 =	sld [smem:$0x3FFB];
	_ =	sdelay $0x3  }
0x92: {  	_ =	strace s18  }
0x93: {  	s3 =	sld [smem:$0x3FFC];
	_ =	sdelay $0x3  }
0x94: {  	_ =	strace s3  }
0x95: {  	s3 =	sld [smem:$0x3FFD];
	_ =	sdelay $0x3  }
0x96: {  	_ =	strace s3  }
0x97: {  	_ =	strace $0x8FFFFFFF  }
0x98: {  	s19 =	sld [smem:$0x3FDB];
	_ =	sdelay $0x1  }
0x99: {  	s4 =	simm.s32 $_scs_section_size  }
0x9a: {  	s5 =	simm.s32 $_size__tile_overlayer_lowered;
	s6 =	simm.s32 $_tile_overlayer_lowered  }
0x9b: {  	s22 =	simm.s32 $0x1BFF;
	s21 =	sshll.u32 s6, $0x1;
	s3 =	sadd.s32 s4, s19  }
0x9c: {  	s7 =	simm.s32 $0x0;
	s20 =	sshll.u32 s5, $0x1;
	s5 =	sadd.s32 s21, s3  }
0x9d: {  	[timem:s7], [sflag:s22] =	dma.local [hbm:s5], s20  }
0x9e: {  	_ =	swait.ge [sflag:s22], s20  }
0x9f: {  	s4 =	ssub.s32 $0x0, s20;
	[sflag:s22] =	ssyncset.done $0x0  }
0xa0: {  	[sflag:s22] =	ssyncadd.s32 s4;
	_ =	sdelay $0x1  }
0xa1: {  	s23 =	simm.s32 $0x1B8B  }
0xa2: {  	_ =	swait.ge [sflag:s23], $0x1  }
0xa3: {  	[sflag:s23] =	ssyncset.done $0x0  }
0xa4: {  	s25 =	simm.s32 $0x1B8E;
	s24 =	sld [smem:$0x3FFE];
	[sflag:s23] =	ssyncadd.s32 $0xFFFFFFFF  }
0xa5: {  	s26 =	simm.s32 $execute0_lowered;
	[smem:$0x3FD2] =	sst s25  }
0xa6: {  	s5 =	sshll.u32 s26, $0x1;
	_ =	strace $0x8000004C;
	[dreg:$0x1] =	wrdreg $0xFFFFFFFF  }
0xa7: {  	s28 =	simm.s32 $_size_execute0_lowered;
	s3 =	sadd.s32 s3, s5;
	[dreg:$0x0] =	wrdreg $0x0  }
0xa8: {  	s5 =	sshll.u32 s28, $0x1;
	[dreg:$0x2] =	wrdreg s3  }
0xa9: {  	[dreg:$0x3] =	wrdreg s5  }
0xaa: {  	[dreg:$0x4] =	wrdreg $0xC0  }
0xab: {  	_ =	task [dreg:s7], $0x5FFFF  }
0xac: {  	[dreg:$0x1] =	wrdreg $0xFFFFFFFF  }
0xad: {  	[dreg:$0x0] =	wrdreg $0x60  }
0xae: {  	[dreg:$0x2] =	wrdreg s24  }
0xaf: {  	[dreg:$0x3] =	wrdreg s2  }
0xb0: {  	[dreg:$0x4] =	wrdreg $0x9  }
0xb1: {  	_ =	task.clear_ibuf [dreg:s7], $0x5FFFF;
	_ =	strace $0x9000004C  }
0xb2: {  	s29 =	simm.s32 $0x9;
	_ =	strace $0x8000004E  }
0xb3: {  	_ =	swait.ge [sflag:s29], $0x1  }
0xb4: {  	[sflag:s29] =	ssyncadd.s32 $0xFFFFFFFF  }
0xb5: {  	_ =	strace $0x9000004E  }
0xb6: {  	_ =	sfence  }
0xb7: {  	s30 =	sld [smem:$0x0];
	_ =	sdelay $0x2  }
0xb8: {  	s31 =	sshll.u32 s1, $0xD;
	s1 =	sshrl.u32 s1, $0x2  }
0xb9: {  	s3 =	sand.u32 $0x4000, s31;
	s1 =	sadd.s32 s1, s30  }
0xba: {  	s0 =	sor.u32 s3, s0;
	s1 =	sshll.u32 s1, $0x11  }
0xbb: {  	s0 =	sor.u32 s1, s0  }
0xbc: {  	s0 =	sadd.s32 $0x8F2B, s0  }
0xbd: {  	[sflag:s0] =	ssyncadd.remote.s32 $0x1  }
0xbe: {  	_ =	sfence.sel $0xFFFF  }
0xbf: {  	[dreg:$0x0] =	wrdreg $0xFFFFFFFF;
	(pc) =	sbr.abs _section_cstart, $3  }
0xc0: {  	[dreg:$0x1] =	wrdreg $0xFFFFFFFF  }
0xc1: {  	_ =	task.clear_ibuf [dreg:s7], $0x2FFFF;
	_ =	strace $0x9FFFFFFF  }
0xc2: {  	(tm) =	ssettm $0x7FFFFFFF  }
0xc3: {  	_ =	shalt  }
tec
execute0_lowered:
.L_overlay_start_1:
0x0: {  	(tag) =	ssettag $0x1  }
0x1: {  	s0 =	rddreg [dreg:$0x0]  }
0x2: {  	s28 =	rddreg [dreg:$0x1];
	s3 =	simm.s32 $0x0;
	s1 =	srdreg.scid  }
0x3: {  	s4 =	stileid.u32;
	[smem:$0x7FF] =	sst s3  }
0x4: {  	s1 =	sand.u32 $0x1, s1;
	s2 =	sshll.u32 s4, $0x1;
	s11 =	sadd.s32 $0x692E00, s0  }
0x5: {  	s5 =	sadd.s32 $0x102E00, s0;
	s6 =	sadd.s32 $0x402E00, s0;
	s9 =	sshrl.u32 s4, $0x3  }
0x6: {  	_ =	strace $0x8000004D;
	s2 =	sor.u32 s1, s2;
	s1 =	ssub.s32 $0x2, s1  }
0x7: {  	s22 =	smul.u32 $0x240000, s9;
	s7 =	sshll.u32 s2, $0xA;
	s8 =	sshrl.u32 s1, $0x1  }
0x8: {  	s0 =	sadd.s32 s7, s0;
	s20 =	ssub.s32 s1, s8;
	s1 =	sand.u32 $0xF, s2  }
0x9: {  	s8 =	sshll.u32 s9, $0xB;
	s9 =	sshll.u32 s9, $0x16;
	s21 =	sadd.s32 $0x50AE00, s0  }
0xa: {  	s2 =	sshll.u32 s2, $0x6;
	s0 =	sadd.s32 $0x502E00, s0;
	[dreg:$0x3] =	wrdreg s21  }
0xb: {  	s10 =	sshll.u32 s1, $0x6;
	s23 =	sor.u32 $0x400, s2;
	[dreg:$0x4] =	wrdreg s0  }
0xc: {  	s0 =	sor.u32 s22, s10;
	s12 =	sor.u32 s9, s10;
	[dreg:$0x5] =	wrdreg s23  }
0xd: {  	s9 =	sor.u32 s9, s23;
	s2 =	sor.u32 $0x4800, s10;
	s24 =	sshrl.u32 s12, $0x3  }
0xe: {  	s26 =	sshrl.u32 s9, $0x3;
	[dreg:$0x9] =	wrdreg s2;
	s9 =	smax.u32 s20, $0x1  }
0xf: {  	s0 =	sshrl.u32 s0, $0x3;
	s25 =	sadd.s32 s5, s24;
	[dreg:$0xa] =	wrdreg s9  }
0x10: {  	s4 =	sadd.s32 s11, s0;
	s0 =	sadd.s32 s5, s26;
	[dreg:$0x7] =	wrdreg s25  }
0x11: {  	[dreg:$0x8] =	wrdreg s0  }
0x12: {  	s15 =	smov.u32 s11;
	s11 =	sadd.s32 $0x90, s4;
	[dreg:$0x6] =	wrdreg s4  }
0x13: {  	s12 =	sadd.s32 $0x120, s4;
	[dreg:$0xb] =	wrdreg s11  }
0x14: {  	s13 =	sadd.s32 $0x1B0, s4;
	[dreg:$0xc] =	wrdreg s12  }
0x15: {  	s14 =	sadd.s32 $0x240, s4;
	[dreg:$0xd] =	wrdreg s13  }
0x16: {  	s16 =	sadd.s32 $0x2D0, s4;
	[dreg:$0xe] =	wrdreg s14  }
0x17: {  	s17 =	sadd.s32 $0x360, s4;
	[dreg:$0xf] =	wrdreg s16  }
0x18: {  	s18 =	sadd.s32 $0x3F0, s4;
	[dreg:$0x10] =	wrdreg s17  }
0x19: {  	s30 =	simm.s32 $0x7;
	s19 =	sadd.s32 $0x480, s4;
	[dreg:$0x11] =	wrdreg s18  }
0x1a: {  	s31 =	simm.s32 $0x8;
	s20 =	sadd.s32 $0x510, s4;
	[dreg:$0x12] =	wrdreg s19  }
0x1b: {  	s29 =	simm.s32 $0x2;
	s21 =	sadd.s32 $0x5A0, s4;
	[dreg:$0x13] =	wrdreg s20  }
0x1c: {  	s7 =	simm.s32 $0x4000;
	s22 =	sadd.s32 $0x630, s4;
	[dreg:$0x14] =	wrdreg s21  }
0x1d: {  	s2 =	simm.s32 $0x16000;
	s23 =	sadd.s32 $0x6C0, s4;
	[dreg:$0x15] =	wrdreg s22  }
0x1e: {  	s9 =	simm.s32 $0xD000;
	s24 =	sadd.s32 $0x750, s4;
	[dreg:$0x16] =	wrdreg s23  }
.Ltmp0:
0x1f: {  	s25 =	sadd.s32 $0x7E0, s4;
	[dreg:$0x17] =	wrdreg s24;
	(pc) =	sbr.rel .LBB2_1-.Ltmp0, $4  }
0x20: {  	v1 =	vmov s8;
	s26 =	sadd.s32 $0x870, s4;
	s0 =	simm.s32 $0x3;
	[dreg:$0x18] =	wrdreg s25  }
0x21: {  	v0 =	vmov s1;
	[tilespmem:$0x1FFD0] =	vst v1;
	[dreg:$0x19] =	wrdreg s26;
	s12 =	simm.s32 $0x4;
	s13 =	simm.s32 $0x1  }
0x22: {  	v63 =	vlaneseq.u32;
	[tilespmem:$0x1FFE0] =	vst v0;
	v0 =	vor.u32 $0x10, v0;
	s14 =	simm.s32 $0x16480;
	s16 =	simm.s32 $0x16900;
	s19 =	simm.s32 $0x17300  }
0x23: {  	v4 =	vmul.u32 $0x48, v63;
	[tilespmem:$0x1FFF0] =	vst v0;
	s21 =	simm.s32 $0x19300;
	s18 =	simm.s32 $0x16D80;
	s11 =	simm.s32 $0x0  }
.LBB2_29:
0x24: {  	s1 =	simm.s32 $0x5  }
0x25: {  	_ =	swait.ge [sflag:s1], $0x400  }
0x26: {  	[sflag:s1] =	ssyncset.done $0x0  }
0x27: {  	s4 =	simm.s32 $0x6;
	[sflag:s1] =	ssyncadd.s32 $0xFFFFFC00  }
0x28: {  	_ =	swait.ge [sflag:s4], $0x400  }
0x29: {  	s11 =	rddreg [dreg:$0x1a]  }
0x2a: {  	s26 =	rddreg [dreg:$0xa];
	s11 =	sadd.s32 $0x1, s11  }
0x2b: {  	p0 =	sne.s32 s11, s26  }
.Ltmp1:
0x2c: {  	_ = 	snop;
	(pc) =	sbr.rel @!p0 .LBB2_30-.Ltmp1, $3  }
0x2d: {  	_ =	sdelay $0x1  }
0x2e: {  	[sflag:s4] =	ssyncset.done $0x0  }
0x2f: {  	[sflag:s4] =	ssyncadd.s32 $0xFFFFFC00  }
.LBB2_1:
0x30: {  	s1 =	rddreg [dreg:$0x3]  }
0x31: {  	[tilespmem:s3], [sflag:$0x7] =	stream.linear.gather [hbm4b:s1+s3], $0x2000, $0x38;
	[tilespmem:$0x1B300] =	vst v63  }
0x32: {  	s25 =	rddreg [dreg:$0x4];
	s4 =	simm.s32 $0x2000  }
0x33: {  	[tilespmem:s4], [sflag:$0x8] =	stream.linear.gather [hbm4b:s25+s3], $0x2000, $0x38;
	[tilespmem:$0x1B300] =	vst v63  }
0x34: {  	s26 =	rddreg [dreg:$0x6]  }
0x35: {  	[tilespmem:s2], [sflag:$0x1] =	stream.linear.gather [hbm4b:s26+s3], $0x40, $0x38;
	[tilespmem:$0x1B300] =	vst v63  }
0x36: {  	s17 =	simm.s32 $0x16048;
	s4 =	rddreg [dreg:$0xb]  }
0x37: {  	[tilespmem:s17], [sflag:$0x1] =	stream.linear.gather [hbm4b:s4+s3], $0x40, $0x38;
	[tilespmem:$0x1B300] =	vst v63  }
0x38: {  	s20 =	rddreg [dreg:$0xc];
	s22 =	simm.s32 $0x16090  }
0x39: {  	[tilespmem:s22], [sflag:$0x1] =	stream.linear.gather [hbm4b:s20+s3], $0x40, $0x38;
	[tilespmem:$0x1B300] =	vst v63  }
0x3a: {  	s23 =	rddreg [dreg:$0xd];
	s24 =	simm.s32 $0x160D8  }
0x3b: {  	[tilespmem:s24], [sflag:$0x1] =	stream.linear.gather [hbm4b:s23+s3], $0x40, $0x38;
	[tilespmem:$0x1B300] =	vst v63  }
0x3c: {  	s25 =	rddreg [dreg:$0xe];
	s26 =	simm.s32 $0x16120  }
0x3d: {  	[tilespmem:s26], [sflag:$0x1] =	stream.linear.gather [hbm4b:s25+s3], $0x40, $0x38;
	[tilespmem:$0x1B300] =	vst v63  }
0x3e: {  	s4 =	rddreg [dreg:$0xf];
	s17 =	simm.s32 $0x16168  }
0x3f: {  	[tilespmem:s17], [sflag:$0x1] =	stream.linear.gather [hbm4b:s4+s3], $0x40, $0x38;
	[tilespmem:$0x1B300] =	vst v63  }
0x40: {  	s20 =	rddreg [dreg:$0x10];
	s22 =	simm.s32 $0x161B0  }
0x41: {  	[tilespmem:s22], [sflag:$0x1] =	stream.linear.gather [hbm4b:s20+s3], $0x40, $0x38;
	[tilespmem:$0x1B300] =	vst v63  }
0x42: {  	s23 =	rddreg [dreg:$0x11];
	s24 =	simm.s32 $0x161F8  }
0x43: {  	[tilespmem:s24], [sflag:$0x1] =	stream.linear.gather [hbm4b:s23+s3], $0x40, $0x38;
	[tilespmem:$0x1B300] =	vst v63  }
0x44: {  	s25 =	rddreg [dreg:$0x12];
	s26 =	simm.s32 $0x16240  }
0x45: {  	[tilespmem:s26], [sflag:$0x1] =	stream.linear.gather [hbm4b:s25+s3], $0x40, $0x38;
	[tilespmem:$0x1B300] =	vst v63  }
0x46: {  	s4 =	rddreg [dreg:$0x13];
	s17 =	simm.s32 $0x16288  }
0x47: {  	[tilespmem:s17], [sflag:$0x1] =	stream.linear.gather [hbm4b:s4+s3], $0x40, $0x38;
	[tilespmem:$0x1B300] =	vst v63  }
0x48: {  	s20 =	rddreg [dreg:$0x14];
	s22 =	simm.s32 $0x162D0  }
0x49: {  	[tilespmem:s22], [sflag:$0x1] =	stream.linear.gather [hbm4b:s20+s3], $0x40, $0x38;
	[tilespmem:$0x1B300] =	vst v63  }
0x4a: {  	s23 =	rddreg [dreg:$0x15];
	s24 =	simm.s32 $0x16318  }
0x4b: {  	[tilespmem:s24], [sflag:$0x1] =	stream.linear.gather [hbm4b:s23+s3], $0x40, $0x38;
	[tilespmem:$0x1B300] =	vst v63  }
0x4c: {  	s25 =	rddreg [dreg:$0x16];
	s26 =	simm.s32 $0x16360  }
0x4d: {  	[tilespmem:s26], [sflag:$0x1] =	stream.linear.gather [hbm4b:s25+s3], $0x40, $0x38;
	[tilespmem:$0x1B300] =	vst v63  }
0x4e: {  	s17 =	rddreg [dreg:$0x17];
	s20 =	simm.s32 $0x163A8  }
0x4f: {  	[tilespmem:s20], [sflag:$0x1] =	stream.linear.gather [hbm4b:s17+s3], $0x40, $0x38;
	[tilespmem:$0x1B300] =	vst v63  }
0x50: {  	s22 =	rddreg [dreg:$0x18];
	s23 =	simm.s32 $0x163F0  }
0x51: {  	[tilespmem:s23], [sflag:$0x1] =	stream.linear.gather [hbm4b:s22+s3], $0x40, $0x38;
	[tilespmem:$0x1B300] =	vst v63  }
0x52: {  	s24 =	rddreg [dreg:$0x19];
	s25 =	simm.s32 $0x16438  }
0x53: {  	[tilespmem:s25], [sflag:$0x1] =	stream.linear.gather [hbm4b:s24+s3], $0x40, $0x38;
	[tilespmem:$0x1B300] =	vst v63  }
0x54: {  	s1 =	simm.s32 $0x120;
	s26 =	simm.s32 $0x4000;
	s20 =	rddreg [dreg:$0x7]  }
0x55: {  	[tilespmem:s26], [sflag:$0x3] =	stream.linear.gather [hbm4b:s20+s3], $0x40, $0x38;
	[tilespmem:$0x1B300] =	vst v63  }
.LBB2_2:
0x56: {  	p0 =	sne.s32 s1, $0x142E0  }
.Ltmp2:
0x57: {  	_ = 	snop;
	(pc) =	sbr.rel @p0 .LBB2_2-.Ltmp2, $4  }
0x58: {  	_ = 	snop  }
0x59: {  	s22 =	sshra.s32 s1, $0x2;
	s1 =	sadd.s32 $0x120, s1  }
0x5a: {  	s20 =	sadd.s32 $0x100, s20;
	s22 =	sadd.s32 $0x4000, s22  }
0x5b: {  	[tilespmem:s22], [sflag:$0x3] =	stream.linear.gather [hbm4b:s20+s3], $0x40, $0x38;
	[tilespmem:$0x1B300] =	vst v63  }
0x5c: {  	s1 =	simm.s32 $0xD000;
	s20 =	rddreg [dreg:$0x8]  }
0x5d: {  	[tilespmem:s1], [sflag:$0x4] =	stream.linear.gather [hbm4b:s20+s3], $0x40, $0x38;
	[tilespmem:$0x1B300] =	vst v63  }
0x5e: {  	[dreg:$0x1a] =	wrdreg s11;
	s1 =	simm.s32 $0x120  }
.LBB2_4:
0x5f: {  	p0 =	sne.s32 s1, $0x142E0  }
.Ltmp3:
0x60: {  	_ = 	snop;
	(pc) =	sbr.rel @p0 .LBB2_4-.Ltmp3, $4  }
0x61: {  	_ = 	snop  }
0x62: {  	s22 =	sshra.s32 s1, $0x2;
	s1 =	sadd.s32 $0x120, s1  }
0x63: {  	s20 =	sadd.s32 $0x100, s20;
	s22 =	sadd.s32 $0xD000, s22  }
0x64: {  	[tilespmem:s22], [sflag:$0x4] =	stream.linear.gather [hbm4b:s20+s3], $0x40, $0x38;
	[tilespmem:$0x1B300] =	vst v63  }
0x65: {  	_ =	swait.ge [sflag:s30], $0x2000  }
0x66: {  	[sflag:s30] =	ssyncset.done $0x0  }
0x67: {  	[sflag:s30] =	ssyncadd.s32 $0xFFFFE000  }
0x68: {  	_ =	swait.ge [sflag:s31], $0x2000  }
0x69: {  	[sflag:s31] =	ssyncset.done $0x0  }
0x6a: {  	[sflag:s31] =	ssyncadd.s32 $0xFFFFE000  }
0x6b: {  	_ =	swait.ge [sflag:s0], $0x4800  }
.Ltmp4:
0x6c: {  	[sflag:s0] =	ssyncset.done $0x0;
	(pc) =	sbr.rel .LBB2_6-.Ltmp4, $4  }
0x6d: {  	[sflag:s0] =	ssyncadd.s32 $0xFFFFB800  }
0x6e: {  	_ =	swait.ge [sflag:s12], $0x4800  }
0x6f: {  	[sflag:s12] =	ssyncset.done $0x0  }
0x70: {  	s23 =	simm.s32 $0x0;
	[sflag:s12] =	ssyncadd.s32 $0xFFFFB800  }
.LBB2_28:
0x71: {  	s1 =	sshll.u32 s24, $0xA  }
0x72: {  	s1 =	sor.u32 s10, s1  }
0x73: {  	s1 =	sshrl.u32 s1, $0x3  }
0x74: {  	s1 =	sadd.s32 s28, s1  }
0x75: {  	[hbm4b:s1+s3] =	stream.linear.scatter [tilespmem:s18], [sflag:$0x6], $0x40, $0x38;
	[tilespmem:$0x1B300] =	vst v63  }
0x76: {  	s11 =	simm.s32 $0x16DC8;
	s4 =	sadd.s32 $0x80, s1  }
0x77: {  	[hbm4b:s4+s3] =	stream.linear.scatter [tilespmem:s11], [sflag:$0x6], $0x40, $0x38;
	[tilespmem:$0x1B300] =	vst v63  }
0x78: {  	s26 =	simm.s32 $0x16E10;
	s25 =	sadd.s32 $0x100, s1  }
0x79: {  	[hbm4b:s25+s3] =	stream.linear.scatter [tilespmem:s26], [sflag:$0x6], $0x40, $0x38;
	[tilespmem:$0x1B300] =	vst v63  }
0x7a: {  	s20 =	simm.s32 $0x16E58;
	s17 =	sadd.s32 $0x180, s1  }
0x7b: {  	[hbm4b:s17+s3] =	stream.linear.scatter [tilespmem:s20], [sflag:$0x6], $0x40, $0x38;
	[tilespmem:$0x1B300] =	vst v63  }
0x7c: {  	s24 =	simm.s32 $0x16EA0;
	s22 =	sadd.s32 $0x200, s1  }
0x7d: {  	[hbm4b:s22+s3] =	stream.linear.scatter [tilespmem:s24], [sflag:$0x6], $0x40, $0x38;
	[tilespmem:$0x1B300] =	vst v63  }
0x7e: {  	s25 =	sadd.s32 $0x280, s1;
	s26 =	simm.s32 $0x16EE8  }
0x7f: {  	[hbm4b:s25+s3] =	stream.linear.scatter [tilespmem:s26], [sflag:$0x6], $0x40, $0x38;
	[tilespmem:$0x1B300] =	vst v63  }
0x80: {  	s17 =	sadd.s32 $0x300, s1;
	s20 =	simm.s32 $0x16F30  }
0x81: {  	[hbm4b:s17+s3] =	stream.linear.scatter [tilespmem:s20], [sflag:$0x6], $0x40, $0x38;
	[tilespmem:$0x1B300] =	vst v63  }
0x82: {  	s22 =	sadd.s32 $0x380, s1;
	s24 =	simm.s32 $0x16F78  }
0x83: {  	[hbm4b:s22+s3] =	stream.linear.scatter [tilespmem:s24], [sflag:$0x6], $0x40, $0x38;
	[tilespmem:$0x1B300] =	vst v63  }
0x84: {  	s25 =	sadd.s32 $0x400, s1;
	s26 =	simm.s32 $0x16FC0  }
0x85: {  	[hbm4b:s25+s3] =	stream.linear.scatter [tilespmem:s26], [sflag:$0x6], $0x40, $0x38;
	[tilespmem:$0x1B300] =	vst v63  }
0x86: {  	s17 =	sadd.s32 $0x480, s1;
	s20 =	simm.s32 $0x17008  }
0x87: {  	[hbm4b:s17+s3] =	stream.linear.scatter [tilespmem:s20], [sflag:$0x6], $0x40, $0x38;
	[tilespmem:$0x1B300] =	vst v63  }
0x88: {  	s22 =	sadd.s32 $0x500, s1;
	s24 =	simm.s32 $0x17050  }
0x89: {  	[hbm4b:s22+s3] =	stream.linear.scatter [tilespmem:s24], [sflag:$0x6], $0x40, $0x38;
	[tilespmem:$0x1B300] =	vst v63  }
0x8a: {  	s25 =	sadd.s32 $0x580, s1;
	s26 =	simm.s32 $0x17098  }
0x8b: {  	[hbm4b:s25+s3] =	stream.linear.scatter [tilespmem:s26], [sflag:$0x6], $0x40, $0x38;
	[tilespmem:$0x1B300] =	vst v63  }
0x8c: {  	s23 =	sadd.s32 $0x1, s23;
	s11 =	sadd.s32 $0x600, s1;
	s17 =	simm.s32 $0x170E0  }
0x8d: {  	[hbm4b:s11+s3] =	stream.linear.scatter [tilespmem:s17], [sflag:$0x6], $0x40, $0x38;
	[tilespmem:$0x1B300] =	vst v63  }
0x8e: {  	p0 =	sne.s32 s23, $0x40;
	s20 =	sadd.s32 $0x680, s1;
	s22 =	simm.s32 $0x17128  }
0x8f: {  	[hbm4b:s20+s3] =	stream.linear.scatter [tilespmem:s22], [sflag:$0x6], $0x40, $0x38;
	[tilespmem:$0x1B300] =	vst v63  }
.Ltmp5:
0x90: {  	_ = 	snop;
	(pc) =	sbr.rel @!p0 .LBB2_29-.Ltmp5, $4  }
0x91: {  	s24 =	sadd.s32 $0x700, s1;
	s25 =	simm.s32 $0x17170  }
0x92: {  	[hbm4b:s24+s3] =	stream.linear.scatter [tilespmem:s25], [sflag:$0x6], $0x40, $0x38;
	[tilespmem:$0x1B300] =	vst v63  }
0x93: {  	s1 =	sadd.s32 $0x780, s1;
	s26 =	simm.s32 $0x171B8  }
0x94: {  	[hbm4b:s1+s3] =	stream.linear.scatter [tilespmem:s26], [sflag:$0x6], $0x40, $0x38;
	[tilespmem:$0x1B300] =	vst v63  }
.LBB2_6:
0x95: {  	_ =	swait.ge [sflag:s13], $0x400  }
0x96: {  	p0 =	seq.s32 s23, $0x0;
	[sflag:s13] =	ssyncset.done $0x0  }
0x97: {  	s1 =	simm.s32 @!p0 $0x3;
	[sflag:s13] =	ssyncadd.s32 $0xFFFFFC00  }
0x98: {  	_ =	swait.ge @!p0 [sflag:s1], $0x400  }
0x99: {  	s26 =	sshll.u32 s23, $0x5;
	[sflag:s1] =	ssyncset.done @!p0 $0x0  }
0x9a: {  	s24 =	sor.u32 s8, s26;
	[sflag:s1] =	ssyncadd.s32 @!p0 $0xFFFFFC00;
	s1 =	simm.s32 @!p0 $0x4  }
0x9b: {  	s20 =	smul.u32 $0x480, s24;
	_ =	swait.ge @!p0 [sflag:s1], $0x400  }
0x9c: {  	s4 =	rddreg [dreg:$0x9]  }
0x9d: {  	s20 =	sadd.s32 s4, s20  }
0x9e: {  	[sflag:s1] =	ssyncset.done @!p0 $0x0;
	s20 =	sshrl.u32 s20, $0x3  }
0x9f: {  	[sflag:s1] =	ssyncadd.s32 @!p0 $0xFFFFFC00;
	s1 =	sadd.s32 s15, s20  }
0xa0: {  	[tilespmem:s14], [sflag:$0x2] =	stream.linear.gather [hbm4b:s1+s3], $0x40, $0x38;
	[tilespmem:$0x1B300] =	vst v63  }
0xa1: {  	s25 =	simm.s32 $0x164C8;
	s20 =	sadd.s32 $0x90, s1  }
0xa2: {  	[tilespmem:s25], [sflag:$0x2] =	stream.linear.gather [hbm4b:s20+s3], $0x40, $0x38;
	[tilespmem:$0x1B300] =	vst v63  }
0xa3: {  	s17 =	simm.s32 $0x16510;
	s4 =	sadd.s32 $0x120, s1  }
0xa4: {  	[tilespmem:s17], [sflag:$0x2] =	stream.linear.gather [hbm4b:s4+s3], $0x40, $0x38;
	[tilespmem:$0x1B300] =	vst v63  }
0xa5: {  	s22 =	sadd.s32 $0x1B0, s1;
	s25 =	simm.s32 $0x16558  }
0xa6: {  	[tilespmem:s25], [sflag:$0x2] =	stream.linear.gather [hbm4b:s22+s3], $0x40, $0x38;
	[tilespmem:$0x1B300] =	vst v63  }
0xa7: {  	s4 =	sadd.s32 $0x240, s1;
	s17 =	simm.s32 $0x165A0  }
0xa8: {  	[tilespmem:s17], [sflag:$0x2] =	stream.linear.gather [hbm4b:s4+s3], $0x40, $0x38;
	[tilespmem:$0x1B300] =	vst v63  }
0xa9: {  	s22 =	sadd.s32 $0x2D0, s1;
	s25 =	simm.s32 $0x165E8  }
0xaa: {  	[tilespmem:s25], [sflag:$0x2] =	stream.linear.gather [hbm4b:s22+s3], $0x40, $0x38;
	[tilespmem:$0x1B300] =	vst v63  }
0xab: {  	s4 =	sadd.s32 $0x360, s1;
	s17 =	simm.s32 $0x16630  }
0xac: {  	[tilespmem:s17], [sflag:$0x2] =	stream.linear.gather [hbm4b:s4+s3], $0x40, $0x38;
	[tilespmem:$0x1B300] =	vst v63  }
0xad: {  	s22 =	sadd.s32 $0x3F0, s1;
	s25 =	simm.s32 $0x16678  }
0xae: {  	[tilespmem:s25], [sflag:$0x2] =	stream.linear.gather [hbm4b:s22+s3], $0x40, $0x38;
	[tilespmem:$0x1B300] =	vst v63  }
0xaf: {  	s4 =	sadd.s32 $0x480, s1;
	s17 =	simm.s32 $0x166C0  }
0xb0: {  	[tilespmem:s17], [sflag:$0x2] =	stream.linear.gather [hbm4b:s4+s3], $0x40, $0x38;
	[tilespmem:$0x1B300] =	vst v63  }
0xb1: {  	s22 =	sadd.s32 $0x510, s1;
	s25 =	simm.s32 $0x16708  }
0xb2: {  	[tilespmem:s25], [sflag:$0x2] =	stream.linear.gather [hbm4b:s22+s3], $0x40, $0x38;
	[tilespmem:$0x1B300] =	vst v63  }
0xb3: {  	s4 =	sadd.s32 $0x5A0, s1;
	s17 =	simm.s32 $0x16750  }
0xb4: {  	[tilespmem:s17], [sflag:$0x2] =	stream.linear.gather [hbm4b:s4+s3], $0x40, $0x38;
	[tilespmem:$0x1B300] =	vst v63  }
0xb5: {  	s22 =	sadd.s32 $0x630, s1;
	s25 =	simm.s32 $0x16798  }
0xb6: {  	[tilespmem:s25], [sflag:$0x2] =	stream.linear.gather [hbm4b:s22+s3], $0x40, $0x38;
	[tilespmem:$0x1B300] =	vst v63  }
0xb7: {  	s4 =	sadd.s32 $0x6C0, s1;
	s17 =	simm.s32 $0x167E0  }
0xb8: {  	[tilespmem:s17], [sflag:$0x2] =	stream.linear.gather [hbm4b:s4+s3], $0x40, $0x38;
	[tilespmem:$0x1B300] =	vst v63  }
0xb9: {  	s22 =	sadd.s32 $0x750, s1;
	s25 =	simm.s32 $0x16828  }
0xba: {  	[tilespmem:s25], [sflag:$0x2] =	stream.linear.gather [hbm4b:s22+s3], $0x40, $0x38;
	[tilespmem:$0x1B300] =	vst v63  }
0xbb: {  	s4 =	sadd.s32 $0x7E0, s1;
	s17 =	simm.s32 $0x16870  }
0xbc: {  	[tilespmem:s17], [sflag:$0x2] =	stream.linear.gather [hbm4b:s4+s3], $0x40, $0x38;
	[tilespmem:$0x1B300] =	vst v63  }
0xbd: {  	s1 =	sadd.s32 $0x870, s1;
	s22 =	simm.s32 $0x168B8;
	s25 =	smin.u32 s26, $0x6D0  }
0xbe: {  	[tilespmem:s22], [sflag:$0x2] =	stream.linear.gather [hbm4b:s1+s3], $0x40, $0x38;
	[tilespmem:$0x1B300] =	vst v63  }
0xbf: {  	s1 =	sadd.s32 $0x120, s25  }
0xc0: {  	s4 =	sadd.s32 s8, s1  }
0xc1: {  	s1 =	sand.u32 $0x1F0, s1;
	s20 =	sshll.u32 s4, $0xB  }
0xc2: {  	s1 =	smul.u32 $0x48, s1;
	s22 =	sor.u32 s10, s20  }
0xc3: {  	s22 =	sshrl.u32 s22, $0x3  }
0xc4: {  	s25 =	sadd.s32 $0x4000, s1;
	s22 =	sadd.s32 s5, s22  }
0xc5: {  	[tilespmem:s25], [sflag:$0x3] =	stream.linear.gather [hbm4b:s22+s3], $0x40, $0x38;
	[tilespmem:$0x1B300] =	vst v63  }
0xc6: {  	s11 =	smov.u32 s28;
	s28 =	sadd.s32 $0x4048, s1;
	s17 =	sadd.s32 $0x100, s22  }
0xc7: {  	[tilespmem:s28], [sflag:$0x3] =	stream.linear.gather [hbm4b:s17+s3], $0x40, $0x38;
	[tilespmem:$0x1B300] =	vst v63  }
0xc8: {  	s4 =	sadd.s32 $0x200, s22;
	s28 =	sadd.s32 $0x4090, s1  }
0xc9: {  	[tilespmem:s28], [sflag:$0x3] =	stream.linear.gather [hbm4b:s4+s3], $0x40, $0x38;
	[tilespmem:$0x1B300] =	vst v63  }
0xca: {  	s17 =	sadd.s32 $0x300, s22;
	s28 =	sadd.s32 $0x40D8, s1  }
0xcb: {  	[tilespmem:s28], [sflag:$0x3] =	stream.linear.gather [hbm4b:s17+s3], $0x40, $0x38;
	[tilespmem:$0x1B300] =	vst v63  }
0xcc: {  	s4 =	sadd.s32 $0x400, s22;
	s28 =	sadd.s32 $0x4120, s1  }
0xcd: {  	[tilespmem:s28], [sflag:$0x3] =	stream.linear.gather [hbm4b:s4+s3], $0x40, $0x38;
	[tilespmem:$0x1B300] =	vst v63  }
0xce: {  	s17 =	sadd.s32 $0x500, s22;
	s28 =	sadd.s32 $0x4168, s1  }
0xcf: {  	[tilespmem:s28], [sflag:$0x3] =	stream.linear.gather [hbm4b:s17+s3], $0x40, $0x38;
	[tilespmem:$0x1B300] =	vst v63  }
0xd0: {  	s4 =	sadd.s32 $0x600, s22;
	s28 =	sadd.s32 $0x41B0, s1  }
0xd1: {  	[tilespmem:s28], [sflag:$0x3] =	stream.linear.gather [hbm4b:s4+s3], $0x40, $0x38;
	[tilespmem:$0x1B300] =	vst v63  }
0xd2: {  	s17 =	sadd.s32 $0x700, s22;
	s28 =	sadd.s32 $0x41F8, s1  }
0xd3: {  	[tilespmem:s28], [sflag:$0x3] =	stream.linear.gather [hbm4b:s17+s3], $0x40, $0x38;
	[tilespmem:$0x1B300] =	vst v63  }
0xd4: {  	s4 =	sadd.s32 $0x800, s22;
	s28 =	sadd.s32 $0x4240, s1  }
0xd5: {  	[tilespmem:s28], [sflag:$0x3] =	stream.linear.gather [hbm4b:s4+s3], $0x40, $0x38;
	[tilespmem:$0x1B300] =	vst v63  }
0xd6: {  	s17 =	sadd.s32 $0x900, s22;
	s28 =	sadd.s32 $0x4288, s1  }
0xd7: {  	[tilespmem:s28], [sflag:$0x3] =	stream.linear.gather [hbm4b:s17+s3], $0x40, $0x38;
	[tilespmem:$0x1B300] =	vst v63  }
0xd8: {  	s4 =	sadd.s32 $0xA00, s22;
	s28 =	sadd.s32 $0x42D0, s1  }
0xd9: {  	[tilespmem:s28], [sflag:$0x3] =	stream.linear.gather [hbm4b:s4+s3], $0x40, $0x38;
	[tilespmem:$0x1B300] =	vst v63  }
0xda: {  	s17 =	sadd.s32 $0xB00, s22;
	s28 =	sadd.s32 $0x4318, s1  }
0xdb: {  	[tilespmem:s28], [sflag:$0x3] =	stream.linear.gather [hbm4b:s17+s3], $0x40, $0x38;
	[tilespmem:$0x1B300] =	vst v63  }
0xdc: {  	s4 =	sadd.s32 $0xC00, s22;
	s28 =	sadd.s32 $0x4360, s1  }
0xdd: {  	[tilespmem:s28], [sflag:$0x3] =	stream.linear.gather [hbm4b:s4+s3], $0x40, $0x38;
	[tilespmem:$0x1B300] =	vst v63  }
0xde: {  	s17 =	sadd.s32 $0xD00, s22;
	s28 =	sadd.s32 $0x43A8, s1  }
0xdf: {  	[tilespmem:s28], [sflag:$0x3] =	stream.linear.gather [hbm4b:s17+s3], $0x40, $0x38;
	[tilespmem:$0x1B300] =	vst v63  }
0xe0: {  	s4 =	sadd.s32 $0xE00, s22;
	s28 =	sadd.s32 $0x43F0, s1  }
0xe1: {  	[tilespmem:s28], [sflag:$0x3] =	stream.linear.gather [hbm4b:s4+s3], $0x40, $0x38;
	[tilespmem:$0x1B300] =	vst v63  }
0xe2: {  	s22 =	sadd.s32 $0xF00, s22;
	s17 =	sadd.s32 $0x4438, s1  }
0xe3: {  	[tilespmem:s17], [sflag:$0x3] =	stream.linear.gather [hbm4b:s22+s3], $0x40, $0x38;
	[tilespmem:$0x1B300] =	vst v63  }
0xe4: {  	s22 =	rddreg [dreg:$0x5]  }
0xe5: {  	s20 =	sor.u32 s22, s20  }
0xe6: {  	s20 =	sshrl.u32 s20, $0x3  }
0xe7: {  	s25 =	sadd.s32 $0xD000, s1;
	s20 =	sadd.s32 s5, s20  }
0xe8: {  	[tilespmem:s25], [sflag:$0x4] =	stream.linear.gather [hbm4b:s20+s3], $0x40, $0x38;
	[tilespmem:$0x1B300] =	vst v63  }
0xe9: {  	s17 =	sadd.s32 $0xD048, s1;
	s4 =	sadd.s32 $0x100, s20  }
0xea: {  	[tilespmem:s17], [sflag:$0x4] =	stream.linear.gather [hbm4b:s4+s3], $0x40, $0x38;
	[tilespmem:$0x1B300] =	vst v63  }
0xeb: {  	s4 =	sadd.s32 $0x200, s20;
	s17 =	sadd.s32 $0xD090, s1  }
0xec: {  	[tilespmem:s17], [sflag:$0x4] =	stream.linear.gather [hbm4b:s4+s3], $0x40, $0x38;
	[tilespmem:$0x1B300] =	vst v63  }
0xed: {  	s4 =	sadd.s32 $0x300, s20;
	s17 =	sadd.s32 $0xD0D8, s1  }
0xee: {  	[tilespmem:s17], [sflag:$0x4] =	stream.linear.gather [hbm4b:s4+s3], $0x40, $0x38;
	[tilespmem:$0x1B300] =	vst v63  }
0xef: {  	s4 =	sadd.s32 $0x400, s20;
	s17 =	sadd.s32 $0xD120, s1  }
0xf0: {  	[tilespmem:s17], [sflag:$0x4] =	stream.linear.gather [hbm4b:s4+s3], $0x40, $0x38;
	[tilespmem:$0x1B300] =	vst v63  }
0xf1: {  	s4 =	sadd.s32 $0x500, s20;
	s17 =	sadd.s32 $0xD168, s1  }
0xf2: {  	[tilespmem:s17], [sflag:$0x4] =	stream.linear.gather [hbm4b:s4+s3], $0x40, $0x38;
	[tilespmem:$0x1B300] =	vst v63  }
0xf3: {  	s4 =	sadd.s32 $0x600, s20;
	s17 =	sadd.s32 $0xD1B0, s1  }
0xf4: {  	[tilespmem:s17], [sflag:$0x4] =	stream.linear.gather [hbm4b:s4+s3], $0x40, $0x38;
	[tilespmem:$0x1B300] =	vst v63  }
0xf5: {  	s4 =	sadd.s32 $0x700, s20;
	s17 =	sadd.s32 $0xD1F8, s1  }
0xf6: {  	[tilespmem:s17], [sflag:$0x4] =	stream.linear.gather [hbm4b:s4+s3], $0x40, $0x38;
	[tilespmem:$0x1B300] =	vst v63  }
0xf7: {  	s4 =	sadd.s32 $0x800, s20;
	s17 =	sadd.s32 $0xD240, s1  }
0xf8: {  	[tilespmem:s17], [sflag:$0x4] =	stream.linear.gather [hbm4b:s4+s3], $0x40, $0x38;
	[tilespmem:$0x1B300] =	vst v63  }
0xf9: {  	s4 =	sadd.s32 $0x900, s20;
	s17 =	sadd.s32 $0xD288, s1  }
0xfa: {  	[tilespmem:s17], [sflag:$0x4] =	stream.linear.gather [hbm4b:s4+s3], $0x40, $0x38;
	[tilespmem:$0x1B300] =	vst v63  }
0xfb: {  	s4 =	sadd.s32 $0xA00, s20;
	s17 =	sadd.s32 $0xD2D0, s1  }
0xfc: {  	[tilespmem:s17], [sflag:$0x4] =	stream.linear.gather [hbm4b:s4+s3], $0x40, $0x38;
	[tilespmem:$0x1B300] =	vst v63  }
0xfd: {  	s4 =	sadd.s32 $0xB00, s20;
	s17 =	sadd.s32 $0xD318, s1  }
0xfe: {  	[tilespmem:s17], [sflag:$0x4] =	stream.linear.gather [hbm4b:s4+s3], $0x40, $0x38;
	[tilespmem:$0x1B300] =	vst v63  }
0xff: {  	s4 =	sadd.s32 $0xC00, s20;
	s17 =	sadd.s32 $0xD360, s1  }
0x100: {  	[tilespmem:s17], [sflag:$0x4] =	stream.linear.gather [hbm4b:s4+s3], $0x40, $0x38;
	[tilespmem:$0x1B300] =	vst v63  }
0x101: {  	s4 =	sadd.s32 $0xD00, s20;
	s17 =	sadd.s32 $0xD3A8, s1  }
0x102: {  	[tilespmem:s17], [sflag:$0x4] =	stream.linear.gather [hbm4b:s4+s3], $0x40, $0x38;
	[tilespmem:$0x1B300] =	vst v63  }
0x103: {  	s25 =	sadd.s32 $0xE00, s20;
	s4 =	sadd.s32 $0xD3F0, s1  }
0x104: {  	[tilespmem:s4], [sflag:$0x4] =	stream.linear.gather [hbm4b:s25+s3], $0x40, $0x38;
	[tilespmem:$0x1B300] =	vst v63  }
0x105: {  	s20 =	sadd.s32 $0xF00, s20;
	s1 =	sadd.s32 $0xD438, s1  }
0x106: {  	[tilespmem:s1], [sflag:$0x4] =	stream.linear.gather [hbm4b:s20+s3], $0x40, $0x38;
	[tilespmem:$0x1B300] =	vst v63  }
0x107: {  	s1 =	simm.s32 @!p0 $0x5  }
0x108: {  	_ =	swait.ge @!p0 [sflag:s1], $0x400  }
0x109: {  	[sflag:s1] =	ssyncset.done @!p0 $0x0  }
0x10a: {  	[sflag:s1] =	ssyncadd.s32 @!p0 $0xFFFFFC00  }
0x10b: {  	v6 =	vld [tilespmem:s26+$0x0]  }
0x10c: {  	v0 =	vlaneseq.u32  }
0x10d: {  	v7 =	vor.u32 s26, v0  }
0x10e: {  	v9 =	vcvt.s32.f32 v7;
	_ =	sdelay $0x1  }
0x10f: {  	v6 =	vadd.f32 v9, v6;
	_ =	sdelay $0x1  }
0x110: {  	v6 =	vmax.f32 v6, $0.0e+00  }
0x111: {  	v6 =	vmin.f32 v6, $2.047000000e+03  }
0x112: {  	v1 =	vld [tilespmem:$0x1FFD0];
	v7 =	vtrunc.f32 v6  }
0x113: {  	v14 =	vcvt.f32.s32 v7  }
0x114: {  	v55 =	vld [tilespmem:$0x1FFE0]  }
0x115: {  	v2 =	vld [tilespmem:$0x1FFF0];
	v7 =	vadd.s32 $0x1, v14  }
0x116: {  	vm0 =	vlt.s32 v7, $0x7FF  }
0x117: {  	v3 =	vnsel vm0, $0x7FF, v7;
	v7 =	vadd.s32 v14, v1  }
0x118: {  	v7 =	vshll.u32 v7, $0x5  }
0x119: {  	v8 =	vadd.s32 v1, v3;
	v10 =	vor.u32 v55, v7  }
0x11a: {  	v8 =	vshll.u32 v8, $0x5;
	v7 =	vor.u32 v2, v7;
	[tilespmem:$0x17200] =	vst v10  }
0x11b: {  	v11 =	vor.u32 v55, v8;
	[tilespmem:$0x17280] =	vst v7  }
0x11c: {  	v7 =	vor.u32 v2, v8;
	[tilespmem:$0x17240] =	vst v11  }
0x11d: {  	s28 =	sor.u32 $0x800, s26;
	[tilespmem:$0x172C0] =	vst v7  }
0x11e: {  	v7 =	vld [tilespmem:s28+$0x0];
	_ =	sdelay $0x4  }
0x11f: {  	v7 =	vadd.f32 v9, v7;
	_ =	sdelay $0x1  }
0x120: {  	v7 =	vmax.f32 v7, $0.0e+00  }
0x121: {  	v7 =	vmin.f32 v7, $2.047000000e+03  }
0x122: {  	v8 =	vtrunc.f32 v7  }
0x123: {  	v16 =	vcvt.f32.s32 v8;
	_ =	sdelay $0x1  }
0x124: {  	v8 =	vadd.s32 $0x1, v16  }
0x125: {  	vm13 =	vlt.s32 v8, $0x7FF  }
0x126: {  	v17 =	vnsel vm13, $0x7FF, v8;
	v8 =	vadd.s32 v16, v1  }
0x127: {  	v8 =	vshll.u32 v8, $0x5  }
0x128: {  	v10 =	vadd.s32 v1, v17;
	v11 =	vor.u32 v55, v8  }
0x129: {  	v10 =	vshll.u32 v10, $0x5;
	v8 =	vor.u32 v2, v8;
	[tilespmem:$0x17210] =	vst v11  }
0x12a: {  	v12 =	vor.u32 v55, v10;
	[tilespmem:$0x17290] =	vst v8  }
0x12b: {  	v8 =	vor.u32 v2, v10;
	[tilespmem:$0x17250] =	vst v12  }
0x12c: {  	s20 =	sor.u32 $0x1000, s26;
	[tilespmem:$0x172D0] =	vst v8  }
0x12d: {  	v8 =	vld [tilespmem:s20+$0x0];
	_ =	sdelay $0x4  }
0x12e: {  	v8 =	vadd.f32 v9, v8;
	_ =	sdelay $0x1  }
0x12f: {  	v8 =	vmax.f32 v8, $0.0e+00  }
0x130: {  	v8 =	vmin.f32 v8, $2.047000000e+03  }
0x131: {  	v10 =	vtrunc.f32 v8  }
0x132: {  	v19 =	vcvt.f32.s32 v10;
	_ =	sdelay $0x1  }
0x133: {  	v10 =	vadd.s32 $0x1, v19  }
0x134: {  	vm14 =	vlt.s32 v10, $0x7FF  }
0x135: {  	v20 =	vnsel vm14, $0x7FF, v10;
	v10 =	vadd.s32 v19, v1  }
0x136: {  	v10 =	vshll.u32 v10, $0x5  }
0x137: {  	v11 =	vadd.s32 v1, v20;
	v12 =	vor.u32 v55, v10  }
0x138: {  	v11 =	vshll.u32 v11, $0x5;
	v10 =	vor.u32 v2, v10;
	[tilespmem:$0x17220] =	vst v12  }
0x139: {  	v13 =	vor.u32 v55, v11;
	[tilespmem:$0x172A0] =	vst v10  }
0x13a: {  	v10 =	vor.u32 v2, v11;
	[tilespmem:$0x17260] =	vst v13  }
0x13b: {  	s22 =	sor.u32 $0x1800, s26;
	[tilespmem:$0x172E0] =	vst v10  }
0x13c: {  	v10 =	vld [tilespmem:s22+$0x0];
	_ =	sdelay $0x4  }
0x13d: {  	v9 =	vadd.f32 v9, v10;
	_ =	sdelay $0x1  }
0x13e: {  	v9 =	vmax.f32 v9, $0.0e+00  }
0x13f: {  	v11 =	vmin.f32 v9, $2.047000000e+03  }
0x140: {  	v24 =	vand.u32 $0x1FF, v16;
	v9 =	vtrunc.f32 v11  }
0x141: {  	v26 =	vand.u32 $0x1FF, v17;
	v10 =	vand.u32 $0x1FF, v14;
	v22 =	vcvt.f32.s32 v9  }
0x142: {  	s17 =	simm.s32 $0x1;
	v30 =	vand.u32 $0x1FF, v19;
	v13 =	vand.u32 $0x1FF, v3;
	v25 =	vmul.u32 $0x48, v10  }
0x143: {  	v10 =	vmov s17;
	v12 =	vadd.s32 $0x1, v22;
	v18 =	vadd.s32 v22, v1  }
0x144: {  	v9 =	vimm.f32 $0.0e+00;
	vm15 =	vlt.s32 v12, $0x7FF;
	v18 =	vshll.u32 v18, $0x5  }
0x145: {  	v23 =	vnsel vm15, $0x7FF, v12;
	v12 =	vand.u32 $0x1FF, v20;
	v29 =	vor.u32 v55, v18  }
0x146: {  	v33 =	vor.u32 v2, v18;
	v21 =	vadd.s32 v1, v23;
	v28 =	vand.u32 $0x1FF, v23  }
0x147: {  	v27 =	vshll.u32 v21, $0x5;
	v21 =	vmul.u32 $0x48, v12;
	v12 =	vand.u32 $0x38, v10  }
0x148: {  	v10 =	vand.u32 $0x7, v10;
	v32 =	vor.u32 v55, v27;
	v27 =	vor.u32 v2, v27  }
0x149: {  	s25 =	simm.s32 $0x0;
	v34 =	vor.u32 v10, v12;
	v18 =	vadd.s32 v25, v12;
	v35 =	vadd.s32 v21, v12  }
0x14a: {  	[tilespmem:$0x1FFC0] =	vst v3;
	v36 =	vor.u32 v10, v18;
	v18 =	vmov s25;
	v56 =	vadd.s32 v4, v34  }
0x14b: {  	[tilespmem:$0x172F0] =	vst v27;
	v27 =	vmul.u32 $0x48, v26;
	v39 =	vand.u32 $0x38, v18;
	v41 =	vand.u32 $0x6, v18  }
0x14c: {  	[tilespmem:$0x17230] =	vst v29;
	v35 =	vor.u32 v10, v35;
	v18 =	vmul.u32 $0x48, v28;
	v29 =	vor.u32 v41, v39  }
0x14d: {  	[tilespmem:$0x172B0] =	vst v33;
	v28 =	vmul.u32 $0x48, v24;
	v24 =	vadd.s32 v25, v39;
	v57 =	vadd.s32 v4, v29  }
0x14e: {  	v31 =	vand.u32 $0x1FF, v22;
	[tilespmem:$0x17270] =	vst v32;
	v60 =	vadd.s32 v27, v39;
	v58 =	vor.u32 v41, v24  }
0x14f: {  	v29 =	vmul.u32 $0x48, v13;
	v13 =	vadd.s32 v18, v12;
	v51 =	vor.u32 v41, v60;
	v47 =	vld.idx.msk [tilespmem:v36+s7+$0x0], $0xffff  }
0x150: {  	v33 =	vimm.f32 $0.0e+00;
	v24 =	vadd.s32 v28, v12;
	v13 =	vor.u32 v10, v13;
	v36 =	vld.idx.msk [tilespmem:v56+s2+$0x0], $0xffff  }
0x151: {  	v26 =	vmul.u32 $0x48, v30;
	v30 =	vadd.s32 v28, v39;
	v59 =	vor.u32 v10, v24;
	v37 =	vld.idx.msk [tilespmem:v35+s7+$0x0], $0xffff  }
0x152: {  	v24 =	vmul.u32 $0x48, v31;
	v30 =	vor.u32 v41, v30;
	v31 =	vadd.s32 v29, v39;
	v38 =	vld.idx.msk [tilespmem:v57+s2+$0x0], $0xffff  }
0x153: {  	v46 =	vadd.s32 v26, v12;
	v63 =	vadd.s32 v29, v12;
	v31 =	vor.u32 v41, v31;
	v34 =	vld.idx.msk [tilespmem:v58+s7+$0x0], $0xffff  }
0x154: {  	v62 =	vadd.s32 v21, v39;
	v50 =	vor.u32 v10, v46;
	v54 =	vor.u32 v10, v63;
	v46 =	vld.idx.msk [tilespmem:v51+s7+$0x0], $0xffff  }
0x155: {  	v61 =	vadd.s32 v27, v12;
	v42 =	vadd.s32 v26, v39;
	v53 =	vor.u32 v41, v62;
	v45 =	vld.idx.msk [tilespmem:v13+s7+$0x0], $0xffff  }
0x156: {  	v42 =	vor.u32 v41, v42;
	v49 =	vor.u32 v10, v61;
	v52 =	vadd.s32 v24, v12;
	v44 =	vld.idx.msk [tilespmem:v59+s7+$0x0], $0xffff  }
0x157: {  	v35 =	vimm.f32 $0.0e+00;
	v12 =	vimm.f32 $0.0e+00;
	v13 =	vadd.s32 v24, v39;
	v43 =	vld.idx.msk [tilespmem:v30+s7+$0x0], $0xffff  }
0x158: {  	v39 =	vadd.s32 v18, v39;
	v30 =	vimm.f32 $0.0e+00;
	v40 =	vor.u32 v41, v13;
	v48 =	vld.idx.msk [tilespmem:v31+s7+$0x0], $0xffff  }
0x159: {  	v32 =	vor.u32 v41, v39;
	v47 =	vmul.f32 v47, v36;
	v41 =	vimm.f32 $0.0e+00;
	v39 =	vld.idx.msk [tilespmem:v54+s7+$0x0], $0xffff  }
0x15a: {  	s1 =	simm.s32 $0x2;
	s25 =	sshll.u32 s23, $0x1;
	v13 =	vimm.f32 $0.0e+00;
	v31 =	vimm.f32 $0.0e+00;
	v51 =	vmul.f32 v34, v38;
	v34 =	vld.idx.msk [tilespmem:v53+s7+$0x0], $0xffff  }
.LBB2_7:
0x15b: {  	p1 =	slt.u32 s1, $0x3E;
	v50 =	vld.idx.msk [tilespmem:v50+s7+$0x0], $0xffff;
	v52 =	vor.u32 v10, v52;
	v53 =	vmul.f32 v45, v36;
	v54 =	vmovc v36;
	v55 =	vmov v38;
	s17 =	smov.u32 s1;
	s1 =	sadd.s32 $0x2, s1  }
0x15c: {  	s4 =	sadd.s32 $0x1, s17;
	v9 =	vadd.f32 v51, v9;
	v36 =	vld.idx.msk [tilespmem:v49+s7+$0x0], $0xffff;
	v51 =	vmul.f32 v44, v54;
	v56 =	vmul.f32 v37, v54  }
0x15d: {  	v44 =	vmul.f32 v48, v55;
	v37 =	vmul.f32 v43, v55;
	v10 =	vmov s4;
	v38 =	vld.idx.msk [tilespmem:v42+s7+$0x0], $0xffff  }
0x15e: {  	v43 =	vmul.f32 v46, v55;
	v57 =	vand.u32 $0x38, v10;
	v10 =	vand.u32 $0x7, v10;
	v40 =	vld.idx.msk [tilespmem:v40+s7+$0x0], $0xffff  }
0x15f: {  	v9 =	vadd.f32 v47, v9;
	v42 =	vor.u32 v10, v57;
	v45 =	vadd.s32 v25, v57  }
0x160: {  	v46 =	vadd.s32 v28, v57;
	v47 =	vadd.s32 v21, v57;
	v42 =	vadd.s32 v4, v42  }
0x161: {  	v48 =	vadd.s32 v18, v57;
	v45 =	vor.u32 v10, v45;
	v47 =	vor.u32 v10, v47  }
0x162: {  	v49 =	vmov s17;
	v58 =	vadd.s32 v26, v57;
	v59 =	vmul.f32 v36, v54  }
0x163: {  	v60 =	vand.u32 $0x38, v49;
	v49 =	vand.u32 $0x6, v49;
	v61 =	vmul.f32 v38, v55  }
0x164: {  	v62 =	vadd.s32 v27, v57;
	v36 =	vor.u32 v49, v60;
	v38 =	vadd.s32 v25, v60  }
0x165: {  	v50 =	vmul.f32 v50, v54;
	v63 =	vadd.s32 v4, v36;
	v36 =	vadd.s32 v28, v60;
	v52 =	vld.idx.msk [tilespmem:v52+s7+$0x0], $0xffff  }
0x166: {  	v41 =	vadd.f32 v37, v41;
	v5 =	vor.u32 v49, v38;
	v38 =	vadd.s32 v29, v60;
	v2 =	vld.idx.msk [tilespmem:v32+s7+$0x0], $0xffff  }
0x167: {  	v1 =	vor.u32 v49, v36;
	v0 =	vor.u32 v49, v38;
	v3 =	vld.idx.msk [tilespmem:v45+s7+$0x0], $0xffff;
	v45 =	vor.u32 v10, v48  }
0x168: {  	v32 =	vadd.s32 v27, v60;
	v48 =	vadd.s32 v26, v60;
	v37 =	vld.idx.msk [tilespmem:v47+s7+$0x0], $0xffff;
	v47 =	vmul.f32 v40, v55  }
0x169: {  	v46 =	vor.u32 v10, v46;
	v15 =	vor.u32 v49, v32;
	v32 =	vadd.s32 v24, v60;
	v36 =	vld.idx.msk [tilespmem:v42+s2+$0x0], $0xffff  }
0x16a: {  	v39 =	vmul.f32 v39, v54;
	v40 =	vor.u32 v49, v32;
	v32 =	vadd.s32 v18, v60;
	v38 =	vld.idx.msk [tilespmem:v63+s2+$0x0], $0xffff  }
0x16b: {  	v35 =	vadd.f32 v44, v35;
	v42 =	vor.u32 v49, v48;
	v32 =	vor.u32 v49, v32  }
0x16c: {  	v44 =	vadd.s32 v21, v60;
	v34 =	vmul.f32 v34, v55;
	v30 =	vadd.f32 v61, v30;
	v5 =	vld.idx.msk [tilespmem:v5+s7+$0x0], $0xffff  }
0x16d: {  	v60 =	vor.u32 v49, v44;
	v44 =	vadd.s32 v29, v57;
	v54 =	vmul.f32 v52, v54;
	v45 =	vld.idx.msk [tilespmem:v45+s7+$0x0], $0xffff  }
0x16e: {  	v33 =	vadd.f32 v43, v33;
	v30 =	vadd.f32 v50, v30;
	v61 =	vor.u32 v10, v44;
	v44 =	vld.idx.msk [tilespmem:v46+s7+$0x0], $0xffff  }
.Ltmp6:
0x16f: {  	v50 =	vor.u32 v10, v58;
	v2 =	vmul.f32 v2, v55;
	v43 =	vld.idx.msk [tilespmem:v1+s7+$0x0], $0xffff;
	v1 =	vadd.f32 v47, v31;
	(pc) =	sbr.rel @p1 .LBB2_7-.Ltmp6, $4  }
0x170: {  	v35 =	vadd.f32 v39, v35;
	v49 =	vor.u32 v10, v62;
	v48 =	vld.idx.msk [tilespmem:v0+s7+$0x0], $0xffff;
	v0 =	vadd.f32 v34, v13  }
0x171: {  	v52 =	vadd.s32 v24, v57;
	v2 =	vadd.f32 v2, v12;
	v46 =	vld.idx.msk [tilespmem:v15+s7+$0x0], $0xffff;
	v31 =	vadd.f32 v54, v1  }
0x172: {  	v41 =	vadd.f32 v51, v41;
	v47 =	vmul.f32 v3, v36;
	v34 =	vld.idx.msk [tilespmem:v60+s7+$0x0], $0xffff;
	v13 =	vadd.f32 v56, v0  }
0x173: {  	v33 =	vadd.f32 v59, v33;
	v12 =	vadd.f32 v53, v2;
	v51 =	vmul.f32 v5, v38;
	v39 =	vld.idx.msk [tilespmem:v61+s7+$0x0], $0xffff  }
0x174: {  	_ =	sdelay $0x3  }
0x175: {  	v2 =	vld.idx.msk [tilespmem:v42+s7+$0x0], $0xffff  }
0x176: {  	v0 =	vor.u32 v10, v52;
	v3 =	vld.idx.msk [tilespmem:v40+s7+$0x0], $0xffff;
	v5 =	vmul.f32 v45, v36;
	v10 =	vmul.f32 v44, v36  }
0x177: {  	v1 =	vld.idx.msk [tilespmem:v50+s7+$0x0], $0xffff;
	v61 =	vmul.f32 v43, v38;
	v50 =	vcvt.s32.f32 v14;
	v9 =	vadd.f32 v51, v9  }
0x178: {  	v32 =	vld.idx.msk [tilespmem:v32+s7+$0x0], $0xffff;
	v52 =	vcvt.s32.f32 v19;
	v60 =	vmul.f32 v48, v38  }
0x179: {  	v63 =	vmul.f32 v46, v38;
	v6 =	vsub.f32 v6, v50;
	v48 =	vadd.f32 v47, v9  }
0x17a: {  	v9 =	vadd.f32 v61, v41;
	v35 =	vadd.f32 v60, v35;
	v39 =	vmul.f32 v39, v36  }
0x17b: {  	v62 =	vld.idx.msk [tilespmem:v49+s7+$0x0], $0xffff;
	v33 =	vadd.f32 v63, v33;
	v2 =	vmul.f32 v2, v38;
	v3 =	vmul.f32 v3, v38  }
0x17c: {  	v1 =	vmul.f32 v1, v36;
	v51 =	vadd.f32 v10, v9;
	v9 =	vcvt.s32.f32 v16  }
0x17d: {  	v0 =	vld.idx.msk [tilespmem:v0+s7+$0x0], $0xffff;
	v2 =	vadd.f32 v2, v30;
	v49 =	vadd.f32 v3, v31;
	v3 =	vmul.f32 v32, v38  }
0x17e: {  	v30 =	vmul.f32 v34, v38;
	v7 =	vsub.f32 v7, v9;
	v9 =	vsub.f32 v8, v52  }
0x17f: {  	v15 =	vmul.f32 v37, v36;
	v1 =	vadd.f32 v1, v2;
	v3 =	vadd.f32 v3, v12  }
0x180: {  	v31 =	vmul.f32 v62, v36;
	v13 =	vadd.f32 v30, v13;
	v30 =	vadd.f32 v39, v35  }
0x181: {  	v10 =	vsub.f32 $1.000000000e+00, v7;
	v3 =	vadd.f32 v5, v3;
	v5 =	vcvt.s32.f32 v22  }
0x182: {  	v31 =	vadd.f32 v31, v33;
	v0 =	vmul.f32 v0, v36;
	v15 =	vadd.f32 v15, v13  }
0x183: {  	v13 =	vsub.f32 $1.000000000e+00, v6;
	v32 =	vmul.f32 v51, v10;
	v8 =	vsub.f32 v11, v5  }
0x184: {  	v31 =	vmul.f32 v31, v7;
	v0 =	vadd.f32 v0, v49;
	v11 =	vsub.f32 $1.000000000e+00, v9  }
0x185: {  	v54 =	vld [tilespmem:s28+$0x2000];
	v53 =	vmul.f32 v48, v13;
	v5 =	vmul.f32 v30, v6;
	v12 =	vsub.f32 $1.000000000e+00, v8  }
0x186: {  	v55 =	vld [tilespmem:s20+$0x2000];
	v15 =	vmul.f32 v15, v9;
	v1 =	vmul.f32 v1, v11  }
0x187: {  	v30 =	vld [tilespmem:s26+$0x2000];
	v3 =	vmul.f32 v3, v8;
	v0 =	vmul.f32 v0, v12  }
0x188: {  	v2 =	vadd.f32 v5, v53;
	v5 =	vadd.f32 v31, v32;
	v31 =	vld [tilespmem:s22+$0x2000]  }
0x189: {  	v1 =	vadd.f32 v15, v1;
	v0 =	vadd.f32 v3, v0  }
0x18a: {  	v2 =	vmul.f32 $1.250000000e-01, v2;
	v3 =	vmul.f32 $1.250000000e-01, v5  }
0x18b: {  	v1 =	vmul.f32 $1.250000000e-01, v1;
	v0 =	vmul.f32 $1.250000000e-01, v0  }
0x18c: {  	v2 =	vadd.f32 v30, v2;
	v3 =	vadd.f32 v54, v3  }
0x18d: {  	v1 =	vadd.f32 v55, v1;
	v0 =	vadd.f32 v31, v0;
	_ =	sdelay $0x1  }
0x18e: {  	v5 =	vmax.f32 v2, v3;
	v15 =	vmax.f32 v1, v0  }
0x18f: {  	v5 =	vmax.f32 v5, v15  }
0x190: {  	v2 =	vsub.f32 v2, v5  }
0x191: {  	v3 =	vsub.f32 v3, v5  }
0x192: {  	v2 =	vmul.f32 $1.442695020e+00, v2  }
0x193: {  	v1 =	vsub.f32 v1, v5;
	v3 =	vmul.f32 $1.442695020e+00, v3  }
0x194: {  	(erf) = vpow2.f32 v2  }
0x195: {  	v0 =	vsub.f32 v0, v5;
	v1 =	vmul.f32 $1.442695020e+00, v1;
	(erf) = vpow2.f32 v3;
	_ =	sdelay $0x1  }
0x196: {  	v0 =	vmul.f32 $1.442695020e+00, v0;
	(erf) = vpow2.f32 v1;
	_ =	sdelay $0x1  }
0x197: {  	(erf) = vpow2.f32 v0;
	_ =	sdelay $0x3  }
0x198: {  	v56 =	vpop (erf)  }
0x199: {  	v57 =	vpop (erf)  }
0x19a: {  	v58 =	vadd.f32 v57, v56  }
0x19b: {  	v3 =	vpop (erf)  }
0x19c: {  	v2 =	vadd.f32 v58, v3  }
0x19d: {  	v5 =	vpop (erf)  }
0x19e: {  	v2 =	vadd.f32 v2, v5;
	_ =	sdelay $0x1  }
0x19f: {  	(erf) = vrcp.f32 v2;
	_ =	sdelay $0x8  }
0x1a0: {  	v2 =	vpop (erf)  }
0x1a1: {  	s1 =	simm.s32 $0x0;
	v0 =	vmul.f32 v2, v56;
	v3 =	vmul.f32 v2, v3  }
0x1a2: {  	v1 =	vmul.f32 v2, v57;
	v2 =	vmul.f32 v2, v5;
	v5 =	vmov s1  }
0x1a3: {  	v15 =	vand.u32 $0x38, v5;
	v38 =	vmul.f32 v0, v13;
	v32 =	vmul.f32 v3, v11  }
0x1a4: {  	v30 =	vmul.f32 v2, v12;
	v36 =	vmul.f32 v0, v6;
	v0 =	vand.u32 $0x6, v5  }
0x1a5: {  	s17 =	simm.s32 $0x1;
	v5 =	vadd.s32 v25, v15;
	v33 =	vmul.f32 v3, v9;
	v3 =	vadd.s32 v29, v15  }
0x1a6: {  	v31 =	vmul.f32 v2, v8;
	v59 =	vor.u32 v0, v5;
	v5 =	vmov s17  }
0x1a7: {  	v60 =	vadd.s32 v28, v15;
	v3 =	vor.u32 v0, v3;
	v37 =	vand.u32 $0x38, v5  }
0x1a8: {  	v2 =	vor.u32 v0, v60;
	v39 =	vand.u32 $0x7, v5;
	v5 =	vadd.s32 v25, v37  }
0x1a9: {  	v62 =	vadd.s32 v27, v15;
	v5 =	vor.u32 v39, v5  }
0x1aa: {  	v34 =	vmul.f32 v1, v10;
	v52 =	vor.u32 v0, v62;
	v61 =	vadd.s32 v29, v37  }
0x1ab: {  	s4 =	simm.s32 $0x2;
	v35 =	vmul.f32 v1, v7;
	v55 =	vadd.s32 v26, v15;
	v63 =	vor.u32 v39, v61;
	v1 =	vld.idx.msk [tilespmem:v59+s9+$0x0], $0xffff  }
0x1ac: {  	v54 =	vmov s4;
	v45 =	vor.u32 v0, v55;
	v53 =	vadd.s32 v28, v37;
	v3 =	vld.idx.msk [tilespmem:v3+s9+$0x0], $0xffff  }
0x1ad: {  	v41 =	vand.u32 $0x6, v54;
	v60 =	vadd.s32 v24, v15;
	v56 =	vor.u32 v39, v53;
	v2 =	vld.idx.msk [tilespmem:v2+s9+$0x0], $0xffff  }
0x1ae: {  	v58 =	vadd.s32 v21, v15;
	v50 =	vor.u32 v0, v60;
	v57 =	vadd.s32 v27, v37;
	v5 =	vld.idx.msk [tilespmem:v5+s9+$0x0], $0xffff  }
0x1af: {  	v40 =	vand.u32 $0x38, v54;
	v44 =	vor.u32 v0, v58;
	v47 =	vor.u32 v39, v57;
	v43 =	vld.idx.msk [tilespmem:v52+s9+$0x0], $0xffff  }
0x1b0: {  	v48 =	vor.u32 v0, v15;
	v59 =	vadd.s32 v26, v37;
	v42 =	vld.idx.msk [tilespmem:v63+s9+$0x0], $0xffff;
	v1 =	vmul.f32 v1, v38  }
0x1b1: {  	v15 =	vadd.s32 v18, v15;
	v61 =	vadd.s32 v21, v37;
	v45 =	vld.idx.msk [tilespmem:v45+s9+$0x0], $0xffff;
	v49 =	vor.u32 v39, v59  }
0x1b2: {  	v51 =	vor.u32 v39, v61;
	v46 =	vld.idx.msk [tilespmem:v56+s9+$0x0], $0xffff;
	v3 =	vmul.f32 v3, v36;
	v1 =	vadd.f32 $0.0e+00, v1  }
0x1b3: {  	v0 =	vor.u32 v0, v15;
	v15 =	vadd.s32 v24, v37;
	v50 =	vld.idx.msk [tilespmem:v50+s9+$0x0], $0xffff;
	v5 =	vmul.f32 v5, v38  }
0x1b4: {  	v62 =	vadd.s32 v18, v37;
	v47 =	vld.idx.msk [tilespmem:v47+s9+$0x0], $0xffff;
	v2 =	vmul.f32 v2, v34;
	v1 =	vadd.f32 v3, v1  }
0x1b5: {  	v42 =	vmul.f32 v42, v36;
	v3 =	vor.u32 v39, v15;
	v15 =	vld.idx.msk [tilespmem:v44+s9+$0x0], $0xffff;
	v5 =	vadd.f32 $0.0e+00, v5  }
0x1b6: {  	v61 =	vadd.s32 v25, v40;
	v63 =	vmul.f32 v43, v35;
	v49 =	vld.idx.msk [tilespmem:v49+s9+$0x0], $0xffff;
	v1 =	vadd.f32 v2, v1  }
0x1b7: {  	v56 =	vor.u32 v39, v62;
	v58 =	vld.idx.msk [tilespmem:v51+s9+$0x0], $0xffff;
	v57 =	vmul.f32 v46, v34;
	v5 =	vadd.f32 v42, v5  }
0x1b8: {  	v59 =	vadd.s32 v29, v40;
	v60 =	vmul.f32 v45, v32;
	v1 =	vadd.f32 v63, v1  }
0x1b9: {  	v45 =	vor.u32 v41, v59;
	v53 =	vmul.f32 v47, v35;
	v47 =	vld.idx.msk [tilespmem:v0+s9+$0x0], $0xffff;
	v5 =	vadd.f32 v57, v5  }
0x1ba: {  	v51 =	vmul.f32 v50, v30;
	v62 =	vmul.f32 v15, v33;
	v46 =	vld.idx.msk [tilespmem:v3+s9+$0x0], $0xffff;
	v1 =	vadd.f32 v60, v1  }
0x1bb: {  	v44 =	vadd.s32 v28, v40;
	v63 =	vadd.f32 v53, v5;
	v5 =	vmul.f32 v49, v32  }
0x1bc: {  	s17 =	simm.s32 $0x3;
	v43 =	vld.idx.msk [tilespmem:v56+s9+$0x0], $0xffff;
	v52 =	vmul.f32 v58, v33;
	v42 =	vadd.s32 v4, v48;
	v49 =	vadd.f32 v62, v1  }
0x1bd: {  	s1 =	simm.s32 $0x4;
	v48 =	vor.u32 v41, v61;
	v53 =	vmov s17;
	v50 =	vadd.f32 v5, v63  }
.LBB2_9:
0x1be: {  	p1 =	slt.u32 s1, $0x3E;
	v0 =	vand.u32 $0x38, v53;
	v1 =	vadd.f32 v51, v49;
	v2 =	vmul.f32 v47, v31  }
0x1bf: {  	v5 =	vmul.f32 v46, v30;
	v15 =	vor.u32 v39, v37;
	v3 =	vadd.f32 v52, v50;
	v37 =	vmovc v0  }
0x1c0: {  	v39 =	vand.u32 $0x7, v53;
	v15 =	vadd.s32 v4, v15;
	v0 =	vadd.s32 v25, v37  }
0x1c1: {  	v0 =	vor.u32 v39, v0;
	v3 =	vadd.f32 v5, v3;
	v5 =	vmul.f32 v43, v31  }
0x1c2: {  	v1 =	vadd.f32 v2, v1;
	v43 =	vor.u32 v41, v44;
	v44 =	vadd.s32 v29, v37  }
0x1c3: {  	v46 =	vadd.s32 v27, v40;
	v44 =	vor.u32 v39, v44;
	v2 =	vld.idx.msk [tilespmem:v48+s9+$0x0], $0xffff;
	v3 =	vadd.f32 v5, v3  }
0x1c4: {  	v5 =	vor.u32 v41, v46;
	v46 =	vadd.s32 v28, v37;
	[tilespmem:v42+s16+$0x0] =	vst.idx.msk $0xffff, v1  }
0x1c5: {  	v1 =	vmov s1;
	v46 =	vor.u32 v39, v46;
	v42 =	vld.idx.msk [tilespmem:v45+s9+$0x0], $0xffff;
	v45 =	vadd.s32 v26, v40;
	[tilespmem:v15+s16+$0x0] =	vst.idx.msk $0xffff, v3  }
0x1c6: {  	v3 =	vand.u32 $0x6, v1;
	v15 =	vor.u32 v41, v45;
	v0 =	vld.idx.msk [tilespmem:v0+s9+$0x0], $0xffff;
	v45 =	vadd.s32 v27, v37  }
0x1c7: {  	v47 =	vadd.s32 v21, v40;
	v1 =	vand.u32 $0x38, v1;
	v43 =	vld.idx.msk [tilespmem:v43+s9+$0x0], $0xffff;
	v45 =	vor.u32 v39, v45  }
0x1c8: {  	v47 =	vor.u32 v41, v47;
	v49 =	vadd.s32 v26, v37;
	v48 =	vor.u32 v41, v40;
	v44 =	vld.idx.msk [tilespmem:v44+s9+$0x0], $0xffff  }
0x1c9: {  	v50 =	vadd.s32 v24, v40;
	v49 =	vor.u32 v39, v49;
	v2 =	vmul.f32 v2, v38;
	v5 =	vld.idx.msk [tilespmem:v5+s9+$0x0], $0xffff  }
0x1ca: {  	v51 =	vadd.s32 v18, v40;
	v50 =	vor.u32 v41, v50;
	v53 =	vadd.s32 v21, v37;
	v46 =	vld.idx.msk [tilespmem:v46+s9+$0x0], $0xffff  }
0x1cb: {  	v52 =	vor.u32 v39, v53;
	v40 =	vmovc v1;
	v2 =	vadd.f32 $0.0e+00, v2;
	v42 =	vmul.f32 v42, v36;
	v15 =	vld.idx.msk [tilespmem:v15+s9+$0x0], $0xffff  }
0x1cc: {  	v53 =	vadd.s32 v24, v37;
	v1 =	vor.u32 v41, v51;
	v0 =	vmul.f32 v0, v38;
	v45 =	vld.idx.msk [tilespmem:v45+s9+$0x0], $0xffff  }
0x1cd: {  	v51 =	vor.u32 v39, v53;
	v2 =	vadd.f32 v42, v2;
	v42 =	vmul.f32 v43, v34;
	v43 =	vld.idx.msk [tilespmem:v47+s9+$0x0], $0xffff  }
0x1ce: {  	v41 =	vmovc v3;
	v0 =	vadd.f32 $0.0e+00, v0;
	v47 =	vmul.f32 v44, v36;
	v44 =	vadd.s32 v18, v37;
	v49 =	vld.idx.msk [tilespmem:v49+s9+$0x0], $0xffff  }
0x1cf: {  	v2 =	vadd.f32 v42, v2;
	v3 =	vmul.f32 v5, v35;
	v5 =	vld.idx.msk [tilespmem:v50+s9+$0x0], $0xffff;
	v50 =	vor.u32 v39, v44  }
0x1d0: {  	v44 =	vadd.s32 v28, v40;
	v0 =	vadd.f32 v47, v0;
	v42 =	vmul.f32 v46, v34;
	v52 =	vld.idx.msk [tilespmem:v52+s9+$0x0], $0xffff  }
0x1d1: {  	v53 =	vadd.s32 v29, v40;
	v2 =	vadd.f32 v3, v2;
	v3 =	vmul.f32 v15, v32;
	v47 =	vld.idx.msk [tilespmem:v1+s9+$0x0], $0xffff  }
.Ltmp7:
0x1d2: {  	v1 =	vadd.s32 v25, v40;
	v0 =	vadd.f32 v42, v0;
	v15 =	vmul.f32 v45, v35;
	v46 =	vld.idx.msk [tilespmem:v51+s9+$0x0], $0xffff;
	(pc) =	sbr.rel @p1 .LBB2_9-.Ltmp7, $4  }
0x1d3: {  	v42 =	vadd.s32 v4, v48;
	v2 =	vadd.f32 v3, v2;
	v3 =	vmul.f32 v43, v33  }
0x1d4: {  	v45 =	vor.u32 v41, v53;
	v0 =	vadd.f32 v15, v0;
	v15 =	vmul.f32 v49, v32;
	v43 =	vld.idx.msk [tilespmem:v50+s9+$0x0], $0xffff  }
0x1d5: {  	s4 =	sadd.s32 $0x1, s1;
	v48 =	vor.u32 v41, v1;
	v49 =	vadd.f32 v3, v2;
	v51 =	vmul.f32 v5, v30  }
0x1d6: {  	s1 =	sadd.s32 $0x2, s1;
	v53 =	vmov s4;
	v50 =	vadd.f32 v15, v0;
	v52 =	vmul.f32 v52, v33  }
0x1d7: {  	v1 =	vld [tilespmem:$0x1FFC0];
	_ =	sdelay $0x1  }
0x1d8: {  	s1 =	smin.u32 s26, $0x6E0  }
0x1d9: {  	s4 =	sadd.s32 $0xFFFFFF20, s1  }
0x1da: {  	s1 =	sadd.s32 $0x11F, s1;
	v0 =	vmov s4  }
0x1db: {  	vm0 =	vgt.s32 v0, v14;
	vm1 =	vgt.s32 v1, s1  }
0x1dc: {  	vm10 =	vgt.s32 v0, v16;
	vm0 =	vmor vm0, vm1  }
0x1dd: {  	vm11 =	vgt.s32 v17, s1;
	vm0 =	vmor vm0, vm10  }
0x1de: {  	vm12 =	vgt.s32 v0, v19;
	vm0 =	vmor vm0, vm11  }
0x1df: {  	vm13 =	vgt.s32 v20, s1;
	vm0 =	vmor vm0, vm12  }
0x1e0: {  	vm14 =	vgt.s32 v0, v22;
	vm0 =	vmor vm0, vm13  }
0x1e1: {  	v2 =	vand.u32 $0x7, v53;
	vm15 =	vgt.s32 v23, s1;
	vm0 =	vmor vm0, vm14  }
0x1e2: {  	v1 =	vand.u32 $0x38, v53;
	v53 =	vimm.f32 $0.0e+00;
	vm0 =	vmor vm0, vm15  }
0x1e3: {  	v3 =	vadd.s32 v25, v1;
	v16 =	vsel vm0, $0x3F800000, v53  }
0x1e4: {  	v25 =	vor.u32 v2, v3;
	(xrf0) =	vmax.scan.msk.f32 $0xffff, v16  }
0x1e5: {  	v5 =	vadd.s32 v29, v1  }
0x1e6: {  	v54 =	vor.u32 v41, v44;
	v56 =	vadd.s32 v27, v40;
	v5 =	vor.u32 v2, v5  }
0x1e7: {  	v15 =	vld.idx.msk [tilespmem:v48+s9+$0x0], $0xffff;
	v57 =	vadd.s32 v26, v40;
	v60 =	vadd.s32 v21, v40;
	v55 =	vadd.s32 v28, v1  }
0x1e8: {  	v62 =	vadd.s32 v24, v40;
	v63 =	vadd.s32 v18, v40;
	v20 =	vor.u32 v2, v55  }
0x1e9: {  	v17 =	vadd.f32 v52, v50;
	v22 =	vor.u32 v41, v56;
	v58 =	vadd.s32 v27, v1;
	v0 =	vld.idx.msk [tilespmem:v25+s9+$0x0], $0xffff  }
0x1ea: {  	v59 =	vld.idx.msk [tilespmem:v45+s9+$0x0], $0xffff;
	v23 =	vor.u32 v41, v57;
	v3 =	vadd.f32 v51, v49;
	v25 =	vor.u32 v2, v58;
	v49, _, _ =	vpop (xrf0)  }
0x1eb: {  	v50 =	vor.u32 v41, v63;
	v61 =	vadd.s32 v26, v1;
	v5 =	vld.idx.msk [tilespmem:v5+s9+$0x0], $0xffff;
	(v2sf) =	vpush v49, $0xF  }
0x1ec: {  	v14 =	vmul.f32 v47, v31;
	v15 =	vmul.f32 v15, v38;
	v19 =	vld.idx.msk [tilespmem:v54+s9+$0x0], $0xffff;
	v26 =	vor.u32 v2, v61  }
0x1ed: {  	v54 =	vor.u32 v39, v37;
	v28 =	vor.u32 v41, v60;
	v48 =	vadd.s32 v21, v1;
	v20 =	vld.idx.msk [tilespmem:v20+s9+$0x0], $0xffff  }
0x1ee: {  	v29 =	vor.u32 v41, v62;
	v21 =	vor.u32 v2, v48;
	v22 =	vld.idx.msk [tilespmem:v22+s9+$0x0], $0xffff;
	v0 =	vmul.f32 v0, v38  }
0x1ef: {  	v27 =	vmul.f32 v59, v36;
	v15 =	vadd.f32 $0.0e+00, v15;
	v51 =	vadd.s32 v24, v1;
	v25 =	vld.idx.msk [tilespmem:v25+s9+$0x0], $0xffff  }
0x1f0: {  	v23 =	vld.idx.msk [tilespmem:v23+s9+$0x0], $0xffff;
	v24 =	vor.u32 v2, v51;
	v5 =	vmul.f32 v5, v36;
	v0 =	vadd.f32 $0.0e+00, v0  }
0x1f1: {  	v52 =	vadd.s32 v18, v1;
	v15 =	vadd.f32 v27, v15;
	v19 =	vmul.f32 v19, v34;
	v26 =	vld.idx.msk [tilespmem:v26+s9+$0x0], $0xffff  }
0x1f2: {  	v18 =	vor.u32 v2, v52;
	v53 =	vld.idx.msk [tilespmem:v28+s9+$0x0], $0xffff;
	v0 =	vadd.f32 v5, v0;
	v5 =	vmul.f32 v20, v34  }
0x1f3: {  	v59 =	vmul.f32 v43, v31;
	v15 =	vadd.f32 v19, v15;
	v21 =	vld.idx.msk [tilespmem:v21+s9+$0x0], $0xffff;
	v55 =	vmul.f32 v22, v35  }
0x1f4: {  	v62 =	vor.u32 v41, v40;
	v56 =	vld.idx.msk [tilespmem:v29+s9+$0x0], $0xffff;
	v0 =	vadd.f32 v5, v0;
	v5 =	vmul.f32 v25, v35  }
0x1f5: {  	v1 =	vor.u32 v2, v1;
	v57 =	vmul.f32 v23, v32;
	v58 =	vld.idx.msk [tilespmem:v24+s9+$0x0], $0xffff;
	v15 =	vadd.f32 v55, v15  }
0x1f6: {  	v60 =	vld.idx.msk [tilespmem:v50+s9+$0x0], $0xffff;
	v3 =	vadd.f32 v14, v3;
	v0 =	vadd.f32 v5, v0;
	v5 =	vmul.f32 v26, v32  }
0x1f7: {  	v61 =	vld.idx.msk [tilespmem:v18+s9+$0x0], $0xffff;
	v18 =	vadd.s32 v4, v62;
	v14 =	vadd.f32 v57, v15;
	v15 =	vmul.f32 v53, v33  }
0x1f8: {  	v16 =	vmul.f32 v46, v30;
	v0 =	vadd.f32 v5, v0;
	v5 =	vmul.f32 v21, v33  }
0x1f9: {  	v14 =	vadd.f32 v15, v14;
	v15 =	vmul.f32 v56, v30;
	v20 =	vadd.s32 v4, v54  }
0x1fa: {  	v16 =	vadd.f32 v16, v17;
	v0 =	vadd.f32 v5, v0;
	v5 =	vmul.f32 v58, v30;
	s17 =	spop (v2sf)  }
0x1fb: {  	v1 =	vadd.s32 v4, v1;
	v63 =	vadd.f32 v15, v14;
	v14 =	vmul.f32 v60, v31;
	p1 =	sgt.f32 s17, $0.0e+00  }
.Ltmp8:
0x1fc: {  	v15 =	vadd.f32 v59, v16;
	v0 =	vadd.f32 v5, v0;
	v5 =	vmul.f32 v61, v31;
	(pc) =	sbr.rel @!p1 .LBB2_16-.Ltmp8, $4  }
0x1fd: {  	[tilespmem:v42+s16+$0x0] =	vst.idx.msk $0xffff, v3;
	v2 =	vadd.f32 v14, v63  }
0x1fe: {  	[tilespmem:v20+s16+$0x0] =	vst.idx.msk $0xffff, v15;
	v0 =	vadd.f32 v5, v0  }
0x1ff: {  	[tilespmem:v18+s16+$0x0] =	vst.idx.msk $0xffff, v2  }
0x200: {  	[tilespmem:v1+s16+$0x0] =	vst.idx.msk $0xffff, v0  }
0x201: {  	s4 =	simm.s32 $0x80;
	s1 =	simm.s32 $0x17200  }
0x202: {  	[tilespmem:s19], [sflag:$0x7] =	stream.indirect.gather [hbm4b:s6+s4], $0x40, s1, s4, $0xb8;
	[tilespmem:$0x1B300] =	vst v63  }
0x203: {  	s17 =	simm.s32 $0x17280;
	s1 =	simm.s32 $0x0  }
0x204: {  	v1 =	vlaneseq.u32;
	v0 =	vmov s1;
	[tilespmem:s21], [sflag:$0x8] =	stream.indirect.gather [hbm4b:s6+s4], $0x40, s17, s4, $0xb8;
	[tilespmem:$0x1B300] =	vst v63  }
0x205: {  	v14 =	vmul.u32 $0x40, v1;
	v0 =	vand.u32 $0x3E, v0;
	_ =	swait.ge [sflag:s30], $0x2000  }
0x206: {  	v58 =	vadd.s32 v4, v0;
	[sflag:s30] =	ssyncset.done $0x0  }
0x207: {  	v15 =	vor.u32 $0x1000, v14;
	v3 =	vor.u32 v14, v0;
	[sflag:s30] =	ssyncadd.s32 $0xFFFFE000  }
0x208: {  	v17 =	vor.u32 $0x400, v14;
	v5 =	vor.u32 v15, v0;
	_ =	swait.ge [sflag:s31], $0x2000  }
0x209: {  	v16 =	vor.u32 $0x1400, v14;
	v22 =	vor.u32 v17, v0;
	[sflag:s31] =	ssyncset.done $0x0  }
0x20a: {  	v18 =	vor.u32 $0x1800, v14;
	v23 =	vor.u32 v16, v0;
	[sflag:s31] =	ssyncadd.s32 $0xFFFFE000  }
0x20b: {  	s17 =	simm.s32 $0x1;
	v19 =	vor.u32 $0x800, v14;
	v24 =	vor.u32 v18, v0;
	v1 =	vld.idx.msk [tilespmem:v58+s2+$0x0], $0xffff  }
0x20c: {  	v20 =	vor.u32 $0x1C00, v14;
	v2 =	vmov s17;
	v25 =	vor.u32 v19, v0;
	v3 =	vld.idx.msk [tilespmem:v3+s19+$0x0], $0xffff  }
0x20d: {  	v26 =	vor.u32 v20, v0;
	v2 =	vand.u32 $0x3F, v2;
	v5 =	vld.idx.msk [tilespmem:v5+s19+$0x0], $0xffff  }
0x20e: {  	v21 =	vor.u32 v16, v2;
	v22 =	vld.idx.msk [tilespmem:v22+s19+$0x0], $0xffff  }
0x20f: {  	v27 =	vor.u32 v20, v2;
	v23 =	vld.idx.msk [tilespmem:v23+s19+$0x0], $0xffff  }
0x210: {  	s4 =	simm.s32 $0x2;
	v29 =	vadd.s32 v4, v2;
	v24 =	vld.idx.msk [tilespmem:v24+s19+$0x0], $0xffff  }
0x211: {  	v36 =	vmov s4;
	v30 =	vor.u32 v14, v2;
	v25 =	vld.idx.msk [tilespmem:v25+s19+$0x0], $0xffff  }
0x212: {  	v31 =	vimm.f32 $0.0e+00;
	v36 =	vand.u32 $0x3E, v36;
	v33 =	vor.u32 v19, v2;
	v26 =	vld.idx.msk [tilespmem:v26+s19+$0x0], $0xffff  }
0x213: {  	v32 =	vor.u32 v18, v2;
	v34 =	vor.u32 v17, v2;
	v35 =	vor.u32 v15, v2;
	v28 =	vld.idx.msk [tilespmem:v21+s19+$0x0], $0xffff  }
0x214: {  	v59 =	vadd.s32 v4, v36;
	v37 =	vor.u32 v14, v36;
	v40 =	vor.u32 v15, v36;
	v27 =	vld.idx.msk [tilespmem:v27+s19+$0x0], $0xffff  }
0x215: {  	s17 =	simm.s32 $0x3;
	v41 =	vor.u32 v16, v36;
	v42 =	vor.u32 v19, v36;
	v47 =	vor.u32 v17, v36;
	v39 =	vld.idx.msk [tilespmem:v29+s2+$0x0], $0xffff  }
0x216: {  	v49 =	vor.u32 v18, v36;
	v21 =	vor.u32 $0xC00, v14;
	v29 =	vld.idx.msk [tilespmem:v30+s19+$0x0], $0xffff;
	v30 =	vmov s17  }
0x217: {  	v54 =	vor.u32 v20, v36;
	v33 =	vld.idx.msk [tilespmem:v33+s19+$0x0], $0xffff;
	v0 =	vor.u32 v21, v0;
	v48 =	vand.u32 $0x3F, v30  }
0x218: {  	v35 =	vld.idx.msk [tilespmem:v35+s19+$0x0], $0xffff;
	v2 =	vor.u32 v21, v2;
	v43 =	vor.u32 v16, v48;
	v3 =	vmul.f32 v3, v1  }
0x219: {  	v50 =	vld.idx.msk [tilespmem:v37+s19+$0x0], $0xffff;
	v37 =	vor.u32 v14, v48;
	v5 =	vmul.f32 v5, v1;
	v22 =	vmul.f32 v22, v1  }
0x21a: {  	v34 =	vld.idx.msk [tilespmem:v34+s19+$0x0], $0xffff;
	v55 =	vor.u32 v20, v48;
	v23 =	vmul.f32 v23, v1;
	v25 =	vmul.f32 v25, v1  }
0x21b: {  	v30 =	vmul.f32 v24, v1;
	v26 =	vmul.f32 v26, v1;
	v46 =	vadd.f32 v22, v31;
	v22 =	vld.idx.msk [tilespmem:v32+s19+$0x0], $0xffff  }
0x21c: {  	v24 =	vmul.f32 v27, v39;
	v45 =	vmul.f32 v29, v39;
	v29 =	vor.u32 v18, v48;
	v0 =	vld.idx.msk [tilespmem:v0+s19+$0x0], $0xffff  }
0x21d: {  	v27 =	vor.u32 v19, v48;
	v60 =	vmul.f32 v28, v39;
	v52 =	vmul.f32 v33, v39;
	v2 =	vld.idx.msk [tilespmem:v2+s19+$0x0], $0xffff  }
0x21e: {  	v33 =	vadd.s32 v4, v48;
	v3 =	vadd.f32 v3, v31;
	v38 =	vadd.f32 v23, v31;
	v23 =	vld.idx.msk [tilespmem:v59+s2+$0x0], $0xffff  }
0x21f: {  	v53 =	vld.idx.msk [tilespmem:v40+s19+$0x0], $0xffff;
	v28 =	vor.u32 v17, v48;
	v5 =	vadd.f32 v5, v31;
	v25 =	vadd.f32 v25, v31  }
0x220: {  	v40 =	vld.idx.msk [tilespmem:v47+s19+$0x0], $0xffff;
	v61 =	vmul.f32 v35, v39;
	v51 =	vadd.f32 v30, v31;
	v30 =	vadd.f32 v60, v38  }
0x221: {  	v35 =	vld.idx.msk [tilespmem:v49+s19+$0x0], $0xffff;
	v32 =	vadd.f32 v52, v25;
	v3 =	vadd.f32 v45, v3;
	v44 =	vmul.f32 v22, v39  }
0x222: {  	v38 =	vld.idx.msk [tilespmem:v41+s19+$0x0], $0xffff;
	v45 =	vadd.f32 v26, v31;
	v0 =	vmul.f32 v0, v1;
	v62 =	vmul.f32 v2, v39  }
0x223: {  	v22 =	vld.idx.msk [tilespmem:v43+s19+$0x0], $0xffff;
	v43 =	vadd.f32 v61, v5;
	v63 =	vmul.f32 v50, v23;
	v5 =	vmul.f32 v34, v39  }
0x224: {  	v41 =	vld.idx.msk [tilespmem:v42+s19+$0x0], $0xffff;
	v39 =	vor.u32 v21, v36;
	v47 =	vmul.f32 v53, v23;
	v0 =	vadd.f32 v0, v31  }
0x225: {  	v42 =	vld.idx.msk [tilespmem:v54+s19+$0x0], $0xffff;
	v36 =	vor.u32 v21, v48;
	v31 =	vadd.f32 v44, v51;
	v26 =	vadd.f32 v63, v3  }
0x226: {  	s1 =	simm.s32 $0x4;
	v34 =	vld.idx.msk [tilespmem:v55+s19+$0x0], $0xffff;
	v44 =	vor.u32 v15, v48;
	v46 =	vadd.f32 v5, v46;
	v25 =	vadd.f32 v62, v0  }
.LBB2_12:
0x227: {  	p1 =	slt.u32 s1, $0x3E;
	v0 =	vadd.f32 v47, v43;
	v1 =	vmul.f32 v40, v23;
	v2 =	vld.idx.msk [tilespmem:v37+s19+$0x0], $0xffff;
	v3 =	vadd.f32 v24, v45;
	s4 =	smov.u32 s1;
	s1 =	sadd.s32 $0x2, s1  }
0x228: {  	v24 =	vmul.f32 v38, v23;
	v37 =	vmov v23;
	v5 =	vmov s4;
	s4 =	sadd.s32 $0x1, s4;
	v45 =	vld.idx.msk [tilespmem:v33+s2+$0x0], $0xffff  }
0x229: {  	v5 =	vand.u32 $0x3E, v5;
	v23 =	vmov s4;
	v1 =	vadd.f32 v1, v46;
	v29 =	vld.idx.msk [tilespmem:v29+s19+$0x0], $0xffff  }
0x22a: {  	v38 =	vmul.f32 v41, v37;
	v33 =	vadd.s32 v4, v5  }
0x22b: {  	v35 =	vmul.f32 v35, v37;
	v46 =	vand.u32 $0x3F, v23;
	v42 =	vmul.f32 v42, v37  }
0x22c: {  	v32 =	vadd.f32 v38, v32;
	v38 =	vld.idx.msk [tilespmem:v27+s19+$0x0], $0xffff  }
0x22d: {  	v30 =	vadd.f32 v24, v30;
	v27 =	vor.u32 v14, v5;
	v39 =	vld.idx.msk [tilespmem:v39+s19+$0x0], $0xffff  }
0x22e: {  	v40 =	vor.u32 v15, v5;
	v24 =	vmul.f32 v34, v45;
	v41 =	vld.idx.msk [tilespmem:v44+s19+$0x0], $0xffff  }
0x22f: {  	v34 =	vor.u32 v16, v5;
	v44 =	vor.u32 v19, v5;
	v48 =	vmul.f32 v29, v45;
	v47 =	vld.idx.msk [tilespmem:v28+s19+$0x0], $0xffff  }
0x230: {  	v43 =	vor.u32 v16, v46;
	v2 =	vmul.f32 v2, v45;
	v36 =	vld.idx.msk [tilespmem:v36+s19+$0x0], $0xffff  }
0x231: {  	v49 =	vor.u32 v17, v5;
	v50 =	vor.u32 v18, v5;
	v29 =	vor.u32 v18, v46;
	v23 =	vld.idx.msk [tilespmem:v33+s2+$0x0], $0xffff  }
0x232: {  	v52 =	vmul.f32 v22, v45;
	v51 =	vld.idx.msk [tilespmem:v27+s19+$0x0], $0xffff;
	v27 =	vor.u32 v19, v46  }
0x233: {  	v31 =	vadd.f32 v35, v31;
	v35 =	vmul.f32 v38, v45  }
0x234: {  	v54 =	vor.u32 v20, v5;
	v33 =	vadd.s32 v4, v46;
	v39 =	vmul.f32 v39, v37;
	v53 =	vld.idx.msk [tilespmem:v40+s19+$0x0], $0xffff  }
0x235: {  	v28 =	vor.u32 v17, v46;
	v37 =	vor.u32 v14, v46;
	v41 =	vmul.f32 v41, v45;
	v22 =	vld.idx.msk [tilespmem:v43+s19+$0x0], $0xffff  }
0x236: {  	v30 =	vadd.f32 v52, v30;
	v32 =	vadd.f32 v35, v32;
	v40 =	vld.idx.msk [tilespmem:v49+s19+$0x0], $0xffff;
	v49 =	vor.u32 v20, v46  }
.Ltmp9:
0x237: {  	v2 =	vadd.f32 v2, v26;
	v43 =	vadd.f32 v41, v0;
	v0 =	vmul.f32 v36, v45;
	v38 =	vld.idx.msk [tilespmem:v34+s19+$0x0], $0xffff;
	(pc) =	sbr.rel @p1 .LBB2_12-.Ltmp9, $4  }
0x238: {  	v25 =	vadd.f32 v39, v25;
	v26 =	vmul.f32 v51, v23;
	v35 =	vld.idx.msk [tilespmem:v50+s19+$0x0], $0xffff;
	v50 =	vmul.f32 v47, v45  }
0x239: {  	v31 =	vadd.f32 v48, v31;
	v39 =	vor.u32 v21, v5;
	v45 =	vadd.f32 v42, v3;
	v41 =	vld.idx.msk [tilespmem:v44+s19+$0x0], $0xffff  }
0x23a: {  	v25 =	vadd.f32 v0, v25;
	v26 =	vadd.f32 v26, v2;
	v47 =	vmul.f32 v53, v23;
	v42 =	vld.idx.msk [tilespmem:v54+s19+$0x0], $0xffff  }
0x23b: {  	v36 =	vor.u32 v21, v46;
	v44 =	vor.u32 v15, v46;
	v46 =	vadd.f32 v50, v1;
	v34 =	vld.idx.msk [tilespmem:v49+s19+$0x0], $0xffff  }
0x23c: {  	_ =	sdelay $0x3  }
0x23d: {  	v0 =	vld.idx.msk [tilespmem:v37+s19+$0x0], $0xffff  }
0x23e: {  	v1 =	vld.idx.msk [tilespmem:v33+s2+$0x0], $0xffff  }
0x23f: {  	v2 =	vld.idx.msk [tilespmem:v29+s19+$0x0], $0xffff  }
0x240: {  	v3 =	vld.idx.msk [tilespmem:v27+s19+$0x0], $0xffff  }
0x241: {  	v5 =	vmul.f32 v40, v23;
	v27 =	vld.idx.msk [tilespmem:v44+s19+$0x0], $0xffff  }
0x242: {  	v29 =	vadd.f32 v47, v43;
	v24 =	vadd.f32 v24, v45;
	v50 =	vld.idx.msk [tilespmem:v39+s19+$0x0], $0xffff;
	v38 =	vmul.f32 v38, v23  }
0x243: {  	v28 =	vld.idx.msk [tilespmem:v28+s19+$0x0], $0xffff;
	v35 =	vmul.f32 v35, v23;
	v49 =	vmul.f32 v41, v23;
	v5 =	vadd.f32 v5, v46  }
0x244: {  	v52 =	vld.idx.msk [tilespmem:v36+s19+$0x0], $0xffff;
	v30 =	vadd.f32 v38, v30;
	v51 =	vmul.f32 v42, v23;
	v2 =	vmul.f32 v2, v1  }
0x245: {  	v31 =	vadd.f32 v35, v31;
	v22 =	vmul.f32 v22, v1;
	v3 =	vmul.f32 v3, v1  }
0x246: {  	v32 =	vadd.f32 v49, v32;
	v0 =	vmul.f32 v0, v1;
	v27 =	vmul.f32 v27, v1  }
0x247: {  	v23 =	vmul.f32 v50, v23;
	v24 =	vadd.f32 v51, v24;
	v22 =	vadd.f32 v22, v30  }
0x248: {  	v0 =	vadd.f32 v0, v26;
	v26 =	vadd.f32 v27, v29;
	v27 =	vmul.f32 v28, v1  }
0x249: {  	v3 =	vadd.f32 v3, v32;
	v28 =	vmul.f32 v52, v1;
	v23 =	vadd.f32 v23, v25  }
0x24a: {  	v1 =	vmul.f32 v34, v1;
	v2 =	vadd.f32 v2, v31;
	v5 =	vadd.f32 v27, v5  }
0x24b: {  	v23 =	vadd.f32 v28, v23;
	v0 =	vmul.f32 v0, v13;
	v25 =	vmul.f32 v26, v6  }
0x24c: {  	v1 =	vadd.f32 v1, v24;
	v24 =	vld [tilespmem:s26+$0x2000];
	v22 =	vmul.f32 v22, v7;
	v3 =	vmul.f32 v3, v11  }
0x24d: {  	v26 =	vld [tilespmem:s28+$0x2000];
	v2 =	vmul.f32 v2, v9;
	v5 =	vmul.f32 v5, v10  }
0x24e: {  	v27 =	vld [tilespmem:s20+$0x2000];
	v23 =	vmul.f32 v23, v12;
	v1 =	vmul.f32 v1, v8;
	v0 =	vadd.f32 v25, v0  }
0x24f: {  	v2 =	vadd.f32 v2, v3;
	v5 =	vadd.f32 v22, v5;
	v22 =	vld [tilespmem:s22+$0x2000]  }
0x250: {  	v1 =	vadd.f32 v1, v23  }
0x251: {  	v0 =	vmul.f32 $1.250000000e-01, v0;
	v2 =	vmul.f32 $1.250000000e-01, v2  }
0x252: {  	v3 =	vmul.f32 $1.250000000e-01, v5;
	v1 =	vmul.f32 $1.250000000e-01, v1  }
0x253: {  	v0 =	vadd.f32 v24, v0;
	v2 =	vadd.f32 v27, v2  }
0x254: {  	v3 =	vadd.f32 v26, v3;
	v1 =	vadd.f32 v22, v1;
	_ =	sdelay $0x1  }
0x255: {  	v5 =	vmax.f32 v0, v3;
	v22 =	vmax.f32 v2, v1  }
0x256: {  	v5 =	vmax.f32 v5, v22  }
0x257: {  	v0 =	vsub.f32 v0, v5  }
0x258: {  	v3 =	vsub.f32 v3, v5  }
0x259: {  	v0 =	vmul.f32 $1.442695020e+00, v0  }
0x25a: {  	v2 =	vsub.f32 v2, v5;
	v3 =	vmul.f32 $1.442695020e+00, v3  }
0x25b: {  	(erf) = vpow2.f32 v0  }
0x25c: {  	v1 =	vsub.f32 v1, v5;
	v53 =	vmul.f32 $1.442695020e+00, v2;
	(erf) = vpow2.f32 v3;
	_ =	sdelay $0x1  }
0x25d: {  	v54 =	vmul.f32 $1.442695020e+00, v1;
	(erf) = vpow2.f32 v53;
	_ =	sdelay $0x1  }
0x25e: {  	(erf) = vpow2.f32 v54;
	_ =	sdelay $0x3  }
0x25f: {  	v55 =	vpop (erf)  }
0x260: {  	v56 =	vpop (erf)  }
0x261: {  	v57 =	vadd.f32 v56, v55  }
0x262: {  	v3 =	vpop (erf)  }
0x263: {  	v2 =	vadd.f32 v57, v3  }
0x264: {  	v5 =	vpop (erf)  }
0x265: {  	s20 =	simm.s32 $0x3;
	v2 =	vadd.f32 v2, v5  }
0x266: {  	s17 =	simm.s32 $0x0;
	v48 =	vmov s20  }
0x267: {  	v33 =	vand.u32 $0x3F, v48;
	v24 =	vmov s17;
	(erf) = vrcp.f32 v2  }
0x268: {  	v50 =	vor.u32 v14, v33;
	v26 =	vand.u32 $0x3E, v24  }
0x269: {  	s1 =	simm.s32 $0x1;
	v27 =	vor.u32 v14, v26  }
0x26a: {  	v58 =	vmov s1;
	v28 =	vor.u32 v15, v26  }
0x26b: {  	v49 =	vor.u32 v18, v26;
	v2 =	vand.u32 $0x3F, v58  }
0x26c: {  	v22 =	vor.u32 v14, v2  }
0x26d: {  	v44 =	vor.u32 v16, v33;
	v36 =	vld.idx.msk [tilespmem:v50+s21+$0x0], $0xffff;
	v23 =	vor.u32 v17, v2  }
0x26e: {  	v47 =	vor.u32 v19, v33;
	v50 =	vor.u32 v21, v33;
	v27 =	vld.idx.msk [tilespmem:v27+s21+$0x0], $0xffff;
	v25 =	vor.u32 v15, v2  }
0x26f: {  	v30 =	vor.u32 v19, v26;
	v31 =	vor.u32 v16, v26;
	v63 =	vld.idx.msk [tilespmem:v28+s21+$0x0], $0xffff;
	v53 =	vor.u32 v15, v33  }
0x270: {  	v60 =	vor.u32 v21, v26;
	v62 =	vor.u32 v17, v26;
	v35 =	vld.idx.msk [tilespmem:v49+s21+$0x0], $0xffff;
	v49 =	vor.u32 v18, v33;
	v24 =	vpop (erf)  }
0x271: {  	v54 =	vor.u32 v17, v33;
	v29 =	vld.idx.msk [tilespmem:v22+s21+$0x0], $0xffff;
	v0 =	vmul.f32 v24, v55;
	v1 =	vmul.f32 v24, v56  }
0x272: {  	v28 =	vor.u32 v16, v2;
	v59 =	vld.idx.msk [tilespmem:v23+s21+$0x0], $0xffff;
	v3 =	vmul.f32 v24, v3;
	v5 =	vmul.f32 v24, v5  }
0x273: {  	v61 =	vld.idx.msk [tilespmem:v25+s21+$0x0], $0xffff;
	v25 =	vadd.s32 v4, v2;
	v22 =	vmul.f32 v0, v13;
	v13 =	vmul.f32 v1, v10  }
0x274: {  	v39 =	vld.idx.msk [tilespmem:v53+s21+$0x0], $0xffff;
	v24 =	vadd.s32 v4, v26;
	v11 =	vmul.f32 v3, v11;
	v10 =	vmul.f32 v5, v12  }
0x275: {  	v23 =	vmul.f32 v0, v6;
	v6 =	vmul.f32 v5, v8;
	v5 =	vld.idx.msk [tilespmem:v30+s21+$0x0], $0xffff;
	v8 =	vor.u32 v21, v2  }
0x276: {  	v12 =	vmul.f32 v1, v7;
	v7 =	vmul.f32 v3, v9;
	v9 =	vor.u32 v19, v2;
	v30 =	vld.idx.msk [tilespmem:v31+s21+$0x0], $0xffff  }
0x277: {  	v26 =	vor.u32 v20, v26;
	v31 =	vld.idx.msk [tilespmem:v60+s21+$0x0], $0xffff;
	v29 =	vmul.f32 v29, v22;
	v27 =	vmul.f32 v27, v22  }
0x278: {  	v53 =	vld.idx.msk [tilespmem:v44+s21+$0x0], $0xffff;
	v3 =	vor.u32 v18, v2;
	v32 =	vmul.f32 v59, v13;
	v34 =	vmul.f32 v61, v23  }
0x279: {  	v2 =	vor.u32 v20, v2;
	v0 =	vld.idx.msk [tilespmem:v62+s21+$0x0], $0xffff;
	v1 =	vmul.f32 v63, v23;
	v35 =	vmul.f32 v35, v7  }
0x27a: {  	s22 =	simm.s32 $0x2;
	v36 =	vmul.f32 v36, v22;
	v39 =	vmul.f32 v39, v23;
	v29 =	vadd.f32 $0.0e+00, v29;
	v51 =	vld.idx.msk [tilespmem:v8+s21+$0x0], $0xffff  }
0x27b: {  	v27 =	vadd.f32 $0.0e+00, v27;
	v52 =	vld.idx.msk [tilespmem:v9+s21+$0x0], $0xffff;
	v9 =	vmov s22;
	v8 =	vadd.s32 v4, v33  }
0x27c: {  	v28 =	vld.idx.msk [tilespmem:v28+s21+$0x0], $0xffff;
	v30 =	vmul.f32 v30, v12;
	v42 =	vmul.f32 v31, v10;
	v55 =	vand.u32 $0x3E, v9  }
0x27d: {  	v26 =	vld.idx.msk [tilespmem:v26+s21+$0x0], $0xffff;
	v5 =	vmul.f32 v5, v11;
	v33 =	vor.u32 v20, v33;
	v31 =	vor.u32 v14, v55  }
0x27e: {  	v3 =	vld.idx.msk [tilespmem:v3+s21+$0x0], $0xffff;
	v0 =	vmul.f32 v0, v13;
	v29 =	vadd.f32 v34, v29;
	v56 =	vor.u32 v15, v55  }
0x27f: {  	v2 =	vld.idx.msk [tilespmem:v2+s21+$0x0], $0xffff;
	v1 =	vadd.f32 v1, v27;
	v57 =	vor.u32 v16, v55;
	v58 =	vor.u32 v19, v55  }
0x280: {  	v40 =	vld.idx.msk [tilespmem:v54+s21+$0x0], $0xffff;
	v9 =	vadd.s32 v4, v55;
	v59 =	vor.u32 v17, v55;
	v61 =	vor.u32 v21, v55  }
0x281: {  	v48 =	vor.u32 v18, v55;
	v34 =	vor.u32 v20, v55;
	v0 =	vadd.f32 v0, v1;
	v1 =	vld.idx.msk [tilespmem:v49+s21+$0x0], $0xffff  }
0x282: {  	v29 =	vadd.f32 v32, v29;
	v27 =	vmul.f32 v26, v6;
	v26 =	vmul.f32 v28, v12;
	v31 =	vld.idx.msk [tilespmem:v31+s21+$0x0], $0xffff  }
0x283: {  	v28 =	vadd.f32 $0.0e+00, v36;
	v3 =	vmul.f32 v3, v7;
	v37 =	vmul.f32 v51, v10;
	v32 =	vld.idx.msk [tilespmem:v56+s21+$0x0], $0xffff  }
0x284: {  	s28 =	simm.s32 $0x4;
	v62 =	vmul.f32 v52, v11;
	v2 =	vmul.f32 v2, v6;
	v26 =	vadd.f32 v26, v29;
	v43 =	vld.idx.msk [tilespmem:v58+s21+$0x0], $0xffff  }
0x285: {  	s26 =	simm.s32 $0x5;
	v0 =	vadd.f32 v30, v0;
	v39 =	vadd.f32 v39, v28;
	v28 =	vmov s28;
	v60 =	vld.idx.msk [tilespmem:v61+s21+$0x0], $0xffff  }
0x286: {  	v61 =	vmov s26;
	v36 =	vadd.f32 v62, v26;
	v58 =	vld.idx.msk [tilespmem:v47+s21+$0x0], $0xffff;
	v47 =	vand.u32 $0x3E, v28  }
0x287: {  	v63 =	vld.idx.msk [tilespmem:v57+s21+$0x0], $0xffff;
	v0 =	vadd.f32 v5, v0;
	v55 =	vand.u32 $0x3F, v61;
	v5 =	vor.u32 v19, v47  }
0x288: {  	v61 =	vld.idx.msk [tilespmem:v34+s21+$0x0], $0xffff;
	v62 =	vor.u32 v17, v47;
	v34 =	vmul.f32 v1, v7;
	v46 =	vor.u32 v14, v55  }
0x289: {  	v56 =	vld.idx.msk [tilespmem:v59+s21+$0x0], $0xffff;
	v49 =	vor.u32 v15, v55;
	v30 =	vor.u32 v17, v55;
	v3 =	vadd.f32 v3, v36  }
0x28a: {  	v59 =	vld.idx.msk [tilespmem:v33+s21+$0x0], $0xffff;
	v26 =	vadd.s32 v4, v55;
	v29 =	vmul.f32 v31, v22;
	v31 =	vmul.f32 v40, v13  }
0x28b: {  	v38 =	vld.idx.msk [tilespmem:v48+s21+$0x0], $0xffff;
	v36 =	vor.u32 v16, v55;
	v44 =	vor.u32 v19, v55;
	v3 =	vadd.f32 v37, v3  }
0x28c: {  	v40 =	vld.idx.msk [tilespmem:v50+s21+$0x0], $0xffff;
	v28 =	vmul.f32 v60, v10;
	v60 =	vadd.f32 v31, v39;
	v39 =	vor.u32 v14, v47  }
0x28d: {  	v37 =	vor.u32 v16, v47;
	v41 =	vadd.f32 v2, v3;
	v3 =	vmul.f32 v32, v23;
	v32 =	vld.idx.msk [tilespmem:v5+s21+$0x0], $0xffff  }
0x28e: {  	v0 =	vadd.f32 v35, v0;
	v35 =	vor.u32 v20, v47;
	v50 =	vor.u32 v15, v47;
	v57 =	vld.idx.msk [tilespmem:v46+s21+$0x0], $0xffff  }
0x28f: {  	v54 =	vor.u32 v18, v55;
	v5 =	vmul.f32 v53, v12;
	v45 =	vadd.f32 $0.0e+00, v29;
	v46 =	vld.idx.msk [tilespmem:v30+s21+$0x0], $0xffff  }
0x290: {  	v29 =	vmul.f32 v63, v12;
	v31 =	vadd.s32 v4, v47;
	v63 =	vor.u32 v21, v47;
	v48 =	vld.idx.msk [tilespmem:v49+s21+$0x0], $0xffff  }
0x291: {  	v30 =	vmul.f32 v38, v7;
	v49 =	vor.u32 v21, v55;
	v51 =	vadd.f32 v3, v45;
	v52 =	vld.idx.msk [tilespmem:v39+s21+$0x0], $0xffff  }
0x292: {  	v45 =	vld.idx.msk [tilespmem:v37+s21+$0x0], $0xffff;
	v33 =	vmul.f32 v40, v10;
	v40 =	vor.u32 v18, v47;
	v47 =	vmul.f32 v61, v6  }
0x293: {  	v38 =	vld.idx.msk [tilespmem:v50+s21+$0x0], $0xffff;
	v50 =	vor.u32 v20, v55;
	v55 =	vmul.f32 v58, v11;
	v3 =	vmul.f32 v57, v22  }
0x294: {  	v37 =	vld.idx.msk [tilespmem:v62+s21+$0x0], $0xffff;
	v58 =	vmul.f32 v56, v13;
	v56 =	vadd.f32 v5, v60;
	v39 =	vmul.f32 v43, v11  }
0x295: {  	s1 =	simm.s32 $0x6;
	v57 =	vadd.f32 v42, v0;
	v43 =	vld.idx.msk [tilespmem:v63+s21+$0x0], $0xffff;
	v42 =	vmul.f32 v59, v6;
	v53 =	vadd.f32 $0.0e+00, v3  }
.LBB2_14:
0x296: {  	s4 =	sadd.s32 $0x1, s1;
	v0 =	vmul.f32 v52, v22;
	v1 =	vmul.f32 v46, v13  }
0x297: {  	p1 =	slt.u32 s1, $0x3E;
	v2 =	vld.idx.msk [tilespmem:v54+s21+$0x0], $0xffff;
	v3 =	vadd.f32 v27, v57;
	v5 =	vmovc v9;
	v9 =	vmov v31;
	v27 =	vmov v47;
	s17 =	smov.u32 s1;
	s1 =	sadd.s32 $0x2, s1  }
0x298: {  	v46 =	vmul.f32 v48, v23;
	v31 =	vmov s4;
	v47 =	vld.idx.msk [tilespmem:v49+s21+$0x0], $0xffff;
	v48 =	vadd.f32 v58, v51;
	[tilespmem:v25+s16+$0x0] =	vst.idx.msk $0xffff, v41  }
0x299: {  	v58 =	vand.u32 $0x3F, v31;
	v0 =	vadd.f32 $0.0e+00, v0;
	v59 =	vld.idx.msk [tilespmem:v44+s21+$0x0], $0xffff;
	v31 =	vadd.f32 v55, v56;
	[tilespmem:v24+s16+$0x0] =	vst.idx.msk $0xffff, v3  }
0x29a: {  	v3 =	vor.u32 v14, v58;
	v44 =	vor.u32 v15, v58;
	v60 =	vld.idx.msk [tilespmem:v50+s21+$0x0], $0xffff;
	v41 =	vadd.f32 v29, v48  }
0x29b: {  	v25 =	vmovc v8;
	v46 =	vadd.f32 v46, v53;
	v48 =	vor.u32 v17, v58;
	v50 =	vadd.s32 v4, v58  }
0x29c: {  	v49 =	vmov s17;
	v8 =	vmovc v26;
	v29 =	vmul.f32 v45, v12;
	v31 =	vadd.f32 v34, v31;
	v26 =	vmovc v50  }
0x29d: {  	v24 =	vmovc v5;
	v45 =	vand.u32 $0x3E, v49;
	v56 =	vmul.f32 v43, v10;
	v1 =	vadd.f32 v1, v46;
	v49 =	vld.idx.msk [tilespmem:v40+s21+$0x0], $0xffff  }
0x29e: {  	v5 =	vor.u32 v14, v45;
	v43 =	vor.u32 v15, v45;
	v33 =	vadd.f32 v33, v31;
	v50 =	vld.idx.msk [tilespmem:v36+s21+$0x0], $0xffff  }
0x29f: {  	v53 =	vor.u32 v16, v45;
	v39 =	vadd.f32 v39, v41;
	v31 =	vadd.s32 v4, v45;
	v3 =	vld.idx.msk [tilespmem:v3+s21+$0x0], $0xffff  }
0x2a0: {  	v55 =	vor.u32 v19, v45;
	v36 =	vor.u32 v16, v58;
	v41 =	vadd.f32 v42, v33;
	v57 =	vld.idx.msk [tilespmem:v35+s21+$0x0], $0xffff  }
0x2a1: {  	v51 =	vmul.f32 v38, v23;
	v34 =	vmul.f32 v2, v7;
	v42 =	vor.u32 v17, v45;
	v46 =	vld.idx.msk [tilespmem:v48+s21+$0x0], $0xffff  }
0x2a2: {  	v2 =	vor.u32 v21, v45;
	v33 =	vmul.f32 v47, v10;
	v48 =	vld.idx.msk [tilespmem:v44+s21+$0x0], $0xffff;
	v44 =	vor.u32 v19, v58  }
0x2a3: {  	v40 =	vor.u32 v18, v45;
	v52 =	vld.idx.msk [tilespmem:v5+s21+$0x0], $0xffff;
	v5 =	vadd.f32 v30, v39;
	v30 =	vmul.f32 v49, v7  }
.Ltmp10:
0x2a4: {  	v54 =	vor.u32 v18, v58;
	v51 =	vadd.f32 v51, v0;
	v35 =	vor.u32 v20, v45;
	v38 =	vld.idx.msk [tilespmem:v43+s21+$0x0], $0xffff;
	(pc) =	sbr.rel @p1 .LBB2_14-.Ltmp10, $4  }
0x2a5: {  	v49 =	vor.u32 v21, v58;
	v39 =	vmul.f32 v32, v11;
	v0 =	vmul.f32 v3, v22;
	v32 =	vld.idx.msk [tilespmem:v55+s21+$0x0], $0xffff  }
0x2a6: {  	v3 =	vmul.f32 v50, v12;
	v47 =	vmul.f32 v57, v6;
	v57 =	vadd.f32 v28, v5;
	v45 =	vld.idx.msk [tilespmem:v53+s21+$0x0], $0xffff  }
0x2a7: {  	v50 =	vor.u32 v20, v58;
	v55 =	vmul.f32 v59, v11;
	v28 =	vmovc v56;
	v53 =	vadd.f32 $0.0e+00, v0;
	v43 =	vld.idx.msk [tilespmem:v2+s21+$0x0], $0xffff  }
0x2a8: {  	v58 =	vmul.f32 v37, v13;
	v56 =	vadd.f32 v3, v1;
	v37 =	vld.idx.msk [tilespmem:v42+s21+$0x0], $0xffff;
	v42 =	vmul.f32 v60, v6  }
0x2a9: {  	_ =	sdelay $0x3  }
0x2aa: {  	v0 =	vmul.f32 v52, v22;
	v1 =	vld.idx.msk [tilespmem:v36+s21+$0x0], $0xffff  }
0x2ab: {  	v2 =	vmul.f32 v48, v23  }
0x2ac: {  	v3 =	vadd.f32 v27, v57;
	v5 =	vld.idx.msk [tilespmem:v44+s21+$0x0], $0xffff;
	v14 =	vmul.f32 v38, v23;
	v0 =	vadd.f32 $0.0e+00, v0  }
0x2ad: {  	v15 =	vmul.f32 v46, v13;
	v16 =	vadd.f32 v58, v51;
	v2 =	vadd.f32 v2, v53  }
0x2ae: {  	v17 =	vld.idx.msk [tilespmem:v54+s21+$0x0], $0xffff;
	v54 =	vadd.f32 v55, v56;
	v0 =	vadd.f32 v14, v0;
	v53 =	vmul.f32 v37, v13  }
0x2af: {  	v18 =	vld.idx.msk [tilespmem:v40+s21+$0x0], $0xffff;
	v16 =	vadd.f32 v29, v16;
	v2 =	vadd.f32 v15, v2;
	v1 =	vmul.f32 v1, v12  }
0x2b0: {  	v55 =	vld.idx.msk [tilespmem:v49+s21+$0x0], $0xffff;
	v56 =	vmul.f32 v45, v12;
	[tilespmem:v24+s16+$0x0] =	vst.idx.msk $0xffff, v3;
	v0 =	vadd.f32 v53, v0  }
0x2b1: {  	v3 =	vmul.f32 v5, v11;
	v5 =	vadd.f32 v39, v16;
	v1 =	vadd.f32 v1, v2  }
0x2b2: {  	[tilespmem:v25+s16+$0x0] =	vst.idx.msk $0xffff, v41;
	v57 =	vld.idx.msk [tilespmem:v50+s21+$0x0], $0xffff;
	v58 =	vmul.f32 v32, v11;
	v0 =	vadd.f32 v56, v0  }
0x2b3: {  	v60 =	vld.idx.msk [tilespmem:v35+s21+$0x0], $0xffff;
	v61 =	vmul.f32 v17, v7;
	v5 =	vadd.f32 v30, v5;
	v1 =	vadd.f32 v3, v1  }
0x2b4: {  	v59 =	vadd.f32 v34, v54;
	v3 =	vmul.f32 v18, v7;
	v0 =	vadd.f32 v58, v0  }
0x2b5: {  	v62 =	vmul.f32 v55, v10;
	v5 =	vadd.f32 v28, v5;
	v1 =	vadd.f32 v61, v1  }
0x2b6: {  	v63 =	vmul.f32 v43, v10;
	v7 =	vadd.f32 v33, v59;
	v0 =	vadd.f32 v3, v0  }
0x2b7: {  	v2 =	vmul.f32 v57, v6;
	v5 =	vadd.f32 v47, v5;
	v1 =	vadd.f32 v62, v1  }
0x2b8: {  	v6 =	vmul.f32 v60, v6;
	v3 =	vadd.f32 v42, v7;
	v0 =	vadd.f32 v63, v0  }
0x2b9: {  	[tilespmem:v9+s16+$0x0] =	vst.idx.msk $0xffff, v5;
	v1 =	vadd.f32 v2, v1  }
0x2ba: {  	[tilespmem:v8+s16+$0x0] =	vst.idx.msk $0xffff, v3;
	v0 =	vadd.f32 v6, v0  }
0x2bb: {  	[tilespmem:v26+s16+$0x0] =	vst.idx.msk $0xffff, v1  }
0x2bc: {  	[tilespmem:v31+s16+$0x0] =	vst.idx.msk $0xffff, v0  }
.LBB2_16:
0x2bd: {  	s1 =	sshll.u32 s24, $0xA  }
0x2be: {  	s1 =	sor.u32 s10, s1  }
0x2bf: {  	s1 =	sshrl.u32 s1, $0x3  }
0x2c0: {  	s1 =	sadd.s32 s11, s1  }
0x2c1: {  	[hbm4b:s1+s3] =	stream.linear.scatter [tilespmem:s16], [sflag:$0x5], $0x40, $0x38;
	[tilespmem:$0x1B300] =	vst v63  }
0x2c2: {  	s17 =	simm.s32 $0x16948;
	s4 =	sadd.s32 $0x80, s1  }
0x2c3: {  	[hbm4b:s4+s3] =	stream.linear.scatter [tilespmem:s17], [sflag:$0x5], $0x40, $0x38;
	[tilespmem:$0x1B300] =	vst v63  }
0x2c4: {  	s22 =	simm.s32 $0x16990;
	s20 =	sadd.s32 $0x100, s1  }
0x2c5: {  	[hbm4b:s20+s3] =	stream.linear.scatter [tilespmem:s22], [sflag:$0x5], $0x40, $0x38;
	[tilespmem:$0x1B300] =	vst v63  }
0x2c6: {  	s26 =	simm.s32 $0x169D8;
	s24 =	sadd.s32 $0x180, s1  }
0x2c7: {  	[hbm4b:s24+s3] =	stream.linear.scatter [tilespmem:s26], [sflag:$0x5], $0x40, $0x38;
	[tilespmem:$0x1B300] =	vst v63  }
0x2c8: {  	s28 =	smov.u32 s11;
	s11 =	sadd.s32 $0x200, s1;
	s17 =	simm.s32 $0x16A20  }
0x2c9: {  	[hbm4b:s11+s3] =	stream.linear.scatter [tilespmem:s17], [sflag:$0x5], $0x40, $0x38;
	[tilespmem:$0x1B300] =	vst v63  }
0x2ca: {  	s20 =	sadd.s32 $0x280, s1;
	s22 =	simm.s32 $0x16A68  }
0x2cb: {  	[hbm4b:s20+s3] =	stream.linear.scatter [tilespmem:s22], [sflag:$0x5], $0x40, $0x38;
	[tilespmem:$0x1B300] =	vst v63  }
0x2cc: {  	s24 =	sadd.s32 $0x300, s1;
	s26 =	simm.s32 $0x16AB0  }
0x2cd: {  	[hbm4b:s24+s3] =	stream.linear.scatter [tilespmem:s26], [sflag:$0x5], $0x40, $0x38;
	[tilespmem:$0x1B300] =	vst v63  }
0x2ce: {  	s11 =	sadd.s32 $0x380, s1;
	s17 =	simm.s32 $0x16AF8  }
0x2cf: {  	[hbm4b:s11+s3] =	stream.linear.scatter [tilespmem:s17], [sflag:$0x5], $0x40, $0x38;
	[tilespmem:$0x1B300] =	vst v63  }
0x2d0: {  	s20 =	sadd.s32 $0x400, s1;
	s22 =	simm.s32 $0x16B40  }
0x2d1: {  	[hbm4b:s20+s3] =	stream.linear.scatter [tilespmem:s22], [sflag:$0x5], $0x40, $0x38;
	[tilespmem:$0x1B300] =	vst v63  }
0x2d2: {  	s24 =	sadd.s32 $0x480, s1;
	s26 =	simm.s32 $0x16B88  }
0x2d3: {  	[hbm4b:s24+s3] =	stream.linear.scatter [tilespmem:s26], [sflag:$0x5], $0x40, $0x38;
	[tilespmem:$0x1B300] =	vst v63  }
0x2d4: {  	s11 =	sadd.s32 $0x500, s1;
	s17 =	simm.s32 $0x16BD0  }
0x2d5: {  	[hbm4b:s11+s3] =	stream.linear.scatter [tilespmem:s17], [sflag:$0x5], $0x40, $0x38;
	[tilespmem:$0x1B300] =	vst v63  }
0x2d6: {  	s20 =	sadd.s32 $0x580, s1;
	s22 =	simm.s32 $0x16C18  }
0x2d7: {  	[hbm4b:s20+s3] =	stream.linear.scatter [tilespmem:s22], [sflag:$0x5], $0x40, $0x38;
	[tilespmem:$0x1B300] =	vst v63  }
0x2d8: {  	s24 =	sadd.s32 $0x600, s1;
	s26 =	simm.s32 $0x16C60  }
0x2d9: {  	[hbm4b:s24+s3] =	stream.linear.scatter [tilespmem:s26], [sflag:$0x5], $0x40, $0x38;
	[tilespmem:$0x1B300] =	vst v63  }
0x2da: {  	s11 =	sadd.s32 $0x680, s1;
	s17 =	simm.s32 $0x16CA8  }
0x2db: {  	[hbm4b:s11+s3] =	stream.linear.scatter [tilespmem:s17], [sflag:$0x5], $0x40, $0x38;
	[tilespmem:$0x1B300] =	vst v63  }
0x2dc: {  	s20 =	sadd.s32 $0x700, s1;
	s22 =	simm.s32 $0x16CF0  }
0x2dd: {  	[hbm4b:s20+s3] =	stream.linear.scatter [tilespmem:s22], [sflag:$0x5], $0x40, $0x38;
	[tilespmem:$0x1B300] =	vst v63  }
0x2de: {  	s1 =	sadd.s32 $0x780, s1;
	s24 =	simm.s32 $0x16D38  }
0x2df: {  	[hbm4b:s1+s3] =	stream.linear.scatter [tilespmem:s24], [sflag:$0x5], $0x40, $0x38;
	[tilespmem:$0x1B300] =	vst v63  }
0x2e0: {  	_ =	swait.ge [sflag:s29], $0x400  }
0x2e1: {  	[sflag:s29] =	ssyncset.done $0x0  }
0x2e2: {  	s26 =	sor.u32 $0x1, s25;
	[sflag:s29] =	ssyncadd.s32 $0xFFFFFC00  }
0x2e3: {  	p1 =	sgt.u32 s26, $0x7E;
	_ =	swait.ge [sflag:s0], $0x400  }
.Ltmp11:
0x2e4: {  	[sflag:s0] =	ssyncset.done $0x0;
	(pc) =	sbr.rel @p1 .LBB2_18-.Ltmp11, $4  }
0x2e5: {  	[sflag:s0] =	ssyncadd.s32 $0xFFFFFC00  }
0x2e6: {  	_ =	swait.ge [sflag:s12], $0x400  }
0x2e7: {  	s25 =	sshll.u32 s26, $0x4;
	[sflag:s12] =	ssyncset.done $0x0  }
0x2e8: {  	s24 =	sor.u32 s8, s25;
	[sflag:s12] =	ssyncadd.s32 $0xFFFFFC00  }
0x2e9: {  	s1 =	smul.u32 $0x480, s24  }
0x2ea: {  	s4 =	rddreg [dreg:$0x9]  }
0x2eb: {  	s1 =	sadd.s32 s4, s1  }
0x2ec: {  	s1 =	sshrl.u32 s1, $0x3  }
0x2ed: {  	s1 =	sadd.s32 s15, s1  }
0x2ee: {  	[tilespmem:s2], [sflag:$0x1] =	stream.linear.gather [hbm4b:s1+s3], $0x40, $0x38;
	[tilespmem:$0x1B300] =	vst v63  }
0x2ef: {  	s11 =	simm.s32 $0x16048;
	s20 =	sadd.s32 $0x90, s1  }
0x2f0: {  	[tilespmem:s11], [sflag:$0x1] =	stream.linear.gather [hbm4b:s20+s3], $0x40, $0x38;
	[tilespmem:$0x1B300] =	vst v63  }
0x2f1: {  	s26 =	simm.s32 $0x16090;
	s22 =	sadd.s32 $0x120, s1  }
0x2f2: {  	[tilespmem:s26], [sflag:$0x1] =	stream.linear.gather [hbm4b:s22+s3], $0x40, $0x38;
	[tilespmem:$0x1B300] =	vst v63  }
0x2f3: {  	s17 =	sadd.s32 $0x1B0, s1;
	s20 =	simm.s32 $0x160D8  }
0x2f4: {  	[tilespmem:s20], [sflag:$0x1] =	stream.linear.gather [hbm4b:s17+s3], $0x40, $0x38;
	[tilespmem:$0x1B300] =	vst v63  }
0x2f5: {  	s22 =	sadd.s32 $0x240, s1;
	s26 =	simm.s32 $0x16120  }
0x2f6: {  	[tilespmem:s26], [sflag:$0x1] =	stream.linear.gather [hbm4b:s22+s3], $0x40, $0x38;
	[tilespmem:$0x1B300] =	vst v63  }
0x2f7: {  	s17 =	sadd.s32 $0x2D0, s1;
	s20 =	simm.s32 $0x16168  }
0x2f8: {  	[tilespmem:s20], [sflag:$0x1] =	stream.linear.gather [hbm4b:s17+s3], $0x40, $0x38;
	[tilespmem:$0x1B300] =	vst v63  }
0x2f9: {  	s22 =	sadd.s32 $0x360, s1;
	s26 =	simm.s32 $0x161B0  }
0x2fa: {  	[tilespmem:s26], [sflag:$0x1] =	stream.linear.gather [hbm4b:s22+s3], $0x40, $0x38;
	[tilespmem:$0x1B300] =	vst v63  }
0x2fb: {  	s17 =	sadd.s32 $0x3F0, s1;
	s20 =	simm.s32 $0x161F8  }
0x2fc: {  	[tilespmem:s20], [sflag:$0x1] =	stream.linear.gather [hbm4b:s17+s3], $0x40, $0x38;
	[tilespmem:$0x1B300] =	vst v63  }
0x2fd: {  	s22 =	sadd.s32 $0x480, s1;
	s26 =	simm.s32 $0x16240  }
0x2fe: {  	[tilespmem:s26], [sflag:$0x1] =	stream.linear.gather [hbm4b:s22+s3], $0x40, $0x38;
	[tilespmem:$0x1B300] =	vst v63  }
0x2ff: {  	s17 =	sadd.s32 $0x510, s1;
	s20 =	simm.s32 $0x16288  }
0x300: {  	[tilespmem:s20], [sflag:$0x1] =	stream.linear.gather [hbm4b:s17+s3], $0x40, $0x38;
	[tilespmem:$0x1B300] =	vst v63  }
0x301: {  	s22 =	sadd.s32 $0x5A0, s1;
	s26 =	simm.s32 $0x162D0  }
0x302: {  	[tilespmem:s26], [sflag:$0x1] =	stream.linear.gather [hbm4b:s22+s3], $0x40, $0x38;
	[tilespmem:$0x1B300] =	vst v63  }
0x303: {  	s17 =	sadd.s32 $0x630, s1;
	s20 =	simm.s32 $0x16318  }
0x304: {  	[tilespmem:s20], [sflag:$0x1] =	stream.linear.gather [hbm4b:s17+s3], $0x40, $0x38;
	[tilespmem:$0x1B300] =	vst v63  }
0x305: {  	s22 =	sadd.s32 $0x6C0, s1;
	s26 =	simm.s32 $0x16360  }
0x306: {  	[tilespmem:s26], [sflag:$0x1] =	stream.linear.gather [hbm4b:s22+s3], $0x40, $0x38;
	[tilespmem:$0x1B300] =	vst v63  }
0x307: {  	s17 =	sadd.s32 $0x750, s1;
	s22 =	smin.u32 s25, $0x6D0  }
0x308: {  	s20 =	simm.s32 $0x163A8;
	s26 =	simm.s32 $0x163F0;
	s4 =	sadd.s32 $0x120, s22  }
0x309: {  	[tilespmem:s20], [sflag:$0x1] =	stream.linear.gather [hbm4b:s17+s3], $0x40, $0x38;
	[tilespmem:$0x1B300] =	vst v63  }
0x30a: {  	s17 =	sadd.s32 $0x7E0, s1;
	s1 =	sadd.s32 $0x870, s1;
	s22 =	sadd.s32 s8, s4  }
0x30b: {  	[tilespmem:s26], [sflag:$0x1] =	stream.linear.gather [hbm4b:s17+s3], $0x40, $0x38;
	[tilespmem:$0x1B300] =	vst v63  }
0x30c: {  	s20 =	simm.s32 $0x16438;
	s4 =	sand.u32 $0x1F0, s4;
	s17 =	sshll.u32 s22, $0xB  }
0x30d: {  	[tilespmem:s20], [sflag:$0x1] =	stream.linear.gather [hbm4b:s1+s3], $0x40, $0x38;
	[tilespmem:$0x1B300] =	vst v63  }
0x30e: {  	s26 =	sor.u32 s10, s17;
	s1 =	smul.u32 $0x48, s4  }
0x30f: {  	s4 =	sshrl.u32 s26, $0x3  }
0x310: {  	s4 =	sadd.s32 s5, s4;
	s20 =	sadd.s32 $0x4000, s1  }
0x311: {  	[tilespmem:s20], [sflag:$0x3] =	stream.linear.gather [hbm4b:s4+s3], $0x40, $0x38;
	[tilespmem:$0x1B300] =	vst v63  }
0x312: {  	s11 =	sadd.s32 $0x100, s4;
	s22 =	sadd.s32 $0x4048, s1  }
0x313: {  	[tilespmem:s22], [sflag:$0x3] =	stream.linear.gather [hbm4b:s11+s3], $0x40, $0x38;
	[tilespmem:$0x1B300] =	vst v63  }
0x314: {  	s26 =	sadd.s32 $0x200, s4;
	s11 =	sadd.s32 $0x4090, s1  }
0x315: {  	[tilespmem:s11], [sflag:$0x3] =	stream.linear.gather [hbm4b:s26+s3], $0x40, $0x38;
	[tilespmem:$0x1B300] =	vst v63  }
0x316: {  	s26 =	sadd.s32 $0x300, s4;
	s11 =	sadd.s32 $0x40D8, s1  }
0x317: {  	[tilespmem:s11], [sflag:$0x3] =	stream.linear.gather [hbm4b:s26+s3], $0x40, $0x38;
	[tilespmem:$0x1B300] =	vst v63  }
0x318: {  	s26 =	sadd.s32 $0x400, s4;
	s11 =	sadd.s32 $0x4120, s1  }
0x319: {  	[tilespmem:s11], [sflag:$0x3] =	stream.linear.gather [hbm4b:s26+s3], $0x40, $0x38;
	[tilespmem:$0x1B300] =	vst v63  }
0x31a: {  	s26 =	sadd.s32 $0x500, s4;
	s11 =	sadd.s32 $0x4168, s1  }
0x31b: {  	[tilespmem:s11], [sflag:$0x3] =	stream.linear.gather [hbm4b:s26+s3], $0x40, $0x38;
	[tilespmem:$0x1B300] =	vst v63  }
0x31c: {  	s26 =	sadd.s32 $0x600, s4;
	s11 =	sadd.s32 $0x41B0, s1  }
0x31d: {  	[tilespmem:s11], [sflag:$0x3] =	stream.linear.gather [hbm4b:s26+s3], $0x40, $0x38;
	[tilespmem:$0x1B300] =	vst v63  }
0x31e: {  	s26 =	sadd.s32 $0x700, s4;
	s11 =	sadd.s32 $0x41F8, s1  }
0x31f: {  	[tilespmem:s11], [sflag:$0x3] =	stream.linear.gather [hbm4b:s26+s3], $0x40, $0x38;
	[tilespmem:$0x1B300] =	vst v63  }
0x320: {  	s26 =	sadd.s32 $0x800, s4;
	s11 =	sadd.s32 $0x4240, s1  }
0x321: {  	[tilespmem:s11], [sflag:$0x3] =	stream.linear.gather [hbm4b:s26+s3], $0x40, $0x38;
	[tilespmem:$0x1B300] =	vst v63  }
0x322: {  	s26 =	sadd.s32 $0x900, s4;
	s11 =	sadd.s32 $0x4288, s1  }
0x323: {  	[tilespmem:s11], [sflag:$0x3] =	stream.linear.gather [hbm4b:s26+s3], $0x40, $0x38;
	[tilespmem:$0x1B300] =	vst v63  }
0x324: {  	s26 =	sadd.s32 $0xA00, s4;
	s11 =	sadd.s32 $0x42D0, s1  }
0x325: {  	[tilespmem:s11], [sflag:$0x3] =	stream.linear.gather [hbm4b:s26+s3], $0x40, $0x38;
	[tilespmem:$0x1B300] =	vst v63  }
0x326: {  	s26 =	sadd.s32 $0xB00, s4;
	s11 =	sadd.s32 $0x4318, s1  }
0x327: {  	[tilespmem:s11], [sflag:$0x3] =	stream.linear.gather [hbm4b:s26+s3], $0x40, $0x38;
	[tilespmem:$0x1B300] =	vst v63  }
0x328: {  	s26 =	sadd.s32 $0xC00, s4;
	s11 =	sadd.s32 $0x4360, s1  }
0x329: {  	[tilespmem:s11], [sflag:$0x3] =	stream.linear.gather [hbm4b:s26+s3], $0x40, $0x38;
	[tilespmem:$0x1B300] =	vst v63  }
0x32a: {  	s26 =	sadd.s32 $0xD00, s4;
	s11 =	sadd.s32 $0x43A8, s1  }
0x32b: {  	[tilespmem:s11], [sflag:$0x3] =	stream.linear.gather [hbm4b:s26+s3], $0x40, $0x38;
	[tilespmem:$0x1B300] =	vst v63  }
0x32c: {  	s22 =	sadd.s32 $0xE00, s4;
	s26 =	sadd.s32 $0x43F0, s1  }
0x32d: {  	[tilespmem:s26], [sflag:$0x3] =	stream.linear.gather [hbm4b:s22+s3], $0x40, $0x38;
	[tilespmem:$0x1B300] =	vst v63  }
0x32e: {  	s20 =	rddreg [dreg:$0x5];
	s4 =	sadd.s32 $0xF00, s4;
	s11 =	sadd.s32 $0x4438, s1  }
0x32f: {  	[tilespmem:s11], [sflag:$0x3] =	stream.linear.gather [hbm4b:s4+s3], $0x40, $0x38;
	[tilespmem:$0x1B300] =	vst v63  }
0x330: {  	s4 =	sor.u32 s20, s17  }
0x331: {  	s4 =	sshrl.u32 s4, $0x3  }
0x332: {  	s22 =	sadd.s32 $0xD000, s1;
	s4 =	sadd.s32 s5, s4  }
0x333: {  	[tilespmem:s22], [sflag:$0x4] =	stream.linear.gather [hbm4b:s4+s3], $0x40, $0x38;
	[tilespmem:$0x1B300] =	vst v63  }
0x334: {  	s11 =	sadd.s32 $0xD048, s1;
	s26 =	sadd.s32 $0x100, s4  }
0x335: {  	[tilespmem:s11], [sflag:$0x4] =	stream.linear.gather [hbm4b:s26+s3], $0x40, $0x38;
	[tilespmem:$0x1B300] =	vst v63  }
0x336: {  	s20 =	sadd.s32 $0x200, s4;
	s22 =	sadd.s32 $0xD090, s1  }
0x337: {  	[tilespmem:s22], [sflag:$0x4] =	stream.linear.gather [hbm4b:s20+s3], $0x40, $0x38;
	[tilespmem:$0x1B300] =	vst v63  }
0x338: {  	s26 =	sadd.s32 $0x300, s4;
	s11 =	sadd.s32 $0xD0D8, s1  }
0x339: {  	[tilespmem:s11], [sflag:$0x4] =	stream.linear.gather [hbm4b:s26+s3], $0x40, $0x38;
	[tilespmem:$0x1B300] =	vst v63  }
0x33a: {  	s20 =	sadd.s32 $0x400, s4;
	s22 =	sadd.s32 $0xD120, s1  }
0x33b: {  	[tilespmem:s22], [sflag:$0x4] =	stream.linear.gather [hbm4b:s20+s3], $0x40, $0x38;
	[tilespmem:$0x1B300] =	vst v63  }
0x33c: {  	s26 =	sadd.s32 $0x500, s4;
	s11 =	sadd.s32 $0xD168, s1  }
0x33d: {  	[tilespmem:s11], [sflag:$0x4] =	stream.linear.gather [hbm4b:s26+s3], $0x40, $0x38;
	[tilespmem:$0x1B300] =	vst v63  }
0x33e: {  	s20 =	sadd.s32 $0x600, s4;
	s22 =	sadd.s32 $0xD1B0, s1  }
0x33f: {  	[tilespmem:s22], [sflag:$0x4] =	stream.linear.gather [hbm4b:s20+s3], $0x40, $0x38;
	[tilespmem:$0x1B300] =	vst v63  }
0x340: {  	s26 =	sadd.s32 $0x700, s4;
	s11 =	sadd.s32 $0xD1F8, s1  }
0x341: {  	[tilespmem:s11], [sflag:$0x4] =	stream.linear.gather [hbm4b:s26+s3], $0x40, $0x38;
	[tilespmem:$0x1B300] =	vst v63  }
0x342: {  	s20 =	sadd.s32 $0x800, s4;
	s22 =	sadd.s32 $0xD240, s1  }
0x343: {  	[tilespmem:s22], [sflag:$0x4] =	stream.linear.gather [hbm4b:s20+s3], $0x40, $0x38;
	[tilespmem:$0x1B300] =	vst v63  }
0x344: {  	s26 =	sadd.s32 $0x900, s4;
	s11 =	sadd.s32 $0xD288, s1  }
0x345: {  	[tilespmem:s11], [sflag:$0x4] =	stream.linear.gather [hbm4b:s26+s3], $0x40, $0x38;
	[tilespmem:$0x1B300] =	vst v63  }
0x346: {  	s20 =	sadd.s32 $0xA00, s4;
	s22 =	sadd.s32 $0xD2D0, s1  }
0x347: {  	[tilespmem:s22], [sflag:$0x4] =	stream.linear.gather [hbm4b:s20+s3], $0x40, $0x38;
	[tilespmem:$0x1B300] =	vst v63  }
0x348: {  	s26 =	sadd.s32 $0xB00, s4;
	s11 =	sadd.s32 $0xD318, s1  }
0x349: {  	[tilespmem:s11], [sflag:$0x4] =	stream.linear.gather [hbm4b:s26+s3], $0x40, $0x38;
	[tilespmem:$0x1B300] =	vst v63  }
0x34a: {  	s20 =	sadd.s32 $0xC00, s4;
	s22 =	sadd.s32 $0xD360, s1  }
0x34b: {  	[tilespmem:s22], [sflag:$0x4] =	stream.linear.gather [hbm4b:s20+s3], $0x40, $0x38;
	[tilespmem:$0x1B300] =	vst v63  }
0x34c: {  	s26 =	sadd.s32 $0xD00, s4;
	s11 =	sadd.s32 $0xD3A8, s1  }
0x34d: {  	[tilespmem:s11], [sflag:$0x4] =	stream.linear.gather [hbm4b:s26+s3], $0x40, $0x38;
	[tilespmem:$0x1B300] =	vst v63  }
0x34e: {  	s22 =	sadd.s32 $0xE00, s4;
	s26 =	sadd.s32 $0xD3F0, s1  }
0x34f: {  	[tilespmem:s26], [sflag:$0x4] =	stream.linear.gather [hbm4b:s22+s3], $0x40, $0x38;
	[tilespmem:$0x1B300] =	vst v63  }
0x350: {  	s4 =	sadd.s32 $0xF00, s4;
	s1 =	sadd.s32 $0xD438, s1  }
0x351: {  	[tilespmem:s1], [sflag:$0x4] =	stream.linear.gather [hbm4b:s4+s3], $0x40, $0x38;
	[tilespmem:$0x1B300] =	vst v63  }
.LBB2_18:
0x352: {  	s1 =	simm.s32 @!p0 $0x6  }
0x353: {  	_ =	swait.ge @!p0 [sflag:s1], $0x400  }
0x354: {  	[sflag:s1] =	ssyncset.done @!p0 $0x0  }
0x355: {  	[sflag:s1] =	ssyncadd.s32 @!p0 $0xFFFFFC00  }
0x356: {  	v0 =	vld [tilespmem:s25+$0x0]  }
0x357: {  	v1 =	vlaneseq.u32  }
0x358: {  	v1 =	vor.u32 s25, v1  }
0x359: {  	v1 =	vcvt.s32.f32 v1;
	_ =	sdelay $0x1  }
0x35a: {  	v0 =	vadd.f32 v1, v0;
	_ =	sdelay $0x1  }
0x35b: {  	v0 =	vmax.f32 v0, $0.0e+00  }
0x35c: {  	v13 =	vld [tilespmem:$0x1FFD0];
	v6 =	vmin.f32 v0, $2.047000000e+03  }
0x35d: {  	v0 =	vtrunc.f32 v6  }
0x35e: {  	v15 =	vld [tilespmem:$0x1FFE0];
	v14 =	vcvt.f32.s32 v0  }
0x35f: {  	v29 =	vld [tilespmem:$0x1FFF0]  }
0x360: {  	v0 =	vadd.s32 $0x1, v14  }
0x361: {  	v45 =	vadd.s32 v14, v13;
	vm0 =	vlt.s32 v0, $0x7FF  }
0x362: {  	v10 =	vnsel vm0, $0x7FF, v0;
	v0 =	vshll.u32 v45, $0x5  }
0x363: {  	v2 =	vadd.s32 v13, v10;
	v3 =	vor.u32 v15, v0  }
0x364: {  	v0 =	vor.u32 v29, v0;
	v2 =	vshll.u32 v2, $0x5;
	[tilespmem:$0x17200] =	vst v3  }
0x365: {  	[tilespmem:$0x17280] =	vst v0;
	v5 =	vor.u32 v15, v2  }
0x366: {  	v46 =	vor.u32 v29, v2;
	[tilespmem:$0x17240] =	vst v5  }
0x367: {  	s26 =	sor.u32 $0x800, s25;
	[tilespmem:$0x172C0] =	vst v46  }
0x368: {  	v0 =	vld [tilespmem:s26+$0x0];
	_ =	sdelay $0x4  }
0x369: {  	v0 =	vadd.f32 v1, v0;
	_ =	sdelay $0x1  }
0x36a: {  	v0 =	vmax.f32 v0, $0.0e+00  }
0x36b: {  	v7 =	vmin.f32 v0, $2.047000000e+03  }
0x36c: {  	v0 =	vtrunc.f32 v7  }
0x36d: {  	v16 =	vcvt.f32.s32 v0;
	_ =	sdelay $0x1  }
0x36e: {  	v0 =	vadd.s32 $0x1, v16  }
0x36f: {  	v47 =	vadd.s32 v16, v13;
	vm13 =	vlt.s32 v0, $0x7FF  }
0x370: {  	v17 =	vnsel vm13, $0x7FF, v0;
	v0 =	vshll.u32 v47, $0x5  }
0x371: {  	v48 =	vadd.s32 v13, v17;
	v3 =	vor.u32 v15, v0  }
0x372: {  	v0 =	vor.u32 v29, v0;
	v2 =	vshll.u32 v48, $0x5;
	[tilespmem:$0x17210] =	vst v3  }
0x373: {  	[tilespmem:$0x17290] =	vst v0;
	v5 =	vor.u32 v15, v2  }
0x374: {  	v49 =	vor.u32 v29, v2;
	[tilespmem:$0x17250] =	vst v5  }
0x375: {  	s20 =	sor.u32 $0x1000, s25;
	[tilespmem:$0x172D0] =	vst v49  }
0x376: {  	v0 =	vld [tilespmem:s20+$0x0];
	_ =	sdelay $0x4  }
0x377: {  	v0 =	vadd.f32 v1, v0;
	_ =	sdelay $0x1  }
0x378: {  	v0 =	vmax.f32 v0, $0.0e+00  }
0x379: {  	v8 =	vmin.f32 v0, $2.047000000e+03  }
0x37a: {  	v0 =	vtrunc.f32 v8  }
0x37b: {  	v18 =	vcvt.f32.s32 v0;
	_ =	sdelay $0x1  }
0x37c: {  	v0 =	vadd.s32 $0x1, v18  }
0x37d: {  	v50 =	vadd.s32 v18, v13;
	vm14 =	vlt.s32 v0, $0x7FF  }
0x37e: {  	v19 =	vnsel vm14, $0x7FF, v0;
	v0 =	vshll.u32 v50, $0x5  }
0x37f: {  	v51 =	vadd.s32 v13, v19;
	v3 =	vor.u32 v15, v0  }
0x380: {  	v0 =	vor.u32 v29, v0;
	v2 =	vshll.u32 v51, $0x5;
	[tilespmem:$0x17220] =	vst v3  }
0x381: {  	[tilespmem:$0x172A0] =	vst v0;
	v5 =	vor.u32 v15, v2  }
0x382: {  	v52 =	vor.u32 v29, v2;
	[tilespmem:$0x17260] =	vst v5  }
0x383: {  	s22 =	sor.u32 $0x1800, s25;
	[tilespmem:$0x172E0] =	vst v52  }
0x384: {  	v0 =	vld [tilespmem:s22+$0x0];
	_ =	sdelay $0x4  }
0x385: {  	v0 =	vadd.f32 v1, v0;
	_ =	sdelay $0x1  }
0x386: {  	s11 =	simm.s32 $0x1;
	v0 =	vmax.f32 v0, $0.0e+00  }
0x387: {  	v9 =	vimm.f32 $0.0e+00;
	v57 =	vmov s11;
	v11 =	vmin.f32 v0, $2.047000000e+03  }
0x388: {  	v58 =	vand.u32 $0x38, v57;
	v53 =	vand.u32 $0x1FF, v14;
	v0 =	vtrunc.f32 v11  }
0x389: {  	v25 =	vmul.u32 $0x48, v53;
	v56 =	vand.u32 $0x1FF, v19;
	v22 =	vcvt.f32.s32 v0  }
0x38a: {  	v55 =	vand.u32 $0x1FF, v10;
	v12 =	vand.u32 $0x1FF, v18;
	v21 =	vmul.u32 $0x48, v56  }
0x38b: {  	v3 =	vand.u32 $0x1FF, v16;
	v5 =	vand.u32 $0x1FF, v17;
	v54 =	vadd.s32 $0x1, v22  }
0x38c: {  	[tilespmem:$0x1FFB0] =	vst v10;
	v30 =	vadd.s32 v21, v58;
	v10 =	vadd.s32 v22, v13;
	vm15 =	vlt.s32 v54, $0x7FF  }
0x38d: {  	v24 =	vand.u32 $0x1FF, v22;
	v10 =	vshll.u32 v10, $0x5;
	v23 =	vnsel vm15, $0x7FF, v54  }
0x38e: {  	v26 =	vor.u32 v15, v10;
	v28 =	vor.u32 v29, v10;
	v13 =	vadd.s32 v13, v23  }
0x38f: {  	v10 =	vand.u32 $0x7, v57;
	v20 =	vand.u32 $0x1FF, v23;
	v13 =	vshll.u32 v13, $0x5  }
0x390: {  	v30 =	vor.u32 v10, v30;
	v20 =	vmul.u32 $0x48, v20;
	v27 =	vor.u32 v15, v13  }
0x391: {  	s17 =	simm.s32 $0x0;
	v59 =	vor.u32 v29, v13;
	v13 =	vor.u32 v10, v58;
	v29 =	vadd.s32 v25, v58  }
0x392: {  	[tilespmem:$0x17230] =	vst v26;
	v31 =	vor.u32 v10, v29;
	v29 =	vmov s17;
	v13 =	vadd.s32 v4, v13  }
0x393: {  	[tilespmem:$0x172B0] =	vst v28;
	v60 =	vadd.s32 v20, v58;
	v32 =	vand.u32 $0x38, v29;
	v33 =	vand.u32 $0x6, v29  }
0x394: {  	v24 =	vmul.u32 $0x48, v24;
	[tilespmem:$0x17270] =	vst v27;
	v0 =	vor.u32 v10, v60;
	v26 =	vor.u32 v33, v32  }
0x395: {  	v28 =	vmul.u32 $0x48, v3;
	[tilespmem:$0x172F0] =	vst v59;
	v3 =	vadd.s32 v25, v32;
	v34 =	vadd.s32 v4, v26  }
0x396: {  	v27 =	vmul.u32 $0x48, v5;
	v37 =	vld.idx.msk [tilespmem:v30+s7+$0x0], $0xffff;
	v35 =	vadd.s32 v21, v32;
	v61 =	vor.u32 v33, v3  }
0x397: {  	v29 =	vmul.u32 $0x48, v55;
	v3 =	vadd.s32 v28, v58;
	v35 =	vor.u32 v33, v35;
	v5 =	vld.idx.msk [tilespmem:v31+s7+$0x0], $0xffff  }
0x398: {  	v26 =	vmul.u32 $0x48, v12;
	v12 =	vadd.s32 v28, v32;
	v3 =	vor.u32 v10, v3;
	v36 =	vld.idx.msk [tilespmem:v13+s14+$0x0], $0xffff  }
0x399: {  	v41 =	vimm.f32 $0.0e+00;
	v30 =	vadd.s32 v29, v32;
	v12 =	vor.u32 v33, v12;
	v45 =	vld.idx.msk [tilespmem:v0+s7+$0x0], $0xffff  }
0x39a: {  	v52 =	vadd.s32 v24, v58;
	v30 =	vor.u32 v33, v30;
	v31 =	vadd.s32 v27, v32;
	v38 =	vld.idx.msk [tilespmem:v34+s14+$0x0], $0xffff  }
0x39b: {  	v62 =	vadd.s32 v27, v58;
	v40 =	vadd.s32 v29, v58;
	v31 =	vor.u32 v33, v31;
	v2 =	vld.idx.msk [tilespmem:v61+s7+$0x0], $0xffff  }
0x39c: {  	v63 =	vadd.s32 v24, v32;
	v53 =	vor.u32 v10, v40;
	v13 =	vadd.s32 v26, v58;
	v34 =	vld.idx.msk [tilespmem:v35+s7+$0x0], $0xffff  }
0x39d: {  	v49 =	vor.u32 v10, v62;
	v39 =	vadd.s32 v26, v32;
	v50 =	vor.u32 v10, v13;
	v44 =	vld.idx.msk [tilespmem:v3+s7+$0x0], $0xffff  }
0x39e: {  	v40 =	vor.u32 v33, v63;
	v32 =	vadd.s32 v20, v32;
	v42 =	vor.u32 v33, v39;
	v43 =	vld.idx.msk [tilespmem:v12+s7+$0x0], $0xffff  }
0x39f: {  	v32 =	vor.u32 v33, v32;
	v33 =	vimm.f32 $0.0e+00;
	v13 =	vimm.f32 $0.0e+00;
	v48 =	vld.idx.msk [tilespmem:v30+s7+$0x0], $0xffff  }
0x3a0: {  	v35 =	vimm.f32 $0.0e+00;
	v30 =	vimm.f32 $0.0e+00;
	v12 =	vimm.f32 $0.0e+00;
	v46 =	vld.idx.msk [tilespmem:v31+s7+$0x0], $0xffff  }
0x3a1: {  	s1 =	simm.s32 $0x2;
	v39 =	vld.idx.msk [tilespmem:v53+s7+$0x0], $0xffff;
	v47 =	vmul.f32 v5, v36;
	v31 =	vimm.f32 $0.0e+00;
	v51 =	vmul.f32 v2, v38  }
.LBB2_19:
0x3a2: {  	p0 =	slt.u32 s1, $0x3E;
	v0 =	vld.idx.msk [tilespmem:v50+s7+$0x0], $0xffff;
	v1 =	vor.u32 v10, v52;
	v2 =	vmul.f32 v45, v36;
	v3 =	vmovc v36;
	v5 =	vmov v38;
	s4 =	smov.u32 s1;
	s1 =	sadd.s32 $0x2, s1  }
0x3a3: {  	s17 =	sadd.s32 $0x1, s4;
	v9 =	vadd.f32 v51, v9;
	v36 =	vld.idx.msk [tilespmem:v49+s7+$0x0], $0xffff;
	v51 =	vmul.f32 v44, v3;
	v53 =	vmul.f32 v37, v3  }
0x3a4: {  	v44 =	vmul.f32 v48, v5;
	v37 =	vmul.f32 v43, v5;
	v10 =	vmov s17;
	v38 =	vld.idx.msk [tilespmem:v42+s7+$0x0], $0xffff  }
0x3a5: {  	v43 =	vmul.f32 v46, v5;
	v52 =	vand.u32 $0x38, v10;
	v10 =	vand.u32 $0x7, v10;
	v40 =	vld.idx.msk [tilespmem:v40+s7+$0x0], $0xffff  }
0x3a6: {  	v9 =	vadd.f32 v47, v9;
	v42 =	vor.u32 v10, v52;
	v45 =	vadd.s32 v25, v52  }
0x3a7: {  	v46 =	vadd.s32 v28, v52;
	v47 =	vadd.s32 v21, v52;
	v42 =	vadd.s32 v4, v42  }
0x3a8: {  	v48 =	vadd.s32 v20, v52;
	v45 =	vor.u32 v10, v45;
	v47 =	vor.u32 v10, v47  }
0x3a9: {  	v49 =	vmov s4;
	v50 =	vadd.s32 v26, v52;
	v54 =	vmul.f32 v36, v3  }
0x3aa: {  	v55 =	vand.u32 $0x38, v49;
	v49 =	vand.u32 $0x6, v49;
	v56 =	vmul.f32 v38, v5  }
0x3ab: {  	v57 =	vadd.s32 v27, v52;
	v36 =	vor.u32 v49, v55;
	v38 =	vadd.s32 v25, v55  }
0x3ac: {  	v0 =	vmul.f32 v0, v3;
	v58 =	vadd.s32 v4, v36;
	v36 =	vadd.s32 v28, v55;
	v1 =	vld.idx.msk [tilespmem:v1+s7+$0x0], $0xffff  }
0x3ad: {  	v41 =	vadd.f32 v37, v41;
	v59 =	vor.u32 v49, v38;
	v38 =	vadd.s32 v29, v55;
	v60 =	vld.idx.msk [tilespmem:v32+s7+$0x0], $0xffff  }
0x3ae: {  	v62 =	vor.u32 v49, v36;
	v61 =	vor.u32 v49, v38;
	v63 =	vld.idx.msk [tilespmem:v45+s7+$0x0], $0xffff;
	v45 =	vor.u32 v10, v48  }
0x3af: {  	v32 =	vadd.s32 v27, v55;
	v48 =	vadd.s32 v26, v55;
	v37 =	vld.idx.msk [tilespmem:v47+s7+$0x0], $0xffff;
	v47 =	vmul.f32 v40, v5  }
0x3b0: {  	v46 =	vor.u32 v10, v46;
	v15 =	vor.u32 v49, v32;
	v32 =	vadd.s32 v24, v55;
	v36 =	vld.idx.msk [tilespmem:v42+s14+$0x0], $0xffff  }
0x3b1: {  	v39 =	vmul.f32 v39, v3;
	v40 =	vor.u32 v49, v32;
	v32 =	vadd.s32 v20, v55;
	v38 =	vld.idx.msk [tilespmem:v58+s14+$0x0], $0xffff  }
0x3b2: {  	v35 =	vadd.f32 v44, v35;
	v42 =	vor.u32 v49, v48;
	v32 =	vor.u32 v49, v32  }
0x3b3: {  	v44 =	vadd.s32 v21, v55;
	v34 =	vmul.f32 v34, v5;
	v31 =	vadd.f32 v56, v31;
	v58 =	vld.idx.msk [tilespmem:v59+s7+$0x0], $0xffff  }
0x3b4: {  	v55 =	vor.u32 v49, v44;
	v44 =	vadd.s32 v29, v52;
	v1 =	vmul.f32 v1, v3;
	v45 =	vld.idx.msk [tilespmem:v45+s7+$0x0], $0xffff  }
0x3b5: {  	v33 =	vadd.f32 v43, v33;
	v31 =	vadd.f32 v0, v31;
	v3 =	vor.u32 v10, v44;
	v44 =	vld.idx.msk [tilespmem:v46+s7+$0x0], $0xffff  }
.Ltmp12:
0x3b6: {  	v50 =	vor.u32 v10, v50;
	v0 =	vadd.f32 v47, v30;
	v5 =	vmul.f32 v60, v5;
	v43 =	vld.idx.msk [tilespmem:v62+s7+$0x0], $0xffff;
	(pc) =	sbr.rel @p0 .LBB2_19-.Ltmp12, $4  }
0x3b7: {  	v13 =	vadd.f32 v34, v13;
	v35 =	vadd.f32 v39, v35;
	v49 =	vor.u32 v10, v57;
	v48 =	vld.idx.msk [tilespmem:v61+s7+$0x0], $0xffff  }
0x3b8: {  	v52 =	vadd.s32 v24, v52;
	v30 =	vadd.f32 v1, v0;
	v5 =	vadd.f32 v5, v12;
	v46 =	vld.idx.msk [tilespmem:v15+s7+$0x0], $0xffff  }
0x3b9: {  	v41 =	vadd.f32 v51, v41;
	v13 =	vadd.f32 v53, v13;
	v47 =	vmul.f32 v63, v36;
	v34 =	vld.idx.msk [tilespmem:v55+s7+$0x0], $0xffff  }
0x3ba: {  	v33 =	vadd.f32 v54, v33;
	v12 =	vadd.f32 v2, v5;
	v51 =	vmul.f32 v58, v38;
	v39 =	vld.idx.msk [tilespmem:v3+s7+$0x0], $0xffff  }
0x3bb: {  	_ =	sdelay $0x3  }
0x3bc: {  	v2 =	vld.idx.msk [tilespmem:v42+s7+$0x0], $0xffff  }
0x3bd: {  	v0 =	vor.u32 v10, v52;
	v3 =	vld.idx.msk [tilespmem:v40+s7+$0x0], $0xffff;
	v5 =	vmul.f32 v45, v36;
	v10 =	vmul.f32 v44, v36  }
0x3be: {  	v1 =	vld.idx.msk [tilespmem:v50+s7+$0x0], $0xffff;
	v61 =	vmul.f32 v43, v38;
	v50 =	vcvt.s32.f32 v14;
	v9 =	vadd.f32 v51, v9  }
0x3bf: {  	v32 =	vld.idx.msk [tilespmem:v32+s7+$0x0], $0xffff;
	v52 =	vcvt.s32.f32 v18;
	v60 =	vmul.f32 v48, v38  }
0x3c0: {  	v63 =	vmul.f32 v46, v38;
	v6 =	vsub.f32 v6, v50;
	v48 =	vadd.f32 v47, v9  }
0x3c1: {  	v9 =	vadd.f32 v61, v41;
	v35 =	vadd.f32 v60, v35;
	v39 =	vmul.f32 v39, v36  }
0x3c2: {  	v62 =	vld.idx.msk [tilespmem:v49+s7+$0x0], $0xffff;
	v33 =	vadd.f32 v63, v33;
	v2 =	vmul.f32 v2, v38;
	v3 =	vmul.f32 v3, v38  }
0x3c3: {  	v1 =	vmul.f32 v1, v36;
	v51 =	vadd.f32 v10, v9;
	v9 =	vcvt.s32.f32 v16  }
0x3c4: {  	v0 =	vld.idx.msk [tilespmem:v0+s7+$0x0], $0xffff;
	v2 =	vadd.f32 v2, v31;
	v49 =	vadd.f32 v3, v30;
	v3 =	vmul.f32 v32, v38  }
0x3c5: {  	v31 =	vmul.f32 v34, v38;
	v7 =	vsub.f32 v7, v9;
	v9 =	vsub.f32 v8, v52  }
0x3c6: {  	v15 =	vmul.f32 v37, v36;
	v1 =	vadd.f32 v1, v2;
	v3 =	vadd.f32 v3, v12  }
0x3c7: {  	v30 =	vmul.f32 v62, v36;
	v13 =	vadd.f32 v31, v13;
	v31 =	vadd.f32 v39, v35  }
0x3c8: {  	v10 =	vsub.f32 $1.000000000e+00, v7;
	v3 =	vadd.f32 v5, v3;
	v5 =	vcvt.s32.f32 v22  }
0x3c9: {  	v30 =	vadd.f32 v30, v33;
	v0 =	vmul.f32 v0, v36;
	v15 =	vadd.f32 v15, v13  }
0x3ca: {  	v13 =	vsub.f32 $1.000000000e+00, v6;
	v32 =	vmul.f32 v51, v10;
	v8 =	vsub.f32 v11, v5  }
0x3cb: {  	v30 =	vmul.f32 v30, v7;
	v0 =	vadd.f32 v0, v49;
	v11 =	vsub.f32 $1.000000000e+00, v9  }
0x3cc: {  	v54 =	vld [tilespmem:s26+$0x2000];
	v53 =	vmul.f32 v48, v13;
	v5 =	vmul.f32 v31, v6;
	v12 =	vsub.f32 $1.000000000e+00, v8  }
0x3cd: {  	v55 =	vld [tilespmem:s20+$0x2000];
	v15 =	vmul.f32 v15, v9;
	v1 =	vmul.f32 v1, v11  }
0x3ce: {  	v31 =	vld [tilespmem:s25+$0x2000];
	v3 =	vmul.f32 v3, v8;
	v0 =	vmul.f32 v0, v12  }
0x3cf: {  	v2 =	vadd.f32 v5, v53;
	v5 =	vadd.f32 v30, v32;
	v30 =	vld [tilespmem:s22+$0x2000]  }
0x3d0: {  	v1 =	vadd.f32 v15, v1;
	v0 =	vadd.f32 v3, v0  }
0x3d1: {  	v2 =	vmul.f32 $1.250000000e-01, v2;
	v3 =	vmul.f32 $1.250000000e-01, v5  }
0x3d2: {  	v1 =	vmul.f32 $1.250000000e-01, v1;
	v0 =	vmul.f32 $1.250000000e-01, v0  }
0x3d3: {  	v2 =	vadd.f32 v31, v2;
	v3 =	vadd.f32 v54, v3  }
0x3d4: {  	v1 =	vadd.f32 v55, v1;
	v0 =	vadd.f32 v30, v0;
	_ =	sdelay $0x1  }
0x3d5: {  	v5 =	vmax.f32 v2, v3;
	v15 =	vmax.f32 v1, v0  }
0x3d6: {  	v5 =	vmax.f32 v5, v15  }
0x3d7: {  	v2 =	vsub.f32 v2, v5  }
0x3d8: {  	v3 =	vsub.f32 v3, v5  }
0x3d9: {  	v2 =	vmul.f32 $1.442695020e+00, v2  }
0x3da: {  	v1 =	vsub.f32 v1, v5;
	v3 =	vmul.f32 $1.442695020e+00, v3  }
0x3db: {  	(erf) = vpow2.f32 v2  }
0x3dc: {  	v0 =	vsub.f32 v0, v5;
	v1 =	vmul.f32 $1.442695020e+00, v1;
	(erf) = vpow2.f32 v3;
	_ =	sdelay $0x1  }
0x3dd: {  	v0 =	vmul.f32 $1.442695020e+00, v0;
	(erf) = vpow2.f32 v1;
	_ =	sdelay $0x1  }
0x3de: {  	(erf) = vpow2.f32 v0;
	_ =	sdelay $0x3  }
0x3df: {  	v56 =	vpop (erf)  }
0x3e0: {  	v57 =	vpop (erf)  }
0x3e1: {  	v58 =	vadd.f32 v57, v56  }
0x3e2: {  	v3 =	vpop (erf)  }
0x3e3: {  	v2 =	vadd.f32 v58, v3  }
0x3e4: {  	v5 =	vpop (erf)  }
0x3e5: {  	v2 =	vadd.f32 v2, v5;
	_ =	sdelay $0x1  }
0x3e6: {  	(erf) = vrcp.f32 v2;
	_ =	sdelay $0x8  }
0x3e7: {  	v2 =	vpop (erf)  }
0x3e8: {  	s1 =	simm.s32 $0x0;
	v0 =	vmul.f32 v2, v56;
	v3 =	vmul.f32 v2, v3  }
0x3e9: {  	v1 =	vmul.f32 v2, v57;
	v2 =	vmul.f32 v2, v5;
	v5 =	vmov s1  }
0x3ea: {  	v15 =	vand.u32 $0x38, v5;
	v38 =	vmul.f32 v0, v13;
	v32 =	vmul.f32 v3, v11  }
0x3eb: {  	v30 =	vmul.f32 v2, v12;
	v36 =	vmul.f32 v0, v6;
	v0 =	vand.u32 $0x6, v5  }
0x3ec: {  	s4 =	simm.s32 $0x1;
	v5 =	vadd.s32 v25, v15;
	v33 =	vmul.f32 v3, v9;
	v3 =	vadd.s32 v29, v15  }
0x3ed: {  	v31 =	vmul.f32 v2, v8;
	v59 =	vor.u32 v0, v5;
	v5 =	vmov s4  }
0x3ee: {  	v60 =	vadd.s32 v28, v15;
	v3 =	vor.u32 v0, v3;
	v37 =	vand.u32 $0x38, v5  }
0x3ef: {  	v2 =	vor.u32 v0, v60;
	v39 =	vand.u32 $0x7, v5;
	v5 =	vadd.s32 v25, v37  }
0x3f0: {  	v62 =	vadd.s32 v27, v15;
	v5 =	vor.u32 v39, v5  }
0x3f1: {  	v34 =	vmul.f32 v1, v10;
	v52 =	vor.u32 v0, v62;
	v61 =	vadd.s32 v29, v37  }
0x3f2: {  	s11 =	simm.s32 $0x2;
	v35 =	vmul.f32 v1, v7;
	v55 =	vadd.s32 v26, v15;
	v63 =	vor.u32 v39, v61;
	v1 =	vld.idx.msk [tilespmem:v59+s9+$0x0], $0xffff  }
0x3f3: {  	v54 =	vmov s11;
	v45 =	vor.u32 v0, v55;
	v53 =	vadd.s32 v28, v37;
	v3 =	vld.idx.msk [tilespmem:v3+s9+$0x0], $0xffff  }
0x3f4: {  	v41 =	vand.u32 $0x6, v54;
	v60 =	vadd.s32 v24, v15;
	v56 =	vor.u32 v39, v53;
	v2 =	vld.idx.msk [tilespmem:v2+s9+$0x0], $0xffff  }
0x3f5: {  	v58 =	vadd.s32 v21, v15;
	v50 =	vor.u32 v0, v60;
	v57 =	vadd.s32 v27, v37;
	v5 =	vld.idx.msk [tilespmem:v5+s9+$0x0], $0xffff  }
0x3f6: {  	v40 =	vand.u32 $0x38, v54;
	v44 =	vor.u32 v0, v58;
	v47 =	vor.u32 v39, v57;
	v43 =	vld.idx.msk [tilespmem:v52+s9+$0x0], $0xffff  }
0x3f7: {  	v48 =	vor.u32 v0, v15;
	v59 =	vadd.s32 v26, v37;
	v42 =	vld.idx.msk [tilespmem:v63+s9+$0x0], $0xffff;
	v1 =	vmul.f32 v1, v38  }
0x3f8: {  	v15 =	vadd.s32 v20, v15;
	v61 =	vadd.s32 v21, v37;
	v45 =	vld.idx.msk [tilespmem:v45+s9+$0x0], $0xffff;
	v49 =	vor.u32 v39, v59  }
0x3f9: {  	v51 =	vor.u32 v39, v61;
	v46 =	vld.idx.msk [tilespmem:v56+s9+$0x0], $0xffff;
	v3 =	vmul.f32 v3, v36;
	v1 =	vadd.f32 $0.0e+00, v1  }
0x3fa: {  	v0 =	vor.u32 v0, v15;
	v15 =	vadd.s32 v24, v37;
	v50 =	vld.idx.msk [tilespmem:v50+s9+$0x0], $0xffff;
	v5 =	vmul.f32 v5, v38  }
0x3fb: {  	v62 =	vadd.s32 v20, v37;
	v47 =	vld.idx.msk [tilespmem:v47+s9+$0x0], $0xffff;
	v2 =	vmul.f32 v2, v34;
	v1 =	vadd.f32 v3, v1  }
0x3fc: {  	v42 =	vmul.f32 v42, v36;
	v3 =	vor.u32 v39, v15;
	v15 =	vld.idx.msk [tilespmem:v44+s9+$0x0], $0xffff;
	v5 =	vadd.f32 $0.0e+00, v5  }
0x3fd: {  	v61 =	vadd.s32 v25, v40;
	v63 =	vmul.f32 v43, v35;
	v49 =	vld.idx.msk [tilespmem:v49+s9+$0x0], $0xffff;
	v1 =	vadd.f32 v2, v1  }
0x3fe: {  	v56 =	vor.u32 v39, v62;
	v58 =	vld.idx.msk [tilespmem:v51+s9+$0x0], $0xffff;
	v57 =	vmul.f32 v46, v34;
	v5 =	vadd.f32 v42, v5  }
0x3ff: {  	v59 =	vadd.s32 v29, v40;
	v60 =	vmul.f32 v45, v32;
	v1 =	vadd.f32 v63, v1  }
0x400: {  	v45 =	vor.u32 v41, v59;
	v53 =	vmul.f32 v47, v35;
	v47 =	vld.idx.msk [tilespmem:v0+s9+$0x0], $0xffff;
	v5 =	vadd.f32 v57, v5  }
0x401: {  	v51 =	vmul.f32 v50, v30;
	v62 =	vmul.f32 v15, v33;
	v46 =	vld.idx.msk [tilespmem:v3+s9+$0x0], $0xffff;
	v1 =	vadd.f32 v60, v1  }
0x402: {  	v44 =	vadd.s32 v28, v40;
	v63 =	vadd.f32 v53, v5;
	v5 =	vmul.f32 v49, v32  }
0x403: {  	s17 =	simm.s32 $0x3;
	v43 =	vld.idx.msk [tilespmem:v56+s9+$0x0], $0xffff;
	v52 =	vmul.f32 v58, v33;
	v42 =	vadd.s32 v4, v48;
	v49 =	vadd.f32 v62, v1  }
0x404: {  	s1 =	simm.s32 $0x4;
	v48 =	vor.u32 v41, v61;
	v53 =	vmov s17;
	v50 =	vadd.f32 v5, v63  }
.LBB2_21:
0x405: {  	p0 =	slt.u32 s1, $0x3E;
	v0 =	vand.u32 $0x38, v53;
	v1 =	vadd.f32 v51, v49;
	v2 =	vmul.f32 v47, v31  }
0x406: {  	v5 =	vmul.f32 v46, v30;
	v15 =	vor.u32 v39, v37;
	v3 =	vadd.f32 v52, v50;
	v37 =	vmovc v0  }
0x407: {  	v39 =	vand.u32 $0x7, v53;
	v15 =	vadd.s32 v4, v15;
	v0 =	vadd.s32 v25, v37  }
0x408: {  	v0 =	vor.u32 v39, v0;
	v3 =	vadd.f32 v5, v3;
	v5 =	vmul.f32 v43, v31  }
0x409: {  	v1 =	vadd.f32 v2, v1;
	v43 =	vor.u32 v41, v44;
	v44 =	vadd.s32 v29, v37  }
0x40a: {  	v46 =	vadd.s32 v27, v40;
	v44 =	vor.u32 v39, v44;
	v2 =	vld.idx.msk [tilespmem:v48+s9+$0x0], $0xffff;
	v3 =	vadd.f32 v5, v3  }
0x40b: {  	v5 =	vor.u32 v41, v46;
	v46 =	vadd.s32 v28, v37;
	[tilespmem:v42+s18+$0x0] =	vst.idx.msk $0xffff, v1  }
0x40c: {  	v1 =	vmov s1;
	v46 =	vor.u32 v39, v46;
	v42 =	vld.idx.msk [tilespmem:v45+s9+$0x0], $0xffff;
	v45 =	vadd.s32 v26, v40;
	[tilespmem:v15+s18+$0x0] =	vst.idx.msk $0xffff, v3  }
0x40d: {  	v3 =	vand.u32 $0x6, v1;
	v15 =	vor.u32 v41, v45;
	v0 =	vld.idx.msk [tilespmem:v0+s9+$0x0], $0xffff;
	v45 =	vadd.s32 v27, v37  }
0x40e: {  	v47 =	vadd.s32 v21, v40;
	v1 =	vand.u32 $0x38, v1;
	v43 =	vld.idx.msk [tilespmem:v43+s9+$0x0], $0xffff;
	v45 =	vor.u32 v39, v45  }
0x40f: {  	v47 =	vor.u32 v41, v47;
	v49 =	vadd.s32 v26, v37;
	v48 =	vor.u32 v41, v40;
	v44 =	vld.idx.msk [tilespmem:v44+s9+$0x0], $0xffff  }
0x410: {  	v50 =	vadd.s32 v24, v40;
	v49 =	vor.u32 v39, v49;
	v2 =	vmul.f32 v2, v38;
	v5 =	vld.idx.msk [tilespmem:v5+s9+$0x0], $0xffff  }
0x411: {  	v51 =	vadd.s32 v20, v40;
	v50 =	vor.u32 v41, v50;
	v53 =	vadd.s32 v21, v37;
	v46 =	vld.idx.msk [tilespmem:v46+s9+$0x0], $0xffff  }
0x412: {  	v52 =	vor.u32 v39, v53;
	v40 =	vmovc v1;
	v2 =	vadd.f32 $0.0e+00, v2;
	v42 =	vmul.f32 v42, v36;
	v15 =	vld.idx.msk [tilespmem:v15+s9+$0x0], $0xffff  }
0x413: {  	v53 =	vadd.s32 v24, v37;
	v1 =	vor.u32 v41, v51;
	v0 =	vmul.f32 v0, v38;
	v45 =	vld.idx.msk [tilespmem:v45+s9+$0x0], $0xffff  }
0x414: {  	v51 =	vor.u32 v39, v53;
	v2 =	vadd.f32 v42, v2;
	v42 =	vmul.f32 v43, v34;
	v43 =	vld.idx.msk [tilespmem:v47+s9+$0x0], $0xffff  }
0x415: {  	v41 =	vmovc v3;
	v0 =	vadd.f32 $0.0e+00, v0;
	v47 =	vmul.f32 v44, v36;
	v44 =	vadd.s32 v20, v37;
	v49 =	vld.idx.msk [tilespmem:v49+s9+$0x0], $0xffff  }
0x416: {  	v2 =	vadd.f32 v42, v2;
	v3 =	vmul.f32 v5, v35;
	v5 =	vld.idx.msk [tilespmem:v50+s9+$0x0], $0xffff;
	v50 =	vor.u32 v39, v44  }
0x417: {  	v44 =	vadd.s32 v28, v40;
	v0 =	vadd.f32 v47, v0;
	v42 =	vmul.f32 v46, v34;
	v52 =	vld.idx.msk [tilespmem:v52+s9+$0x0], $0xffff  }
0x418: {  	v53 =	vadd.s32 v29, v40;
	v2 =	vadd.f32 v3, v2;
	v3 =	vmul.f32 v15, v32;
	v47 =	vld.idx.msk [tilespmem:v1+s9+$0x0], $0xffff  }
.Ltmp13:
0x419: {  	v1 =	vadd.s32 v25, v40;
	v0 =	vadd.f32 v42, v0;
	v15 =	vmul.f32 v45, v35;
	v46 =	vld.idx.msk [tilespmem:v51+s9+$0x0], $0xffff;
	(pc) =	sbr.rel @p0 .LBB2_21-.Ltmp13, $4  }
0x41a: {  	v42 =	vadd.s32 v4, v48;
	v2 =	vadd.f32 v3, v2;
	v3 =	vmul.f32 v43, v33  }
0x41b: {  	v45 =	vor.u32 v41, v53;
	v0 =	vadd.f32 v15, v0;
	v15 =	vmul.f32 v49, v32;
	v43 =	vld.idx.msk [tilespmem:v50+s9+$0x0], $0xffff  }
0x41c: {  	s4 =	sadd.s32 $0x1, s1;
	v48 =	vor.u32 v41, v1;
	v49 =	vadd.f32 v3, v2;
	v51 =	vmul.f32 v5, v30  }
0x41d: {  	s1 =	sadd.s32 $0x2, s1;
	v53 =	vmov s4;
	v50 =	vadd.f32 v15, v0;
	v52 =	vmul.f32 v52, v33  }
0x41e: {  	v1 =	vld [tilespmem:$0x1FFB0];
	_ =	sdelay $0x1  }
0x41f: {  	s1 =	smin.u32 s25, $0x6E0  }
0x420: {  	s4 =	sadd.s32 $0xFFFFFF20, s1  }
0x421: {  	s1 =	sadd.s32 $0x11F, s1;
	v0 =	vmov s4  }
0x422: {  	vm0 =	vgt.s32 v0, v14;
	vm1 =	vgt.s32 v1, s1  }
0x423: {  	vm10 =	vgt.s32 v0, v16;
	vm0 =	vmor vm0, vm1  }
0x424: {  	vm11 =	vgt.s32 v17, s1;
	vm0 =	vmor vm0, vm10  }
0x425: {  	vm12 =	vgt.s32 v0, v18;
	vm0 =	vmor vm0, vm11  }
0x426: {  	vm13 =	vgt.s32 v19, s1;
	vm0 =	vmor vm0, vm12  }
0x427: {  	vm14 =	vgt.s32 v0, v22;
	vm0 =	vmor vm0, vm13  }
0x428: {  	v2 =	vand.u32 $0x7, v53;
	vm15 =	vgt.s32 v23, s1;
	vm0 =	vmor vm0, vm14  }
0x429: {  	v1 =	vand.u32 $0x38, v53;
	v53 =	vimm.f32 $0.0e+00;
	vm0 =	vmor vm0, vm15  }
0x42a: {  	v3 =	vadd.s32 v25, v1;
	v16 =	vsel vm0, $0x3F800000, v53  }
0x42b: {  	v25 =	vor.u32 v2, v3;
	(xrf0) =	vmax.scan.msk.f32 $0xffff, v16  }
0x42c: {  	v5 =	vadd.s32 v29, v1  }
0x42d: {  	v54 =	vor.u32 v41, v44;
	v56 =	vadd.s32 v27, v40;
	v5 =	vor.u32 v2, v5  }
0x42e: {  	v15 =	vld.idx.msk [tilespmem:v48+s9+$0x0], $0xffff;
	v57 =	vadd.s32 v26, v40;
	v60 =	vadd.s32 v21, v40;
	v55 =	vadd.s32 v28, v1  }
0x42f: {  	v62 =	vadd.s32 v24, v40;
	v63 =	vadd.s32 v20, v40;
	v19 =	vor.u32 v2, v55  }
0x430: {  	v17 =	vadd.f32 v52, v50;
	v22 =	vor.u32 v41, v56;
	v58 =	vadd.s32 v27, v1;
	v0 =	vld.idx.msk [tilespmem:v25+s9+$0x0], $0xffff  }
0x431: {  	v59 =	vld.idx.msk [tilespmem:v45+s9+$0x0], $0xffff;
	v23 =	vor.u32 v41, v57;
	v3 =	vadd.f32 v51, v49;
	v25 =	vor.u32 v2, v58;
	v49, _, _ =	vpop (xrf0)  }
0x432: {  	v50 =	vor.u32 v41, v63;
	v61 =	vadd.s32 v26, v1;
	v5 =	vld.idx.msk [tilespmem:v5+s9+$0x0], $0xffff;
	(v2sf) =	vpush v49, $0xF  }
0x433: {  	v14 =	vmul.f32 v47, v31;
	v15 =	vmul.f32 v15, v38;
	v18 =	vld.idx.msk [tilespmem:v54+s9+$0x0], $0xffff;
	v26 =	vor.u32 v2, v61  }
0x434: {  	v54 =	vor.u32 v39, v37;
	v28 =	vor.u32 v41, v60;
	v48 =	vadd.s32 v21, v1;
	v19 =	vld.idx.msk [tilespmem:v19+s9+$0x0], $0xffff  }
0x435: {  	v29 =	vor.u32 v41, v62;
	v21 =	vor.u32 v2, v48;
	v22 =	vld.idx.msk [tilespmem:v22+s9+$0x0], $0xffff;
	v0 =	vmul.f32 v0, v38  }
0x436: {  	v27 =	vmul.f32 v59, v36;
	v15 =	vadd.f32 $0.0e+00, v15;
	v51 =	vadd.s32 v24, v1;
	v25 =	vld.idx.msk [tilespmem:v25+s9+$0x0], $0xffff  }
0x437: {  	v23 =	vld.idx.msk [tilespmem:v23+s9+$0x0], $0xffff;
	v24 =	vor.u32 v2, v51;
	v5 =	vmul.f32 v5, v36;
	v0 =	vadd.f32 $0.0e+00, v0  }
0x438: {  	v52 =	vadd.s32 v20, v1;
	v15 =	vadd.f32 v27, v15;
	v18 =	vmul.f32 v18, v34;
	v26 =	vld.idx.msk [tilespmem:v26+s9+$0x0], $0xffff  }
0x439: {  	v20 =	vor.u32 v2, v52;
	v53 =	vld.idx.msk [tilespmem:v28+s9+$0x0], $0xffff;
	v0 =	vadd.f32 v5, v0;
	v5 =	vmul.f32 v19, v34  }
0x43a: {  	v59 =	vmul.f32 v43, v31;
	v15 =	vadd.f32 v18, v15;
	v21 =	vld.idx.msk [tilespmem:v21+s9+$0x0], $0xffff;
	v55 =	vmul.f32 v22, v35  }
0x43b: {  	v62 =	vor.u32 v41, v40;
	v56 =	vld.idx.msk [tilespmem:v29+s9+$0x0], $0xffff;
	v0 =	vadd.f32 v5, v0;
	v5 =	vmul.f32 v25, v35  }
0x43c: {  	v1 =	vor.u32 v2, v1;
	v57 =	vmul.f32 v23, v32;
	v58 =	vld.idx.msk [tilespmem:v24+s9+$0x0], $0xffff;
	v15 =	vadd.f32 v55, v15  }
0x43d: {  	v60 =	vld.idx.msk [tilespmem:v50+s9+$0x0], $0xffff;
	v3 =	vadd.f32 v14, v3;
	v0 =	vadd.f32 v5, v0;
	v5 =	vmul.f32 v26, v32  }
0x43e: {  	v61 =	vld.idx.msk [tilespmem:v20+s9+$0x0], $0xffff;
	v20 =	vadd.s32 v4, v62;
	v14 =	vadd.f32 v57, v15;
	v15 =	vmul.f32 v53, v33  }
0x43f: {  	v16 =	vmul.f32 v46, v30;
	v0 =	vadd.f32 v5, v0;
	v5 =	vmul.f32 v21, v33  }
0x440: {  	v14 =	vadd.f32 v15, v14;
	v15 =	vmul.f32 v56, v30;
	v19 =	vadd.s32 v4, v54  }
0x441: {  	v16 =	vadd.f32 v16, v17;
	v0 =	vadd.f32 v5, v0;
	v5 =	vmul.f32 v58, v30;
	s17 =	spop (v2sf)  }
0x442: {  	v1 =	vadd.s32 v4, v1;
	v63 =	vadd.f32 v15, v14;
	v14 =	vmul.f32 v60, v31;
	p0 =	sgt.f32 s17, $0.0e+00  }
.Ltmp14:
0x443: {  	v15 =	vadd.f32 v59, v16;
	v0 =	vadd.f32 v5, v0;
	v5 =	vmul.f32 v61, v31;
	(pc) =	sbr.rel @!p0 .LBB2_28-.Ltmp14, $4  }
0x444: {  	[tilespmem:v42+s18+$0x0] =	vst.idx.msk $0xffff, v3;
	v2 =	vadd.f32 v14, v63  }
0x445: {  	[tilespmem:v19+s18+$0x0] =	vst.idx.msk $0xffff, v15;
	v0 =	vadd.f32 v5, v0  }
0x446: {  	[tilespmem:v20+s18+$0x0] =	vst.idx.msk $0xffff, v2  }
0x447: {  	[tilespmem:v1+s18+$0x0] =	vst.idx.msk $0xffff, v0  }
0x448: {  	s4 =	simm.s32 $0x80;
	s1 =	simm.s32 $0x17200  }
0x449: {  	[tilespmem:s19], [sflag:$0x7] =	stream.indirect.gather [hbm4b:s6+s4], $0x40, s1, s4, $0xb8;
	[tilespmem:$0x1B300] =	vst v63  }
0x44a: {  	s17 =	simm.s32 $0x0;
	s11 =	simm.s32 $0x17280  }
0x44b: {  	v1 =	vlaneseq.u32;
	v0 =	vmov s17;
	[tilespmem:s21], [sflag:$0x8] =	stream.indirect.gather [hbm4b:s6+s4], $0x40, s11, s4, $0xb8;
	[tilespmem:$0x1B300] =	vst v63  }
0x44c: {  	v14 =	vmul.u32 $0x40, v1;
	v0 =	vand.u32 $0x3E, v0;
	_ =	swait.ge [sflag:s30], $0x2000  }
0x44d: {  	v58 =	vadd.s32 v4, v0;
	[sflag:s30] =	ssyncset.done $0x0  }
0x44e: {  	v15 =	vor.u32 $0x1000, v14;
	v3 =	vor.u32 v14, v0;
	[sflag:s30] =	ssyncadd.s32 $0xFFFFE000  }
0x44f: {  	v17 =	vor.u32 $0x400, v14;
	v5 =	vor.u32 v15, v0;
	_ =	swait.ge [sflag:s31], $0x2000  }
0x450: {  	v16 =	vor.u32 $0x1400, v14;
	v22 =	vor.u32 v17, v0;
	[sflag:s31] =	ssyncset.done $0x0  }
0x451: {  	v18 =	vor.u32 $0x1800, v14;
	v23 =	vor.u32 v16, v0;
	[sflag:s31] =	ssyncadd.s32 $0xFFFFE000  }
0x452: {  	s4 =	simm.s32 $0x1;
	v19 =	vor.u32 $0x800, v14;
	v24 =	vor.u32 v18, v0;
	v1 =	vld.idx.msk [tilespmem:v58+s14+$0x0], $0xffff  }
0x453: {  	v20 =	vor.u32 $0x1C00, v14;
	v2 =	vmov s4;
	v25 =	vor.u32 v19, v0;
	v3 =	vld.idx.msk [tilespmem:v3+s19+$0x0], $0xffff  }
0x454: {  	v26 =	vor.u32 v20, v0;
	v2 =	vand.u32 $0x3F, v2;
	v5 =	vld.idx.msk [tilespmem:v5+s19+$0x0], $0xffff  }
0x455: {  	v21 =	vor.u32 v16, v2;
	v22 =	vld.idx.msk [tilespmem:v22+s19+$0x0], $0xffff  }
0x456: {  	v27 =	vor.u32 v20, v2;
	v23 =	vld.idx.msk [tilespmem:v23+s19+$0x0], $0xffff  }
0x457: {  	s11 =	simm.s32 $0x2;
	v29 =	vadd.s32 v4, v2;
	v24 =	vld.idx.msk [tilespmem:v24+s19+$0x0], $0xffff  }
0x458: {  	v36 =	vmov s11;
	v30 =	vor.u32 v14, v2;
	v25 =	vld.idx.msk [tilespmem:v25+s19+$0x0], $0xffff  }
0x459: {  	v31 =	vimm.f32 $0.0e+00;
	v36 =	vand.u32 $0x3E, v36;
	v33 =	vor.u32 v19, v2;
	v26 =	vld.idx.msk [tilespmem:v26+s19+$0x0], $0xffff  }
0x45a: {  	v32 =	vor.u32 v18, v2;
	v34 =	vor.u32 v17, v2;
	v35 =	vor.u32 v15, v2;
	v28 =	vld.idx.msk [tilespmem:v21+s19+$0x0], $0xffff  }
0x45b: {  	v59 =	vadd.s32 v4, v36;
	v37 =	vor.u32 v14, v36;
	v40 =	vor.u32 v15, v36;
	v27 =	vld.idx.msk [tilespmem:v27+s19+$0x0], $0xffff  }
0x45c: {  	s17 =	simm.s32 $0x3;
	v41 =	vor.u32 v16, v36;
	v42 =	vor.u32 v19, v36;
	v47 =	vor.u32 v17, v36;
	v39 =	vld.idx.msk [tilespmem:v29+s14+$0x0], $0xffff  }
0x45d: {  	v49 =	vor.u32 v18, v36;
	v21 =	vor.u32 $0xC00, v14;
	v29 =	vld.idx.msk [tilespmem:v30+s19+$0x0], $0xffff;
	v30 =	vmov s17  }
0x45e: {  	v54 =	vor.u32 v20, v36;
	v33 =	vld.idx.msk [tilespmem:v33+s19+$0x0], $0xffff;
	v0 =	vor.u32 v21, v0;
	v48 =	vand.u32 $0x3F, v30  }
0x45f: {  	v35 =	vld.idx.msk [tilespmem:v35+s19+$0x0], $0xffff;
	v2 =	vor.u32 v21, v2;
	v43 =	vor.u32 v16, v48;
	v3 =	vmul.f32 v3, v1  }
0x460: {  	v50 =	vld.idx.msk [tilespmem:v37+s19+$0x0], $0xffff;
	v37 =	vor.u32 v14, v48;
	v5 =	vmul.f32 v5, v1;
	v22 =	vmul.f32 v22, v1  }
0x461: {  	v34 =	vld.idx.msk [tilespmem:v34+s19+$0x0], $0xffff;
	v55 =	vor.u32 v20, v48;
	v23 =	vmul.f32 v23, v1;
	v25 =	vmul.f32 v25, v1  }
0x462: {  	v30 =	vmul.f32 v24, v1;
	v26 =	vmul.f32 v26, v1;
	v46 =	vadd.f32 v22, v31;
	v22 =	vld.idx.msk [tilespmem:v32+s19+$0x0], $0xffff  }
0x463: {  	v24 =	vmul.f32 v27, v39;
	v45 =	vmul.f32 v29, v39;
	v29 =	vor.u32 v18, v48;
	v0 =	vld.idx.msk [tilespmem:v0+s19+$0x0], $0xffff  }
0x464: {  	v27 =	vor.u32 v19, v48;
	v60 =	vmul.f32 v28, v39;
	v52 =	vmul.f32 v33, v39;
	v2 =	vld.idx.msk [tilespmem:v2+s19+$0x0], $0xffff  }
0x465: {  	v33 =	vadd.s32 v4, v48;
	v3 =	vadd.f32 v3, v31;
	v38 =	vadd.f32 v23, v31;
	v23 =	vld.idx.msk [tilespmem:v59+s14+$0x0], $0xffff  }
0x466: {  	v53 =	vld.idx.msk [tilespmem:v40+s19+$0x0], $0xffff;
	v28 =	vor.u32 v17, v48;
	v5 =	vadd.f32 v5, v31;
	v25 =	vadd.f32 v25, v31  }
0x467: {  	v40 =	vld.idx.msk [tilespmem:v47+s19+$0x0], $0xffff;
	v61 =	vmul.f32 v35, v39;
	v51 =	vadd.f32 v30, v31;
	v30 =	vadd.f32 v60, v38  }
0x468: {  	v35 =	vld.idx.msk [tilespmem:v49+s19+$0x0], $0xffff;
	v32 =	vadd.f32 v52, v25;
	v3 =	vadd.f32 v45, v3;
	v44 =	vmul.f32 v22, v39  }
0x469: {  	v38 =	vld.idx.msk [tilespmem:v41+s19+$0x0], $0xffff;
	v45 =	vadd.f32 v26, v31;
	v0 =	vmul.f32 v0, v1;
	v62 =	vmul.f32 v2, v39  }
0x46a: {  	v22 =	vld.idx.msk [tilespmem:v43+s19+$0x0], $0xffff;
	v43 =	vadd.f32 v61, v5;
	v63 =	vmul.f32 v50, v23;
	v5 =	vmul.f32 v34, v39  }
0x46b: {  	v41 =	vld.idx.msk [tilespmem:v42+s19+$0x0], $0xffff;
	v39 =	vor.u32 v21, v36;
	v47 =	vmul.f32 v53, v23;
	v0 =	vadd.f32 v0, v31  }
0x46c: {  	v42 =	vld.idx.msk [tilespmem:v54+s19+$0x0], $0xffff;
	v36 =	vor.u32 v21, v48;
	v31 =	vadd.f32 v44, v51;
	v26 =	vadd.f32 v63, v3  }
0x46d: {  	s1 =	simm.s32 $0x4;
	v34 =	vld.idx.msk [tilespmem:v55+s19+$0x0], $0xffff;
	v44 =	vor.u32 v15, v48;
	v46 =	vadd.f32 v5, v46;
	v25 =	vadd.f32 v62, v0  }
.LBB2_24:
0x46e: {  	p0 =	slt.u32 s1, $0x3E;
	v0 =	vadd.f32 v47, v43;
	v1 =	vmul.f32 v40, v23;
	v2 =	vld.idx.msk [tilespmem:v37+s19+$0x0], $0xffff;
	v3 =	vadd.f32 v24, v45;
	s4 =	smov.u32 s1;
	s1 =	sadd.s32 $0x2, s1  }
0x46f: {  	v24 =	vmul.f32 v38, v23;
	v37 =	vmov v23;
	v5 =	vmov s4;
	s4 =	sadd.s32 $0x1, s4;
	v45 =	vld.idx.msk [tilespmem:v33+s14+$0x0], $0xffff  }
0x470: {  	v5 =	vand.u32 $0x3E, v5;
	v23 =	vmov s4;
	v1 =	vadd.f32 v1, v46;
	v29 =	vld.idx.msk [tilespmem:v29+s19+$0x0], $0xffff  }
0x471: {  	v38 =	vmul.f32 v41, v37;
	v33 =	vadd.s32 v4, v5  }
0x472: {  	v35 =	vmul.f32 v35, v37;
	v46 =	vand.u32 $0x3F, v23;
	v42 =	vmul.f32 v42, v37  }
0x473: {  	v32 =	vadd.f32 v38, v32;
	v38 =	vld.idx.msk [tilespmem:v27+s19+$0x0], $0xffff  }
0x474: {  	v30 =	vadd.f32 v24, v30;
	v27 =	vor.u32 v14, v5;
	v39 =	vld.idx.msk [tilespmem:v39+s19+$0x0], $0xffff  }
0x475: {  	v40 =	vor.u32 v15, v5;
	v24 =	vmul.f32 v34, v45;
	v41 =	vld.idx.msk [tilespmem:v44+s19+$0x0], $0xffff  }
0x476: {  	v34 =	vor.u32 v16, v5;
	v44 =	vor.u32 v19, v5;
	v48 =	vmul.f32 v29, v45;
	v47 =	vld.idx.msk [tilespmem:v28+s19+$0x0], $0xffff  }
0x477: {  	v43 =	vor.u32 v16, v46;
	v2 =	vmul.f32 v2, v45;
	v36 =	vld.idx.msk [tilespmem:v36+s19+$0x0], $0xffff  }
0x478: {  	v49 =	vor.u32 v17, v5;
	v50 =	vor.u32 v18, v5;
	v29 =	vor.u32 v18, v46;
	v23 =	vld.idx.msk [tilespmem:v33+s14+$0x0], $0xffff  }
0x479: {  	v52 =	vmul.f32 v22, v45;
	v51 =	vld.idx.msk [tilespmem:v27+s19+$0x0], $0xffff;
	v27 =	vor.u32 v19, v46  }
0x47a: {  	v31 =	vadd.f32 v35, v31;
	v35 =	vmul.f32 v38, v45  }
0x47b: {  	v54 =	vor.u32 v20, v5;
	v33 =	vadd.s32 v4, v46;
	v39 =	vmul.f32 v39, v37;
	v53 =	vld.idx.msk [tilespmem:v40+s19+$0x0], $0xffff  }
0x47c: {  	v28 =	vor.u32 v17, v46;
	v37 =	vor.u32 v14, v46;
	v41 =	vmul.f32 v41, v45;
	v22 =	vld.idx.msk [tilespmem:v43+s19+$0x0], $0xffff  }
0x47d: {  	v30 =	vadd.f32 v52, v30;
	v32 =	vadd.f32 v35, v32;
	v40 =	vld.idx.msk [tilespmem:v49+s19+$0x0], $0xffff;
	v49 =	vor.u32 v20, v46  }
.Ltmp15:
0x47e: {  	v2 =	vadd.f32 v2, v26;
	v43 =	vadd.f32 v41, v0;
	v0 =	vmul.f32 v36, v45;
	v38 =	vld.idx.msk [tilespmem:v34+s19+$0x0], $0xffff;
	(pc) =	sbr.rel @p0 .LBB2_24-.Ltmp15, $4  }
0x47f: {  	v25 =	vadd.f32 v39, v25;
	v26 =	vmul.f32 v51, v23;
	v35 =	vld.idx.msk [tilespmem:v50+s19+$0x0], $0xffff;
	v50 =	vmul.f32 v47, v45  }
0x480: {  	v31 =	vadd.f32 v48, v31;
	v39 =	vor.u32 v21, v5;
	v45 =	vadd.f32 v42, v3;
	v41 =	vld.idx.msk [tilespmem:v44+s19+$0x0], $0xffff  }
0x481: {  	v25 =	vadd.f32 v0, v25;
	v26 =	vadd.f32 v26, v2;
	v47 =	vmul.f32 v53, v23;
	v42 =	vld.idx.msk [tilespmem:v54+s19+$0x0], $0xffff  }
0x482: {  	v36 =	vor.u32 v21, v46;
	v44 =	vor.u32 v15, v46;
	v46 =	vadd.f32 v50, v1;
	v34 =	vld.idx.msk [tilespmem:v49+s19+$0x0], $0xffff  }
0x483: {  	_ =	sdelay $0x3  }
0x484: {  	v0 =	vld.idx.msk [tilespmem:v37+s19+$0x0], $0xffff  }
0x485: {  	v1 =	vld.idx.msk [tilespmem:v33+s14+$0x0], $0xffff  }
0x486: {  	v2 =	vld.idx.msk [tilespmem:v29+s19+$0x0], $0xffff  }
0x487: {  	v3 =	vld.idx.msk [tilespmem:v27+s19+$0x0], $0xffff  }
0x488: {  	v5 =	vmul.f32 v40, v23;
	v27 =	vld.idx.msk [tilespmem:v44+s19+$0x0], $0xffff  }
0x489: {  	v29 =	vadd.f32 v47, v43;
	v24 =	vadd.f32 v24, v45;
	v50 =	vld.idx.msk [tilespmem:v39+s19+$0x0], $0xffff;
	v38 =	vmul.f32 v38, v23  }
0x48a: {  	v28 =	vld.idx.msk [tilespmem:v28+s19+$0x0], $0xffff;
	v35 =	vmul.f32 v35, v23;
	v49 =	vmul.f32 v41, v23;
	v5 =	vadd.f32 v5, v46  }
0x48b: {  	v52 =	vld.idx.msk [tilespmem:v36+s19+$0x0], $0xffff;
	v30 =	vadd.f32 v38, v30;
	v51 =	vmul.f32 v42, v23;
	v2 =	vmul.f32 v2, v1  }
0x48c: {  	v31 =	vadd.f32 v35, v31;
	v22 =	vmul.f32 v22, v1;
	v3 =	vmul.f32 v3, v1  }
0x48d: {  	v32 =	vadd.f32 v49, v32;
	v0 =	vmul.f32 v0, v1;
	v27 =	vmul.f32 v27, v1  }
0x48e: {  	v23 =	vmul.f32 v50, v23;
	v24 =	vadd.f32 v51, v24;
	v22 =	vadd.f32 v22, v30  }
0x48f: {  	v0 =	vadd.f32 v0, v26;
	v26 =	vadd.f32 v27, v29;
	v27 =	vmul.f32 v28, v1  }
0x490: {  	v3 =	vadd.f32 v3, v32;
	v28 =	vmul.f32 v52, v1;
	v23 =	vadd.f32 v23, v25  }
0x491: {  	v1 =	vmul.f32 v34, v1;
	v2 =	vadd.f32 v2, v31;
	v5 =	vadd.f32 v27, v5  }
0x492: {  	v23 =	vadd.f32 v28, v23;
	v0 =	vmul.f32 v0, v13;
	v25 =	vmul.f32 v26, v6  }
0x493: {  	v1 =	vadd.f32 v1, v24;
	v24 =	vld [tilespmem:s25+$0x2000];
	v22 =	vmul.f32 v22, v7;
	v3 =	vmul.f32 v3, v11  }
0x494: {  	v26 =	vld [tilespmem:s26+$0x2000];
	v2 =	vmul.f32 v2, v9;
	v5 =	vmul.f32 v5, v10  }
0x495: {  	v27 =	vld [tilespmem:s20+$0x2000];
	v23 =	vmul.f32 v23, v12;
	v1 =	vmul.f32 v1, v8;
	v0 =	vadd.f32 v25, v0  }
0x496: {  	v2 =	vadd.f32 v2, v3;
	v5 =	vadd.f32 v22, v5;
	v22 =	vld [tilespmem:s22+$0x2000]  }
0x497: {  	v1 =	vadd.f32 v1, v23  }
0x498: {  	v0 =	vmul.f32 $1.250000000e-01, v0;
	v2 =	vmul.f32 $1.250000000e-01, v2  }
0x499: {  	v3 =	vmul.f32 $1.250000000e-01, v5;
	v1 =	vmul.f32 $1.250000000e-01, v1  }
0x49a: {  	v0 =	vadd.f32 v24, v0;
	v2 =	vadd.f32 v27, v2  }
0x49b: {  	v3 =	vadd.f32 v26, v3;
	v1 =	vadd.f32 v22, v1;
	_ =	sdelay $0x1  }
0x49c: {  	v5 =	vmax.f32 v0, v3;
	v22 =	vmax.f32 v2, v1  }
0x49d: {  	v5 =	vmax.f32 v5, v22  }
0x49e: {  	v0 =	vsub.f32 v0, v5  }
0x49f: {  	v3 =	vsub.f32 v3, v5  }
0x4a0: {  	v0 =	vmul.f32 $1.442695020e+00, v0  }
0x4a1: {  	v2 =	vsub.f32 v2, v5;
	v3 =	vmul.f32 $1.442695020e+00, v3  }
0x4a2: {  	(erf) = vpow2.f32 v0  }
0x4a3: {  	v1 =	vsub.f32 v1, v5;
	v53 =	vmul.f32 $1.442695020e+00, v2;
	(erf) = vpow2.f32 v3;
	_ =	sdelay $0x1  }
0x4a4: {  	v54 =	vmul.f32 $1.442695020e+00, v1;
	(erf) = vpow2.f32 v53;
	_ =	sdelay $0x1  }
0x4a5: {  	(erf) = vpow2.f32 v54;
	_ =	sdelay $0x3  }
0x4a6: {  	v55 =	vpop (erf)  }
0x4a7: {  	v56 =	vpop (erf)  }
0x4a8: {  	v57 =	vadd.f32 v56, v55  }
0x4a9: {  	v3 =	vpop (erf)  }
0x4aa: {  	v2 =	vadd.f32 v57, v3  }
0x4ab: {  	v5 =	vpop (erf)  }
0x4ac: {  	s20 =	simm.s32 $0x3;
	v2 =	vadd.f32 v2, v5  }
0x4ad: {  	s17 =	simm.s32 $0x0;
	v48 =	vmov s20  }
0x4ae: {  	v33 =	vand.u32 $0x3F, v48;
	v24 =	vmov s17;
	(erf) = vrcp.f32 v2  }
0x4af: {  	v50 =	vor.u32 v14, v33;
	v26 =	vand.u32 $0x3E, v24  }
0x4b0: {  	s1 =	simm.s32 $0x1;
	v27 =	vor.u32 v14, v26  }
0x4b1: {  	v58 =	vmov s1;
	v28 =	vor.u32 v15, v26  }
0x4b2: {  	v49 =	vor.u32 v18, v26;
	v2 =	vand.u32 $0x3F, v58  }
0x4b3: {  	v22 =	vor.u32 v14, v2  }
0x4b4: {  	v44 =	vor.u32 v16, v33;
	v36 =	vld.idx.msk [tilespmem:v50+s21+$0x0], $0xffff;
	v23 =	vor.u32 v17, v2  }
0x4b5: {  	v47 =	vor.u32 v19, v33;
	v50 =	vor.u32 v21, v33;
	v27 =	vld.idx.msk [tilespmem:v27+s21+$0x0], $0xffff;
	v25 =	vor.u32 v15, v2  }
0x4b6: {  	v30 =	vor.u32 v19, v26;
	v31 =	vor.u32 v16, v26;
	v63 =	vld.idx.msk [tilespmem:v28+s21+$0x0], $0xffff;
	v53 =	vor.u32 v15, v33  }
0x4b7: {  	v60 =	vor.u32 v21, v26;
	v62 =	vor.u32 v17, v26;
	v35 =	vld.idx.msk [tilespmem:v49+s21+$0x0], $0xffff;
	v49 =	vor.u32 v18, v33;
	v24 =	vpop (erf)  }
0x4b8: {  	v54 =	vor.u32 v17, v33;
	v29 =	vld.idx.msk [tilespmem:v22+s21+$0x0], $0xffff;
	v0 =	vmul.f32 v24, v55;
	v1 =	vmul.f32 v24, v56  }
0x4b9: {  	v28 =	vor.u32 v16, v2;
	v59 =	vld.idx.msk [tilespmem:v23+s21+$0x0], $0xffff;
	v3 =	vmul.f32 v24, v3;
	v5 =	vmul.f32 v24, v5  }
0x4ba: {  	v61 =	vld.idx.msk [tilespmem:v25+s21+$0x0], $0xffff;
	v25 =	vadd.s32 v4, v2;
	v22 =	vmul.f32 v0, v13;
	v13 =	vmul.f32 v1, v10  }
0x4bb: {  	v39 =	vld.idx.msk [tilespmem:v53+s21+$0x0], $0xffff;
	v24 =	vadd.s32 v4, v26;
	v11 =	vmul.f32 v3, v11;
	v10 =	vmul.f32 v5, v12  }
0x4bc: {  	v23 =	vmul.f32 v0, v6;
	v6 =	vmul.f32 v5, v8;
	v5 =	vld.idx.msk [tilespmem:v30+s21+$0x0], $0xffff;
	v8 =	vor.u32 v21, v2  }
0x4bd: {  	v12 =	vmul.f32 v1, v7;
	v7 =	vmul.f32 v3, v9;
	v9 =	vor.u32 v19, v2;
	v30 =	vld.idx.msk [tilespmem:v31+s21+$0x0], $0xffff  }
0x4be: {  	v26 =	vor.u32 v20, v26;
	v31 =	vld.idx.msk [tilespmem:v60+s21+$0x0], $0xffff;
	v29 =	vmul.f32 v29, v22;
	v27 =	vmul.f32 v27, v22  }
0x4bf: {  	v53 =	vld.idx.msk [tilespmem:v44+s21+$0x0], $0xffff;
	v3 =	vor.u32 v18, v2;
	v32 =	vmul.f32 v59, v13;
	v34 =	vmul.f32 v61, v23  }
0x4c0: {  	v2 =	vor.u32 v20, v2;
	v0 =	vld.idx.msk [tilespmem:v62+s21+$0x0], $0xffff;
	v1 =	vmul.f32 v63, v23;
	v35 =	vmul.f32 v35, v7  }
0x4c1: {  	s22 =	simm.s32 $0x2;
	v36 =	vmul.f32 v36, v22;
	v39 =	vmul.f32 v39, v23;
	v29 =	vadd.f32 $0.0e+00, v29;
	v51 =	vld.idx.msk [tilespmem:v8+s21+$0x0], $0xffff  }
0x4c2: {  	v27 =	vadd.f32 $0.0e+00, v27;
	v52 =	vld.idx.msk [tilespmem:v9+s21+$0x0], $0xffff;
	v9 =	vmov s22;
	v8 =	vadd.s32 v4, v33  }
0x4c3: {  	v28 =	vld.idx.msk [tilespmem:v28+s21+$0x0], $0xffff;
	v30 =	vmul.f32 v30, v12;
	v42 =	vmul.f32 v31, v10;
	v55 =	vand.u32 $0x3E, v9  }
0x4c4: {  	v26 =	vld.idx.msk [tilespmem:v26+s21+$0x0], $0xffff;
	v5 =	vmul.f32 v5, v11;
	v33 =	vor.u32 v20, v33;
	v31 =	vor.u32 v14, v55  }
0x4c5: {  	v3 =	vld.idx.msk [tilespmem:v3+s21+$0x0], $0xffff;
	v0 =	vmul.f32 v0, v13;
	v29 =	vadd.f32 v34, v29;
	v56 =	vor.u32 v15, v55  }
0x4c6: {  	v2 =	vld.idx.msk [tilespmem:v2+s21+$0x0], $0xffff;
	v1 =	vadd.f32 v1, v27;
	v57 =	vor.u32 v16, v55;
	v58 =	vor.u32 v19, v55  }
0x4c7: {  	v40 =	vld.idx.msk [tilespmem:v54+s21+$0x0], $0xffff;
	v9 =	vadd.s32 v4, v55;
	v59 =	vor.u32 v17, v55;
	v61 =	vor.u32 v21, v55  }
0x4c8: {  	v48 =	vor.u32 v18, v55;
	v34 =	vor.u32 v20, v55;
	v0 =	vadd.f32 v0, v1;
	v1 =	vld.idx.msk [tilespmem:v49+s21+$0x0], $0xffff  }
0x4c9: {  	v29 =	vadd.f32 v32, v29;
	v27 =	vmul.f32 v26, v6;
	v26 =	vmul.f32 v28, v12;
	v31 =	vld.idx.msk [tilespmem:v31+s21+$0x0], $0xffff  }
0x4ca: {  	v28 =	vadd.f32 $0.0e+00, v36;
	v3 =	vmul.f32 v3, v7;
	v37 =	vmul.f32 v51, v10;
	v32 =	vld.idx.msk [tilespmem:v56+s21+$0x0], $0xffff  }
0x4cb: {  	s26 =	simm.s32 $0x4;
	v62 =	vmul.f32 v52, v11;
	v2 =	vmul.f32 v2, v6;
	v26 =	vadd.f32 v26, v29;
	v43 =	vld.idx.msk [tilespmem:v58+s21+$0x0], $0xffff  }
0x4cc: {  	s25 =	simm.s32 $0x5;
	v0 =	vadd.f32 v30, v0;
	v39 =	vadd.f32 v39, v28;
	v28 =	vmov s26;
	v60 =	vld.idx.msk [tilespmem:v61+s21+$0x0], $0xffff  }
0x4cd: {  	v61 =	vmov s25;
	v36 =	vadd.f32 v62, v26;
	v58 =	vld.idx.msk [tilespmem:v47+s21+$0x0], $0xffff;
	v47 =	vand.u32 $0x3E, v28  }
0x4ce: {  	v63 =	vld.idx.msk [tilespmem:v57+s21+$0x0], $0xffff;
	v0 =	vadd.f32 v5, v0;
	v55 =	vand.u32 $0x3F, v61;
	v5 =	vor.u32 v19, v47  }
0x4cf: {  	v61 =	vld.idx.msk [tilespmem:v34+s21+$0x0], $0xffff;
	v62 =	vor.u32 v17, v47;
	v34 =	vmul.f32 v1, v7;
	v46 =	vor.u32 v14, v55  }
0x4d0: {  	v56 =	vld.idx.msk [tilespmem:v59+s21+$0x0], $0xffff;
	v49 =	vor.u32 v15, v55;
	v30 =	vor.u32 v17, v55;
	v3 =	vadd.f32 v3, v36  }
0x4d1: {  	v59 =	vld.idx.msk [tilespmem:v33+s21+$0x0], $0xffff;
	v26 =	vadd.s32 v4, v55;
	v29 =	vmul.f32 v31, v22;
	v31 =	vmul.f32 v40, v13  }
0x4d2: {  	v38 =	vld.idx.msk [tilespmem:v48+s21+$0x0], $0xffff;
	v36 =	vor.u32 v16, v55;
	v44 =	vor.u32 v19, v55;
	v3 =	vadd.f32 v37, v3  }
0x4d3: {  	v40 =	vld.idx.msk [tilespmem:v50+s21+$0x0], $0xffff;
	v28 =	vmul.f32 v60, v10;
	v60 =	vadd.f32 v31, v39;
	v39 =	vor.u32 v14, v47  }
0x4d4: {  	v37 =	vor.u32 v16, v47;
	v41 =	vadd.f32 v2, v3;
	v3 =	vmul.f32 v32, v23;
	v32 =	vld.idx.msk [tilespmem:v5+s21+$0x0], $0xffff  }
0x4d5: {  	v0 =	vadd.f32 v35, v0;
	v35 =	vor.u32 v20, v47;
	v50 =	vor.u32 v15, v47;
	v57 =	vld.idx.msk [tilespmem:v46+s21+$0x0], $0xffff  }
0x4d6: {  	v54 =	vor.u32 v18, v55;
	v5 =	vmul.f32 v53, v12;
	v45 =	vadd.f32 $0.0e+00, v29;
	v46 =	vld.idx.msk [tilespmem:v30+s21+$0x0], $0xffff  }
0x4d7: {  	v29 =	vmul.f32 v63, v12;
	v31 =	vadd.s32 v4, v47;
	v63 =	vor.u32 v21, v47;
	v48 =	vld.idx.msk [tilespmem:v49+s21+$0x0], $0xffff  }
0x4d8: {  	v30 =	vmul.f32 v38, v7;
	v49 =	vor.u32 v21, v55;
	v51 =	vadd.f32 v3, v45;
	v52 =	vld.idx.msk [tilespmem:v39+s21+$0x0], $0xffff  }
0x4d9: {  	v45 =	vld.idx.msk [tilespmem:v37+s21+$0x0], $0xffff;
	v33 =	vmul.f32 v40, v10;
	v40 =	vor.u32 v18, v47;
	v47 =	vmul.f32 v61, v6  }
0x4da: {  	v38 =	vld.idx.msk [tilespmem:v50+s21+$0x0], $0xffff;
	v50 =	vor.u32 v20, v55;
	v55 =	vmul.f32 v58, v11;
	v3 =	vmul.f32 v57, v22  }
0x4db: {  	v37 =	vld.idx.msk [tilespmem:v62+s21+$0x0], $0xffff;
	v58 =	vmul.f32 v56, v13;
	v56 =	vadd.f32 v5, v60;
	v39 =	vmul.f32 v43, v11  }
0x4dc: {  	s1 =	simm.s32 $0x6;
	v57 =	vadd.f32 v42, v0;
	v43 =	vld.idx.msk [tilespmem:v63+s21+$0x0], $0xffff;
	v42 =	vmul.f32 v59, v6;
	v53 =	vadd.f32 $0.0e+00, v3  }
.LBB2_26:
0x4dd: {  	s4 =	sadd.s32 $0x1, s1;
	v0 =	vmul.f32 v52, v22;
	v1 =	vmul.f32 v46, v13  }
0x4de: {  	p0 =	slt.u32 s1, $0x3E;
	v2 =	vld.idx.msk [tilespmem:v54+s21+$0x0], $0xffff;
	v3 =	vadd.f32 v27, v57;
	v5 =	vmovc v9;
	v9 =	vmov v31;
	v27 =	vmov v47;
	s17 =	smov.u32 s1;
	s1 =	sadd.s32 $0x2, s1  }
0x4df: {  	v46 =	vmul.f32 v48, v23;
	v31 =	vmov s4;
	v47 =	vld.idx.msk [tilespmem:v49+s21+$0x0], $0xffff;
	v48 =	vadd.f32 v58, v51;
	[tilespmem:v25+s18+$0x0] =	vst.idx.msk $0xffff, v41  }
0x4e0: {  	v58 =	vand.u32 $0x3F, v31;
	v0 =	vadd.f32 $0.0e+00, v0;
	v59 =	vld.idx.msk [tilespmem:v44+s21+$0x0], $0xffff;
	v31 =	vadd.f32 v55, v56;
	[tilespmem:v24+s18+$0x0] =	vst.idx.msk $0xffff, v3  }
0x4e1: {  	v3 =	vor.u32 v14, v58;
	v44 =	vor.u32 v15, v58;
	v60 =	vld.idx.msk [tilespmem:v50+s21+$0x0], $0xffff;
	v41 =	vadd.f32 v29, v48  }
0x4e2: {  	v25 =	vmovc v8;
	v46 =	vadd.f32 v46, v53;
	v48 =	vor.u32 v17, v58;
	v50 =	vadd.s32 v4, v58  }
0x4e3: {  	v49 =	vmov s17;
	v8 =	vmovc v26;
	v29 =	vmul.f32 v45, v12;
	v31 =	vadd.f32 v34, v31;
	v26 =	vmovc v50  }
0x4e4: {  	v24 =	vmovc v5;
	v45 =	vand.u32 $0x3E, v49;
	v56 =	vmul.f32 v43, v10;
	v1 =	vadd.f32 v1, v46;
	v49 =	vld.idx.msk [tilespmem:v40+s21+$0x0], $0xffff  }
0x4e5: {  	v5 =	vor.u32 v14, v45;
	v43 =	vor.u32 v15, v45;
	v33 =	vadd.f32 v33, v31;
	v50 =	vld.idx.msk [tilespmem:v36+s21+$0x0], $0xffff  }
0x4e6: {  	v53 =	vor.u32 v16, v45;
	v39 =	vadd.f32 v39, v41;
	v31 =	vadd.s32 v4, v45;
	v3 =	vld.idx.msk [tilespmem:v3+s21+$0x0], $0xffff  }
0x4e7: {  	v55 =	vor.u32 v19, v45;
	v36 =	vor.u32 v16, v58;
	v41 =	vadd.f32 v42, v33;
	v57 =	vld.idx.msk [tilespmem:v35+s21+$0x0], $0xffff  }
0x4e8: {  	v51 =	vmul.f32 v38, v23;
	v34 =	vmul.f32 v2, v7;
	v42 =	vor.u32 v17, v45;
	v46 =	vld.idx.msk [tilespmem:v48+s21+$0x0], $0xffff  }
0x4e9: {  	v2 =	vor.u32 v21, v45;
	v33 =	vmul.f32 v47, v10;
	v48 =	vld.idx.msk [tilespmem:v44+s21+$0x0], $0xffff;
	v44 =	vor.u32 v19, v58  }
0x4ea: {  	v40 =	vor.u32 v18, v45;
	v52 =	vld.idx.msk [tilespmem:v5+s21+$0x0], $0xffff;
	v5 =	vadd.f32 v30, v39;
	v30 =	vmul.f32 v49, v7  }
.Ltmp16:
0x4eb: {  	v54 =	vor.u32 v18, v58;
	v51 =	vadd.f32 v51, v0;
	v35 =	vor.u32 v20, v45;
	v38 =	vld.idx.msk [tilespmem:v43+s21+$0x0], $0xffff;
	(pc) =	sbr.rel @p0 .LBB2_26-.Ltmp16, $4  }
0x4ec: {  	v49 =	vor.u32 v21, v58;
	v39 =	vmul.f32 v32, v11;
	v0 =	vmul.f32 v3, v22;
	v32 =	vld.idx.msk [tilespmem:v55+s21+$0x0], $0xffff  }
0x4ed: {  	v3 =	vmul.f32 v50, v12;
	v47 =	vmul.f32 v57, v6;
	v57 =	vadd.f32 v28, v5;
	v45 =	vld.idx.msk [tilespmem:v53+s21+$0x0], $0xffff  }
0x4ee: {  	v50 =	vor.u32 v20, v58;
	v55 =	vmul.f32 v59, v11;
	v28 =	vmovc v56;
	v53 =	vadd.f32 $0.0e+00, v0;
	v43 =	vld.idx.msk [tilespmem:v2+s21+$0x0], $0xffff  }
0x4ef: {  	v58 =	vmul.f32 v37, v13;
	v56 =	vadd.f32 v3, v1;
	v37 =	vld.idx.msk [tilespmem:v42+s21+$0x0], $0xffff;
	v42 =	vmul.f32 v60, v6  }
0x4f0: {  	_ =	sdelay $0x3  }
0x4f1: {  	v0 =	vmul.f32 v52, v22;
	v1 =	vld.idx.msk [tilespmem:v36+s21+$0x0], $0xffff  }
0x4f2: {  	v2 =	vmul.f32 v48, v23  }
0x4f3: {  	v3 =	vadd.f32 v27, v57;
	v5 =	vld.idx.msk [tilespmem:v44+s21+$0x0], $0xffff;
	v14 =	vmul.f32 v38, v23;
	v0 =	vadd.f32 $0.0e+00, v0  }
0x4f4: {  	v15 =	vmul.f32 v46, v13;
	v16 =	vadd.f32 v58, v51;
	v2 =	vadd.f32 v2, v53  }
0x4f5: {  	v17 =	vld.idx.msk [tilespmem:v54+s21+$0x0], $0xffff;
	v54 =	vadd.f32 v55, v56;
	v0 =	vadd.f32 v14, v0;
	v53 =	vmul.f32 v37, v13  }
0x4f6: {  	v18 =	vld.idx.msk [tilespmem:v40+s21+$0x0], $0xffff;
	v16 =	vadd.f32 v29, v16;
	v2 =	vadd.f32 v15, v2;
	v1 =	vmul.f32 v1, v12  }
0x4f7: {  	v55 =	vld.idx.msk [tilespmem:v49+s21+$0x0], $0xffff;
	v56 =	vmul.f32 v45, v12;
	[tilespmem:v24+s18+$0x0] =	vst.idx.msk $0xffff, v3;
	v0 =	vadd.f32 v53, v0  }
0x4f8: {  	v3 =	vmul.f32 v5, v11;
	v5 =	vadd.f32 v39, v16;
	v1 =	vadd.f32 v1, v2  }
0x4f9: {  	[tilespmem:v25+s18+$0x0] =	vst.idx.msk $0xffff, v41;
	v57 =	vld.idx.msk [tilespmem:v50+s21+$0x0], $0xffff;
	v58 =	vmul.f32 v32, v11;
	v0 =	vadd.f32 v56, v0  }
0x4fa: {  	v60 =	vld.idx.msk [tilespmem:v35+s21+$0x0], $0xffff;
	v61 =	vmul.f32 v17, v7;
	v5 =	vadd.f32 v30, v5;
	v1 =	vadd.f32 v3, v1  }
0x4fb: {  	v59 =	vadd.f32 v34, v54;
	v3 =	vmul.f32 v18, v7;
	v0 =	vadd.f32 v58, v0  }
0x4fc: {  	v62 =	vmul.f32 v55, v10;
	v5 =	vadd.f32 v28, v5;
	v1 =	vadd.f32 v61, v1  }
0x4fd: {  	v63 =	vmul.f32 v43, v10;
	v7 =	vadd.f32 v33, v59;
	v0 =	vadd.f32 v3, v0  }
0x4fe: {  	v2 =	vmul.f32 v57, v6;
	v5 =	vadd.f32 v47, v5;
	v1 =	vadd.f32 v62, v1  }
.Ltmp17:
0x4ff: {  	v6 =	vmul.f32 v60, v6;
	v3 =	vadd.f32 v42, v7;
	v0 =	vadd.f32 v63, v0;
	(pc) =	sbr.rel .LBB2_28-.Ltmp17, $4  }
0x500: {  	[tilespmem:v9+s18+$0x0] =	vst.idx.msk $0xffff, v5;
	v1 =	vadd.f32 v2, v1  }
0x501: {  	[tilespmem:v8+s18+$0x0] =	vst.idx.msk $0xffff, v3;
	v0 =	vadd.f32 v6, v0  }
0x502: {  	[tilespmem:v26+s18+$0x0] =	vst.idx.msk $0xffff, v1  }
0x503: {  	[tilespmem:v31+s18+$0x0] =	vst.idx.msk $0xffff, v0  }
.LBB2_30:
0x504: {  	_ =	sfence.sel $0x180000  }
0x505: {  	[bflag:$0x0] =	sbarrier.arrive $0xFFFF  }
0x506: {  	_ =	strace $0x9000004D  }
0x507: {  	s0 =	stileid.u32;
	[bflag:$0x2] =	sbarrier.arrive $0xFFFF  }
0x508: {  	p0 =	sne.s32 s0, $0x0;
	s0 =	rddreg [dreg:$0x2]  }
0x509: {  	s0 =	sadd.s32 @!p0 $0x100000, s0  }
0x50a: {  	[sflag:s0] =	ssyncadd.tile.s32 @!p0 $0x1;
	_ =	shalt  }
.Lfunc_end2:
_tile_overlayer_lowered:
.L_overlay_start_2:
0x50b: {  	(tag) =	ssettag $0x2  }
0x50c: {  	s0 =	rddreg [dreg:$0x0];
	s2 =	stileid.u32  }
0x50d: {  	s1 =	rddreg [dreg:$0x1];
	p0 =	sne.s32 s2, $0x0  }
0x50e: {  	s3 =	rddreg [dreg:$0x2];
	[bflag:$0x3] =	sbarrier.arrive $0xFFFF;
	s2 =	simm.s32 @!p0 $0x1C09  }
0x50f: {  	[timem:s3], [sflag:s2] =	dma.local @!p0 [hbm:s0], s1  }
0x510: {  	s0 =	simm.s32 @!p0 $0x9  }
0x511: {  	_ =	swait.ge @!p0 [sflag:s0], s1  }
0x512: {  	s1 =	ssub.s32 @!p0 $0x0, s1;
	[sflag:s0] =	ssyncset.done @!p0 $0x0  }
0x513: {  	[sflag:s0] =	ssyncadd.s32 @!p0 s1  }
0x514: {  	[bflag:$0x3] =	sbarrier.arrive $0xFFFF  }
0x515: {  	_ =	shalt  }

// kernel: sparse-core-data-format-call.1.cloned.1.call-start
scs
called_computation.1_lowered:
.L_overlay_start_0:
0x0: {  	s1 =	sld [smem:$0x3FD9]  }
0x1: {  	s2 =	sld [smem:$0x3FFE];
	_ =	sdelay $0x1  }
0x2: {  	s3 =	srdreg.scid  }
0x3: {  	s0 =	sand.u32 $0x1, s3  }
0x4: {  	s17 =	sshll.u32 s0, $0xA;
	s1 =	sadd.s32 s2, s1  }
0x5: {  	s1 =	sadd.s32 s1, s17  }
0x6: {  	[smem:$0x3FBA] =	sst s1  }
0x7: {  	_ = 	snop  }
0x8: {  	(tm) =	ssettm $0x1  }
0x9: {  	s18 =	sld [smem:$0x3FFB];
	_ =	sdelay $0x3  }
0xa: {  	_ =	strace s18  }
0xb: {  	s1 =	sld [smem:$0x3FFC];
	_ =	sdelay $0x3  }
0xc: {  	_ =	strace s1  }
0xd: {  	s1 =	sld [smem:$0x3FFD];
	_ =	sdelay $0x3  }
0xe: {  	_ =	strace s1  }
0xf: {  	_ =	strace $0x8FFFFFFF  }
0x10: {  	s19 =	sld [smem:$0x3FDB];
	_ =	sdelay $0x1  }
0x11: {  	s20 =	simm.s32 $_scs_section_size  }
0x12: {  	s4 =	simm.s32 $_size__tile_overlayer_lowered;
	s5 =	simm.s32 $_tile_overlayer_lowered  }
0x13: {  	s23 =	simm.s32 $0x1BFF;
	s22 =	sshll.u32 s5, $0x1;
	s1 =	sadd.s32 s20, s19  }
0x14: {  	s6 =	simm.s32 $0x0;
	s21 =	sshll.u32 s4, $0x1;
	s4 =	sadd.s32 s22, s1  }
0x15: {  	[timem:s6], [sflag:s23] =	dma.local [hbm:s4], s21  }
0x16: {  	_ =	swait.ge [sflag:s23], s21  }
0x17: {  	s2 =	ssub.s32 $0x0, s21;
	[sflag:s23] =	ssyncset.done $0x0  }
0x18: {  	[sflag:s23] =	ssyncadd.s32 s2;
	_ =	sdelay $0x1  }
0x19: {  	s24 =	simm.s32 $0x1B8B  }
0x1a: {  	_ =	swait.ge [sflag:s24], $0x1  }
0x1b: {  	[sflag:s24] =	ssyncset.done $0x0  }
0x1c: {  	s26 =	simm.s32 $0x1B8E;
	s25 =	sld [smem:$0x3FFE];
	[sflag:s24] =	ssyncadd.s32 $0xFFFFFFFF  }
0x1d: {  	s27 =	simm.s32 $execute0_lowered;
	[smem:$0x3FD2] =	sst s26  }
0x1e: {  	s4 =	sshll.u32 s27, $0x1;
	_ =	strace $0x80000046;
	[dreg:$0x1] =	wrdreg $0xFFFFFFFF  }
0x1f: {  	s28 =	simm.s32 $_size_execute0_lowered;
	s1 =	sadd.s32 s1, s4;
	[dreg:$0x0] =	wrdreg $0x0  }
0x20: {  	s4 =	sshll.u32 s28, $0x1;
	[dreg:$0x2] =	wrdreg s1  }
0x21: {  	[dreg:$0x3] =	wrdreg s4  }
0x22: {  	[dreg:$0x4] =	wrdreg $0xC0  }
0x23: {  	_ =	task [dreg:s6], $0x5FFFF  }
0x24: {  	[dreg:$0x1] =	wrdreg $0xFFFFFFFF  }
0x25: {  	[dreg:$0x0] =	wrdreg $0x60  }
0x26: {  	[dreg:$0x2] =	wrdreg s25  }
0x27: {  	[dreg:$0x3] =	wrdreg $0xA  }
0x28: {  	_ =	task.clear_ibuf [dreg:s6], $0x4FFFF;
	_ =	strace $0x90000046  }
0x29: {  	s29 =	simm.s32 $0xA;
	_ =	strace $0x80000048  }
0x2a: {  	_ =	swait.ge [sflag:s29], $0x1  }
0x2b: {  	[sflag:s29] =	ssyncadd.s32 $0xFFFFFFFF  }
0x2c: {  	_ =	strace $0x90000048  }
0x2d: {  	_ =	sfence  }
0x2e: {  	s30 =	sld [smem:$0x0];
	_ =	sdelay $0x2  }
0x2f: {  	s31 =	sshll.u32 s3, $0xD;
	s3 =	sshrl.u32 s3, $0x2  }
0x30: {  	s2 =	sand.u32 $0x4000, s31;
	s1 =	sadd.s32 s3, s30  }
0x31: {  	s0 =	sor.u32 s2, s0;
	s1 =	sshll.u32 s1, $0x11  }
0x32: {  	s0 =	sor.u32 s1, s0  }
0x33: {  	s0 =	sadd.s32 $0x8F2B, s0  }
0x34: {  	[sflag:s0] =	ssyncadd.remote.s32 $0x1  }
0x35: {  	_ =	sfence.sel $0xFFFF  }
0x36: {  	[dreg:$0x0] =	wrdreg $0xFFFFFFFF;
	(pc) =	sbr.abs _section_cstart, $3  }
0x37: {  	[dreg:$0x1] =	wrdreg $0xFFFFFFFF  }
0x38: {  	_ =	task.clear_ibuf [dreg:s6], $0x2FFFF;
	_ =	strace $0x9FFFFFFF  }
0x39: {  	(tm) =	ssettm $0x7FFFFFFF  }
tec
execute0_lowered:
.L_overlay_start_1:
0x0: {  	(tag) =	ssettag $0x1  }
0x1: {  	s1 =	rddreg [dreg:$0x0]  }
0x2: {  	s0 =	rddreg [dreg:$0x1];
	_ =	strace $0x80000047  }
0x3: {  	s4 =	srdreg.scid;
	s6 =	simm.s32 $0x2;
	s12 =	simm.s32 $0x0  }
0x4: {  	p0 =	por $0x0, $0x0;
	s11 =	simm.s32 $0x0;
	s13 =	simm.s32 $0x0  }
.Ltmp0:
0x5: {  	s8 =	simm.s32 $0x0;
	s9 =	simm.s32 $0x0;
	(pc) =	sbr.rel .LBB1_1-.Ltmp0, $4  }
0x6: {  	s2 =	sadd.s32 $0x102E00, s1;
	s3 =	sadd.s32 $0x202E00, s1;
	s4 =	sshll.u32 s4, $0x4  }
0x7: {  	s1 =	stileid.u32;
	s5 =	sand.u32 $0x10, s4;
	s4 =	simm.s32 $0x1  }
0x8: {  	s7 =	simm.s32 $0x0;
	s5 =	sor.u32 s1, s5;
	[sflag:s4] =	ssyncpa.u1 $0x0  }
0x9: {  	[sflag:s6] =	ssyncpa.u1 $0x0;
	s6 =	simm.s32 $0x1000;
	s10 =	smov.u32 s5  }
.LBB1_5:
0xa: {  	s14 =	sadd.s32 $0x100, s8  }
0xb: {  	s11 =	sadd.s32 $0x40, s9;
	s15 =	smov.u32 s9;
	p2 =	sgt.s32 s14, $0xFFF  }
0xc: {  	s15 =	smov.u32 @p2 s11  }
0xd: {  	s17 =	smov.u32 s10;
	s11 =	sadd.s32 $0x20, s10;
	p3 =	sgt.s32 s15, $0x3F  }
0xe: {  	p1 =	slt.u32 s7, $0x2;
	s17 =	smov.u32 @p3 s11  }
0xf: {  	s7 =	sadd.s32 $0x1, s7;
	s14 =	simm.s32 @p2 $0x0;
	p2 =	sgt.s32 s17, $0x1F  }
0x10: {  	s17 =	smov.u32 @p2 s5;
	p2 =	sne.s32 s7, $0x12  }
.Ltmp1:
0x11: {  	s16 =	simm.s32 @!p1 $0x2;
	(pc) =	sbr.rel @!p2 .LBB1_6-.Ltmp1, $4  }
0x12: {  	s12 =	smov.u32 s8;
	_ =	swait.ge @!p1 [sflag:s16], $0x4000  }
0x13: {  	s13 =	smov.u32 s10;
	p0 =	por !p0, !p0;
	[sflag:s16] =	ssyncset.done @!p1 $0x0  }
0x14: {  	s8 =	smov.u32 s14;
	s15 =	simm.s32 @p3 $0x0;
	s11 =	smov.u32 s9  }
0x15: {  	[sflag:s16] =	ssyncadd.s32 @!p1 $0xFFFFC000;
	s9 =	smov.u32 s15;
	s10 =	smov.u32 s17  }
.LBB1_1:
0x16: {  	p1 =	sgt.u32 s7, $0xF  }
0x17: {  	s14 =	sxor.u32 @!p1 $0xFFFFFFFF, s7;
	s15 =	sand.u32 @!p1 $0x78, s8;
	s16 =	sshll.u32 @!p1 s9, $0xC  }
0x18: {  	s17 =	sshll.u32 @!p1 s9, $0x7;
	s18 =	sshll.u32 @!p1 s8, $0x3;
	s14 =	sshll.u32 @!p1 s14, $0xE  }
0x19: {  	s16 =	sand.u32 @!p1 $0x38000, s16;
	s17 =	sand.u32 @!p1 $0x380, s17;
	s14 =	sand.u32 @!p1 $0x4000, s14  }
0x1a: {  	s16 =	sadd.s32 @!p1 s16, s18;
	s18 =	sand.u32 @!p1 $0xC00, s18;
	s15 =	sor.u32 @!p1 s17, s15  }
0x1b: {  	s17 =	sshll.u32 @!p1 s10, $0xF;
	s15 =	sor.u32 @!p1 s18, s15;
	s16 =	sshrl.u32 @!p1 s16, $0x3  }
0x1c: {  	s17 =	sadd.s32 @!p1 s2, s17;
	s18 =	sand.u32 @!p1 $0x7, s8;
	s16 =	sand.u32 @!p1 $0x7E00, s16  }
0x1d: {  	s15 =	sshrl.u32 @!p1 s15, $0x3;
	s16 =	sadd.s32 @!p1 s16, s17;
	s17 =	sshll.u32 @!p1 s18, $0x12  }
0x1e: {  	s15 =	sadd.s32 @!p1 s15, s16;
	s16 =	sor.u32 @!p1 $0x800, s17;
	s17 =	simm.s32 @!p1 $0x8000  }
0x1f: {  	[tilespmem:s14], [sflag:$0x1] =	stream.strided.gather @!p1 [hbm4b:s15+s16], $0x4000, s17, s16, $0x38;
	[tilespmem:$0x10200] =	vst v63  }
0x20: {  	p1 =	seq.s32 s7, $0x0  }
0x21: {  	p2 =	seq.s32 @!p1 s7, $0x11  }
0x22: {  	p1 =	por p1, p2  }
.Ltmp2:
0x23: {  	_ = 	snop;
	(pc) =	sbr.rel @p1 .LBB1_5-.Ltmp2, $1  }
0x24: {  	_ =	sdelay $0x3  }
0x25: {  	s17 =	simm.s32 $0x0  }
0x26: {  	s16 =	sand.u32 $0x3800, s17;
	s18 =	sand.u32 $0x380, s17  }
0x27: {  	s14 =	sand.u32 $0x1, s7;
	s16 =	sor.u32 s18, s16  }
0x28: {  	_ =	swait.ge [sflag:s4], $0x4000;
	s15 =	sshll.u32 s14, $0xE;
	s18 =	sand.u32 $0x3B00, s16  }
0x29: {  	[sflag:s4] =	ssyncset.done $0x0;
	s17 =	sand.u32 $0x80, s17;
	s18 =	sadd.s32 s18, s15  }
0x2a: {  	[sflag:s4] =	ssyncadd.s32 $0xFFFFC000;
	s20 =	sadd.s32 s17, s18  }
0x2b: {  	v4 =	vld [tilespmem:s20+$0x400]  }
0x2c: {  	s19 =	simm.s32 $0x1;
	v5 =	vld [tilespmem:s20+$0x0]  }
0x2d: {  	s19 =	simm.s32 @!p0 $0x0;
	v6 =	vld [tilespmem:s20+$0x10]  }
0x2e: {  	v0 =	vmov s15;
	s31 =	smul.u32 $0x10400, s19;
	v7 =	vld [tilespmem:s20+$0x20]  }
0x2f: {  	v9 =	vld [tilespmem:s20+$0x30]  }
0x30: {  	s17 =	sshrl.u32 s31, $0x2;
	v10 =	vld [tilespmem:s20+$0x40]  }
0x31: {  	s17 =	sor.u32 $0x8000, s17;
	v11 =	vld [tilespmem:s20+$0x50]  }
0x32: {  	v8 =	vld [tilespmem:s20+$0x60];
	s18 =	sadd.s32 $0x0, s17  }
0x33: {  	v1 =	vld.idx.msk [tilespmem:v0+s16+$0x410 ss:$0x1], $0xffff;
	[tilespmem:s18+$0x2080 ss:$0x41] =	vst.msk $0xffff, v4  }
0x34: {  	v2 =	vld.idx.msk [tilespmem:v0+s16+$0x420 ss:$0x1], $0xffff;
	[tilespmem:s18+$0x0 ss:$0x41] =	vst.msk $0xffff, v5  }
0x35: {  	v3 =	vld.idx.msk [tilespmem:v0+s16+$0x430 ss:$0x1], $0xffff;
	[tilespmem:s18+$0x410 ss:$0x41] =	vst.msk $0xffff, v6  }
0x36: {  	s14 =	smul.u32 $0x10400, s14;
	[tilespmem:s18+$0x820 ss:$0x41] =	vst.msk $0xffff, v7;
	v7 =	vld [tilespmem:s20+$0x70]  }
0x37: {  	s21 =	simm.s32 $0x100;
	s22 =	simm.s32 $0x8;
	[tilespmem:s18+$0xC30 ss:$0x41] =	vst.msk $0xffff, v9;
	v4 =	vld.idx.msk [tilespmem:v0+s16+$0x440 ss:$0x1], $0xffff  }
0x38: {  	s23 =	sand.u32 $0x3800, s21;
	s14 =	sshrl.u32 s14, $0x2;
	[tilespmem:s18+$0x1040 ss:$0x41] =	vst.msk $0xffff, v10;
	v5 =	vld.idx.msk [tilespmem:v0+s16+$0x450 ss:$0x1], $0xffff;
	s20 =	simm.s32 $0x80  }
0x39: {  	s19 =	simm.s32 $0x4;
	s14 =	sor.u32 $0x8000, s14;
	[tilespmem:s18+$0x1450 ss:$0x41] =	vst.msk $0xffff, v11;
	v6 =	vld.idx.msk [tilespmem:v0+s16+$0x460 ss:$0x1], $0xffff;
	s24 =	sand.u32 $0x380, s20  }
.LBB1_3:
0x3a: {  	p1 =	sne.s32 s22, $0xFC;
	[tilespmem:s18+$0x1860 ss:$0x41] =	vst.msk $0xffff, v8;
	v8 =	vld.idx.msk [tilespmem:v0+s16+$0x470 ss:$0x1], $0xffff;
	s16 =	sor.u32 s24, s23  }
0x3b: {  	s23 =	sand.u32 $0x3B00, s16;
	v9 =	vld.idx.msk [tilespmem:v0+s16+$0x410 ss:$0x1], $0xffff;
	[tilespmem:s18+$0x1C70 ss:$0x41] =	vst.msk $0xffff, v7  }
0x3c: {  	s24 =	sand.u32 $0x80, s20;
	s23 =	sadd.s32 s23, s15;
	v7 =	vld.idx.msk [tilespmem:v0+s16+$0x420 ss:$0x1], $0xffff;
	[tilespmem:s18+$0x2490 ss:$0x41] =	vst.msk $0xffff, v1  }
0x3d: {  	s23 =	sadd.s32 s24, s23;
	v10 =	vld.idx.msk [tilespmem:v0+s16+$0x430 ss:$0x1], $0xffff;
	[tilespmem:s18+$0x28A0 ss:$0x41] =	vst.msk $0xffff, v2  }
0x3e: {  	v11 =	vld [tilespmem:s23+$0x400];
	[tilespmem:s18+$0x2CB0 ss:$0x41] =	vst.msk $0xffff, v3  }
0x3f: {  	v12 =	vld [tilespmem:s23+$0x0];
	[tilespmem:s18+$0x30C0 ss:$0x41] =	vst.msk $0xffff, v4  }
0x40: {  	v4 =	vld [tilespmem:s23+$0x10];
	[tilespmem:s18+$0x34D0 ss:$0x41] =	vst.msk $0xffff, v5  }
0x41: {  	s24 =	sshra.s32 s19, $0x2;
	s19 =	smov.u32 s22;
	v1 =	vmov v9;
	v5 =	vld [tilespmem:s23+$0x20];
	[tilespmem:s18+$0x38E0 ss:$0x41] =	vst.msk $0xffff, v6  }
0x42: {  	v2 =	vmov v7;
	v6 =	vld [tilespmem:s23+$0x30];
	[tilespmem:s18+$0x3CF0 ss:$0x41] =	vst.msk $0xffff, v8;
	s18 =	sadd.s32 s24, s17  }
0x43: {  	v3 =	vmov v10;
	v9 =	vld [tilespmem:s23+$0x40];
	[tilespmem:s18+$0x2080 ss:$0x41] =	vst.msk $0xffff, v11  }
0x44: {  	[tilespmem:s18+$0x0 ss:$0x41] =	vst.msk $0xffff, v12;
	v10 =	vld [tilespmem:s23+$0x50]  }
.Ltmp3:
0x45: {  	[tilespmem:s18+$0x410 ss:$0x41] =	vst.msk $0xffff, v4;
	v8 =	vld [tilespmem:s23+$0x60];
	(pc) =	sbr.rel @p1 .LBB1_3-.Ltmp3, $4  }
0x46: {  	[tilespmem:s18+$0x820 ss:$0x41] =	vst.msk $0xffff, v5;
	v7 =	vld [tilespmem:s23+$0x70]  }
0x47: {  	[tilespmem:s18+$0xC30 ss:$0x41] =	vst.msk $0xffff, v6;
	v4 =	vld.idx.msk [tilespmem:v0+s16+$0x440 ss:$0x1], $0xffff  }
0x48: {  	s20 =	sadd.s32 $0x80, s20;
	s21 =	sadd.s32 $0x100, s21;
	[tilespmem:s18+$0x1040 ss:$0x41] =	vst.msk $0xffff, v9;
	v5 =	vld.idx.msk [tilespmem:v0+s16+$0x450 ss:$0x1], $0xffff  }
0x49: {  	s22 =	sadd.s32 $0x4, s22;
	s24 =	sand.u32 $0x380, s20;
	s23 =	sand.u32 $0x3800, s21;
	[tilespmem:s18+$0x1450 ss:$0x41] =	vst.msk $0xffff, v10;
	v6 =	vld.idx.msk [tilespmem:v0+s16+$0x460 ss:$0x1], $0xffff  }
0x4a: {  	_ = 	snop  }
0x4b: {  	[tilespmem:s18+$0x1860 ss:$0x41] =	vst.msk $0xffff, v8  }
0x4c: {  	[tilespmem:s18+$0x2490 ss:$0x41] =	vst.msk $0xffff, v1  }
0x4d: {  	[tilespmem:s18+$0x28A0 ss:$0x41] =	vst.msk $0xffff, v2  }
0x4e: {  	s21 =	sor.u32 s24, s23;
	v47 =	vld.idx.msk [tilespmem:v0+s16+$0x470 ss:$0x1], $0xffff;
	[tilespmem:s18+$0x2CB0 ss:$0x41] =	vst.msk $0xffff, v3  }
0x4f: {  	[tilespmem:s18+$0x1C70 ss:$0x41] =	vst.msk $0xffff, v7;
	v57 =	vld.idx.msk [tilespmem:v0+s21+$0x410 ss:$0x1], $0xffff  }
0x50: {  	v58 =	vld.idx.msk [tilespmem:v0+s21+$0x420 ss:$0x1], $0xffff;
	[tilespmem:s18+$0x30C0 ss:$0x41] =	vst.msk $0xffff, v4  }
0x51: {  	v59 =	vld.idx.msk [tilespmem:v0+s21+$0x430 ss:$0x1], $0xffff;
	[tilespmem:s18+$0x34D0 ss:$0x41] =	vst.msk $0xffff, v5  }
0x52: {  	s27 =	sshra.s32 s19, $0x2;
	v60 =	vld.idx.msk [tilespmem:v0+s21+$0x440 ss:$0x1], $0xffff;
	[tilespmem:s18+$0x38E0 ss:$0x41] =	vst.msk $0xffff, v6  }
0x53: {  	s22 =	sand.u32 $0x3B00, s21;
	s16 =	sadd.s32 s27, s17;
	v61 =	vld.idx.msk [tilespmem:v0+s21+$0x450 ss:$0x1], $0xffff;
	[tilespmem:s18+$0x3CF0 ss:$0x41] =	vst.msk $0xffff, v47  }
0x54: {  	s20 =	sand.u32 $0x80, s20;
	v62 =	vld.idx.msk [tilespmem:v0+s21+$0x460 ss:$0x1], $0xffff;
	s15 =	sadd.s32 s22, s15;
	[tilespmem:s16+$0x2490 ss:$0x41] =	vst.msk $0xffff, v57  }
0x55: {  	v63 =	vld.idx.msk [tilespmem:v0+s21+$0x470 ss:$0x1], $0xffff;
	s15 =	sadd.s32 s20, s15;
	[tilespmem:s16+$0x28A0 ss:$0x41] =	vst.msk $0xffff, v58  }
0x56: {  	v48 =	vld [tilespmem:s15+$0x400];
	[tilespmem:s16+$0x2CB0 ss:$0x41] =	vst.msk $0xffff, v59  }
0x57: {  	v49 =	vld [tilespmem:s15+$0x0];
	[tilespmem:s16+$0x30C0 ss:$0x41] =	vst.msk $0xffff, v60  }
0x58: {  	v50 =	vld [tilespmem:s15+$0x10];
	[tilespmem:s16+$0x34D0 ss:$0x41] =	vst.msk $0xffff, v61  }
0x59: {  	v51 =	vld [tilespmem:s15+$0x20];
	[tilespmem:s16+$0x38E0 ss:$0x41] =	vst.msk $0xffff, v62  }
0x5a: {  	v52 =	vld [tilespmem:s15+$0x30];
	[tilespmem:s16+$0x3CF0 ss:$0x41] =	vst.msk $0xffff, v63  }
0x5b: {  	v53 =	vld [tilespmem:s15+$0x40];
	[tilespmem:s16+$0x2080 ss:$0x41] =	vst.msk $0xffff, v48  }
0x5c: {  	v54 =	vld [tilespmem:s15+$0x50];
	[tilespmem:s16+$0x0 ss:$0x41] =	vst.msk $0xffff, v49  }
0x5d: {  	s13 =	sshll.u32 s13, $0x7;
	s28 =	sshll.u32 s11, $0x3;
	v55 =	vld [tilespmem:s15+$0x60];
	[tilespmem:s16+$0x410 ss:$0x41] =	vst.msk $0xffff, v50  }
0x5e: {  	s12 =	sshll.u32 s12, $0x9;
	s29 =	sand.u32 $0xC00, s13;
	v56 =	vld [tilespmem:s15+$0x70];
	s15 =	sand.u32 $0xC00, s28;
	[tilespmem:s16+$0x820 ss:$0x41] =	vst.msk $0xffff, v51  }
0x5f: {  	s30 =	sshrl.u32 s11, $0x3;
	s13 =	sand.u32 $0x380, s13;
	s15 =	sadd.s32 s29, s15;
	[tilespmem:s16+$0xC30 ss:$0x41] =	vst.msk $0xffff, v52  }
.Ltmp4:
0x60: {  	s31 =	sand.u32 $0x7, s11;
	s13 =	sor.u32 s13, s15;
	[tilespmem:s16+$0x1040 ss:$0x41] =	vst.msk $0xffff, v53;
	(pc) =	sbr.rel .LBB1_5-.Ltmp4, $4  }
0x61: {  	s12 =	sadd.s32 s3, s12;
	s15 =	sand.u32 $0xF, s30;
	s13 =	sshrl.u32 s13, $0x3;
	[tilespmem:s16+$0x1450 ss:$0x41] =	vst.msk $0xffff, v54  }
0x62: {  	s11 =	sshll.u32 s31, $0x12;
	s12 =	sadd.s32 s15, s12;
	s13 =	sand.u32 $0x1F0, s13;
	[tilespmem:s16+$0x1860 ss:$0x41] =	vst.msk $0xffff, v55  }
0x63: {  	s11 =	sor.u32 $0x40, s11;
	[tilespmem:s16+$0x1C70 ss:$0x41] =	vst.msk $0xffff, v56;
	s12 =	sadd.s32 s13, s12  }
0x64: {  	[hbm4b:s12+s11] =	stream.strided.scatter [tilespmem:s14], [sflag:$0x2], $0x4000, s6, s11, $0x18;
	[tilespmem:$0x10200] =	vst v63  }
.LBB1_6:
0x65: {  	_ =	sfence.sel $0x180000  }
0x66: {  	s2 =	simm.s32 $0x1;
	[bflag:$0x0] =	sbarrier.arrive $0xFFFF  }
0x67: {  	s31 =	simm.s32 $0x2;
	[sflag:s2] =	ssyncpa.u1 $0x1  }
0x68: {  	[sflag:s31] =	ssyncpa.u1 $0x1  }
0x69: {  	p0 =	sne.s32 s1, $0x0;
	_ =	strace $0x90000047  }
0x6a: {  	s0 =	sadd.s32 @!p0 $0x100000, s0;
	[bflag:$0x2] =	sbarrier.arrive $0xFFFF  }
0x6b: {  	[sflag:s0] =	ssyncadd.tile.s32 @!p0 $0x1;
	_ =	shalt  }
.Lfunc_end1:
_tile_overlayer_lowered:
.L_overlay_start_2:
0x6c: {  	(tag) =	ssettag $0x2  }
0x6d: {  	s0 =	rddreg [dreg:$0x0];
	s2 =	stileid.u32  }
0x6e: {  	s1 =	rddreg [dreg:$0x1];
	p0 =	sne.s32 s2, $0x0  }
0x6f: {  	s3 =	rddreg [dreg:$0x2];
	[bflag:$0x3] =	sbarrier.arrive $0xFFFF;
	s2 =	simm.s32 @!p0 $0x1C01  }
0x70: {  	[timem:s3], [sflag:s2] =	dma.local @!p0 [hbm:s0], s1  }
0x71: {  	s0 =	simm.s32 @!p0 $0x1  }
0x72: {  	_ =	swait.ge @!p0 [sflag:s0], s1  }
0x73: {  	s1 =	ssub.s32 @!p0 $0x0, s1;
	[sflag:s0] =	ssyncset.done @!p0 $0x0  }
0x74: {  	[sflag:s0] =	ssyncadd.s32 @!p0 s1  }
0x75: {  	[bflag:$0x3] =	sbarrier.arrive $0xFFFF  }
0x76: {  	_ =	shalt  }

// kernel: sparse-core-data-format-call.cloned.1.call-start
scs
called_computation_lowered:
.L_overlay_start_0:
0x0: {  	s2 =	sld [smem:$0x3FD9]  }
0x1: {  	s3 =	sld [smem:$0x3FFE];
	_ =	sdelay $0x1  }
0x2: {  	s1 =	srdreg.scid  }
0x3: {  	s0 =	sand.u32 $0x1, s1  }
0x4: {  	s18 =	sshll.u32 s0, $0xA;
	s2 =	sadd.s32 s3, s2  }
0x5: {  	s2 =	sadd.s32 s2, s18  }
0x6: {  	[smem:$0x3FBA] =	sst s2  }
0x7: {  	_ = 	snop  }
0x8: {  	(tm) =	ssettm $0x1  }
0x9: {  	s19 =	sld [smem:$0x3FFB];
	_ =	sdelay $0x3  }
0xa: {  	_ =	strace s19  }
0xb: {  	s2 =	sld [smem:$0x3FFC];
	_ =	sdelay $0x3  }
0xc: {  	_ =	strace s2  }
0xd: {  	s2 =	sld [smem:$0x3FFD];
	_ =	sdelay $0x3  }
0xe: {  	_ =	strace s2  }
0xf: {  	_ =	strace $0x8FFFFFFF  }
0x10: {  	s20 =	sld [smem:$0x3FDB];
	_ =	sdelay $0x1  }
0x11: {  	s21 =	simm.s32 $_scs_section_size  }
0x12: {  	s4 =	simm.s32 $_size__tile_overlayer_lowered;
	s5 =	simm.s32 $_tile_overlayer_lowered  }
0x13: {  	s6 =	simm.s32 $0x1BFF;
	s22 =	sshll.u32 s5, $0x1;
	s3 =	sadd.s32 s21, s20  }
0x14: {  	s23 =	simm.s32 $0x0;
	s4 =	sshll.u32 s4, $0x1;
	s5 =	sadd.s32 s22, s3  }
0x15: {  	[timem:s23], [sflag:s6] =	dma.local [hbm:s5], s4  }
0x16: {  	_ =	swait.ge [sflag:s6], s4  }
0x17: {  	s4 =	ssub.s32 $0x0, s4;
	[sflag:s6] =	ssyncset.done $0x0  }
0x18: {  	[sflag:s6] =	ssyncadd.s32 s4;
	_ =	sdelay $0x1  }
0x19: {  	s24 =	simm.s32 $0x1B8B  }
0x1a: {  	_ =	swait.ge [sflag:s24], $0x1  }
0x1b: {  	[sflag:s24] =	ssyncset.done $0x0  }
0x1c: {  	[sflag:s24] =	ssyncadd.s32 $0xFFFFFFFF  }
0x1d: {  	s4 =	sld [smem:$0x0]  }
0x1e: {  	s5 =	sand.u32 $0xFFFFFFFE, s1  }
0x1f: {  	p0 =	sne.s32 s1, s5  }
0x20: {  	s5 =	sshll.u32 @p0 s5, $0xE  }
0x21: {  	s5 =	sadd.s32 @p0 $0x11B8D, s5;
	s6 =	sshll.u32 @p0 s4, $0x11  }
0x22: {  	s5 =	sor.u32 @p0 s6, s5  }
0x23: {  	[sflag:s5] =	ssyncadd.remote.s32 @p0 $0x1;
	_ =	sdelay $0x1  }
0x24: {  	s5 =	simm.s32 @p0 $0x1B8D  }
0x25: {  	_ =	swait.eq @p0 [sflag:s5], $0x1  }
0x26: {  	[sflag:s5] =	ssyncadd.s32 @p0 $0xFFFFFFFF  }
0x27: {  	s6 =	sshll.u32 @!p0 s1, $0xE  }
0x28: {  	s6 =	sor.u32 @!p0 $0x4000, s6;
	s5 =	simm.s32 @!p0 $0x1B8D  }
0x29: {  	s4 =	sshll.u32 @!p0 s4, $0x11;
	s6 =	sadd.s32 @!p0 $0x11B8D, s6;
	_ =	swait.eq @!p0 [sflag:s5], $0x1  }
0x2a: {  	s4 =	sor.u32 @!p0 s4, s6;
	[sflag:s5] =	ssyncadd.s32 @!p0 $0xFFFFFFFF  }
0x2b: {  	s26 =	simm.s32 $0x1B8E;
	s25 =	sld [smem:$0x3FFE];
	[sflag:s4] =	ssyncadd.remote.s32 @!p0 $0x1  }
0x2c: {  	s27 =	simm.s32 $execute0_lowered;
	[smem:$0x3FD2] =	sst s26  }
0x2d: {  	s5 =	sshll.u32 s27, $0x1;
	_ =	strace $0x80000049;
	[dreg:$0x1] =	wrdreg $0xFFFFFFFF  }
0x2e: {  	s28 =	simm.s32 $_size_execute0_lowered;
	s3 =	sadd.s32 s3, s5;
	[dreg:$0x0] =	wrdreg $0x0  }
0x2f: {  	s5 =	sshll.u32 s28, $0x1;
	[dreg:$0x2] =	wrdreg s3  }
0x30: {  	[dreg:$0x3] =	wrdreg s5  }
0x31: {  	[dreg:$0x4] =	wrdreg $0xC0  }
0x32: {  	_ =	task [dreg:s23], $0x5FFFF  }
0x33: {  	[dreg:$0x1] =	wrdreg $0xFFFFFFFF  }
0x34: {  	[dreg:$0x0] =	wrdreg $0x60  }
0x35: {  	[dreg:$0x2] =	wrdreg s25  }
0x36: {  	[dreg:$0x3] =	wrdreg $0x9  }
0x37: {  	_ =	task.clear_ibuf [dreg:s23], $0x4FFFF;
	_ =	strace $0x90000049  }
0x38: {  	s29 =	simm.s32 $0x9;
	_ =	strace $0x8000004B  }
0x39: {  	_ =	swait.ge [sflag:s29], $0x1  }
0x3a: {  	[sflag:s29] =	ssyncadd.s32 $0xFFFFFFFF  }
0x3b: {  	_ =	strace $0x9000004B  }
0x3c: {  	_ =	sfence  }
0x3d: {  	s30 =	sld [smem:$0x0];
	_ =	sdelay $0x2  }
0x3e: {  	s31 =	sshll.u32 s1, $0xD;
	s1 =	sshrl.u32 s1, $0x2  }
0x3f: {  	s4 =	sand.u32 $0x4000, s31;
	s1 =	sadd.s32 s1, s30  }
0x40: {  	s0 =	sor.u32 s4, s0;
	s1 =	sshll.u32 s1, $0x11  }
0x41: {  	s0 =	sor.u32 s1, s0  }
0x42: {  	s0 =	sadd.s32 $0x8F2B, s0  }
0x43: {  	[sflag:s0] =	ssyncadd.remote.s32 $0x1  }
0x44: {  	_ =	sfence.sel $0xFFFF  }
0x45: {  	[dreg:$0x0] =	wrdreg $0xFFFFFFFF;
	(pc) =	sbr.abs _section_cstart, $3  }
0x46: {  	[dreg:$0x1] =	wrdreg $0xFFFFFFFF  }
0x47: {  	_ =	task.clear_ibuf [dreg:s23], $0x2FFFF;
	_ =	strace $0x9FFFFFFF  }
0x48: {  	(tm) =	ssettm $0x7FFFFFFF  }
0x49: {  	_ =	shalt  }
tec
execute0_lowered:
.L_overlay_start_1:
0x0: {  	(tag) =	ssettag $0x1  }
0x1: {  	s1 =	rddreg [dreg:$0x0]  }
0x2: {  	s0 =	rddreg [dreg:$0x1]  }
0x3: {  	_ =	strace $0x8000004A;
	s4 =	srdreg.scid;
	s6 =	simm.s32 $0x2  }
.Ltmp0:
0x4: {  	p0 =	por $0x0, $0x0;
	s9 =	simm.s32 $0x0;
	(pc) =	sbr.rel .LBB1_1-.Ltmp0, $4  }
0x5: {  	s2 =	sadd.s32 $0x2E00, s1;
	s3 =	sadd.s32 $0x402E00, s1;
	s5 =	sshll.u32 s4, $0x4  }
0x6: {  	s1 =	stileid.u32;
	s4 =	simm.s32 $0x1;
	s5 =	sand.u32 $0x10, s5  }
0x7: {  	s7 =	simm.s32 $0x0;
	[sflag:s4] =	ssyncpa.u1 $0x0;
	s5 =	sor.u32 s1, s5  }
0x8: {  	[sflag:s6] =	ssyncpa.u1 $0x0;
	s6 =	simm.s32 $0x0;
	s8 =	smov.u32 s5  }
.LBB1_7:
0x9: {  	s11 =	sadd.s32 $0x20, s8  }
0xa: {  	p1 =	slt.u32 s7, $0x2;
	s7 =	sadd.s32 $0x1, s7;
	p2 =	sgt.s32 s11, $0x1FF  }
0xb: {  	s11 =	smov.u32 @p2 s5;
	p2 =	sne.s32 s7, $0x12  }
.Ltmp1:
0xc: {  	_ = 	snop;
	(pc) =	sbr.rel @!p2 .LBB1_8-.Ltmp1, $4  }
0xd: {  	s10 =	simm.s32 @!p1 $0x2  }
0xe: {  	_ =	swait.ge @!p1 [sflag:s10], $0x4000  }
0xf: {  	s9 =	smov.u32 s8;
	[sflag:s10] =	ssyncset.done @!p1 $0x0  }
0x10: {  	p0 =	por !p0, !p0;
	s8 =	smov.u32 s11;
	[sflag:s10] =	ssyncadd.s32 @!p1 $0xFFFFC000  }
.LBB1_1:
0x11: {  	p1 =	sgt.u32 s7, $0xF  }
0x12: {  	s10 =	sxor.u32 @!p1 $0xFFFFFFFF, s7  }
0x13: {  	s11 =	sshll.u32 @!p1 s8, $0xB;
	s10 =	sshll.u32 @!p1 s10, $0xE  }
0x14: {  	s12 =	simm.s32 @!p1 $0x0;
	s11 =	sadd.s32 @!p1 s2, s11;
	s10 =	sand.u32 @!p1 $0x4000, s10  }
0x15: {  	[tilespmem:s10], [sflag:$0x1] =	stream.linear.gather @!p1 [hbm4b:s11+s12], $0x4000, $0x38;
	[tilespmem:$0x10000] =	vst v63  }
0x16: {  	p1 =	seq.s32 s7, $0x0  }
0x17: {  	p2 =	seq.s32 @!p1 s7, $0x11  }
0x18: {  	p1 =	por p1, p2  }
.Ltmp2:
0x19: {  	_ = 	snop;
	(pc) =	sbr.rel @p1 .LBB1_7-.Ltmp2, $1  }
0x1a: {  	_ =	sdelay $0x3  }
0x1b: {  	s10 =	simm.s32 $0x1;
	_ =	swait.ge [sflag:s4], $0x4000;
	s12 =	sshll.u32 s7, $0xE  }
0x1c: {  	s13 =	simm.s32 $0x0;
	s10 =	simm.s32 @!p0 $0x0;
	[sflag:s4] =	ssyncset.done $0x0  }
0x1d: {  	s12 =	sand.u32 $0x4000, s12;
	s11 =	sshll.u32 s10, $0xE;
	[sflag:s4] =	ssyncadd.s32 $0xFFFFC000  }
0x1e: {  	s12 =	sor.u32 $0x8000, s12;
	s10 =	sor.u32 $0x8040, s11;
	s11 =	sor.u32 $0x40, s11  }
.LBB1_3:
0x1f: {  	v0 =	vmov s11;
	_ =	sdelay $0x3  }
0x20: {  	s15 =	simm.s32 $0x0  }
0x21: {  	v6 =	vld.idx.msk [tilespmem:v0+s15+$0x30 ss:$0x1], $0xffff  }
0x22: {  	v7 =	vld.idx.msk [tilespmem:v0+s15+$0xFFFFFFC0 ss:$0x1], $0xffff  }
0x23: {  	v5 =	vld.idx.msk [tilespmem:v0+s15+$0xFFFFFFD0 ss:$0x1], $0xffff  }
0x24: {  	v4 =	vld.idx.msk [tilespmem:v0+s15+$0xFFFFFFE0 ss:$0x1], $0xffff  }
0x25: {  	v3 =	vld.idx.msk [tilespmem:v0+s15+$0xFFFFFFF0 ss:$0x1], $0xffff  }
0x26: {  	v1 =	vld.idx.msk [tilespmem:v0+s15+$0x0 ss:$0x1], $0xffff  }
0x27: {  	v2 =	vld.idx.msk [tilespmem:v0+s15+$0x10 ss:$0x1], $0xffff;
	[tilespmem:s10+$0x30] =	vst v6  }
0x28: {  	s14 =	simm.s32 $0x80;
	s16 =	simm.s32 $0x400;
	[tilespmem:s10+$0xFFFFFFC0] =	vst v7;
	v6 =	vld.idx.msk [tilespmem:v0+s15+$0x20 ss:$0x1], $0xffff;
	s15 =	smov.u32 s10  }
.LBB1_4:
0x29: {  	p1 =	sne.s32 s16, $0xE00;
	v7 =	vld.idx.msk [tilespmem:v0+s14+$0x30 ss:$0x1], $0xffff;
	[tilespmem:s15+$0xFFFFFFD0] =	vst v5  }
0x2a: {  	v8 =	vld.idx.msk [tilespmem:v0+s14+$0xFFFFFFC0 ss:$0x1], $0xffff;
	[tilespmem:s15+$0xFFFFFFE0] =	vst v4  }
0x2b: {  	v5 =	vld.idx.msk [tilespmem:v0+s14+$0xFFFFFFD0 ss:$0x1], $0xffff;
	[tilespmem:s15+$0xFFFFFFF0] =	vst v3  }
.Ltmp3:
0x2c: {  	v4 =	vld.idx.msk [tilespmem:v0+s14+$0xFFFFFFE0 ss:$0x1], $0xffff;
	[tilespmem:s15+$0x0] =	vst v1;
	(pc) =	sbr.rel @p1 .LBB1_4-.Ltmp3, $4  }
0x2d: {  	v3 =	vld.idx.msk [tilespmem:v0+s14+$0xFFFFFFF0 ss:$0x1], $0xffff;
	[tilespmem:s15+$0x10] =	vst v2  }
0x2e: {  	v1 =	vld.idx.msk [tilespmem:v0+s14+$0x0 ss:$0x1], $0xffff;
	[tilespmem:s15+$0x20] =	vst v6;
	s15 =	sadd.s32 $0x800, s15  }
0x2f: {  	v2 =	vld.idx.msk [tilespmem:v0+s14+$0x10 ss:$0x1], $0xffff;
	[tilespmem:s15+$0x30] =	vst v7  }
0x30: {  	[tilespmem:s15+$0xFFFFFFC0] =	vst v8;
	v6 =	vld.idx.msk [tilespmem:v0+s14+$0x20 ss:$0x1], $0xffff;
	s14 =	sshra.s32 s16, $0x2;
	s16 =	sadd.s32 $0x200, s16  }
0x31: {  	_ =	sdelay $0x2  }
0x32: {  	[tilespmem:s15+$0xFFFFFFD0] =	vst v5  }
0x33: {  	v56 =	vld.idx.msk [tilespmem:v0+s14+$0x30 ss:$0x1], $0xffff;
	[tilespmem:s15+$0xFFFFFFE0] =	vst v4  }
0x34: {  	v57 =	vld.idx.msk [tilespmem:v0+s14+$0xFFFFFFC0 ss:$0x1], $0xffff;
	[tilespmem:s15+$0xFFFFFFF0] =	vst v3  }
0x35: {  	v58 =	vld.idx.msk [tilespmem:v0+s14+$0xFFFFFFD0 ss:$0x1], $0xffff;
	[tilespmem:s15+$0x0] =	vst v1  }
0x36: {  	v59 =	vld.idx.msk [tilespmem:v0+s14+$0xFFFFFFE0 ss:$0x1], $0xffff;
	[tilespmem:s15+$0x10] =	vst v2  }
0x37: {  	v60 =	vld.idx.msk [tilespmem:v0+s14+$0xFFFFFFF0 ss:$0x1], $0xffff;
	s31 =	sadd.s32 $0x800, s15;
	[tilespmem:s15+$0x20] =	vst v6  }
0x38: {  	v61 =	vld.idx.msk [tilespmem:v0+s14+$0x0 ss:$0x1], $0xffff;
	[tilespmem:s31+$0x30] =	vst v56  }
0x39: {  	v62 =	vld.idx.msk [tilespmem:v0+s14+$0x10 ss:$0x1], $0xffff;
	s13 =	sadd.s32 $0x1, s13;
	[tilespmem:s31+$0xFFFFFFC0] =	vst v57  }
0x3a: {  	v63 =	vld.idx.msk [tilespmem:v0+s14+$0x20 ss:$0x1], $0xffff;
	p1 =	sne.s32 s13, $0x10;
	[tilespmem:s31+$0xFFFFFFD0] =	vst v58  }
.Ltmp4:
0x3b: {  	[tilespmem:s31+$0xFFFFFFE0] =	vst v59;
	(pc) =	sbr.rel @p1 .LBB1_3-.Ltmp4, $4  }
0x3c: {  	[tilespmem:s31+$0xFFFFFFF0] =	vst v60  }
0x3d: {  	[tilespmem:s31+$0x0] =	vst v61  }
0x3e: {  	[tilespmem:s31+$0x10] =	vst v62  }
0x3f: {  	s10 =	sadd.s32 $0x80, s10;
	s11 =	sadd.s32 $0x400, s11;
	[tilespmem:s31+$0x20] =	vst v63  }
.Ltmp5:
0x40: {  	(pc) =	sbr.rel .LBB1_7-.Ltmp5, $4  }
0x41: {  	_ = 	snop  }
0x42: {  	s9 =	sshll.u32 s9, $0xB  }
0x43: {  	s9 =	sadd.s32 s3, s9  }
0x44: {  	[hbm4b:s9+s6] =	stream.linear.scatter [tilespmem:s12], [sflag:$0x2], $0x4000, $0x38;
	[tilespmem:$0x10000] =	vst v63  }
.LBB1_8:
0x45: {  	_ =	sfence.sel $0x180000  }
0x46: {  	s2 =	simm.s32 $0x1;
	[bflag:$0x0] =	sbarrier.arrive $0xFFFF  }
0x47: {  	s31 =	simm.s32 $0x2;
	[sflag:s2] =	ssyncpa.u1 $0x1  }
0x48: {  	[sflag:s31] =	ssyncpa.u1 $0x1  }
0x49: {  	p0 =	sne.s32 s1, $0x0;
	_ =	strace $0x9000004A  }
0x4a: {  	s0 =	sadd.s32 @!p0 $0x100000, s0;
	[bflag:$0x2] =	sbarrier.arrive $0xFFFF  }
0x4b: {  	[sflag:s0] =	ssyncadd.tile.s32 @!p0 $0x1;
	_ =	shalt  }
.Lfunc_end1:
_tile_overlayer_lowered:
.L_overlay_start_2:
0x4c: {  	(tag) =	ssettag $0x2  }
0x4d: {  	s0 =	rddreg [dreg:$0x0];
	s2 =	stileid.u32  }
0x4e: {  	s1 =	rddreg [dreg:$0x1];
	p0 =	sne.s32 s2, $0x0  }
0x4f: {  	s3 =	rddreg [dreg:$0x2];
	[bflag:$0x3] =	sbarrier.arrive $0xFFFF;
	s2 =	simm.s32 @!p0 $0x1C01  }
0x50: {  	[timem:s3], [sflag:s2] =	dma.local @!p0 [hbm:s0], s1  }
0x51: {  	s0 =	simm.s32 @!p0 $0x1  }
0x52: {  	_ =	swait.ge @!p0 [sflag:s0], s1  }
0x53: {  	s1 =	ssub.s32 @!p0 $0x0, s1;
	[sflag:s0] =	ssyncset.done @!p0 $0x0  }
0x54: {  	[sflag:s0] =	ssyncadd.s32 @!p0 s1  }
0x55: {  	[bflag:$0x3] =	sbarrier.arrive $0xFFFF  }
0x56: {  	_ =	shalt  }

</sc_bundles>
